<compile_context>
chip_gen: v7x
topology: tpu7x:2x2x1
jax: 0.10.2.dev20260603
libtpu: 0.0.44.dev20260713+nightly
codegen_flags: <defaults>
</compile_context>

<pallas_src>
import dataclasses
import functools

import jax
import jax.numpy as jnp
from jax import lax
from jax.experimental import pallas as pl
from jax.experimental.pallas import tpu as pltpu
from jax.experimental.pallas import tpu_sc as plsc

N = 10000
D = 256
E = 160000
K_ACTIVE = 1000
NSUB = 16
NW = 32
ROWS = 320
NPAD = NW * ROWS

EDGES_PER_SCAN = E // NSUB
CH = 400
NCHUNK_A = EDGES_PER_SCAN // CH
VECS = CH // 16
REGION = 10400
HALF_N = 16 * ROWS
GB = 16
STAGE = CH + 16

_i32 = jnp.int32
_f32 = jnp.float32


def _sc_body(x_hbm, src_hbm, dst_hbm, rank_hbm, z_acc, z_deg, alpha_hbm,
             s_out,
             rank_v, chunk_s, chunk_d, chunk_s2, chunk_d2,
             st_a, st_b, st_a2, st_b2,
             cntbuf, cntv, hbuf, acc, dacc, alpha_v,
             sem_s0, sem_d0, sem_s1, sem_d1, sem_z0, sem_z1,
             sp_src, sp_dst, sp_cnt):
    c = lax.axis_index("c")
    s = lax.axis_index("s")
    w = c * NSUB + s
    lo = w * ROWS
    iota = lax.iota(_i32, 16)
    ones_f = jnp.ones((16,), _f32)

    pltpu.async_copy(z_acc, acc.at[pl.ds(0, ROWS * D)], sem_z0)
    pltpu.async_copy(z_deg, dacc, sem_z1)

    pltpu.sync_copy(rank_hbm, rank_v)
    pltpu.sync_copy(alpha_hbm, alpha_v)
    base = s * EDGES_PER_SCAN

    def _flush_a0(nf):
        pltpu.sync_copy(st_a.at[pl.ds(0, CH)],
                        sp_src.at[pl.ds(s * REGION + nf * CH, CH)])
        pltpu.sync_copy(st_b.at[pl.ds(0, CH)],
                        sp_dst.at[pl.ds(s * REGION + nf * CH, CH)])

    def _flush_a1(nf):
        off = s * REGION + REGION - (nf + 1) * CH
        pltpu.sync_copy(st_a2.at[pl.ds(0, CH)],
                        sp_src.at[pl.ds(off, CH)])
        pltpu.sync_copy(st_b2.at[pl.ds(0, CH)],
                        sp_dst.at[pl.ds(off, CH)])

    def _start_a(t, cs, cd, ss, sd):
        pltpu.async_copy(src_hbm.at[pl.ds(base + t * CH, CH)], cs, ss)
        pltpu.async_copy(dst_hbm.at[pl.ds(base + t * CH, CH)], cd, sd)

    def _wait_a(t, cs, cd, ss, sd):
        pltpu.make_async_copy(src_hbm.at[pl.ds(base + t * CH, CH)],
                              cs, ss).wait()
        pltpu.make_async_copy(dst_hbm.at[pl.ds(base + t * CH, CH)],
                              cd, sd).wait()

    def _process_a(t, cs, cd, carry):
        def _vec_a(v, carry):
            cur0, nf0, cur1, nf1 = carry
            s16 = cs[pl.ds(v * 16, 16)]
            d16 = cd[pl.ds(v * 16, 16)]
            r16 = plsc.load_gather(rank_v, [s16])
            act = r16 <= K_ACTIVE
            keep0 = act & (d16 < HALF_N)
            keep1 = act & (d16 >= HALF_N)
            plsc.store_compressed(st_a.at[pl.ds(cur0, 16)], s16, mask=keep0)
            plsc.store_compressed(st_b.at[pl.ds(cur0, 16)], d16, mask=keep0)
            plsc.store_compressed(st_a2.at[pl.ds(cur1, 16)], s16, mask=keep1)
            plsc.store_compressed(st_b2.at[pl.ds(cur1, 16)], d16, mask=keep1)
            cur0 = cur0 + jnp.max(plsc.all_reduce_population_count(keep0))
            cur1 = cur1 + jnp.max(plsc.all_reduce_population_count(keep1))
            f0 = cur0 >= CH
            f1 = cur1 >= CH

            @pl.when(f0)
            def _():
                _flush_a0(nf0)
                st_a[pl.ds(0, 16)] = st_a[pl.ds(CH, 16)]
                st_b[pl.ds(0, 16)] = st_b[pl.ds(CH, 16)]

            @pl.when(f1)
            def _():
                _flush_a1(nf1)
                st_a2[pl.ds(0, 16)] = st_a2[pl.ds(CH, 16)]
                st_b2[pl.ds(0, 16)] = st_b2[pl.ds(CH, 16)]

            cur0 = jnp.where(f0, cur0 - CH, cur0)
            nf0 = jnp.where(f0, nf0 + 1, nf0)
            cur1 = jnp.where(f1, cur1 - CH, cur1)
            nf1 = jnp.where(f1, nf1 + 1, nf1)
            return cur0, nf0, cur1, nf1

        return lax.fori_loop(0, VECS, _vec_a, carry)

    _start_a(0, chunk_s, chunk_d, sem_s0, sem_d0)

    def _pair_a(i, carry):
        t0 = 2 * i
        _start_a(t0 + 1, chunk_s2, chunk_d2, sem_s1, sem_d1)
        _wait_a(t0, chunk_s, chunk_d, sem_s0, sem_d0)
        carry = _process_a(t0, chunk_s, chunk_d, carry)
        _start_a(t0 + 2, chunk_s, chunk_d, sem_s0, sem_d0)
        _wait_a(t0 + 1, chunk_s2, chunk_d2, sem_s1, sem_d1)
        return _process_a(t0 + 1, chunk_s2, chunk_d2, carry)

    zero4 = (jnp.int32(0),) * 4
    carry = lax.fori_loop(0, (NCHUNK_A - 1) // 2, _pair_a, zero4)
    _wait_a(NCHUNK_A - 1, chunk_s, chunk_d, sem_s0, sem_d0)
    cur0, nf0, cur1, nf1 = _process_a(NCHUNK_A - 1, chunk_s, chunk_d, carry)

    @pl.when(cur0 > 0)
    def _():
        _flush_a0(nf0)

    @pl.when(cur1 > 0)
    def _():
        _flush_a1(nf1)

    cntbuf[...] = lax.broadcast(nf0 * CH + cur0, (16,))
    pltpu.sync_copy(cntbuf, sp_cnt.at[pl.ds(s * 32, 16)])
    cntbuf[...] = lax.broadcast(nf1 * CH + cur1, (16,))
    pltpu.sync_copy(cntbuf, sp_cnt.at[pl.ds(s * 32 + 16, 16)])

    plsc.subcore_barrier()

    pltpu.make_async_copy(z_acc, acc.at[pl.ds(0, ROWS * D)], sem_z0).wait()
    pltpu.make_async_copy(z_deg, dacc, sem_z1).wait()
    pltpu.sync_copy(sp_cnt, cntv)
    offs = [iota + g * 16 for g in range(16)]

    def _flush_b(limit):
        for q in range(GB // 16):
            ok = q * 16 + iota < limit
            v16 = st_a[pl.ds(q * 16, 16)]
            st_a[pl.ds(q * 16, 16)] = jnp.where(ok, v16, 0)
            b16 = st_b[pl.ds(q * 16, 16)]
            st_b[pl.ds(q * 16, 16)] = jnp.where(ok, b16, ROWS * D)
        pltpu.sync_copy(x_hbm.at[st_a.at[pl.ds(0, GB)]], hbuf)

        @plsc.parallel_loop(0, GB, 1, unroll=4)
        def _edge(i):
            b16 = plsc.load_gather(st_b, [lax.broadcast(i, (16,))])
            for g in range(16):
                vals = hbuf[i, pl.ds(g * 16, 16)]
                plsc.addupdate_scatter(acc, [b16 + offs[g]], vals)

    def _region_b(p, cur):
        c16 = cntv[pl.ds((p * 2 + c) * 16, 16)]
        cnt_p = jnp.max(c16)
        nchunk = (cnt_p + CH - 1) // CH

        def _chunk_b(t, cur):
            off = p * REGION + t * CH + c * (REGION - 2 * t * CH - CH)
            pltpu.sync_copy(sp_src.at[pl.ds(off, CH)], chunk_s)
            pltpu.sync_copy(sp_dst.at[pl.ds(off, CH)], chunk_d)

            def _vec_b(v, cur):
                s16 = chunk_s[pl.ds(v * 16, 16)]
                d16 = chunk_d[pl.ds(v * 16, 16)]
                pos = t * CH + v * 16 + iota
                keep = (pos < cnt_p) & (d16 >= lo) & (d16 < lo + ROWS)
                l16 = jnp.where(keep, d16 - lo, 0)
                plsc.addupdate_scatter(dacc, [l16 * 16 + iota], ones_f,
                                       mask=keep)
                plsc.store_compressed(st_a.at[pl.ds(cur, 16)], s16, mask=keep)
                plsc.store_compressed(st_b.at[pl.ds(cur, 16)], l16 * D,
                                      mask=keep)
                cur = cur + jnp.max(plsc.all_reduce_population_count(keep))
                do_flush = cur >= GB

                @pl.when(do_flush)
                def _():
                    _flush_b(GB)
                    st_a[pl.ds(0, 16)] = st_a[pl.ds(GB, 16)]
                    st_b[pl.ds(0, 16)] = st_b[pl.ds(GB, 16)]

                return jnp.where(do_flush, cur - GB, cur)

            return lax.fori_loop(0, VECS, _vec_b, cur)

        return lax.fori_loop(0, nchunk, _chunk_b, cur)

    cur = lax.fori_loop(0, NSUB, _region_b, jnp.int32(0))

    @pl.when(cur > 0)
    def _():
        _flush_b(cur)

    a16 = alpha_v[...]

    def _scale(r, _):
        d16 = dacc[pl.ds(r * 16, 16)]
        deg16 = lax.broadcast(jnp.sum(d16), (16,))
        m16 = jnp.where(deg16 > 0, a16 / deg16, 0.0)
        for g in range(16):
            sl = pl.ds(r * D + g * 16, 16)
            acc[sl] = acc[sl] * m16
        return 0

    lax.fori_loop(0, ROWS, _scale, 0)

    @pl.when(w < NW - 1)
    def _():
        pltpu.sync_copy(acc.at[pl.ds(0, ROWS * D)],
                        s_out.at[pl.ds(w * (ROWS * D), ROWS * D)])

    @pl.when(w == NW - 1)
    def _():
        pltpu.sync_copy(acc.at[pl.ds(0, (N - (NW - 1) * ROWS) * D)],
                        s_out.at[pl.ds(w * (ROWS * D),
                                       (N - (NW - 1) * ROWS) * D)])


_sc_cp = pltpu.CompilerParams()
if "needs_layout_passes" in pltpu.CompilerParams.__dataclass_fields__:
    _sc_cp = dataclasses.replace(_sc_cp, needs_layout_passes=False)

_sc_agg = pl.kernel(
    _sc_body,
    compiler_params=_sc_cp,
    out_type=(jax.ShapeDtypeStruct((N * D,), _f32),),
    mesh=plsc.VectorSubcoreMesh(core_axis_name="c", subcore_axis_name="s"),
    scratch_types=[
        pltpu.VMEM((N,), _i32),
        pltpu.VMEM((CH,), _i32),
        pltpu.VMEM((CH,), _i32),
        pltpu.VMEM((CH,), _i32),
        pltpu.VMEM((CH,), _i32),
        pltpu.VMEM((STAGE,), _i32),
        pltpu.VMEM((STAGE,), _i32),
        pltpu.VMEM((STAGE,), _i32),
        pltpu.VMEM((STAGE,), _i32),
        pltpu.VMEM((16,), _i32),
        pltpu.VMEM((NSUB * 32,), _i32),
        pltpu.VMEM((GB, D), _f32),
        pltpu.VMEM((ROWS * D + 256,), _f32),
        pltpu.VMEM((ROWS * 16,), _f32),
        pltpu.VMEM((16,), _f32),
        pltpu.SemaphoreType.DMA,
        pltpu.SemaphoreType.DMA,
        pltpu.SemaphoreType.DMA,
        pltpu.SemaphoreType.DMA,
        pltpu.SemaphoreType.DMA,
        pltpu.SemaphoreType.DMA,
        pltpu.VMEM_SHARED((NSUB * REGION,), _i32),
        pltpu.VMEM_SHARED((NSUB * REGION,), _i32),
        pltpu.VMEM_SHARED((NSUB * 32,), _i32),
    ],
)


def _tc_body(x_ref, w_ref, b_ref, o_ref):
    o_ref[...] = lax.dot_general(x_ref[...], w_ref[...],
                                 (((1,), (1,)), ((), ())),
                                 preferred_element_type=_f32,
                                 precision=lax.Precision.HIGHEST) + b_ref[...]


def _tc_linear(x, W, b2):
    blk = 1000
    return pl.pallas_call(
        _tc_body,
        grid=(N // blk,),
        in_specs=[
            pl.BlockSpec((blk, D), lambda i: (i, 0)),
            pl.BlockSpec((D, D), lambda i: (0, 0)),
            pl.BlockSpec((1, D), lambda i: (0, 0)),
        ],
        out_specs=pl.BlockSpec((blk, D), lambda i: (i, 0)),
        out_shape=jax.ShapeDtypeStruct((N, D), _f32),
    )(x, W, b2)


def kernel(x, edge_index, batch_index, node_rankings, W, b, alpha):
    src = edge_index[0]
    dst = edge_index[1]
    rank = node_rankings[0]
    h = _tc_linear(x, W, b.reshape(1, D))
    z_acc = jnp.zeros((ROWS * D,), _f32)
    z_deg = jnp.zeros((ROWS * 16,), _f32)
    a16 = jnp.broadcast_to(alpha.astype(_f32), (16,))
    (out_flat,) = _sc_agg(h, src, dst, rank, z_acc, z_deg, a16)
    return out_flat.reshape(N, D)

# --- scband reference (transcript-rebuilt; emitter-appended) ---
"""Pipeline reference for scband-control-75230647157508 (READ-ONLY COPY).

The authoritative reference and input builder live on the scoring server;
editing this copy changes nothing except your own understanding.
"""

import jax, jax.numpy as jnp
import numpy as np

N = 10000
E = 160000
D = 256
NODE_STAT = 0
K = 1000
NORMALISE = True
ALPHA = 0.5

def setup_inputs(seed: int = 0) -> dict:
    key = jax.random.key(seed)
    ks = jax.random.split(key, 6)
    x = jax.random.normal(ks[0], (N, D), dtype=jnp.float32)
    edge_index = jax.random.randint(ks[1], (2, E), 0, N, dtype=jnp.int32)
    batch_index = jnp.zeros((N,), dtype=jnp.int32)
    node_rankings = jax.random.randint(ks[2], (4, N), 0, N, dtype=jnp.int32)
    # learned parameters: nn.Linear(feature_dim, feature_dim) + alpha scalar
    W = jax.random.normal(ks[3], (D, D), dtype=jnp.float32) * (1.0 / np.sqrt(D))
    b = jax.random.normal(ks[4], (D,), dtype=jnp.float32) * (1.0 / np.sqrt(D))
    alpha = jnp.asarray(ALPHA, dtype=jnp.float32)
    return {"x": x, "edge_index": edge_index, "batch_index": batch_index,
            "node_rankings": node_rankings, "W": W, "b": b, "alpha": alpha}

def reference(x, edge_index, batch_index, node_rankings, W, b, alpha):
    # x = self.linear(x)
    h = x @ W.T + b
    # _get_B (concrete subclass behavior): sparse B[dst, src] = 1 for edges whose
    # source node is active (ranking under node_stat <= k)
    src = edge_index[0]
    dst = edge_index[1]
    active = node_rankings[NODE_STAT] <= K
    w = active[src].astype(jnp.float32)
    if NORMALISE:
        # _normalise_B: divide each row of B by its row sum, nan_to_num(0) for empty rows
        deg = jax.ops.segment_sum(w, dst, num_segments=N)
        inv = jnp.where(deg > 0, 1.0 / deg, 0.0)
        w = w * inv[dst]
    # B @ x as edge gather + scatter-add into dst rows
    out = jax.ops.segment_sum(w[:, None] * h[src], dst, num_segments=N)
    return alpha * out

if __name__ == "__main__":
    import jax
    _d = setup_inputs()
    print(jax.jit(kernel)(*tuple(_d.values())))

</pallas_src>

<mosaic_0001>
#map = affine_map<(d0, d1) -> (0, 0)>
#map1 = affine_map<(d0, d1) -> (0)>
module attributes {stable_mosaic.version = 14 : i64} {
  func.func @_sc_body(%arg0: i32, %arg1: i32, %arg2: memref<10000x256xf32, #tpu.memory_space<hbm>>, %arg3: memref<160000xi32, #tpu.memory_space<hbm>>, %arg4: memref<160000xi32, #tpu.memory_space<hbm>>, %arg5: memref<10000xi32, #tpu.memory_space<hbm>>, %arg6: memref<81920xf32, #tpu.memory_space<hbm>>, %arg7: memref<5120xf32, #tpu.memory_space<hbm>>, %arg8: memref<16xf32, #tpu.memory_space<hbm>>, %arg9: memref<2560000xf32, #tpu.memory_space<hbm>>, %arg10: memref<10000xi32, #tpu.memory_space<vmem>>, %arg11: memref<400xi32, #tpu.memory_space<vmem>>, %arg12: memref<400xi32, #tpu.memory_space<vmem>>, %arg13: memref<400xi32, #tpu.memory_space<vmem>>, %arg14: memref<400xi32, #tpu.memory_space<vmem>>, %arg15: memref<416xi32, #tpu.memory_space<vmem>>, %arg16: memref<416xi32, #tpu.memory_space<vmem>>, %arg17: memref<416xi32, #tpu.memory_space<vmem>>, %arg18: memref<416xi32, #tpu.memory_space<vmem>>, %arg19: memref<16xi32, #tpu.memory_space<vmem>>, %arg20: memref<512xi32, #tpu.memory_space<vmem>>, %arg21: memref<16x256xf32, #tpu.memory_space<vmem>>, %arg22: memref<82176xf32, #tpu.memory_space<vmem>>, %arg23: memref<5120xf32, #tpu.memory_space<vmem>>, %arg24: memref<16xf32, #tpu.memory_space<vmem>>, %arg25: memref<!tpu.dma_semaphore, #tpu.memory_space<semaphore_mem>>, %arg26: memref<!tpu.dma_semaphore, #tpu.memory_space<semaphore_mem>>, %arg27: memref<!tpu.dma_semaphore, #tpu.memory_space<semaphore_mem>>, %arg28: memref<!tpu.dma_semaphore, #tpu.memory_space<semaphore_mem>>, %arg29: memref<!tpu.dma_semaphore, #tpu.memory_space<semaphore_mem>>, %arg30: memref<!tpu.dma_semaphore, #tpu.memory_space<semaphore_mem>>, %arg31: memref<166400xi32, #tpu.memory_space<vmem_shared>>, %arg32: memref<166400xi32, #tpu.memory_space<vmem_shared>>, %arg33: memref<512xi32, #tpu.memory_space<vmem_shared>>) attributes {dimension_semantics = [#tpu.dimension_semantics<core_parallel>, #tpu.dimension_semantics<subcore_parallel>], iteration_bounds = array<i64: 2, 16>, scalar_prefetch = 0 : i64, scratch_operands = 24 : i64, tpu.core_type = #tpu.core_type<sc_vector_subcore>, window_params = [{transform_indices = #map}, {transform_indices = #map1}, {transform_indices = #map1}, {transform_indices = #map1}, {transform_indices = #map1}, {transform_indices = #map1}, {transform_indices = #map1}, {transform_indices = #map1}]} {
    %mul3A = arith.constant 16 : i32
    %mul3A_0 = arith.muli %arg0, %mul3A : i32
    %add3A = arith.addi %mul3A_0, %arg1 : i32
    %mul3A_1 = arith.constant 320 : i32
    %mul3A_2 = arith.muli %add3A, %mul3A_1 : i32
    %iota3A = tpu.iota {dimensions = array<i32: 0>} : vector<16xi32>
    %broadcast_in_dim3A = arith.constant 1.000000e+00 : f32
    %broadcast_in_dim3A_3 = vector.broadcast %broadcast_in_dim3A : f32 to vector<16xf32>
    %dma_start3A = arith.constant 0 : i32
    %dma_start3A_4 = tpu.memref_slice %arg22[%dma_start3A] : memref<82176xf32, #tpu.memory_space<vmem>> -> memref<81920xf32, #tpu.memory_space<vmem>>
    %dma_start3A_5 = arith.constant 0 : i32
    %dma_start3A_6 = tpu.memref_slice %arg22[%dma_start3A_5] : memref<82176xf32, #tpu.memory_space<vmem>> -> memref<81920xf32, #tpu.memory_space<vmem>>
    tpu.enqueue_dma source(%arg6 : memref<81920xf32, #tpu.memory_space<hbm>>) target(%dma_start3A_6 : memref<81920xf32, #tpu.memory_space<vmem>>) target_semaphore(%arg29 : memref<!tpu.dma_semaphore, #tpu.memory_space<semaphore_mem>>)
    tpu.enqueue_dma source(%arg7 : memref<5120xf32, #tpu.memory_space<hbm>>) target(%arg23 : memref<5120xf32, #tpu.memory_space<vmem>>) target_semaphore(%arg30 : memref<!tpu.dma_semaphore, #tpu.memory_space<semaphore_mem>>)
    "tpu.region"() ({
      %run_scoped3A = tpu.sem_alloc : memref<!tpu.dma_semaphore, #tpu.memory_space<semaphore_mem>>
      tpu.enqueue_dma source(%arg5 : memref<10000xi32, #tpu.memory_space<hbm>>) target(%arg10 : memref<10000xi32, #tpu.memory_space<vmem>>) target_semaphore(%run_scoped3A : memref<!tpu.dma_semaphore, #tpu.memory_space<semaphore_mem>>)
      tpu.wait_dma2 semaphore(%run_scoped3A : memref<!tpu.dma_semaphore, #tpu.memory_space<semaphore_mem>>) src(%arg5 : memref<10000xi32, #tpu.memory_space<hbm>>) dst(%arg10 : memref<10000xi32, #tpu.memory_space<vmem>>)
      tpu.yield
    }) : () -> ()
    "tpu.region"() ({
      %run_scoped3A = tpu.sem_alloc : memref<!tpu.dma_semaphore, #tpu.memory_space<semaphore_mem>>
      tpu.enqueue_dma source(%arg8 : memref<16xf32, #tpu.memory_space<hbm>>) target(%arg24 : memref<16xf32, #tpu.memory_space<vmem>>) target_semaphore(%run_scoped3A : memref<!tpu.dma_semaphore, #tpu.memory_space<semaphore_mem>>)
      tpu.wait_dma2 semaphore(%run_scoped3A : memref<!tpu.dma_semaphore, #tpu.memory_space<semaphore_mem>>) src(%arg8 : memref<16xf32, #tpu.memory_space<hbm>>) dst(%arg24 : memref<16xf32, #tpu.memory_space<vmem>>)
      tpu.yield
    }) : () -> ()
    %mul3A_7 = arith.constant 10000 : i32
    %mul3A_8 = arith.muli %arg1, %mul3A_7 : i32
    %add3A_9 = arith.constant 0 : i32
    %add3A_10 = arith.addi %mul3A_8, %add3A_9 : i32
    %dma_start3A_11 = tpu.memref_slice %arg3[%add3A_10] : memref<160000xi32, #tpu.memory_space<hbm>> -> memref<400xi32, #tpu.memory_space<hbm>>
    %dma_start3A_12 = tpu.memref_slice %arg3[%add3A_10] : memref<160000xi32, #tpu.memory_space<hbm>> -> memref<400xi32, #tpu.memory_space<hbm>>
    tpu.enqueue_dma source(%dma_start3A_12 : memref<400xi32, #tpu.memory_space<hbm>>) target(%arg11 : memref<400xi32, #tpu.memory_space<vmem>>) target_semaphore(%arg25 : memref<!tpu.dma_semaphore, #tpu.memory_space<semaphore_mem>>)
    %add3A_13 = arith.constant 0 : i32
    %add3A_14 = arith.addi %mul3A_8, %add3A_13 : i32
    %dma_start3A_15 = tpu.memref_slice %arg4[%add3A_14] : memref<160000xi32, #tpu.memory_space<hbm>> -> memref<400xi32, #tpu.memory_space<hbm>>
    %dma_start3A_16 = tpu.memref_slice %arg4[%add3A_14] : memref<160000xi32, #tpu.memory_space<hbm>> -> memref<400xi32, #tpu.memory_space<hbm>>
    tpu.enqueue_dma source(%dma_start3A_16 : memref<400xi32, #tpu.memory_space<hbm>>) target(%arg12 : memref<400xi32, #tpu.memory_space<vmem>>) target_semaphore(%arg26 : memref<!tpu.dma_semaphore, #tpu.memory_space<semaphore_mem>>)
    %scan3A = arith.constant 0 : i32
    %scan3A_17 = arith.constant 0 : i32
    %scan3A_18 = arith.constant 0 : i32
    %scan3A_19 = arith.constant 0 : i32
    %scan3A_20 = arith.constant 0 : i32
    %scan3A_21 = arith.constant 12 : i32
    %scan3A_22 = arith.addi %scan3A_20, %scan3A_21 : i32
    %scan3A_23 = arith.constant 1 : i32
    %scan3A_24:4 = scf.for %scan3A_143 = %scan3A_20 to %scan3A_22 step %scan3A_23 iter_args(%scan3A_144 = %scan3A, %scan3A_145 = %scan3A_17, %scan3A_146 = %scan3A_18, %scan3A_147 = %scan3A_19) -> (i32, i32, i32, i32)  : i32 {
      %mul3A_148 = arith.constant 2 : i32
      %mul3A_149 = arith.muli %mul3A_148, %scan3A_143 : i32
      %add3A_150 = arith.constant 1 : i32
      %add3A_151 = arith.addi %mul3A_149, %add3A_150 : i32
      %mul3A_152 = arith.constant 400 : i32
      %mul3A_153 = arith.muli %add3A_151, %mul3A_152 : i32
      %add3A_154 = arith.addi %mul3A_8, %mul3A_153 : i32
      %dma_start3A_155 = tpu.memref_slice %arg3[%add3A_154] : memref<160000xi32, #tpu.memory_space<hbm>> -> memref<400xi32, #tpu.memory_space<hbm>>
      %dma_start3A_156 = tpu.memref_slice %arg3[%add3A_154] : memref<160000xi32, #tpu.memory_space<hbm>> -> memref<400xi32, #tpu.memory_space<hbm>>
      tpu.enqueue_dma source(%dma_start3A_156 : memref<400xi32, #tpu.memory_space<hbm>>) target(%arg13 : memref<400xi32, #tpu.memory_space<vmem>>) target_semaphore(%arg27 : memref<!tpu.dma_semaphore, #tpu.memory_space<semaphore_mem>>)
      %mul3A_157 = arith.constant 400 : i32
      %mul3A_158 = arith.muli %add3A_151, %mul3A_157 : i32
      %add3A_159 = arith.addi %mul3A_8, %mul3A_158 : i32
      %dma_start3A_160 = tpu.memref_slice %arg4[%add3A_159] : memref<160000xi32, #tpu.memory_space<hbm>> -> memref<400xi32, #tpu.memory_space<hbm>>
      %dma_start3A_161 = tpu.memref_slice %arg4[%add3A_159] : memref<160000xi32, #tpu.memory_space<hbm>> -> memref<400xi32, #tpu.memory_space<hbm>>
      tpu.enqueue_dma source(%dma_start3A_161 : memref<400xi32, #tpu.memory_space<hbm>>) target(%arg14 : memref<400xi32, #tpu.memory_space<vmem>>) target_semaphore(%arg28 : memref<!tpu.dma_semaphore, #tpu.memory_space<semaphore_mem>>)
      %mul3A_162 = arith.constant 400 : i32
      %mul3A_163 = arith.muli %mul3A_149, %mul3A_162 : i32
      %add3A_164 = arith.addi %mul3A_8, %mul3A_163 : i32
      %dma_wait3A_165 = tpu.memref_slice %arg3[%add3A_164] : memref<160000xi32, #tpu.memory_space<hbm>> -> memref<400xi32, #tpu.memory_space<hbm>>
      %dma_wait3A_166 = tpu.memref_slice %arg3[%add3A_164] : memref<160000xi32, #tpu.memory_space<hbm>> -> memref<400xi32, #tpu.memory_space<hbm>>
      tpu.wait_dma2 semaphore(%arg25 : memref<!tpu.dma_semaphore, #tpu.memory_space<semaphore_mem>>) src(%dma_wait3A_166 : memref<400xi32, #tpu.memory_space<hbm>>) dst(%arg11 : memref<400xi32, #tpu.memory_space<vmem>>)
      %mul3A_167 = arith.constant 400 : i32
      %mul3A_168 = arith.muli %mul3A_149, %mul3A_167 : i32
      %add3A_169 = arith.addi %mul3A_8, %mul3A_168 : i32
      %dma_wait3A_170 = tpu.memref_slice %arg4[%add3A_169] : memref<160000xi32, #tpu.memory_space<hbm>> -> memref<400xi32, #tpu.memory_space<hbm>>
      %dma_wait3A_171 = tpu.memref_slice %arg4[%add3A_169] : memref<160000xi32, #tpu.memory_space<hbm>> -> memref<400xi32, #tpu.memory_space<hbm>>
      tpu.wait_dma2 semaphore(%arg26 : memref<!tpu.dma_semaphore, #tpu.memory_space<semaphore_mem>>) src(%dma_wait3A_171 : memref<400xi32, #tpu.memory_space<hbm>>) dst(%arg12 : memref<400xi32, #tpu.memory_space<vmem>>)
      %scan3A_172 = arith.constant 0 : i32
      %scan3A_173 = arith.constant 25 : i32
      %scan3A_174 = arith.addi %scan3A_172, %scan3A_173 : i32
      %scan3A_175 = arith.constant 1 : i32
      %scan3A_176:4 = scf.for %scan3A_210 = %scan3A_172 to %scan3A_174 step %scan3A_175 iter_args(%scan3A_211 = %scan3A_144, %scan3A_212 = %scan3A_145, %scan3A_213 = %scan3A_146, %scan3A_214 = %scan3A_147) -> (i32, i32, i32, i32)  : i32 {
        %mul3A_215 = arith.constant 16 : i32
        %mul3A_216 = arith.muli %scan3A_210, %mul3A_215 : i32
        %get3A_217 = arith.index_cast %mul3A_216 : i32 to index
        %get3A_218 = tpu.vector_load %arg11[%get3A_217] {strides = array<i32>} : memref<400xi32, #tpu.memory_space<vmem>>, vector<16xi32>,
        %mul3A_219 = arith.constant 16 : i32
        %mul3A_220 = arith.muli %scan3A_210, %mul3A_219 : i32
        %get3A_221 = arith.index_cast %mul3A_220 : i32 to index
        %get3A_222 = tpu.vector_load %arg12[%get3A_221] {strides = array<i32>} : memref<400xi32, #tpu.memory_space<vmem>>, vector<16xi32>,
        %gather3A = tpu.vector_load_idx %arg10[%get3A_218] : memref<10000xi32, #tpu.memory_space<vmem>>[vector<16xi32>], vector<16xi32>,
        %le3A = arith.constant 1000 : i32
        %le3A_223 = vector.broadcast %le3A : i32 to vector<16xi32>
        %le3A_224 = arith.cmpi sle, %gather3A, %le3A_223 : vector<16xi32>
        %lt3A_225 = arith.constant 5120 : i32
        %lt3A_226 = vector.broadcast %lt3A_225 : i32 to vector<16xi32>
        %lt3A_227 = arith.cmpi slt, %get3A_222, %lt3A_226 : vector<16xi32>
        %and3A = arith.andi %le3A_224, %lt3A_227 : vector<16xi1>
        %ge3A = arith.constant 5120 : i32
        %ge3A_228 = vector.broadcast %ge3A : i32 to vector<16xi32>
        %ge3A_229 = arith.cmpi sge, %get3A_222, %ge3A_228 : vector<16xi32>
        %and3A_230 = arith.andi %le3A_224, %ge3A_229 : vector<16xi1>
        %swap3A_231 = arith.index_cast %scan3A_211 : i32 to index
        %swap3A_232 = tpu.vector_load %arg15[%swap3A_231] masked %and3A {strides = array<i32>} : memref<416xi32, #tpu.memory_space<vmem>>, vector<16xi32>, vector<16xi1>
        tpu.vector_store %arg15[%swap3A_231], %get3A_218 masked %and3A {strides = array<i32>} : memref<416xi32, #tpu.memory_space<vmem>>, vector<16xi32>, vector<16xi1>
        %swap3A_233 = arith.index_cast %scan3A_211 : i32 to index
        %swap3A_234 = tpu.vector_load %arg16[%swap3A_233] masked %and3A {strides = array<i32>} : memref<416xi32, #tpu.memory_space<vmem>>, vector<16xi32>, vector<16xi1>
        tpu.vector_store %arg16[%swap3A_233], %get3A_222 masked %and3A {strides = array<i32>} : memref<416xi32, #tpu.memory_space<vmem>>, vector<16xi32>, vector<16xi1>
        %swap3A_235 = arith.index_cast %scan3A_213 : i32 to index
        %swap3A_236 = tpu.vector_load %arg17[%swap3A_235] masked %and3A_230 {strides = array<i32>} : memref<416xi32, #tpu.memory_space<vmem>>, vector<16xi32>, vector<16xi1>
        tpu.vector_store %arg17[%swap3A_235], %get3A_218 masked %and3A_230 {strides = array<i32>} : memref<416xi32, #tpu.memory_space<vmem>>, vector<16xi32>, vector<16xi1>
        %swap3A_237 = arith.index_cast %scan3A_213 : i32 to index
        %swap3A_238 = tpu.vector_load %arg18[%swap3A_237] masked %and3A_230 {strides = array<i32>} : memref<416xi32, #tpu.memory_space<vmem>>, vector<16xi32>, vector<16xi1>
        tpu.vector_store %arg18[%swap3A_237], %get3A_222 masked %and3A_230 {strides = array<i32>} : memref<416xi32, #tpu.memory_space<vmem>>, vector<16xi32>, vector<16xi1>
        %all_reduce_population_count3A = tpu.all_reduce %and3A {dim = 0 : i64, kind = #tpu.reduction_kind<sum>} : vector<16xi1> -> vector<16xi32>
        %reduce_max3A = arith.constant true
        %reduce_max3A_239 = vector.broadcast %reduce_max3A : i1 to vector<16xi1>
        %reduce_max3A_240 = arith.constant -2147483648 : i32
        %reduce_max3A_241 = vector.broadcast %reduce_max3A_240 : i32 to vector<16xi32>
        %reduce_max3A_242 = arith.xori %all_reduce_population_count3A, %reduce_max3A_241 : vector<16xi32>
        %reduce_max3A_243 = tpu.scan <max>, %reduce_max3A_242 masked %reduce_max3A_239 : vector<16xi32>, vector<16xi1> -> vector<16xi32>
        %reduce_max3A_244 = arith.xori %reduce_max3A_243, %reduce_max3A_241 : vector<16xi32>
        %reduce_max3A_245 = vector.extract %reduce_max3A_244[15] : i32 from vector<16xi32>
        %add3A_246 = arith.addi %scan3A_211, %reduce_max3A_245 : i32
        %all_reduce_population_count3A_247 = tpu.all_reduce %and3A_230 {dim = 0 : i64, kind = #tpu.reduction_kind<sum>} : vector<16xi1> -> vector<16xi32>
        %reduce_max3A_248 = arith.constant true
        %reduce_max3A_249 = vector.broadcast %reduce_max3A_248 : i1 to vector<16xi1>
        %reduce_max3A_250 = arith.constant -2147483648 : i32
        %reduce_max3A_251 = vector.broadcast %reduce_max3A_250 : i32 to vector<16xi32>
        %reduce_max3A_252 = arith.xori %all_reduce_population_count3A_247, %reduce_max3A_251 : vector<16xi32>
        %reduce_max3A_253 = tpu.scan <max>, %reduce_max3A_252 masked %reduce_max3A_249 : vector<16xi32>, vector<16xi1> -> vector<16xi32>
        %reduce_max3A_254 = arith.xori %reduce_max3A_253, %reduce_max3A_251 : vector<16xi32>
        %reduce_max3A_255 = vector.extract %reduce_max3A_254[15] : i32 from vector<16xi32>
        %add3A_256 = arith.addi %scan3A_213, %reduce_max3A_255 : i32
        %ge3A_257 = arith.constant 400 : i32
        %ge3A_258 = arith.cmpi sge, %add3A_246, %ge3A_257 : i32
        %ge3A_259 = arith.constant 400 : i32
        %ge3A_260 = arith.cmpi sge, %add3A_256, %ge3A_259 : i32
        %convert_element_type3A_261 = arith.extui %ge3A_258 : i1 to i32
        %cond3A_262 = arith.constant 0 : i32
        %cond3A_263 = arith.cmpi ne, %convert_element_type3A_261, %cond3A_262 : i32
        scf.if %cond3A_263 {
          %mul3A_277 = arith.constant 10400 : i32
          %mul3A_278 = arith.muli %arg1, %mul3A_277 : i32
          %mul3A_279 = arith.constant 400 : i32
          %mul3A_280 = arith.muli %scan3A_212, %mul3A_279 : i32
          %add3A_281 = arith.addi %mul3A_278, %mul3A_280 : i32
          "tpu.region"() ({
            %run_scoped3A = tpu.sem_alloc : memref<!tpu.dma_semaphore, #tpu.memory_space<semaphore_mem>>
            %dma_start3A_295 = arith.constant 0 : i32
            %dma_start3A_296 = tpu.memref_slice %arg15[%dma_start3A_295] : memref<416xi32, #tpu.memory_space<vmem>> -> memref<400xi32, #tpu.memory_space<vmem>>
            %dma_start3A_297 = tpu.memref_slice %arg31[%add3A_281] : memref<166400xi32, #tpu.memory_space<vmem_shared>> -> memref<400xi32, #tpu.memory_space<vmem_shared>>
            %dma_start3A_298 = tpu.memref_slice %arg31[%add3A_281] : memref<166400xi32, #tpu.memory_space<vmem_shared>> -> memref<400xi32, #tpu.memory_space<vmem_shared>>
            %dma_start3A_299 = arith.constant 0 : i32
            %dma_start3A_300 = tpu.memref_slice %arg15[%dma_start3A_299] : memref<416xi32, #tpu.memory_space<vmem>> -> memref<400xi32, #tpu.memory_space<vmem>>
            tpu.enqueue_dma source(%dma_start3A_300 : memref<400xi32, #tpu.memory_space<vmem>>) target(%dma_start3A_298 : memref<400xi32, #tpu.memory_space<vmem_shared>>) target_semaphore(%run_scoped3A : memref<!tpu.dma_semaphore, #tpu.memory_space<semaphore_mem>>)
            %dma_wait3A_301 = arith.constant 0 : i32
            %dma_wait3A_302 = tpu.memref_slice %arg15[%dma_wait3A_301] : memref<416xi32, #tpu.memory_space<vmem>> -> memref<400xi32, #tpu.memory_space<vmem>>
            %dma_wait3A_303 = tpu.memref_slice %arg31[%add3A_281] : memref<166400xi32, #tpu.memory_space<vmem_shared>> -> memref<400xi32, #tpu.memory_space<vmem_shared>>
            %dma_wait3A_304 = tpu.memref_slice %arg31[%add3A_281] : memref<166400xi32, #tpu.memory_space<vmem_shared>> -> memref<400xi32, #tpu.memory_space<vmem_shared>>
            %dma_wait3A_305 = arith.constant 0 : i32
            %dma_wait3A_306 = tpu.memref_slice %arg15[%dma_wait3A_305] : memref<416xi32, #tpu.memory_space<vmem>> -> memref<400xi32, #tpu.memory_space<vmem>>
            tpu.wait_dma2 semaphore(%run_scoped3A : memref<!tpu.dma_semaphore, #tpu.memory_space<semaphore_mem>>) src(%dma_wait3A_306 : memref<400xi32, #tpu.memory_space<vmem>>) dst(%dma_wait3A_304 : memref<400xi32, #tpu.memory_space<vmem_shared>>)
            tpu.yield
          }) : () -> ()
          %mul3A_282 = arith.constant 10400 : i32
          %mul3A_283 = arith.muli %arg1, %mul3A_282 : i32
          %mul3A_284 = arith.constant 400 : i32
          %mul3A_285 = arith.muli %scan3A_212, %mul3A_284 : i32
          %add3A_286 = arith.addi %mul3A_283, %mul3A_285 : i32
          "tpu.region"() ({
            %run_scoped3A = tpu.sem_alloc : memref<!tpu.dma_semaphore, #tpu.memory_space<semaphore_mem>>
            %dma_start3A_295 = arith.constant 0 : i32
            %dma_start3A_296 = tpu.memref_slice %arg16[%dma_start3A_295] : memref<416xi32, #tpu.memory_space<vmem>> -> memref<400xi32, #tpu.memory_space<vmem>>
            %dma_start3A_297 = tpu.memref_slice %arg32[%add3A_286] : memref<166400xi32, #tpu.memory_space<vmem_shared>> -> memref<400xi32, #tpu.memory_space<vmem_shared>>
            %dma_start3A_298 = tpu.memref_slice %arg32[%add3A_286] : memref<166400xi32, #tpu.memory_space<vmem_shared>> -> memref<400xi32, #tpu.memory_space<vmem_shared>>
            %dma_start3A_299 = arith.constant 0 : i32
            %dma_start3A_300 = tpu.memref_slice %arg16[%dma_start3A_299] : memref<416xi32, #tpu.memory_space<vmem>> -> memref<400xi32, #tpu.memory_space<vmem>>
            tpu.enqueue_dma source(%dma_start3A_300 : memref<400xi32, #tpu.memory_space<vmem>>) target(%dma_start3A_298 : memref<400xi32, #tpu.memory_space<vmem_shared>>) target_semaphore(%run_scoped3A : memref<!tpu.dma_semaphore, #tpu.memory_space<semaphore_mem>>)
            %dma_wait3A_301 = arith.constant 0 : i32
            %dma_wait3A_302 = tpu.memref_slice %arg16[%dma_wait3A_301] : memref<416xi32, #tpu.memory_space<vmem>> -> memref<400xi32, #tpu.memory_space<vmem>>
            %dma_wait3A_303 = tpu.memref_slice %arg32[%add3A_286] : memref<166400xi32, #tpu.memory_space<vmem_shared>> -> memref<400xi32, #tpu.memory_space<vmem_shared>>
            %dma_wait3A_304 = tpu.memref_slice %arg32[%add3A_286] : memref<166400xi32, #tpu.memory_space<vmem_shared>> -> memref<400xi32, #tpu.memory_space<vmem_shared>>
            %dma_wait3A_305 = arith.constant 0 : i32
            %dma_wait3A_306 = tpu.memref_slice %arg16[%dma_wait3A_305] : memref<416xi32, #tpu.memory_space<vmem>> -> memref<400xi32, #tpu.memory_space<vmem>>
            tpu.wait_dma2 semaphore(%run_scoped3A : memref<!tpu.dma_semaphore, #tpu.memory_space<semaphore_mem>>) src(%dma_wait3A_306 : memref<400xi32, #tpu.memory_space<vmem>>) dst(%dma_wait3A_304 : memref<400xi32, #tpu.memory_space<vmem_shared>>)
            tpu.yield
          }) : () -> ()
          %get3A_287 = arith.constant 400 : index
          %get3A_288 = tpu.vector_load %arg15[%get3A_287] {strides = array<i32>} : memref<416xi32, #tpu.memory_space<vmem>>, vector<16xi32>,
          %swap3A_289 = arith.constant 0 : index
          %swap3A_290 = tpu.vector_load %arg15[%swap3A_289] {strides = array<i32>} : memref<416xi32, #tpu.memory_space<vmem>>, vector<16xi32>,
          tpu.vector_store %arg15[%swap3A_289], %get3A_288 {strides = array<i32>} : memref<416xi32, #tpu.memory_space<vmem>>, vector<16xi32>,
          %get3A_291 = arith.constant 400 : index
          %get3A_292 = tpu.vector_load %arg16[%get3A_291] {strides = array<i32>} : memref<416xi32, #tpu.memory_space<vmem>>, vector<16xi32>,
          %swap3A_293 = arith.constant 0 : index
          %swap3A_294 = tpu.vector_load %arg16[%swap3A_293] {strides = array<i32>} : memref<416xi32, #tpu.memory_space<vmem>>, vector<16xi32>,
          tpu.vector_store %arg16[%swap3A_293], %get3A_292 {strides = array<i32>} : memref<416xi32, #tpu.memory_space<vmem>>, vector<16xi32>,
        } else {
        }
        %convert_element_type3A_264 = arith.extui %ge3A_260 : i1 to i32
        %cond3A_265 = arith.constant 0 : i32
        %cond3A_266 = arith.cmpi ne, %convert_element_type3A_264, %cond3A_265 : i32
        scf.if %cond3A_266 {
          %mul3A_277 = arith.constant 10400 : i32
          %mul3A_278 = arith.muli %arg1, %mul3A_277 : i32
          %add3A_279 = arith.constant 10400 : i32
          %add3A_280 = arith.addi %mul3A_278, %add3A_279 : i32
          %add3A_281 = arith.constant 1 : i32
          %add3A_282 = arith.addi %scan3A_214, %add3A_281 : i32
          %mul3A_283 = arith.constant 400 : i32
          %mul3A_284 = arith.muli %add3A_282, %mul3A_283 : i32
          %sub3A_285 = arith.subi %add3A_280, %mul3A_284 : i32
          "tpu.region"() ({
            %run_scoped3A = tpu.sem_alloc : memref<!tpu.dma_semaphore, #tpu.memory_space<semaphore_mem>>
            %dma_start3A_294 = arith.constant 0 : i32
            %dma_start3A_295 = tpu.memref_slice %arg17[%dma_start3A_294] : memref<416xi32, #tpu.memory_space<vmem>> -> memref<400xi32, #tpu.memory_space<vmem>>
            %dma_start3A_296 = tpu.memref_slice %arg31[%sub3A_285] : memref<166400xi32, #tpu.memory_space<vmem_shared>> -> memref<400xi32, #tpu.memory_space<vmem_shared>>
            %dma_start3A_297 = tpu.memref_slice %arg31[%sub3A_285] : memref<166400xi32, #tpu.memory_space<vmem_shared>> -> memref<400xi32, #tpu.memory_space<vmem_shared>>
            %dma_start3A_298 = arith.constant 0 : i32
            %dma_start3A_299 = tpu.memref_slice %arg17[%dma_start3A_298] : memref<416xi32, #tpu.memory_space<vmem>> -> memref<400xi32, #tpu.memory_space<vmem>>
            tpu.enqueue_dma source(%dma_start3A_299 : memref<400xi32, #tpu.memory_space<vmem>>) target(%dma_start3A_297 : memref<400xi32, #tpu.memory_space<vmem_shared>>) target_semaphore(%run_scoped3A : memref<!tpu.dma_semaphore, #tpu.memory_space<semaphore_mem>>)
            %dma_wait3A_300 = arith.constant 0 : i32
            %dma_wait3A_301 = tpu.memref_slice %arg17[%dma_wait3A_300] : memref<416xi32, #tpu.memory_space<vmem>> -> memref<400xi32, #tpu.memory_space<vmem>>
            %dma_wait3A_302 = tpu.memref_slice %arg31[%sub3A_285] : memref<166400xi32, #tpu.memory_space<vmem_shared>> -> memref<400xi32, #tpu.memory_space<vmem_shared>>
            %dma_wait3A_303 = tpu.memref_slice %arg31[%sub3A_285] : memref<166400xi32, #tpu.memory_space<vmem_shared>> -> memref<400xi32, #tpu.memory_space<vmem_shared>>
            %dma_wait3A_304 = arith.constant 0 : i32
            %dma_wait3A_305 = tpu.memref_slice %arg17[%dma_wait3A_304] : memref<416xi32, #tpu.memory_space<vmem>> -> memref<400xi32, #tpu.memory_space<vmem>>
            tpu.wait_dma2 semaphore(%run_scoped3A : memref<!tpu.dma_semaphore, #tpu.memory_space<semaphore_mem>>) src(%dma_wait3A_305 : memref<400xi32, #tpu.memory_space<vmem>>) dst(%dma_wait3A_303 : memref<400xi32, #tpu.memory_space<vmem_shared>>)
            tpu.yield
          }) : () -> ()
          "tpu.region"() ({
            %run_scoped3A = tpu.sem_alloc : memref<!tpu.dma_semaphore, #tpu.memory_space<semaphore_mem>>
            %dma_start3A_294 = arith.constant 0 : i32
            %dma_start3A_295 = tpu.memref_slice %arg18[%dma_start3A_294] : memref<416xi32, #tpu.memory_space<vmem>> -> memref<400xi32, #tpu.memory_space<vmem>>
            %dma_start3A_296 = tpu.memref_slice %arg32[%sub3A_285] : memref<166400xi32, #tpu.memory_space<vmem_shared>> -> memref<400xi32, #tpu.memory_space<vmem_shared>>
            %dma_start3A_297 = tpu.memref_slice %arg32[%sub3A_285] : memref<166400xi32, #tpu.memory_space<vmem_shared>> -> memref<400xi32, #tpu.memory_space<vmem_shared>>
            %dma_start3A_298 = arith.constant 0 : i32
            %dma_start3A_299 = tpu.memref_slice %arg18[%dma_start3A_298] : memref<416xi32, #tpu.memory_space<vmem>> -> memref<400xi32, #tpu.memory_space<vmem>>
            tpu.enqueue_dma source(%dma_start3A_299 : memref<400xi32, #tpu.memory_space<vmem>>) target(%dma_start3A_297 : memref<400xi32, #tpu.memory_space<vmem_shared>>) target_semaphore(%run_scoped3A : memref<!tpu.dma_semaphore, #tpu.memory_space<semaphore_mem>>)
            %dma_wait3A_300 = arith.constant 0 : i32
            %dma_wait3A_301 = tpu.memref_slice %arg18[%dma_wait3A_300] : memref<416xi32, #tpu.memory_space<vmem>> -> memref<400xi32, #tpu.memory_space<vmem>>
            %dma_wait3A_302 = tpu.memref_slice %arg32[%sub3A_285] : memref<166400xi32, #tpu.memory_space<vmem_shared>> -> memref<400xi32, #tpu.memory_space<vmem_shared>>
            %dma_wait3A_303 = tpu.memref_slice %arg32[%sub3A_285] : memref<166400xi32, #tpu.memory_space<vmem_shared>> -> memref<400xi32, #tpu.memory_space<vmem_shared>>
            %dma_wait3A_304 = arith.constant 0 : i32
            %dma_wait3A_305 = tpu.memref_slice %arg18[%dma_wait3A_304] : memref<416xi32, #tpu.memory_space<vmem>> -> memref<400xi32, #tpu.memory_space<vmem>>
            tpu.wait_dma2 semaphore(%run_scoped3A : memref<!tpu.dma_semaphore, #tpu.memory_space<semaphore_mem>>) src(%dma_wait3A_305 : memref<400xi32, #tpu.memory_space<vmem>>) dst(%dma_wait3A_303 : memref<400xi32, #tpu.memory_space<vmem_shared>>)
            tpu.yield
          }) : () -> ()
          %get3A_286 = arith.constant 400 : index
          %get3A_287 = tpu.vector_load %arg17[%get3A_286] {strides = array<i32>} : memref<416xi32, #tpu.memory_space<vmem>>, vector<16xi32>,
          %swap3A_288 = arith.constant 0 : index
          %swap3A_289 = tpu.vector_load %arg17[%swap3A_288] {strides = array<i32>} : memref<416xi32, #tpu.memory_space<vmem>>, vector<16xi32>,
          tpu.vector_store %arg17[%swap3A_288], %get3A_287 {strides = array<i32>} : memref<416xi32, #tpu.memory_space<vmem>>, vector<16xi32>,
          %get3A_290 = arith.constant 400 : index
          %get3A_291 = tpu.vector_load %arg18[%get3A_290] {strides = array<i32>} : memref<416xi32, #tpu.memory_space<vmem>>, vector<16xi32>,
          %swap3A_292 = arith.constant 0 : index
          %swap3A_293 = tpu.vector_load %arg18[%swap3A_292] {strides = array<i32>} : memref<416xi32, #tpu.memory_space<vmem>>, vector<16xi32>,
          tpu.vector_store %arg18[%swap3A_292], %get3A_291 {strides = array<i32>} : memref<416xi32, #tpu.memory_space<vmem>>, vector<16xi32>,
        } else {
        }
        %sub3A = arith.constant 400 : i32
        %sub3A_267 = arith.subi %add3A_246, %sub3A : i32
        %select_n3A = arith.select %ge3A_258, %sub3A_267, %add3A_246 : i32
        %add3A_268 = arith.constant 1 : i32
        %add3A_269 = arith.addi %scan3A_212, %add3A_268 : i32
        %select_n3A_270 = arith.select %ge3A_258, %add3A_269, %scan3A_212 : i32
        %sub3A_271 = arith.constant 400 : i32
        %sub3A_272 = arith.subi %add3A_256, %sub3A_271 : i32
        %select_n3A_273 = arith.select %ge3A_260, %sub3A_272, %add3A_256 : i32
        %add3A_274 = arith.constant 1 : i32
        %add3A_275 = arith.addi %scan3A_214, %add3A_274 : i32
        %select_n3A_276 = arith.select %ge3A_260, %add3A_275, %scan3A_214 : i32
        scf.yield %select_n3A, %select_n3A_270, %select_n3A_273, %select_n3A_276 : i32, i32, i32, i32
      }
      %scan3A_177 = arith.constant 25 : i32
      %add3A_178 = arith.constant 2 : i32
      %add3A_179 = arith.addi %mul3A_149, %add3A_178 : i32
      %mul3A_180 = arith.constant 400 : i32
      %mul3A_181 = arith.muli %add3A_179, %mul3A_180 : i32
      %add3A_182 = arith.addi %mul3A_8, %mul3A_181 : i32
      %dma_start3A_183 = tpu.memref_slice %arg3[%add3A_182] : memref<160000xi32, #tpu.memory_space<hbm>> -> memref<400xi32, #tpu.memory_space<hbm>>
      %dma_start3A_184 = tpu.memref_slice %arg3[%add3A_182] : memref<160000xi32, #tpu.memory_space<hbm>> -> memref<400xi32, #tpu.memory_space<hbm>>
      tpu.enqueue_dma source(%dma_start3A_184 : memref<400xi32, #tpu.memory_space<hbm>>) target(%arg11 : memref<400xi32, #tpu.memory_space<vmem>>) target_semaphore(%arg25 : memref<!tpu.dma_semaphore, #tpu.memory_space<semaphore_mem>>)
      %mul3A_185 = arith.constant 400 : i32
      %mul3A_186 = arith.muli %add3A_179, %mul3A_185 : i32
      %add3A_187 = arith.addi %mul3A_8, %mul3A_186 : i32
      %dma_start3A_188 = tpu.memref_slice %arg4[%add3A_187] : memref<160000xi32, #tpu.memory_space<hbm>> -> memref<400xi32, #tpu.memory_space<hbm>>
      %dma_start3A_189 = tpu.memref_slice %arg4[%add3A_187] : memref<160000xi32, #tpu.memory_space<hbm>> -> memref<400xi32, #tpu.memory_space<hbm>>
      tpu.enqueue_dma source(%dma_start3A_189 : memref<400xi32, #tpu.memory_space<hbm>>) target(%arg12 : memref<400xi32, #tpu.memory_space<vmem>>) target_semaphore(%arg26 : memref<!tpu.dma_semaphore, #tpu.memory_space<semaphore_mem>>)
      %add3A_190 = arith.constant 1 : i32
      %add3A_191 = arith.addi %mul3A_149, %add3A_190 : i32
      %mul3A_192 = arith.constant 400 : i32
      %mul3A_193 = arith.muli %add3A_191, %mul3A_192 : i32
      %add3A_194 = arith.addi %mul3A_8, %mul3A_193 : i32
      %dma_wait3A_195 = tpu.memref_slice %arg3[%add3A_194] : memref<160000xi32, #tpu.memory_space<hbm>> -> memref<400xi32, #tpu.memory_space<hbm>>
      %dma_wait3A_196 = tpu.memref_slice %arg3[%add3A_194] : memref<160000xi32, #tpu.memory_space<hbm>> -> memref<400xi32, #tpu.memory_space<hbm>>
      tpu.wait_dma2 semaphore(%arg27 : memref<!tpu.dma_semaphore, #tpu.memory_space<semaphore_mem>>) src(%dma_wait3A_196 : memref<400xi32, #tpu.memory_space<hbm>>) dst(%arg13 : memref<400xi32, #tpu.memory_space<vmem>>)
      %mul3A_197 = arith.constant 400 : i32
      %mul3A_198 = arith.muli %add3A_191, %mul3A_197 : i32
      %add3A_199 = arith.addi %mul3A_8, %mul3A_198 : i32
      %dma_wait3A_200 = tpu.memref_slice %arg4[%add3A_199] : memref<160000xi32, #tpu.memory_space<hbm>> -> memref<400xi32, #tpu.memory_space<hbm>>
      %dma_wait3A_201 = tpu.memref_slice %arg4[%add3A_199] : memref<160000xi32, #tpu.memory_space<hbm>> -> memref<400xi32, #tpu.memory_space<hbm>>
      tpu.wait_dma2 semaphore(%arg28 : memref<!tpu.dma_semaphore, #tpu.memory_space<semaphore_mem>>) src(%dma_wait3A_201 : memref<400xi32, #tpu.memory_space<hbm>>) dst(%arg14 : memref<400xi32, #tpu.memory_space<vmem>>)
      %add3A_202 = arith.constant 1 : i32
      %add3A_203 = arith.addi %mul3A_149, %add3A_202 : i32
      %scan3A_204 = arith.constant 0 : i32
      %scan3A_205 = arith.constant 25 : i32
      %scan3A_206 = arith.addi %scan3A_204, %scan3A_205 : i32
      %scan3A_207 = arith.constant 1 : i32
      %scan3A_208:4 = scf.for %scan3A_210 = %scan3A_204 to %scan3A_206 step %scan3A_207 iter_args(%scan3A_211 = %scan3A_176#0, %scan3A_212 = %scan3A_176#1, %scan3A_213 = %scan3A_176#2, %scan3A_214 = %scan3A_176#3) -> (i32, i32, i32, i32)  : i32 {
        %mul3A_215 = arith.constant 16 : i32
        %mul3A_216 = arith.muli %scan3A_210, %mul3A_215 : i32
        %get3A_217 = arith.index_cast %mul3A_216 : i32 to index
        %get3A_218 = tpu.vector_load %arg13[%get3A_217] {strides = array<i32>} : memref<400xi32, #tpu.memory_space<vmem>>, vector<16xi32>,
        %mul3A_219 = arith.constant 16 : i32
        %mul3A_220 = arith.muli %scan3A_210, %mul3A_219 : i32
        %get3A_221 = arith.index_cast %mul3A_220 : i32 to index
        %get3A_222 = tpu.vector_load %arg14[%get3A_221] {strides = array<i32>} : memref<400xi32, #tpu.memory_space<vmem>>, vector<16xi32>,
        %gather3A = tpu.vector_load_idx %arg10[%get3A_218] : memref<10000xi32, #tpu.memory_space<vmem>>[vector<16xi32>], vector<16xi32>,
        %le3A = arith.constant 1000 : i32
        %le3A_223 = vector.broadcast %le3A : i32 to vector<16xi32>
        %le3A_224 = arith.cmpi sle, %gather3A, %le3A_223 : vector<16xi32>
        %lt3A_225 = arith.constant 5120 : i32
        %lt3A_226 = vector.broadcast %lt3A_225 : i32 to vector<16xi32>
        %lt3A_227 = arith.cmpi slt, %get3A_222, %lt3A_226 : vector<16xi32>
        %and3A = arith.andi %le3A_224, %lt3A_227 : vector<16xi1>
        %ge3A = arith.constant 5120 : i32
        %ge3A_228 = vector.broadcast %ge3A : i32 to vector<16xi32>
        %ge3A_229 = arith.cmpi sge, %get3A_222, %ge3A_228 : vector<16xi32>
        %and3A_230 = arith.andi %le3A_224, %ge3A_229 : vector<16xi1>
        %swap3A_231 = arith.index_cast %scan3A_211 : i32 to index
        %swap3A_232 = tpu.vector_load %arg15[%swap3A_231] masked %and3A {strides = array<i32>} : memref<416xi32, #tpu.memory_space<vmem>>, vector<16xi32>, vector<16xi1>
        tpu.vector_store %arg15[%swap3A_231], %get3A_218 masked %and3A {strides = array<i32>} : memref<416xi32, #tpu.memory_space<vmem>>, vector<16xi32>, vector<16xi1>
        %swap3A_233 = arith.index_cast %scan3A_211 : i32 to index
        %swap3A_234 = tpu.vector_load %arg16[%swap3A_233] masked %and3A {strides = array<i32>} : memref<416xi32, #tpu.memory_space<vmem>>, vector<16xi32>, vector<16xi1>
        tpu.vector_store %arg16[%swap3A_233], %get3A_222 masked %and3A {strides = array<i32>} : memref<416xi32, #tpu.memory_space<vmem>>, vector<16xi32>, vector<16xi1>
        %swap3A_235 = arith.index_cast %scan3A_213 : i32 to index
        %swap3A_236 = tpu.vector_load %arg17[%swap3A_235] masked %and3A_230 {strides = array<i32>} : memref<416xi32, #tpu.memory_space<vmem>>, vector<16xi32>, vector<16xi1>
        tpu.vector_store %arg17[%swap3A_235], %get3A_218 masked %and3A_230 {strides = array<i32>} : memref<416xi32, #tpu.memory_space<vmem>>, vector<16xi32>, vector<16xi1>
        %swap3A_237 = arith.index_cast %scan3A_213 : i32 to index
        %swap3A_238 = tpu.vector_load %arg18[%swap3A_237] masked %and3A_230 {strides = array<i32>} : memref<416xi32, #tpu.memory_space<vmem>>, vector<16xi32>, vector<16xi1>
        tpu.vector_store %arg18[%swap3A_237], %get3A_222 masked %and3A_230 {strides = array<i32>} : memref<416xi32, #tpu.memory_space<vmem>>, vector<16xi32>, vector<16xi1>
        %all_reduce_population_count3A = tpu.all_reduce %and3A {dim = 0 : i64, kind = #tpu.reduction_kind<sum>} : vector<16xi1> -> vector<16xi32>
        %reduce_max3A = arith.constant true
        %reduce_max3A_239 = vector.broadcast %reduce_max3A : i1 to vector<16xi1>
        %reduce_max3A_240 = arith.constant -2147483648 : i32
        %reduce_max3A_241 = vector.broadcast %reduce_max3A_240 : i32 to vector<16xi32>
        %reduce_max3A_242 = arith.xori %all_reduce_population_count3A, %reduce_max3A_241 : vector<16xi32>
        %reduce_max3A_243 = tpu.scan <max>, %reduce_max3A_242 masked %reduce_max3A_239 : vector<16xi32>, vector<16xi1> -> vector<16xi32>
        %reduce_max3A_244 = arith.xori %reduce_max3A_243, %reduce_max3A_241 : vector<16xi32>
        %reduce_max3A_245 = vector.extract %reduce_max3A_244[15] : i32 from vector<16xi32>
        %add3A_246 = arith.addi %scan3A_211, %reduce_max3A_245 : i32
        %all_reduce_population_count3A_247 = tpu.all_reduce %and3A_230 {dim = 0 : i64, kind = #tpu.reduction_kind<sum>} : vector<16xi1> -> vector<16xi32>
        %reduce_max3A_248 = arith.constant true
        %reduce_max3A_249 = vector.broadcast %reduce_max3A_248 : i1 to vector<16xi1>
        %reduce_max3A_250 = arith.constant -2147483648 : i32
        %reduce_max3A_251 = vector.broadcast %reduce_max3A_250 : i32 to vector<16xi32>
        %reduce_max3A_252 = arith.xori %all_reduce_population_count3A_247, %reduce_max3A_251 : vector<16xi32>
        %reduce_max3A_253 = tpu.scan <max>, %reduce_max3A_252 masked %reduce_max3A_249 : vector<16xi32>, vector<16xi1> -> vector<16xi32>
        %reduce_max3A_254 = arith.xori %reduce_max3A_253, %reduce_max3A_251 : vector<16xi32>
        %reduce_max3A_255 = vector.extract %reduce_max3A_254[15] : i32 from vector<16xi32>
        %add3A_256 = arith.addi %scan3A_213, %reduce_max3A_255 : i32
        %ge3A_257 = arith.constant 400 : i32
        %ge3A_258 = arith.cmpi sge, %add3A_246, %ge3A_257 : i32
        %ge3A_259 = arith.constant 400 : i32
        %ge3A_260 = arith.cmpi sge, %add3A_256, %ge3A_259 : i32
        %convert_element_type3A_261 = arith.extui %ge3A_258 : i1 to i32
        %cond3A_262 = arith.constant 0 : i32
        %cond3A_263 = arith.cmpi ne, %convert_element_type3A_261, %cond3A_262 : i32
        scf.if %cond3A_263 {
          %mul3A_277 = arith.constant 10400 : i32
          %mul3A_278 = arith.muli %arg1, %mul3A_277 : i32
          %mul3A_279 = arith.constant 400 : i32
          %mul3A_280 = arith.muli %scan3A_212, %mul3A_279 : i32
          %add3A_281 = arith.addi %mul3A_278, %mul3A_280 : i32
          "tpu.region"() ({
            %run_scoped3A = tpu.sem_alloc : memref<!tpu.dma_semaphore, #tpu.memory_space<semaphore_mem>>
            %dma_start3A_295 = arith.constant 0 : i32
            %dma_start3A_296 = tpu.memref_slice %arg15[%dma_start3A_295] : memref<416xi32, #tpu.memory_space<vmem>> -> memref<400xi32, #tpu.memory_space<vmem>>
            %dma_start3A_297 = tpu.memref_slice %arg31[%add3A_281] : memref<166400xi32, #tpu.memory_space<vmem_shared>> -> memref<400xi32, #tpu.memory_space<vmem_shared>>
            %dma_start3A_298 = tpu.memref_slice %arg31[%add3A_281] : memref<166400xi32, #tpu.memory_space<vmem_shared>> -> memref<400xi32, #tpu.memory_space<vmem_shared>>
            %dma_start3A_299 = arith.constant 0 : i32
            %dma_start3A_300 = tpu.memref_slice %arg15[%dma_start3A_299] : memref<416xi32, #tpu.memory_space<vmem>> -> memref<400xi32, #tpu.memory_space<vmem>>
            tpu.enqueue_dma source(%dma_start3A_300 : memref<400xi32, #tpu.memory_space<vmem>>) target(%dma_start3A_298 : memref<400xi32, #tpu.memory_space<vmem_shared>>) target_semaphore(%run_scoped3A : memref<!tpu.dma_semaphore, #tpu.memory_space<semaphore_mem>>)
            %dma_wait3A_301 = arith.constant 0 : i32
            %dma_wait3A_302 = tpu.memref_slice %arg15[%dma_wait3A_301] : memref<416xi32, #tpu.memory_space<vmem>> -> memref<400xi32, #tpu.memory_space<vmem>>
            %dma_wait3A_303 = tpu.memref_slice %arg31[%add3A_281] : memref<166400xi32, #tpu.memory_space<vmem_shared>> -> memref<400xi32, #tpu.memory_space<vmem_shared>>
            %dma_wait3A_304 = tpu.memref_slice %arg31[%add3A_281] : memref<166400xi32, #tpu.memory_space<vmem_shared>> -> memref<400xi32, #tpu.memory_space<vmem_shared>>
            %dma_wait3A_305 = arith.constant 0 : i32
            %dma_wait3A_306 = tpu.memref_slice %arg15[%dma_wait3A_305] : memref<416xi32, #tpu.memory_space<vmem>> -> memref<400xi32, #tpu.memory_space<vmem>>
            tpu.wait_dma2 semaphore(%run_scoped3A : memref<!tpu.dma_semaphore, #tpu.memory_space<semaphore_mem>>) src(%dma_wait3A_306 : memref<400xi32, #tpu.memory_space<vmem>>) dst(%dma_wait3A_304 : memref<400xi32, #tpu.memory_space<vmem_shared>>)
            tpu.yield
          }) : () -> ()
          %mul3A_282 = arith.constant 10400 : i32
          %mul3A_283 = arith.muli %arg1, %mul3A_282 : i32
          %mul3A_284 = arith.constant 400 : i32
          %mul3A_285 = arith.muli %scan3A_212, %mul3A_284 : i32
          %add3A_286 = arith.addi %mul3A_283, %mul3A_285 : i32
          "tpu.region"() ({
            %run_scoped3A = tpu.sem_alloc : memref<!tpu.dma_semaphore, #tpu.memory_space<semaphore_mem>>
            %dma_start3A_295 = arith.constant 0 : i32
            %dma_start3A_296 = tpu.memref_slice %arg16[%dma_start3A_295] : memref<416xi32, #tpu.memory_space<vmem>> -> memref<400xi32, #tpu.memory_space<vmem>>
            %dma_start3A_297 = tpu.memref_slice %arg32[%add3A_286] : memref<166400xi32, #tpu.memory_space<vmem_shared>> -> memref<400xi32, #tpu.memory_space<vmem_shared>>
            %dma_start3A_298 = tpu.memref_slice %arg32[%add3A_286] : memref<166400xi32, #tpu.memory_space<vmem_shared>> -> memref<400xi32, #tpu.memory_space<vmem_shared>>
            %dma_start3A_299 = arith.constant 0 : i32
            %dma_start3A_300 = tpu.memref_slice %arg16[%dma_start3A_299] : memref<416xi32, #tpu.memory_space<vmem>> -> memref<400xi32, #tpu.memory_space<vmem>>
            tpu.enqueue_dma source(%dma_start3A_300 : memref<400xi32, #tpu.memory_space<vmem>>) target(%dma_start3A_298 : memref<400xi32, #tpu.memory_space<vmem_shared>>) target_semaphore(%run_scoped3A : memref<!tpu.dma_semaphore, #tpu.memory_space<semaphore_mem>>)
            %dma_wait3A_301 = arith.constant 0 : i32
            %dma_wait3A_302 = tpu.memref_slice %arg16[%dma_wait3A_301] : memref<416xi32, #tpu.memory_space<vmem>> -> memref<400xi32, #tpu.memory_space<vmem>>
            %dma_wait3A_303 = tpu.memref_slice %arg32[%add3A_286] : memref<166400xi32, #tpu.memory_space<vmem_shared>> -> memref<400xi32, #tpu.memory_space<vmem_shared>>
            %dma_wait3A_304 = tpu.memref_slice %arg32[%add3A_286] : memref<166400xi32, #tpu.memory_space<vmem_shared>> -> memref<400xi32, #tpu.memory_space<vmem_shared>>
            %dma_wait3A_305 = arith.constant 0 : i32
            %dma_wait3A_306 = tpu.memref_slice %arg16[%dma_wait3A_305] : memref<416xi32, #tpu.memory_space<vmem>> -> memref<400xi32, #tpu.memory_space<vmem>>
            tpu.wait_dma2 semaphore(%run_scoped3A : memref<!tpu.dma_semaphore, #tpu.memory_space<semaphore_mem>>) src(%dma_wait3A_306 : memref<400xi32, #tpu.memory_space<vmem>>) dst(%dma_wait3A_304 : memref<400xi32, #tpu.memory_space<vmem_shared>>)
            tpu.yield
          }) : () -> ()
          %get3A_287 = arith.constant 400 : index
          %get3A_288 = tpu.vector_load %arg15[%get3A_287] {strides = array<i32>} : memref<416xi32, #tpu.memory_space<vmem>>, vector<16xi32>,
          %swap3A_289 = arith.constant 0 : index
          %swap3A_290 = tpu.vector_load %arg15[%swap3A_289] {strides = array<i32>} : memref<416xi32, #tpu.memory_space<vmem>>, vector<16xi32>,
          tpu.vector_store %arg15[%swap3A_289], %get3A_288 {strides = array<i32>} : memref<416xi32, #tpu.memory_space<vmem>>, vector<16xi32>,
          %get3A_291 = arith.constant 400 : index
          %get3A_292 = tpu.vector_load %arg16[%get3A_291] {strides = array<i32>} : memref<416xi32, #tpu.memory_space<vmem>>, vector<16xi32>,
          %swap3A_293 = arith.constant 0 : index
          %swap3A_294 = tpu.vector_load %arg16[%swap3A_293] {strides = array<i32>} : memref<416xi32, #tpu.memory_space<vmem>>, vector<16xi32>,
          tpu.vector_store %arg16[%swap3A_293], %get3A_292 {strides = array<i32>} : memref<416xi32, #tpu.memory_space<vmem>>, vector<16xi32>,
        } else {
        }
        %convert_element_type3A_264 = arith.extui %ge3A_260 : i1 to i32
        %cond3A_265 = arith.constant 0 : i32
        %cond3A_266 = arith.cmpi ne, %convert_element_type3A_264, %cond3A_265 : i32
        scf.if %cond3A_266 {
          %mul3A_277 = arith.constant 10400 : i32
          %mul3A_278 = arith.muli %arg1, %mul3A_277 : i32
          %add3A_279 = arith.constant 10400 : i32
          %add3A_280 = arith.addi %mul3A_278, %add3A_279 : i32
          %add3A_281 = arith.constant 1 : i32
          %add3A_282 = arith.addi %scan3A_214, %add3A_281 : i32
          %mul3A_283 = arith.constant 400 : i32
          %mul3A_284 = arith.muli %add3A_282, %mul3A_283 : i32
          %sub3A_285 = arith.subi %add3A_280, %mul3A_284 : i32
          "tpu.region"() ({
            %run_scoped3A = tpu.sem_alloc : memref<!tpu.dma_semaphore, #tpu.memory_space<semaphore_mem>>
            %dma_start3A_294 = arith.constant 0 : i32
            %dma_start3A_295 = tpu.memref_slice %arg17[%dma_start3A_294] : memref<416xi32, #tpu.memory_space<vmem>> -> memref<400xi32, #tpu.memory_space<vmem>>
            %dma_start3A_296 = tpu.memref_slice %arg31[%sub3A_285] : memref<166400xi32, #tpu.memory_space<vmem_shared>> -> memref<400xi32, #tpu.memory_space<vmem_shared>>
            %dma_start3A_297 = tpu.memref_slice %arg31[%sub3A_285] : memref<166400xi32, #tpu.memory_space<vmem_shared>> -> memref<400xi32, #tpu.memory_space<vmem_shared>>
            %dma_start3A_298 = arith.constant 0 : i32
            %dma_start3A_299 = tpu.memref_slice %arg17[%dma_start3A_298] : memref<416xi32, #tpu.memory_space<vmem>> -> memref<400xi32, #tpu.memory_space<vmem>>
            tpu.enqueue_dma source(%dma_start3A_299 : memref<400xi32, #tpu.memory_space<vmem>>) target(%dma_start3A_297 : memref<400xi32, #tpu.memory_space<vmem_shared>>) target_semaphore(%run_scoped3A : memref<!tpu.dma_semaphore, #tpu.memory_space<semaphore_mem>>)
            %dma_wait3A_300 = arith.constant 0 : i32
            %dma_wait3A_301 = tpu.memref_slice %arg17[%dma_wait3A_300] : memref<416xi32, #tpu.memory_space<vmem>> -> memref<400xi32, #tpu.memory_space<vmem>>
            %dma_wait3A_302 = tpu.memref_slice %arg31[%sub3A_285] : memref<166400xi32, #tpu.memory_space<vmem_shared>> -> memref<400xi32, #tpu.memory_space<vmem_shared>>
            %dma_wait3A_303 = tpu.memref_slice %arg31[%sub3A_285] : memref<166400xi32, #tpu.memory_space<vmem_shared>> -> memref<400xi32, #tpu.memory_space<vmem_shared>>
            %dma_wait3A_304 = arith.constant 0 : i32
            %dma_wait3A_305 = tpu.memref_slice %arg17[%dma_wait3A_304] : memref<416xi32, #tpu.memory_space<vmem>> -> memref<400xi32, #tpu.memory_space<vmem>>
            tpu.wait_dma2 semaphore(%run_scoped3A : memref<!tpu.dma_semaphore, #tpu.memory_space<semaphore_mem>>) src(%dma_wait3A_305 : memref<400xi32, #tpu.memory_space<vmem>>) dst(%dma_wait3A_303 : memref<400xi32, #tpu.memory_space<vmem_shared>>)
            tpu.yield
          }) : () -> ()
          "tpu.region"() ({
            %run_scoped3A = tpu.sem_alloc : memref<!tpu.dma_semaphore, #tpu.memory_space<semaphore_mem>>
            %dma_start3A_294 = arith.constant 0 : i32
            %dma_start3A_295 = tpu.memref_slice %arg18[%dma_start3A_294] : memref<416xi32, #tpu.memory_space<vmem>> -> memref<400xi32, #tpu.memory_space<vmem>>
            %dma_start3A_296 = tpu.memref_slice %arg32[%sub3A_285] : memref<166400xi32, #tpu.memory_space<vmem_shared>> -> memref<400xi32, #tpu.memory_space<vmem_shared>>
            %dma_start3A_297 = tpu.memref_slice %arg32[%sub3A_285] : memref<166400xi32, #tpu.memory_space<vmem_shared>> -> memref<400xi32, #tpu.memory_space<vmem_shared>>
            %dma_start3A_298 = arith.constant 0 : i32
            %dma_start3A_299 = tpu.memref_slice %arg18[%dma_start3A_298] : memref<416xi32, #tpu.memory_space<vmem>> -> memref<400xi32, #tpu.memory_space<vmem>>
            tpu.enqueue_dma source(%dma_start3A_299 : memref<400xi32, #tpu.memory_space<vmem>>) target(%dma_start3A_297 : memref<400xi32, #tpu.memory_space<vmem_shared>>) target_semaphore(%run_scoped3A : memref<!tpu.dma_semaphore, #tpu.memory_space<semaphore_mem>>)
            %dma_wait3A_300 = arith.constant 0 : i32
            %dma_wait3A_301 = tpu.memref_slice %arg18[%dma_wait3A_300] : memref<416xi32, #tpu.memory_space<vmem>> -> memref<400xi32, #tpu.memory_space<vmem>>
            %dma_wait3A_302 = tpu.memref_slice %arg32[%sub3A_285] : memref<166400xi32, #tpu.memory_space<vmem_shared>> -> memref<400xi32, #tpu.memory_space<vmem_shared>>
            %dma_wait3A_303 = tpu.memref_slice %arg32[%sub3A_285] : memref<166400xi32, #tpu.memory_space<vmem_shared>> -> memref<400xi32, #tpu.memory_space<vmem_shared>>
            %dma_wait3A_304 = arith.constant 0 : i32
            %dma_wait3A_305 = tpu.memref_slice %arg18[%dma_wait3A_304] : memref<416xi32, #tpu.memory_space<vmem>> -> memref<400xi32, #tpu.memory_space<vmem>>
            tpu.wait_dma2 semaphore(%run_scoped3A : memref<!tpu.dma_semaphore, #tpu.memory_space<semaphore_mem>>) src(%dma_wait3A_305 : memref<400xi32, #tpu.memory_space<vmem>>) dst(%dma_wait3A_303 : memref<400xi32, #tpu.memory_space<vmem_shared>>)
            tpu.yield
          }) : () -> ()
          %get3A_286 = arith.constant 400 : index
          %get3A_287 = tpu.vector_load %arg17[%get3A_286] {strides = array<i32>} : memref<416xi32, #tpu.memory_space<vmem>>, vector<16xi32>,
          %swap3A_288 = arith.constant 0 : index
          %swap3A_289 = tpu.vector_load %arg17[%swap3A_288] {strides = array<i32>} : memref<416xi32, #tpu.memory_space<vmem>>, vector<16xi32>,
          tpu.vector_store %arg17[%swap3A_288], %get3A_287 {strides = array<i32>} : memref<416xi32, #tpu.memory_space<vmem>>, vector<16xi32>,
          %get3A_290 = arith.constant 400 : index
          %get3A_291 = tpu.vector_load %arg18[%get3A_290] {strides = array<i32>} : memref<416xi32, #tpu.memory_space<vmem>>, vector<16xi32>,
          %swap3A_292 = arith.constant 0 : index
          %swap3A_293 = tpu.vector_load %arg18[%swap3A_292] {strides = array<i32>} : memref<416xi32, #tpu.memory_space<vmem>>, vector<16xi32>,
          tpu.vector_store %arg18[%swap3A_292], %get3A_291 {strides = array<i32>} : memref<416xi32, #tpu.memory_space<vmem>>, vector<16xi32>,
        } else {
        }
        %sub3A = arith.constant 400 : i32
        %sub3A_267 = arith.subi %add3A_246, %sub3A : i32
        %select_n3A = arith.select %ge3A_258, %sub3A_267, %add3A_246 : i32
        %add3A_268 = arith.constant 1 : i32
        %add3A_269 = arith.addi %scan3A_212, %add3A_268 : i32
        %select_n3A_270 = arith.select %ge3A_258, %add3A_269, %scan3A_212 : i32
        %sub3A_271 = arith.constant 400 : i32
        %sub3A_272 = arith.subi %add3A_256, %sub3A_271 : i32
        %select_n3A_273 = arith.select %ge3A_260, %sub3A_272, %add3A_256 : i32
        %add3A_274 = arith.constant 1 : i32
        %add3A_275 = arith.addi %scan3A_214, %add3A_274 : i32
        %select_n3A_276 = arith.select %ge3A_260, %add3A_275, %scan3A_214 : i32
        scf.yield %select_n3A, %select_n3A_270, %select_n3A_273, %select_n3A_276 : i32, i32, i32, i32
      }
      %scan3A_209 = arith.constant 25 : i32
      scf.yield %scan3A_208#0, %scan3A_208#1, %scan3A_208#2, %scan3A_208#3 : i32, i32, i32, i32
    }
    %scan3A_25 = arith.constant 12 : i32
    %add3A_26 = arith.constant 9600 : i32
    %add3A_27 = arith.addi %mul3A_8, %add3A_26 : i32
    %dma_wait3A = tpu.memref_slice %arg3[%add3A_27] : memref<160000xi32, #tpu.memory_space<hbm>> -> memref<400xi32, #tpu.memory_space<hbm>>
    %dma_wait3A_28 = tpu.memref_slice %arg3[%add3A_27] : memref<160000xi32, #tpu.memory_space<hbm>> -> memref<400xi32, #tpu.memory_space<hbm>>
    tpu.wait_dma2 semaphore(%arg25 : memref<!tpu.dma_semaphore, #tpu.memory_space<semaphore_mem>>) src(%dma_wait3A_28 : memref<400xi32, #tpu.memory_space<hbm>>) dst(%arg11 : memref<400xi32, #tpu.memory_space<vmem>>)
    %add3A_29 = arith.constant 9600 : i32
    %add3A_30 = arith.addi %mul3A_8, %add3A_29 : i32
    %dma_wait3A_31 = tpu.memref_slice %arg4[%add3A_30] : memref<160000xi32, #tpu.memory_space<hbm>> -> memref<400xi32, #tpu.memory_space<hbm>>
    %dma_wait3A_32 = tpu.memref_slice %arg4[%add3A_30] : memref<160000xi32, #tpu.memory_space<hbm>> -> memref<400xi32, #tpu.memory_space<hbm>>
    tpu.wait_dma2 semaphore(%arg26 : memref<!tpu.dma_semaphore, #tpu.memory_space<semaphore_mem>>) src(%dma_wait3A_32 : memref<400xi32, #tpu.memory_space<hbm>>) dst(%arg12 : memref<400xi32, #tpu.memory_space<vmem>>)
    %scan3A_33 = arith.constant 0 : i32
    %scan3A_34 = arith.constant 25 : i32
    %scan3A_35 = arith.addi %scan3A_33, %scan3A_34 : i32
    %scan3A_36 = arith.constant 1 : i32
    %scan3A_37:4 = scf.for %scan3A_143 = %scan3A_33 to %scan3A_35 step %scan3A_36 iter_args(%scan3A_144 = %scan3A_24#0, %scan3A_145 = %scan3A_24#1, %scan3A_146 = %scan3A_24#2, %scan3A_147 = %scan3A_24#3) -> (i32, i32, i32, i32)  : i32 {
      %mul3A_148 = arith.constant 16 : i32
      %mul3A_149 = arith.muli %scan3A_143, %mul3A_148 : i32
      %get3A_150 = arith.index_cast %mul3A_149 : i32 to index
      %get3A_151 = tpu.vector_load %arg11[%get3A_150] {strides = array<i32>} : memref<400xi32, #tpu.memory_space<vmem>>, vector<16xi32>,
      %mul3A_152 = arith.constant 16 : i32
      %mul3A_153 = arith.muli %scan3A_143, %mul3A_152 : i32
      %get3A_154 = arith.index_cast %mul3A_153 : i32 to index
      %get3A_155 = tpu.vector_load %arg12[%get3A_154] {strides = array<i32>} : memref<400xi32, #tpu.memory_space<vmem>>, vector<16xi32>,
      %gather3A = tpu.vector_load_idx %arg10[%get3A_151] : memref<10000xi32, #tpu.memory_space<vmem>>[vector<16xi32>], vector<16xi32>,
      %le3A = arith.constant 1000 : i32
      %le3A_156 = vector.broadcast %le3A : i32 to vector<16xi32>
      %le3A_157 = arith.cmpi sle, %gather3A, %le3A_156 : vector<16xi32>
      %lt3A_158 = arith.constant 5120 : i32
      %lt3A_159 = vector.broadcast %lt3A_158 : i32 to vector<16xi32>
      %lt3A_160 = arith.cmpi slt, %get3A_155, %lt3A_159 : vector<16xi32>
      %and3A = arith.andi %le3A_157, %lt3A_160 : vector<16xi1>
      %ge3A = arith.constant 5120 : i32
      %ge3A_161 = vector.broadcast %ge3A : i32 to vector<16xi32>
      %ge3A_162 = arith.cmpi sge, %get3A_155, %ge3A_161 : vector<16xi32>
      %and3A_163 = arith.andi %le3A_157, %ge3A_162 : vector<16xi1>
      %swap3A_164 = arith.index_cast %scan3A_144 : i32 to index
      %swap3A_165 = tpu.vector_load %arg15[%swap3A_164] masked %and3A {strides = array<i32>} : memref<416xi32, #tpu.memory_space<vmem>>, vector<16xi32>, vector<16xi1>
      tpu.vector_store %arg15[%swap3A_164], %get3A_151 masked %and3A {strides = array<i32>} : memref<416xi32, #tpu.memory_space<vmem>>, vector<16xi32>, vector<16xi1>
      %swap3A_166 = arith.index_cast %scan3A_144 : i32 to index
      %swap3A_167 = tpu.vector_load %arg16[%swap3A_166] masked %and3A {strides = array<i32>} : memref<416xi32, #tpu.memory_space<vmem>>, vector<16xi32>, vector<16xi1>
      tpu.vector_store %arg16[%swap3A_166], %get3A_155 masked %and3A {strides = array<i32>} : memref<416xi32, #tpu.memory_space<vmem>>, vector<16xi32>, vector<16xi1>
      %swap3A_168 = arith.index_cast %scan3A_146 : i32 to index
      %swap3A_169 = tpu.vector_load %arg17[%swap3A_168] masked %and3A_163 {strides = array<i32>} : memref<416xi32, #tpu.memory_space<vmem>>, vector<16xi32>, vector<16xi1>
      tpu.vector_store %arg17[%swap3A_168], %get3A_151 masked %and3A_163 {strides = array<i32>} : memref<416xi32, #tpu.memory_space<vmem>>, vector<16xi32>, vector<16xi1>
      %swap3A_170 = arith.index_cast %scan3A_146 : i32 to index
      %swap3A_171 = tpu.vector_load %arg18[%swap3A_170] masked %and3A_163 {strides = array<i32>} : memref<416xi32, #tpu.memory_space<vmem>>, vector<16xi32>, vector<16xi1>
      tpu.vector_store %arg18[%swap3A_170], %get3A_155 masked %and3A_163 {strides = array<i32>} : memref<416xi32, #tpu.memory_space<vmem>>, vector<16xi32>, vector<16xi1>
      %all_reduce_population_count3A = tpu.all_reduce %and3A {dim = 0 : i64, kind = #tpu.reduction_kind<sum>} : vector<16xi1> -> vector<16xi32>
      %reduce_max3A = arith.constant true
      %reduce_max3A_172 = vector.broadcast %reduce_max3A : i1 to vector<16xi1>
      %reduce_max3A_173 = arith.constant -2147483648 : i32
      %reduce_max3A_174 = vector.broadcast %reduce_max3A_173 : i32 to vector<16xi32>
      %reduce_max3A_175 = arith.xori %all_reduce_population_count3A, %reduce_max3A_174 : vector<16xi32>
      %reduce_max3A_176 = tpu.scan <max>, %reduce_max3A_175 masked %reduce_max3A_172 : vector<16xi32>, vector<16xi1> -> vector<16xi32>
      %reduce_max3A_177 = arith.xori %reduce_max3A_176, %reduce_max3A_174 : vector<16xi32>
      %reduce_max3A_178 = vector.extract %reduce_max3A_177[15] : i32 from vector<16xi32>
      %add3A_179 = arith.addi %scan3A_144, %reduce_max3A_178 : i32
      %all_reduce_population_count3A_180 = tpu.all_reduce %and3A_163 {dim = 0 : i64, kind = #tpu.reduction_kind<sum>} : vector<16xi1> -> vector<16xi32>
      %reduce_max3A_181 = arith.constant true
      %reduce_max3A_182 = vector.broadcast %reduce_max3A_181 : i1 to vector<16xi1>
      %reduce_max3A_183 = arith.constant -2147483648 : i32
      %reduce_max3A_184 = vector.broadcast %reduce_max3A_183 : i32 to vector<16xi32>
      %reduce_max3A_185 = arith.xori %all_reduce_population_count3A_180, %reduce_max3A_184 : vector<16xi32>
      %reduce_max3A_186 = tpu.scan <max>, %reduce_max3A_185 masked %reduce_max3A_182 : vector<16xi32>, vector<16xi1> -> vector<16xi32>
      %reduce_max3A_187 = arith.xori %reduce_max3A_186, %reduce_max3A_184 : vector<16xi32>
      %reduce_max3A_188 = vector.extract %reduce_max3A_187[15] : i32 from vector<16xi32>
      %add3A_189 = arith.addi %scan3A_146, %reduce_max3A_188 : i32
      %ge3A_190 = arith.constant 400 : i32
      %ge3A_191 = arith.cmpi sge, %add3A_179, %ge3A_190 : i32
      %ge3A_192 = arith.constant 400 : i32
      %ge3A_193 = arith.cmpi sge, %add3A_189, %ge3A_192 : i32
      %convert_element_type3A_194 = arith.extui %ge3A_191 : i1 to i32
      %cond3A_195 = arith.constant 0 : i32
      %cond3A_196 = arith.cmpi ne, %convert_element_type3A_194, %cond3A_195 : i32
      scf.if %cond3A_196 {
        %mul3A_210 = arith.constant 10400 : i32
        %mul3A_211 = arith.muli %arg1, %mul3A_210 : i32
        %mul3A_212 = arith.constant 400 : i32
        %mul3A_213 = arith.muli %scan3A_145, %mul3A_212 : i32
        %add3A_214 = arith.addi %mul3A_211, %mul3A_213 : i32
        "tpu.region"() ({
          %run_scoped3A = tpu.sem_alloc : memref<!tpu.dma_semaphore, #tpu.memory_space<semaphore_mem>>
          %dma_start3A_228 = arith.constant 0 : i32
          %dma_start3A_229 = tpu.memref_slice %arg15[%dma_start3A_228] : memref<416xi32, #tpu.memory_space<vmem>> -> memref<400xi32, #tpu.memory_space<vmem>>
          %dma_start3A_230 = tpu.memref_slice %arg31[%add3A_214] : memref<166400xi32, #tpu.memory_space<vmem_shared>> -> memref<400xi32, #tpu.memory_space<vmem_shared>>
          %dma_start3A_231 = tpu.memref_slice %arg31[%add3A_214] : memref<166400xi32, #tpu.memory_space<vmem_shared>> -> memref<400xi32, #tpu.memory_space<vmem_shared>>
          %dma_start3A_232 = arith.constant 0 : i32
          %dma_start3A_233 = tpu.memref_slice %arg15[%dma_start3A_232] : memref<416xi32, #tpu.memory_space<vmem>> -> memref<400xi32, #tpu.memory_space<vmem>>
          tpu.enqueue_dma source(%dma_start3A_233 : memref<400xi32, #tpu.memory_space<vmem>>) target(%dma_start3A_231 : memref<400xi32, #tpu.memory_space<vmem_shared>>) target_semaphore(%run_scoped3A : memref<!tpu.dma_semaphore, #tpu.memory_space<semaphore_mem>>)
          %dma_wait3A_234 = arith.constant 0 : i32
          %dma_wait3A_235 = tpu.memref_slice %arg15[%dma_wait3A_234] : memref<416xi32, #tpu.memory_space<vmem>> -> memref<400xi32, #tpu.memory_space<vmem>>
          %dma_wait3A_236 = tpu.memref_slice %arg31[%add3A_214] : memref<166400xi32, #tpu.memory_space<vmem_shared>> -> memref<400xi32, #tpu.memory_space<vmem_shared>>
          %dma_wait3A_237 = tpu.memref_slice %arg31[%add3A_214] : memref<166400xi32, #tpu.memory_space<vmem_shared>> -> memref<400xi32, #tpu.memory_space<vmem_shared>>
          %dma_wait3A_238 = arith.constant 0 : i32
          %dma_wait3A_239 = tpu.memref_slice %arg15[%dma_wait3A_238] : memref<416xi32, #tpu.memory_space<vmem>> -> memref<400xi32, #tpu.memory_space<vmem>>
          tpu.wait_dma2 semaphore(%run_scoped3A : memref<!tpu.dma_semaphore, #tpu.memory_space<semaphore_mem>>) src(%dma_wait3A_239 : memref<400xi32, #tpu.memory_space<vmem>>) dst(%dma_wait3A_237 : memref<400xi32, #tpu.memory_space<vmem_shared>>)
          tpu.yield
        }) : () -> ()
        %mul3A_215 = arith.constant 10400 : i32
        %mul3A_216 = arith.muli %arg1, %mul3A_215 : i32
        %mul3A_217 = arith.constant 400 : i32
        %mul3A_218 = arith.muli %scan3A_145, %mul3A_217 : i32
        %add3A_219 = arith.addi %mul3A_216, %mul3A_218 : i32
        "tpu.region"() ({
          %run_scoped3A = tpu.sem_alloc : memref<!tpu.dma_semaphore, #tpu.memory_space<semaphore_mem>>
          %dma_start3A_228 = arith.constant 0 : i32
          %dma_start3A_229 = tpu.memref_slice %arg16[%dma_start3A_228] : memref<416xi32, #tpu.memory_space<vmem>> -> memref<400xi32, #tpu.memory_space<vmem>>
          %dma_start3A_230 = tpu.memref_slice %arg32[%add3A_219] : memref<166400xi32, #tpu.memory_space<vmem_shared>> -> memref<400xi32, #tpu.memory_space<vmem_shared>>
          %dma_start3A_231 = tpu.memref_slice %arg32[%add3A_219] : memref<166400xi32, #tpu.memory_space<vmem_shared>> -> memref<400xi32, #tpu.memory_space<vmem_shared>>
          %dma_start3A_232 = arith.constant 0 : i32
          %dma_start3A_233 = tpu.memref_slice %arg16[%dma_start3A_232] : memref<416xi32, #tpu.memory_space<vmem>> -> memref<400xi32, #tpu.memory_space<vmem>>
          tpu.enqueue_dma source(%dma_start3A_233 : memref<400xi32, #tpu.memory_space<vmem>>) target(%dma_start3A_231 : memref<400xi32, #tpu.memory_space<vmem_shared>>) target_semaphore(%run_scoped3A : memref<!tpu.dma_semaphore, #tpu.memory_space<semaphore_mem>>)
          %dma_wait3A_234 = arith.constant 0 : i32
          %dma_wait3A_235 = tpu.memref_slice %arg16[%dma_wait3A_234] : memref<416xi32, #tpu.memory_space<vmem>> -> memref<400xi32, #tpu.memory_space<vmem>>
          %dma_wait3A_236 = tpu.memref_slice %arg32[%add3A_219] : memref<166400xi32, #tpu.memory_space<vmem_shared>> -> memref<400xi32, #tpu.memory_space<vmem_shared>>
          %dma_wait3A_237 = tpu.memref_slice %arg32[%add3A_219] : memref<166400xi32, #tpu.memory_space<vmem_shared>> -> memref<400xi32, #tpu.memory_space<vmem_shared>>
          %dma_wait3A_238 = arith.constant 0 : i32
          %dma_wait3A_239 = tpu.memref_slice %arg16[%dma_wait3A_238] : memref<416xi32, #tpu.memory_space<vmem>> -> memref<400xi32, #tpu.memory_space<vmem>>
          tpu.wait_dma2 semaphore(%run_scoped3A : memref<!tpu.dma_semaphore, #tpu.memory_space<semaphore_mem>>) src(%dma_wait3A_239 : memref<400xi32, #tpu.memory_space<vmem>>) dst(%dma_wait3A_237 : memref<400xi32, #tpu.memory_space<vmem_shared>>)
          tpu.yield
        }) : () -> ()
        %get3A_220 = arith.constant 400 : index
        %get3A_221 = tpu.vector_load %arg15[%get3A_220] {strides = array<i32>} : memref<416xi32, #tpu.memory_space<vmem>>, vector<16xi32>,
        %swap3A_222 = arith.constant 0 : index
        %swap3A_223 = tpu.vector_load %arg15[%swap3A_222] {strides = array<i32>} : memref<416xi32, #tpu.memory_space<vmem>>, vector<16xi32>,
        tpu.vector_store %arg15[%swap3A_222], %get3A_221 {strides = array<i32>} : memref<416xi32, #tpu.memory_space<vmem>>, vector<16xi32>,
        %get3A_224 = arith.constant 400 : index
        %get3A_225 = tpu.vector_load %arg16[%get3A_224] {strides = array<i32>} : memref<416xi32, #tpu.memory_space<vmem>>, vector<16xi32>,
        %swap3A_226 = arith.constant 0 : index
        %swap3A_227 = tpu.vector_load %arg16[%swap3A_226] {strides = array<i32>} : memref<416xi32, #tpu.memory_space<vmem>>, vector<16xi32>,
        tpu.vector_store %arg16[%swap3A_226], %get3A_225 {strides = array<i32>} : memref<416xi32, #tpu.memory_space<vmem>>, vector<16xi32>,
      } else {
      }
      %convert_element_type3A_197 = arith.extui %ge3A_193 : i1 to i32
      %cond3A_198 = arith.constant 0 : i32
      %cond3A_199 = arith.cmpi ne, %convert_element_type3A_197, %cond3A_198 : i32
      scf.if %cond3A_199 {
        %mul3A_210 = arith.constant 10400 : i32
        %mul3A_211 = arith.muli %arg1, %mul3A_210 : i32
        %add3A_212 = arith.constant 10400 : i32
        %add3A_213 = arith.addi %mul3A_211, %add3A_212 : i32
        %add3A_214 = arith.constant 1 : i32
        %add3A_215 = arith.addi %scan3A_147, %add3A_214 : i32
        %mul3A_216 = arith.constant 400 : i32
        %mul3A_217 = arith.muli %add3A_215, %mul3A_216 : i32
        %sub3A_218 = arith.subi %add3A_213, %mul3A_217 : i32
        "tpu.region"() ({
          %run_scoped3A = tpu.sem_alloc : memref<!tpu.dma_semaphore, #tpu.memory_space<semaphore_mem>>
          %dma_start3A_227 = arith.constant 0 : i32
          %dma_start3A_228 = tpu.memref_slice %arg17[%dma_start3A_227] : memref<416xi32, #tpu.memory_space<vmem>> -> memref<400xi32, #tpu.memory_space<vmem>>
          %dma_start3A_229 = tpu.memref_slice %arg31[%sub3A_218] : memref<166400xi32, #tpu.memory_space<vmem_shared>> -> memref<400xi32, #tpu.memory_space<vmem_shared>>
          %dma_start3A_230 = tpu.memref_slice %arg31[%sub3A_218] : memref<166400xi32, #tpu.memory_space<vmem_shared>> -> memref<400xi32, #tpu.memory_space<vmem_shared>>
          %dma_start3A_231 = arith.constant 0 : i32
          %dma_start3A_232 = tpu.memref_slice %arg17[%dma_start3A_231] : memref<416xi32, #tpu.memory_space<vmem>> -> memref<400xi32, #tpu.memory_space<vmem>>
          tpu.enqueue_dma source(%dma_start3A_232 : memref<400xi32, #tpu.memory_space<vmem>>) target(%dma_start3A_230 : memref<400xi32, #tpu.memory_space<vmem_shared>>) target_semaphore(%run_scoped3A : memref<!tpu.dma_semaphore, #tpu.memory_space<semaphore_mem>>)
          %dma_wait3A_233 = arith.constant 0 : i32
          %dma_wait3A_234 = tpu.memref_slice %arg17[%dma_wait3A_233] : memref<416xi32, #tpu.memory_space<vmem>> -> memref<400xi32, #tpu.memory_space<vmem>>
          %dma_wait3A_235 = tpu.memref_slice %arg31[%sub3A_218] : memref<166400xi32, #tpu.memory_space<vmem_shared>> -> memref<400xi32, #tpu.memory_space<vmem_shared>>
          %dma_wait3A_236 = tpu.memref_slice %arg31[%sub3A_218] : memref<166400xi32, #tpu.memory_space<vmem_shared>> -> memref<400xi32, #tpu.memory_space<vmem_shared>>
          %dma_wait3A_237 = arith.constant 0 : i32
          %dma_wait3A_238 = tpu.memref_slice %arg17[%dma_wait3A_237] : memref<416xi32, #tpu.memory_space<vmem>> -> memref<400xi32, #tpu.memory_space<vmem>>
          tpu.wait_dma2 semaphore(%run_scoped3A : memref<!tpu.dma_semaphore, #tpu.memory_space<semaphore_mem>>) src(%dma_wait3A_238 : memref<400xi32, #tpu.memory_space<vmem>>) dst(%dma_wait3A_236 : memref<400xi32, #tpu.memory_space<vmem_shared>>)
          tpu.yield
        }) : () -> ()
        "tpu.region"() ({
          %run_scoped3A = tpu.sem_alloc : memref<!tpu.dma_semaphore, #tpu.memory_space<semaphore_mem>>
          %dma_start3A_227 = arith.constant 0 : i32
          %dma_start3A_228 = tpu.memref_slice %arg18[%dma_start3A_227] : memref<416xi32, #tpu.memory_space<vmem>> -> memref<400xi32, #tpu.memory_space<vmem>>
          %dma_start3A_229 = tpu.memref_slice %arg32[%sub3A_218] : memref<166400xi32, #tpu.memory_space<vmem_shared>> -> memref<400xi32, #tpu.memory_space<vmem_shared>>
          %dma_start3A_230 = tpu.memref_slice %arg32[%sub3A_218] : memref<166400xi32, #tpu.memory_space<vmem_shared>> -> memref<400xi32, #tpu.memory_space<vmem_shared>>
          %dma_start3A_231 = arith.constant 0 : i32
          %dma_start3A_232 = tpu.memref_slice %arg18[%dma_start3A_231] : memref<416xi32, #tpu.memory_space<vmem>> -> memref<400xi32, #tpu.memory_space<vmem>>
          tpu.enqueue_dma source(%dma_start3A_232 : memref<400xi32, #tpu.memory_space<vmem>>) target(%dma_start3A_230 : memref<400xi32, #tpu.memory_space<vmem_shared>>) target_semaphore(%run_scoped3A : memref<!tpu.dma_semaphore, #tpu.memory_space<semaphore_mem>>)
          %dma_wait3A_233 = arith.constant 0 : i32
          %dma_wait3A_234 = tpu.memref_slice %arg18[%dma_wait3A_233] : memref<416xi32, #tpu.memory_space<vmem>> -> memref<400xi32, #tpu.memory_space<vmem>>
          %dma_wait3A_235 = tpu.memref_slice %arg32[%sub3A_218] : memref<166400xi32, #tpu.memory_space<vmem_shared>> -> memref<400xi32, #tpu.memory_space<vmem_shared>>
          %dma_wait3A_236 = tpu.memref_slice %arg32[%sub3A_218] : memref<166400xi32, #tpu.memory_space<vmem_shared>> -> memref<400xi32, #tpu.memory_space<vmem_shared>>
          %dma_wait3A_237 = arith.constant 0 : i32
          %dma_wait3A_238 = tpu.memref_slice %arg18[%dma_wait3A_237] : memref<416xi32, #tpu.memory_space<vmem>> -> memref<400xi32, #tpu.memory_space<vmem>>
          tpu.wait_dma2 semaphore(%run_scoped3A : memref<!tpu.dma_semaphore, #tpu.memory_space<semaphore_mem>>) src(%dma_wait3A_238 : memref<400xi32, #tpu.memory_space<vmem>>) dst(%dma_wait3A_236 : memref<400xi32, #tpu.memory_space<vmem_shared>>)
          tpu.yield
        }) : () -> ()
        %get3A_219 = arith.constant 400 : index
        %get3A_220 = tpu.vector_load %arg17[%get3A_219] {strides = array<i32>} : memref<416xi32, #tpu.memory_space<vmem>>, vector<16xi32>,
        %swap3A_221 = arith.constant 0 : index
        %swap3A_222 = tpu.vector_load %arg17[%swap3A_221] {strides = array<i32>} : memref<416xi32, #tpu.memory_space<vmem>>, vector<16xi32>,
        tpu.vector_store %arg17[%swap3A_221], %get3A_220 {strides = array<i32>} : memref<416xi32, #tpu.memory_space<vmem>>, vector<16xi32>,
        %get3A_223 = arith.constant 400 : index
        %get3A_224 = tpu.vector_load %arg18[%get3A_223] {strides = array<i32>} : memref<416xi32, #tpu.memory_space<vmem>>, vector<16xi32>,
        %swap3A_225 = arith.constant 0 : index
        %swap3A_226 = tpu.vector_load %arg18[%swap3A_225] {strides = array<i32>} : memref<416xi32, #tpu.memory_space<vmem>>, vector<16xi32>,
        tpu.vector_store %arg18[%swap3A_225], %get3A_224 {strides = array<i32>} : memref<416xi32, #tpu.memory_space<vmem>>, vector<16xi32>,
      } else {
      }
      %sub3A = arith.constant 400 : i32
      %sub3A_200 = arith.subi %add3A_179, %sub3A : i32
      %select_n3A = arith.select %ge3A_191, %sub3A_200, %add3A_179 : i32
      %add3A_201 = arith.constant 1 : i32
      %add3A_202 = arith.addi %scan3A_145, %add3A_201 : i32
      %select_n3A_203 = arith.select %ge3A_191, %add3A_202, %scan3A_145 : i32
      %sub3A_204 = arith.constant 400 : i32
      %sub3A_205 = arith.subi %add3A_189, %sub3A_204 : i32
      %select_n3A_206 = arith.select %ge3A_193, %sub3A_205, %add3A_189 : i32
      %add3A_207 = arith.constant 1 : i32
      %add3A_208 = arith.addi %scan3A_147, %add3A_207 : i32
      %select_n3A_209 = arith.select %ge3A_193, %add3A_208, %scan3A_147 : i32
      scf.yield %select_n3A, %select_n3A_203, %select_n3A_206, %select_n3A_209 : i32, i32, i32, i32
    }
    %scan3A_38 = arith.constant 25 : i32
    %gt3A = arith.constant 0 : i32
    %gt3A_39 = arith.cmpi sgt, %scan3A_37#0, %gt3A : i32
    %convert_element_type3A = arith.extui %gt3A_39 : i1 to i32
    %cond3A = arith.constant 0 : i32
    %cond3A_40 = arith.cmpi ne, %convert_element_type3A, %cond3A : i32
    scf.if %cond3A_40 {
      %mul3A_143 = arith.constant 10400 : i32
      %mul3A_144 = arith.muli %arg1, %mul3A_143 : i32
      %mul3A_145 = arith.constant 400 : i32
      %mul3A_146 = arith.muli %scan3A_37#1, %mul3A_145 : i32
      %add3A_147 = arith.addi %mul3A_144, %mul3A_146 : i32
      "tpu.region"() ({
        %run_scoped3A = tpu.sem_alloc : memref<!tpu.dma_semaphore, #tpu.memory_space<semaphore_mem>>
        %dma_start3A_153 = arith.constant 0 : i32
        %dma_start3A_154 = tpu.memref_slice %arg15[%dma_start3A_153] : memref<416xi32, #tpu.memory_space<vmem>> -> memref<400xi32, #tpu.memory_space<vmem>>
        %dma_start3A_155 = tpu.memref_slice %arg31[%add3A_147] : memref<166400xi32, #tpu.memory_space<vmem_shared>> -> memref<400xi32, #tpu.memory_space<vmem_shared>>
        %dma_start3A_156 = tpu.memref_slice %arg31[%add3A_147] : memref<166400xi32, #tpu.memory_space<vmem_shared>> -> memref<400xi32, #tpu.memory_space<vmem_shared>>
        %dma_start3A_157 = arith.constant 0 : i32
        %dma_start3A_158 = tpu.memref_slice %arg15[%dma_start3A_157] : memref<416xi32, #tpu.memory_space<vmem>> -> memref<400xi32, #tpu.memory_space<vmem>>
        tpu.enqueue_dma source(%dma_start3A_158 : memref<400xi32, #tpu.memory_space<vmem>>) target(%dma_start3A_156 : memref<400xi32, #tpu.memory_space<vmem_shared>>) target_semaphore(%run_scoped3A : memref<!tpu.dma_semaphore, #tpu.memory_space<semaphore_mem>>)
        %dma_wait3A_159 = arith.constant 0 : i32
        %dma_wait3A_160 = tpu.memref_slice %arg15[%dma_wait3A_159] : memref<416xi32, #tpu.memory_space<vmem>> -> memref<400xi32, #tpu.memory_space<vmem>>
        %dma_wait3A_161 = tpu.memref_slice %arg31[%add3A_147] : memref<166400xi32, #tpu.memory_space<vmem_shared>> -> memref<400xi32, #tpu.memory_space<vmem_shared>>
        %dma_wait3A_162 = tpu.memref_slice %arg31[%add3A_147] : memref<166400xi32, #tpu.memory_space<vmem_shared>> -> memref<400xi32, #tpu.memory_space<vmem_shared>>
        %dma_wait3A_163 = arith.constant 0 : i32
        %dma_wait3A_164 = tpu.memref_slice %arg15[%dma_wait3A_163] : memref<416xi32, #tpu.memory_space<vmem>> -> memref<400xi32, #tpu.memory_space<vmem>>
        tpu.wait_dma2 semaphore(%run_scoped3A : memref<!tpu.dma_semaphore, #tpu.memory_space<semaphore_mem>>) src(%dma_wait3A_164 : memref<400xi32, #tpu.memory_space<vmem>>) dst(%dma_wait3A_162 : memref<400xi32, #tpu.memory_space<vmem_shared>>)
        tpu.yield
      }) : () -> ()
      %mul3A_148 = arith.constant 10400 : i32
      %mul3A_149 = arith.muli %arg1, %mul3A_148 : i32
      %mul3A_150 = arith.constant 400 : i32
      %mul3A_151 = arith.muli %scan3A_37#1, %mul3A_150 : i32
      %add3A_152 = arith.addi %mul3A_149, %mul3A_151 : i32
      "tpu.region"() ({
        %run_scoped3A = tpu.sem_alloc : memref<!tpu.dma_semaphore, #tpu.memory_space<semaphore_mem>>
        %dma_start3A_153 = arith.constant 0 : i32
        %dma_start3A_154 = tpu.memref_slice %arg16[%dma_start3A_153] : memref<416xi32, #tpu.memory_space<vmem>> -> memref<400xi32, #tpu.memory_space<vmem>>
        %dma_start3A_155 = tpu.memref_slice %arg32[%add3A_152] : memref<166400xi32, #tpu.memory_space<vmem_shared>> -> memref<400xi32, #tpu.memory_space<vmem_shared>>
        %dma_start3A_156 = tpu.memref_slice %arg32[%add3A_152] : memref<166400xi32, #tpu.memory_space<vmem_shared>> -> memref<400xi32, #tpu.memory_space<vmem_shared>>
        %dma_start3A_157 = arith.constant 0 : i32
        %dma_start3A_158 = tpu.memref_slice %arg16[%dma_start3A_157] : memref<416xi32, #tpu.memory_space<vmem>> -> memref<400xi32, #tpu.memory_space<vmem>>
        tpu.enqueue_dma source(%dma_start3A_158 : memref<400xi32, #tpu.memory_space<vmem>>) target(%dma_start3A_156 : memref<400xi32, #tpu.memory_space<vmem_shared>>) target_semaphore(%run_scoped3A : memref<!tpu.dma_semaphore, #tpu.memory_space<semaphore_mem>>)
        %dma_wait3A_159 = arith.constant 0 : i32
        %dma_wait3A_160 = tpu.memref_slice %arg16[%dma_wait3A_159] : memref<416xi32, #tpu.memory_space<vmem>> -> memref<400xi32, #tpu.memory_space<vmem>>
        %dma_wait3A_161 = tpu.memref_slice %arg32[%add3A_152] : memref<166400xi32, #tpu.memory_space<vmem_shared>> -> memref<400xi32, #tpu.memory_space<vmem_shared>>
        %dma_wait3A_162 = tpu.memref_slice %arg32[%add3A_152] : memref<166400xi32, #tpu.memory_space<vmem_shared>> -> memref<400xi32, #tpu.memory_space<vmem_shared>>
        %dma_wait3A_163 = arith.constant 0 : i32
        %dma_wait3A_164 = tpu.memref_slice %arg16[%dma_wait3A_163] : memref<416xi32, #tpu.memory_space<vmem>> -> memref<400xi32, #tpu.memory_space<vmem>>
        tpu.wait_dma2 semaphore(%run_scoped3A : memref<!tpu.dma_semaphore, #tpu.memory_space<semaphore_mem>>) src(%dma_wait3A_164 : memref<400xi32, #tpu.memory_space<vmem>>) dst(%dma_wait3A_162 : memref<400xi32, #tpu.memory_space<vmem_shared>>)
        tpu.yield
      }) : () -> ()
    } else {
    }
    %gt3A_41 = arith.constant 0 : i32
    %gt3A_42 = arith.cmpi sgt, %scan3A_37#2, %gt3A_41 : i32
    %convert_element_type3A_43 = arith.extui %gt3A_42 : i1 to i32
    %cond3A_44 = arith.constant 0 : i32
    %cond3A_45 = arith.cmpi ne, %convert_element_type3A_43, %cond3A_44 : i32
    scf.if %cond3A_45 {
      %mul3A_143 = arith.constant 10400 : i32
      %mul3A_144 = arith.muli %arg1, %mul3A_143 : i32
      %add3A_145 = arith.constant 10400 : i32
      %add3A_146 = arith.addi %mul3A_144, %add3A_145 : i32
      %add3A_147 = arith.constant 1 : i32
      %add3A_148 = arith.addi %scan3A_37#3, %add3A_147 : i32
      %mul3A_149 = arith.constant 400 : i32
      %mul3A_150 = arith.muli %add3A_148, %mul3A_149 : i32
      %sub3A = arith.subi %add3A_146, %mul3A_150 : i32
      "tpu.region"() ({
        %run_scoped3A = tpu.sem_alloc : memref<!tpu.dma_semaphore, #tpu.memory_space<semaphore_mem>>
        %dma_start3A_151 = arith.constant 0 : i32
        %dma_start3A_152 = tpu.memref_slice %arg17[%dma_start3A_151] : memref<416xi32, #tpu.memory_space<vmem>> -> memref<400xi32, #tpu.memory_space<vmem>>
        %dma_start3A_153 = tpu.memref_slice %arg31[%sub3A] : memref<166400xi32, #tpu.memory_space<vmem_shared>> -> memref<400xi32, #tpu.memory_space<vmem_shared>>
        %dma_start3A_154 = tpu.memref_slice %arg31[%sub3A] : memref<166400xi32, #tpu.memory_space<vmem_shared>> -> memref<400xi32, #tpu.memory_space<vmem_shared>>
        %dma_start3A_155 = arith.constant 0 : i32
        %dma_start3A_156 = tpu.memref_slice %arg17[%dma_start3A_155] : memref<416xi32, #tpu.memory_space<vmem>> -> memref<400xi32, #tpu.memory_space<vmem>>
        tpu.enqueue_dma source(%dma_start3A_156 : memref<400xi32, #tpu.memory_space<vmem>>) target(%dma_start3A_154 : memref<400xi32, #tpu.memory_space<vmem_shared>>) target_semaphore(%run_scoped3A : memref<!tpu.dma_semaphore, #tpu.memory_space<semaphore_mem>>)
        %dma_wait3A_157 = arith.constant 0 : i32
        %dma_wait3A_158 = tpu.memref_slice %arg17[%dma_wait3A_157] : memref<416xi32, #tpu.memory_space<vmem>> -> memref<400xi32, #tpu.memory_space<vmem>>
        %dma_wait3A_159 = tpu.memref_slice %arg31[%sub3A] : memref<166400xi32, #tpu.memory_space<vmem_shared>> -> memref<400xi32, #tpu.memory_space<vmem_shared>>
        %dma_wait3A_160 = tpu.memref_slice %arg31[%sub3A] : memref<166400xi32, #tpu.memory_space<vmem_shared>> -> memref<400xi32, #tpu.memory_space<vmem_shared>>
        %dma_wait3A_161 = arith.constant 0 : i32
        %dma_wait3A_162 = tpu.memref_slice %arg17[%dma_wait3A_161] : memref<416xi32, #tpu.memory_space<vmem>> -> memref<400xi32, #tpu.memory_space<vmem>>
        tpu.wait_dma2 semaphore(%run_scoped3A : memref<!tpu.dma_semaphore, #tpu.memory_space<semaphore_mem>>) src(%dma_wait3A_162 : memref<400xi32, #tpu.memory_space<vmem>>) dst(%dma_wait3A_160 : memref<400xi32, #tpu.memory_space<vmem_shared>>)
        tpu.yield
      }) : () -> ()
      "tpu.region"() ({
        %run_scoped3A = tpu.sem_alloc : memref<!tpu.dma_semaphore, #tpu.memory_space<semaphore_mem>>
        %dma_start3A_151 = arith.constant 0 : i32
        %dma_start3A_152 = tpu.memref_slice %arg18[%dma_start3A_151] : memref<416xi32, #tpu.memory_space<vmem>> -> memref<400xi32, #tpu.memory_space<vmem>>
        %dma_start3A_153 = tpu.memref_slice %arg32[%sub3A] : memref<166400xi32, #tpu.memory_space<vmem_shared>> -> memref<400xi32, #tpu.memory_space<vmem_shared>>
        %dma_start3A_154 = tpu.memref_slice %arg32[%sub3A] : memref<166400xi32, #tpu.memory_space<vmem_shared>> -> memref<400xi32, #tpu.memory_space<vmem_shared>>
        %dma_start3A_155 = arith.constant 0 : i32
        %dma_start3A_156 = tpu.memref_slice %arg18[%dma_start3A_155] : memref<416xi32, #tpu.memory_space<vmem>> -> memref<400xi32, #tpu.memory_space<vmem>>
        tpu.enqueue_dma source(%dma_start3A_156 : memref<400xi32, #tpu.memory_space<vmem>>) target(%dma_start3A_154 : memref<400xi32, #tpu.memory_space<vmem_shared>>) target_semaphore(%run_scoped3A : memref<!tpu.dma_semaphore, #tpu.memory_space<semaphore_mem>>)
        %dma_wait3A_157 = arith.constant 0 : i32
        %dma_wait3A_158 = tpu.memref_slice %arg18[%dma_wait3A_157] : memref<416xi32, #tpu.memory_space<vmem>> -> memref<400xi32, #tpu.memory_space<vmem>>
        %dma_wait3A_159 = tpu.memref_slice %arg32[%sub3A] : memref<166400xi32, #tpu.memory_space<vmem_shared>> -> memref<400xi32, #tpu.memory_space<vmem_shared>>
        %dma_wait3A_160 = tpu.memref_slice %arg32[%sub3A] : memref<166400xi32, #tpu.memory_space<vmem_shared>> -> memref<400xi32, #tpu.memory_space<vmem_shared>>
        %dma_wait3A_161 = arith.constant 0 : i32
        %dma_wait3A_162 = tpu.memref_slice %arg18[%dma_wait3A_161] : memref<416xi32, #tpu.memory_space<vmem>> -> memref<400xi32, #tpu.memory_space<vmem>>
        tpu.wait_dma2 semaphore(%run_scoped3A : memref<!tpu.dma_semaphore, #tpu.memory_space<semaphore_mem>>) src(%dma_wait3A_162 : memref<400xi32, #tpu.memory_space<vmem>>) dst(%dma_wait3A_160 : memref<400xi32, #tpu.memory_space<vmem_shared>>)
        tpu.yield
      }) : () -> ()
    } else {
    }
    %mul3A_46 = arith.constant 400 : i32
    %mul3A_47 = arith.muli %scan3A_37#1, %mul3A_46 : i32
    %add3A_48 = arith.addi %mul3A_47, %scan3A_37#0 : i32
    %broadcast_in_dim3A_49 = vector.broadcast %add3A_48 : i32 to vector<16xi32>
    %swap3A = arith.constant 0 : index
    %swap3A_50 = tpu.vector_load %arg19[%swap3A] {strides = array<i32>} : memref<16xi32, #tpu.memory_space<vmem>>, vector<16xi32>,
    tpu.vector_store %arg19[%swap3A], %broadcast_in_dim3A_49 {strides = array<i32>} : memref<16xi32, #tpu.memory_space<vmem>>, vector<16xi32>,
    %mul3A_51 = arith.constant 32 : i32
    %mul3A_52 = arith.muli %arg1, %mul3A_51 : i32
    "tpu.region"() ({
      %run_scoped3A = tpu.sem_alloc : memref<!tpu.dma_semaphore, #tpu.memory_space<semaphore_mem>>
      %dma_start3A_143 = tpu.memref_slice %arg33[%mul3A_52] : memref<512xi32, #tpu.memory_space<vmem_shared>> -> memref<16xi32, #tpu.memory_space<vmem_shared>>
      %dma_start3A_144 = tpu.memref_slice %arg33[%mul3A_52] : memref<512xi32, #tpu.memory_space<vmem_shared>> -> memref<16xi32, #tpu.memory_space<vmem_shared>>
      tpu.enqueue_dma source(%arg19 : memref<16xi32, #tpu.memory_space<vmem>>) target(%dma_start3A_144 : memref<16xi32, #tpu.memory_space<vmem_shared>>) target_semaphore(%run_scoped3A : memref<!tpu.dma_semaphore, #tpu.memory_space<semaphore_mem>>)
      %dma_wait3A_145 = tpu.memref_slice %arg33[%mul3A_52] : memref<512xi32, #tpu.memory_space<vmem_shared>> -> memref<16xi32, #tpu.memory_space<vmem_shared>>
      %dma_wait3A_146 = tpu.memref_slice %arg33[%mul3A_52] : memref<512xi32, #tpu.memory_space<vmem_shared>> -> memref<16xi32, #tpu.memory_space<vmem_shared>>
      tpu.wait_dma2 semaphore(%run_scoped3A : memref<!tpu.dma_semaphore, #tpu.memory_space<semaphore_mem>>) src(%arg19 : memref<16xi32, #tpu.memory_space<vmem>>) dst(%dma_wait3A_146 : memref<16xi32, #tpu.memory_space<vmem_shared>>)
      tpu.yield
    }) : () -> ()
    %mul3A_53 = arith.constant 400 : i32
    %mul3A_54 = arith.muli %scan3A_37#3, %mul3A_53 : i32
    %add3A_55 = arith.addi %mul3A_54, %scan3A_37#2 : i32
    %broadcast_in_dim3A_56 = vector.broadcast %add3A_55 : i32 to vector<16xi32>
    %swap3A_57 = arith.constant 0 : index
    %swap3A_58 = tpu.vector_load %arg19[%swap3A_57] {strides = array<i32>} : memref<16xi32, #tpu.memory_space<vmem>>, vector<16xi32>,
    tpu.vector_store %arg19[%swap3A_57], %broadcast_in_dim3A_56 {strides = array<i32>} : memref<16xi32, #tpu.memory_space<vmem>>, vector<16xi32>,
    %mul3A_59 = arith.constant 32 : i32
    %mul3A_60 = arith.muli %arg1, %mul3A_59 : i32
    %add3A_61 = arith.constant 16 : i32
    %add3A_62 = arith.addi %mul3A_60, %add3A_61 : i32
    "tpu.region"() ({
      %run_scoped3A = tpu.sem_alloc : memref<!tpu.dma_semaphore, #tpu.memory_space<semaphore_mem>>
      %dma_start3A_143 = tpu.memref_slice %arg33[%add3A_62] : memref<512xi32, #tpu.memory_space<vmem_shared>> -> memref<16xi32, #tpu.memory_space<vmem_shared>>
      %dma_start3A_144 = tpu.memref_slice %arg33[%add3A_62] : memref<512xi32, #tpu.memory_space<vmem_shared>> -> memref<16xi32, #tpu.memory_space<vmem_shared>>
      tpu.enqueue_dma source(%arg19 : memref<16xi32, #tpu.memory_space<vmem>>) target(%dma_start3A_144 : memref<16xi32, #tpu.memory_space<vmem_shared>>) target_semaphore(%run_scoped3A : memref<!tpu.dma_semaphore, #tpu.memory_space<semaphore_mem>>)
      %dma_wait3A_145 = tpu.memref_slice %arg33[%add3A_62] : memref<512xi32, #tpu.memory_space<vmem_shared>> -> memref<16xi32, #tpu.memory_space<vmem_shared>>
      %dma_wait3A_146 = tpu.memref_slice %arg33[%add3A_62] : memref<512xi32, #tpu.memory_space<vmem_shared>> -> memref<16xi32, #tpu.memory_space<vmem_shared>>
      tpu.wait_dma2 semaphore(%run_scoped3A : memref<!tpu.dma_semaphore, #tpu.memory_space<semaphore_mem>>) src(%arg19 : memref<16xi32, #tpu.memory_space<vmem>>) dst(%dma_wait3A_146 : memref<16xi32, #tpu.memory_space<vmem_shared>>)
      tpu.yield
    }) : () -> ()
    %barrier3A = arith.constant 0 : index
    tpu.barrier barrier_id(%barrier3A)
    %dma_wait3A_63 = arith.constant 0 : i32
    %dma_wait3A_64 = tpu.memref_slice %arg22[%dma_wait3A_63] : memref<82176xf32, #tpu.memory_space<vmem>> -> memref<81920xf32, #tpu.memory_space<vmem>>
    %dma_wait3A_65 = arith.constant 0 : i32
    %dma_wait3A_66 = tpu.memref_slice %arg22[%dma_wait3A_65] : memref<82176xf32, #tpu.memory_space<vmem>> -> memref<81920xf32, #tpu.memory_space<vmem>>
    tpu.wait_dma2 semaphore(%arg29 : memref<!tpu.dma_semaphore, #tpu.memory_space<semaphore_mem>>) src(%arg6 : memref<81920xf32, #tpu.memory_space<hbm>>) dst(%dma_wait3A_66 : memref<81920xf32, #tpu.memory_space<vmem>>)
    tpu.wait_dma2 semaphore(%arg30 : memref<!tpu.dma_semaphore, #tpu.memory_space<semaphore_mem>>) src(%arg7 : memref<5120xf32, #tpu.memory_space<hbm>>) dst(%arg23 : memref<5120xf32, #tpu.memory_space<vmem>>)
    "tpu.region"() ({
      %run_scoped3A = tpu.sem_alloc : memref<!tpu.dma_semaphore, #tpu.memory_space<semaphore_mem>>
      tpu.enqueue_dma source(%arg33 : memref<512xi32, #tpu.memory_space<vmem_shared>>) target(%arg20 : memref<512xi32, #tpu.memory_space<vmem>>) target_semaphore(%run_scoped3A : memref<!tpu.dma_semaphore, #tpu.memory_space<semaphore_mem>>)
      tpu.wait_dma2 semaphore(%run_scoped3A : memref<!tpu.dma_semaphore, #tpu.memory_space<semaphore_mem>>) src(%arg33 : memref<512xi32, #tpu.memory_space<vmem_shared>>) dst(%arg20 : memref<512xi32, #tpu.memory_space<vmem>>)
      tpu.yield
    }) : () -> ()
    %add3A_67 = arith.constant 0 : i32
    %add3A_68 = vector.broadcast %add3A_67 : i32 to vector<16xi32>
    %add3A_69 = arith.addi %iota3A, %add3A_68 : vector<16xi32>
    %add3A_70 = arith.constant 16 : i32
    %add3A_71 = vector.broadcast %add3A_70 : i32 to vector<16xi32>
    %add3A_72 = arith.addi %iota3A, %add3A_71 : vector<16xi32>
    %add3A_73 = arith.constant 32 : i32
    %add3A_74 = vector.broadcast %add3A_73 : i32 to vector<16xi32>
    %add3A_75 = arith.addi %iota3A, %add3A_74 : vector<16xi32>
    %add3A_76 = arith.constant 48 : i32
    %add3A_77 = vector.broadcast %add3A_76 : i32 to vector<16xi32>
    %add3A_78 = arith.addi %iota3A, %add3A_77 : vector<16xi32>
    %add3A_79 = arith.constant 64 : i32
    %add3A_80 = vector.broadcast %add3A_79 : i32 to vector<16xi32>
    %add3A_81 = arith.addi %iota3A, %add3A_80 : vector<16xi32>
    %add3A_82 = arith.constant 80 : i32
    %add3A_83 = vector.broadcast %add3A_82 : i32 to vector<16xi32>
    %add3A_84 = arith.addi %iota3A, %add3A_83 : vector<16xi32>
    %add3A_85 = arith.constant 96 : i32
    %add3A_86 = vector.broadcast %add3A_85 : i32 to vector<16xi32>
    %add3A_87 = arith.addi %iota3A, %add3A_86 : vector<16xi32>
    %add3A_88 = arith.constant 112 : i32
    %add3A_89 = vector.broadcast %add3A_88 : i32 to vector<16xi32>
    %add3A_90 = arith.addi %iota3A, %add3A_89 : vector<16xi32>
    %add3A_91 = arith.constant 128 : i32
    %add3A_92 = vector.broadcast %add3A_91 : i32 to vector<16xi32>
    %add3A_93 = arith.addi %iota3A, %add3A_92 : vector<16xi32>
    %add3A_94 = arith.constant 144 : i32
    %add3A_95 = vector.broadcast %add3A_94 : i32 to vector<16xi32>
    %add3A_96 = arith.addi %iota3A, %add3A_95 : vector<16xi32>
    %add3A_97 = arith.constant 160 : i32
    %add3A_98 = vector.broadcast %add3A_97 : i32 to vector<16xi32>
    %add3A_99 = arith.addi %iota3A, %add3A_98 : vector<16xi32>
    %add3A_100 = arith.constant 176 : i32
    %add3A_101 = vector.broadcast %add3A_100 : i32 to vector<16xi32>
    %add3A_102 = arith.addi %iota3A, %add3A_101 : vector<16xi32>
    %add3A_103 = arith.constant 192 : i32
    %add3A_104 = vector.broadcast %add3A_103 : i32 to vector<16xi32>
    %add3A_105 = arith.addi %iota3A, %add3A_104 : vector<16xi32>
    %add3A_106 = arith.constant 208 : i32
    %add3A_107 = vector.broadcast %add3A_106 : i32 to vector<16xi32>
    %add3A_108 = arith.addi %iota3A, %add3A_107 : vector<16xi32>
    %add3A_109 = arith.constant 224 : i32
    %add3A_110 = vector.broadcast %add3A_109 : i32 to vector<16xi32>
    %add3A_111 = arith.addi %iota3A, %add3A_110 : vector<16xi32>
    %add3A_112 = arith.constant 240 : i32
    %add3A_113 = vector.broadcast %add3A_112 : i32 to vector<16xi32>
    %add3A_114 = arith.addi %iota3A, %add3A_113 : vector<16xi32>
    %scan3A_115 = arith.constant 0 : i32
    %scan3A_116 = arith.constant 0 : i32
    %scan3A_117 = arith.constant 16 : i32
    %scan3A_118 = arith.addi %scan3A_116, %scan3A_117 : i32
    %scan3A_119 = arith.constant 1 : i32
    %scan3A_120 = scf.for %scan3A_143 = %scan3A_116 to %scan3A_118 step %scan3A_119 iter_args(%scan3A_144 = %scan3A_115) -> (i32)  : i32 {
      %mul3A_145 = arith.constant 2 : i32
      %mul3A_146 = arith.muli %scan3A_143, %mul3A_145 : i32
      %add3A_147 = arith.addi %mul3A_146, %arg0 : i32
      %mul3A_148 = arith.constant 16 : i32
      %mul3A_149 = arith.muli %add3A_147, %mul3A_148 : i32
      %get3A_150 = arith.index_cast %mul3A_149 : i32 to index
      %get3A_151 = tpu.vector_load %arg20[%get3A_150] {strides = array<i32>} : memref<512xi32, #tpu.memory_space<vmem>>, vector<16xi32>,
      %reduce_max3A = arith.constant true
      %reduce_max3A_152 = vector.broadcast %reduce_max3A : i1 to vector<16xi1>
      %reduce_max3A_153 = arith.constant -2147483648 : i32
      %reduce_max3A_154 = vector.broadcast %reduce_max3A_153 : i32 to vector<16xi32>
      %reduce_max3A_155 = arith.xori %get3A_151, %reduce_max3A_154 : vector<16xi32>
      %reduce_max3A_156 = tpu.scan <max>, %reduce_max3A_155 masked %reduce_max3A_152 : vector<16xi32>, vector<16xi1> -> vector<16xi32>
      %reduce_max3A_157 = arith.xori %reduce_max3A_156, %reduce_max3A_154 : vector<16xi32>
      %reduce_max3A_158 = vector.extract %reduce_max3A_157[15] : i32 from vector<16xi32>
      %add3A_159 = arith.constant 400 : i32
      %add3A_160 = arith.addi %reduce_max3A_158, %add3A_159 : i32
      %sub3A = arith.constant 1 : i32
      %sub3A_161 = arith.subi %add3A_160, %sub3A : i32
      %jit3A = arith.constant 400 : i32
      %div3A = arith.divsi %sub3A_161, %jit3A : i32
      %sign3A = arith.constant 0 : i32
      %sign3A_162 = arith.cmpi sgt, %sub3A_161, %sign3A : i32
      %sign3A_163 = arith.extui %sign3A_162 : i1 to i32
      %sign3A_164 = arith.constant 0 : i32
      %sign3A_165 = arith.cmpi slt, %sub3A_161, %sign3A_164 : i32
      %sign3A_166 = arith.extui %sign3A_165 : i1 to i32
      %sign3A_167 = arith.subi %sign3A_163, %sign3A_166 : i32
      %sign3A_168 = arith.constant 0 : i32
      %sign3A_169 = arith.cmpi sgt, %jit3A, %sign3A_168 : i32
      %sign3A_170 = arith.extui %sign3A_169 : i1 to i32
      %sign3A_171 = arith.constant 0 : i32
      %sign3A_172 = arith.cmpi slt, %jit3A, %sign3A_171 : i32
      %sign3A_173 = arith.extui %sign3A_172 : i1 to i32
      %sign3A_174 = arith.subi %sign3A_170, %sign3A_173 : i32
      %ne3A = arith.cmpi ne, %sign3A_167, %sign3A_174 : i32
      %rem3A = arith.remsi %sub3A_161, %jit3A : i32
      %ne3A_175 = arith.constant 0 : i32
      %ne3A_176 = arith.cmpi ne, %rem3A, %ne3A_175 : i32
      %and3A = arith.andi %ne3A, %ne3A_176 : i1
      %sub3A_177 = arith.constant 1 : i32
      %sub3A_178 = arith.subi %div3A, %sub3A_177 : i32
      %select_n3A = arith.select %and3A, %sub3A_178, %div3A : i32
      %while3A = arith.constant 0 : i32
      %while3A_179 = arith.subi %select_n3A, %while3A : i32
      %while3A_180 = arith.addi %while3A, %while3A_179 : i32
      %while3A_181 = arith.constant 1 : i32
      %while3A_182 = arith.divsi %while3A_179, %while3A_181 : i32
      %while3A_183 = arith.muli %while3A_182, %while3A_181 : i32
      %while3A_184 = arith.addi %while3A, %while3A_183 : i32
      %while3A_185 = arith.constant 1 : i32
      %while3A_186 = scf.for %while3A_189 = %while3A to %while3A_184 step %while3A_185 iter_args(%while3A_190 = %scan3A_144) -> (i32)  : i32 {
        %mul3A_191 = arith.constant 10400 : i32
        %mul3A_192 = arith.muli %scan3A_143, %mul3A_191 : i32
        %mul3A_193 = arith.constant 400 : i32
        %mul3A_194 = arith.muli %while3A_189, %mul3A_193 : i32
        %add3A_195 = arith.addi %mul3A_192, %mul3A_194 : i32
        %mul3A_196 = arith.constant 2 : i32
        %mul3A_197 = arith.muli %mul3A_196, %while3A_189 : i32
        %mul3A_198 = arith.constant 400 : i32
        %mul3A_199 = arith.muli %mul3A_197, %mul3A_198 : i32
        %sub3A_200 = arith.constant 10400 : i32
        %sub3A_201 = arith.subi %sub3A_200, %mul3A_199 : i32
        %sub3A_202 = arith.constant 400 : i32
        %sub3A_203 = arith.subi %sub3A_201, %sub3A_202 : i32
        %mul3A_204 = arith.muli %arg0, %sub3A_203 : i32
        %add3A_205 = arith.addi %add3A_195, %mul3A_204 : i32
        "tpu.region"() ({
          %run_scoped3A = tpu.sem_alloc : memref<!tpu.dma_semaphore, #tpu.memory_space<semaphore_mem>>
          %dma_start3A_212 = tpu.memref_slice %arg31[%add3A_205] : memref<166400xi32, #tpu.memory_space<vmem_shared>> -> memref<400xi32, #tpu.memory_space<vmem_shared>>
          %dma_start3A_213 = tpu.memref_slice %arg31[%add3A_205] : memref<166400xi32, #tpu.memory_space<vmem_shared>> -> memref<400xi32, #tpu.memory_space<vmem_shared>>
          tpu.enqueue_dma source(%dma_start3A_213 : memref<400xi32, #tpu.memory_space<vmem_shared>>) target(%arg11 : memref<400xi32, #tpu.memory_space<vmem>>) target_semaphore(%run_scoped3A : memref<!tpu.dma_semaphore, #tpu.memory_space<semaphore_mem>>)
          %dma_wait3A_214 = tpu.memref_slice %arg31[%add3A_205] : memref<166400xi32, #tpu.memory_space<vmem_shared>> -> memref<400xi32, #tpu.memory_space<vmem_shared>>
          %dma_wait3A_215 = tpu.memref_slice %arg31[%add3A_205] : memref<166400xi32, #tpu.memory_space<vmem_shared>> -> memref<400xi32, #tpu.memory_space<vmem_shared>>
          tpu.wait_dma2 semaphore(%run_scoped3A : memref<!tpu.dma_semaphore, #tpu.memory_space<semaphore_mem>>) src(%dma_wait3A_215 : memref<400xi32, #tpu.memory_space<vmem_shared>>) dst(%arg11 : memref<400xi32, #tpu.memory_space<vmem>>)
          tpu.yield
        }) : () -> ()
        "tpu.region"() ({
          %run_scoped3A = tpu.sem_alloc : memref<!tpu.dma_semaphore, #tpu.memory_space<semaphore_mem>>
          %dma_start3A_212 = tpu.memref_slice %arg32[%add3A_205] : memref<166400xi32, #tpu.memory_space<vmem_shared>> -> memref<400xi32, #tpu.memory_space<vmem_shared>>
          %dma_start3A_213 = tpu.memref_slice %arg32[%add3A_205] : memref<166400xi32, #tpu.memory_space<vmem_shared>> -> memref<400xi32, #tpu.memory_space<vmem_shared>>
          tpu.enqueue_dma source(%dma_start3A_213 : memref<400xi32, #tpu.memory_space<vmem_shared>>) target(%arg12 : memref<400xi32, #tpu.memory_space<vmem>>) target_semaphore(%run_scoped3A : memref<!tpu.dma_semaphore, #tpu.memory_space<semaphore_mem>>)
          %dma_wait3A_214 = tpu.memref_slice %arg32[%add3A_205] : memref<166400xi32, #tpu.memory_space<vmem_shared>> -> memref<400xi32, #tpu.memory_space<vmem_shared>>
          %dma_wait3A_215 = tpu.memref_slice %arg32[%add3A_205] : memref<166400xi32, #tpu.memory_space<vmem_shared>> -> memref<400xi32, #tpu.memory_space<vmem_shared>>
          tpu.wait_dma2 semaphore(%run_scoped3A : memref<!tpu.dma_semaphore, #tpu.memory_space<semaphore_mem>>) src(%dma_wait3A_215 : memref<400xi32, #tpu.memory_space<vmem_shared>>) dst(%arg12 : memref<400xi32, #tpu.memory_space<vmem>>)
          tpu.yield
        }) : () -> ()
        %scan3A_206 = arith.constant 0 : i32
        %scan3A_207 = arith.constant 25 : i32
        %scan3A_208 = arith.addi %scan3A_206, %scan3A_207 : i32
        %scan3A_209 = arith.constant 1 : i32
        %scan3A_210 = scf.for %scan3A_212 = %scan3A_206 to %scan3A_208 step %scan3A_209 iter_args(%scan3A_213 = %while3A_190) -> (i32)  : i32 {
          %mul3A_214 = arith.constant 16 : i32
          %mul3A_215 = arith.muli %scan3A_212, %mul3A_214 : i32
          %get3A_216 = arith.index_cast %mul3A_215 : i32 to index
          %get3A_217 = tpu.vector_load %arg11[%get3A_216] {strides = array<i32>} : memref<400xi32, #tpu.memory_space<vmem>>, vector<16xi32>,
          %mul3A_218 = arith.constant 16 : i32
          %mul3A_219 = arith.muli %scan3A_212, %mul3A_218 : i32
          %get3A_220 = arith.index_cast %mul3A_219 : i32 to index
          %get3A_221 = tpu.vector_load %arg12[%get3A_220] {strides = array<i32>} : memref<400xi32, #tpu.memory_space<vmem>>, vector<16xi32>,
          %mul3A_222 = arith.constant 400 : i32
          %mul3A_223 = arith.muli %while3A_189, %mul3A_222 : i32
          %mul3A_224 = arith.constant 16 : i32
          %mul3A_225 = arith.muli %scan3A_212, %mul3A_224 : i32
          %add3A_226 = arith.addi %mul3A_223, %mul3A_225 : i32
          %add3A_227 = vector.broadcast %add3A_226 : i32 to vector<16xi32>
          %add3A_228 = arith.addi %add3A_227, %iota3A : vector<16xi32>
          %lt3A_229 = vector.broadcast %reduce_max3A_158 : i32 to vector<16xi32>
          %lt3A_230 = arith.cmpi slt, %add3A_228, %lt3A_229 : vector<16xi32>
          %ge3A = vector.broadcast %mul3A_2 : i32 to vector<16xi32>
          %ge3A_231 = arith.cmpi sge, %get3A_221, %ge3A : vector<16xi32>
          %and3A_232 = arith.andi %lt3A_230, %ge3A_231 : vector<16xi1>
          %add3A_233 = arith.constant 320 : i32
          %add3A_234 = arith.addi %mul3A_2, %add3A_233 : i32
          %lt3A_235 = vector.broadcast %add3A_234 : i32 to vector<16xi32>
          %lt3A_236 = arith.cmpi slt, %get3A_221, %lt3A_235 : vector<16xi32>
          %and3A_237 = arith.andi %and3A_232, %lt3A_236 : vector<16xi1>
          %sub3A_238 = vector.broadcast %mul3A_2 : i32 to vector<16xi32>
          %sub3A_239 = arith.subi %get3A_221, %sub3A_238 : vector<16xi32>
          %jit3A_240 = arith.constant 0 : i32
          %broadcast_in_dim3A_241 = vector.broadcast %jit3A_240 : i32 to vector<16xi32>
          %select_n3A_242 = arith.select %and3A_237, %sub3A_239, %broadcast_in_dim3A_241 : vector<16xi1>, vector<16xi32>
          %mul3A_243 = arith.constant 16 : i32
          %mul3A_244 = vector.broadcast %mul3A_243 : i32 to vector<16xi32>
          %mul3A_245 = arith.muli %select_n3A_242, %mul3A_244 : vector<16xi32>
          %add3A_246 = arith.addi %mul3A_245, %iota3A : vector<16xi32>
          tpu.vector_store_idx %arg23[%add3A_246], %broadcast_in_dim3A_3 masked %and3A_237 {add = true} : memref<5120xf32, #tpu.memory_space<vmem>>[vector<16xi32>], vector<16xf32>, vector<16xi1>
          %swap3A_247 = arith.index_cast %scan3A_213 : i32 to index
          %swap3A_248 = tpu.vector_load %arg15[%swap3A_247] masked %and3A_237 {strides = array<i32>} : memref<416xi32, #tpu.memory_space<vmem>>, vector<16xi32>, vector<16xi1>
          tpu.vector_store %arg15[%swap3A_247], %get3A_217 masked %and3A_237 {strides = array<i32>} : memref<416xi32, #tpu.memory_space<vmem>>, vector<16xi32>, vector<16xi1>
          %mul3A_249 = arith.constant 256 : i32
          %mul3A_250 = vector.broadcast %mul3A_249 : i32 to vector<16xi32>
          %mul3A_251 = arith.muli %select_n3A_242, %mul3A_250 : vector<16xi32>
          %swap3A_252 = arith.index_cast %scan3A_213 : i32 to index
          %swap3A_253 = tpu.vector_load %arg16[%swap3A_252] masked %and3A_237 {strides = array<i32>} : memref<416xi32, #tpu.memory_space<vmem>>, vector<16xi32>, vector<16xi1>
          tpu.vector_store %arg16[%swap3A_252], %mul3A_251 masked %and3A_237 {strides = array<i32>} : memref<416xi32, #tpu.memory_space<vmem>>, vector<16xi32>, vector<16xi1>
          %all_reduce_population_count3A = tpu.all_reduce %and3A_237 {dim = 0 : i64, kind = #tpu.reduction_kind<sum>} : vector<16xi1> -> vector<16xi32>
          %reduce_max3A_254 = arith.constant true
          %reduce_max3A_255 = vector.broadcast %reduce_max3A_254 : i1 to vector<16xi1>
          %reduce_max3A_256 = arith.constant -2147483648 : i32
          %reduce_max3A_257 = vector.broadcast %reduce_max3A_256 : i32 to vector<16xi32>
          %reduce_max3A_258 = arith.xori %all_reduce_population_count3A, %reduce_max3A_257 : vector<16xi32>
          %reduce_max3A_259 = tpu.scan <max>, %reduce_max3A_258 masked %reduce_max3A_255 : vector<16xi32>, vector<16xi1> -> vector<16xi32>
          %reduce_max3A_260 = arith.xori %reduce_max3A_259, %reduce_max3A_257 : vector<16xi32>
          %reduce_max3A_261 = vector.extract %reduce_max3A_260[15] : i32 from vector<16xi32>
          %add3A_262 = arith.addi %scan3A_213, %reduce_max3A_261 : i32
          %ge3A_263 = arith.constant 16 : i32
          %ge3A_264 = arith.cmpi sge, %add3A_262, %ge3A_263 : i32
          %convert_element_type3A_265 = arith.extui %ge3A_264 : i1 to i32
          %cond3A_266 = arith.constant 0 : i32
          %cond3A_267 = arith.cmpi ne, %convert_element_type3A_265, %cond3A_266 : i32
          scf.if %cond3A_267 {
            %add3A_271 = arith.constant 0 : i32
            %add3A_272 = vector.broadcast %add3A_271 : i32 to vector<16xi32>
            %add3A_273 = arith.addi %add3A_272, %iota3A : vector<16xi32>
            %lt3A_274 = arith.constant 16 : i32
            %lt3A_275 = vector.broadcast %lt3A_274 : i32 to vector<16xi32>
            %lt3A_276 = arith.cmpi slt, %add3A_273, %lt3A_275 : vector<16xi32>
            %get3A_277 = arith.constant 0 : index
            %get3A_278 = tpu.vector_load %arg15[%get3A_277] {strides = array<i32>} : memref<416xi32, #tpu.memory_space<vmem>>, vector<16xi32>,
            %jit3A_279 = arith.constant 0 : i32
            %broadcast_in_dim3A_280 = vector.broadcast %jit3A_279 : i32 to vector<16xi32>
            %select_n3A_281 = arith.select %lt3A_276, %get3A_278, %broadcast_in_dim3A_280 : vector<16xi1>, vector<16xi32>
            %swap3A_282 = arith.constant 0 : index
            %swap3A_283 = tpu.vector_load %arg15[%swap3A_282] {strides = array<i32>} : memref<416xi32, #tpu.memory_space<vmem>>, vector<16xi32>,
            tpu.vector_store %arg15[%swap3A_282], %select_n3A_281 {strides = array<i32>} : memref<416xi32, #tpu.memory_space<vmem>>, vector<16xi32>,
            %get3A_284 = arith.constant 0 : index
            %get3A_285 = tpu.vector_load %arg16[%get3A_284] {strides = array<i32>} : memref<416xi32, #tpu.memory_space<vmem>>, vector<16xi32>,
            %jit3A_286 = arith.constant 81920 : i32
            %broadcast_in_dim3A_287 = vector.broadcast %jit3A_286 : i32 to vector<16xi32>
            %select_n3A_288 = arith.select %lt3A_276, %get3A_285, %broadcast_in_dim3A_287 : vector<16xi1>, vector<16xi32>
            %swap3A_289 = arith.constant 0 : index
            %swap3A_290 = tpu.vector_load %arg16[%swap3A_289] {strides = array<i32>} : memref<416xi32, #tpu.memory_space<vmem>>, vector<16xi32>,
            tpu.vector_store %arg16[%swap3A_289], %select_n3A_288 {strides = array<i32>} : memref<416xi32, #tpu.memory_space<vmem>>, vector<16xi32>,
            "tpu.region"() ({
              %run_scoped3A = tpu.sem_alloc : memref<!tpu.dma_semaphore, #tpu.memory_space<semaphore_mem>>
              %dma_start3A_301 = arith.constant 0 : i32
              %dma_start3A_302 = tpu.memref_slice %arg15[%dma_start3A_301] : memref<416xi32, #tpu.memory_space<vmem>> -> memref<16xi32, #tpu.memory_space<vmem>>
              %dma_start3A_303 = arith.constant 0 : i32
              %dma_start3A_304 = arith.constant 0 : i32
              %dma_start3A_305 = tpu.memref_slice %arg2[%dma_start3A_303, %dma_start3A_304] : memref<10000x256xf32, #tpu.memory_space<hbm>> -> memref<10000x256xf32, #tpu.memory_space<hbm>>
              tpu.enqueue_indirect_dma source(%dma_start3A_305 : memref<10000x256xf32, #tpu.memory_space<hbm>>) target(%arg21 : memref<16x256xf32, #tpu.memory_space<vmem>>) offsets(%dma_start3A_302 : memref<16xi32, #tpu.memory_space<vmem>>) semaphore(%run_scoped3A : memref<!tpu.dma_semaphore, #tpu.memory_space<semaphore_mem>>)
              %dma_wait3A_306 = arith.constant 0 : i32
              %dma_wait3A_307 = tpu.memref_slice %arg15[%dma_wait3A_306] : memref<416xi32, #tpu.memory_space<vmem>> -> memref<16xi32, #tpu.memory_space<vmem>>
              %dma_wait3A_308 = arith.constant 0 : i32
              %dma_wait3A_309 = arith.constant 0 : i32
              %dma_wait3A_310 = tpu.memref_slice %arg2[%dma_wait3A_308, %dma_wait3A_309] : memref<10000x256xf32, #tpu.memory_space<hbm>> -> memref<10000x256xf32, #tpu.memory_space<hbm>>
              tpu.wait_indirect_dma semaphore(%run_scoped3A : memref<!tpu.dma_semaphore, #tpu.memory_space<semaphore_mem>>) src(%dma_wait3A_310 : memref<10000x256xf32, #tpu.memory_space<hbm>>) dst(%arg21 : memref<16x256xf32, #tpu.memory_space<vmem>>)
              tpu.yield
            }) : () -> ()
            %parallel_loop3A = arith.constant 0 : i32
            %parallel_loop3A_291 = arith.constant 16 : i32
            %parallel_loop3A_292 = arith.constant 1 : i32
            scf.for %parallel_loop3A_301 = %parallel_loop3A to %parallel_loop3A_291 step %parallel_loop3A_292  : i32 {
              %parallel_loop3A_302 = vector.broadcast %parallel_loop3A_301 : i32 to vector<16xi32>
              %parallel_loop3A_303 = tpu.vector_load_idx %arg16[%parallel_loop3A_302] : memref<416xi32, #tpu.memory_space<vmem>>[vector<16xi32>], vector<16xi32>,
              %parallel_loop3A_304 = arith.index_cast %parallel_loop3A_301 : i32 to index
              %parallel_loop3A_305 = arith.constant 0 : index
              %parallel_loop3A_306 = tpu.vector_load %arg21[%parallel_loop3A_304, %parallel_loop3A_305] {strides = array<i32>} : memref<16x256xf32, #tpu.memory_space<vmem>>, vector<16xf32>,
              %parallel_loop3A_307 = arith.addi %parallel_loop3A_303, %add3A_69 : vector<16xi32>
              tpu.vector_store_idx %arg22[%parallel_loop3A_307], %parallel_loop3A_306 {add = true} : memref<82176xf32, #tpu.memory_space<vmem>>[vector<16xi32>], vector<16xf32>,
              %parallel_loop3A_308 = arith.index_cast %parallel_loop3A_301 : i32 to index
              %parallel_loop3A_309 = arith.constant 16 : index
              %parallel_loop3A_310 = tpu.vector_load %arg21[%parallel_loop3A_308, %parallel_loop3A_309] {strides = array<i32>} : memref<16x256xf32, #tpu.memory_space<vmem>>, vector<16xf32>,
              %parallel_loop3A_311 = arith.addi %parallel_loop3A_303, %add3A_72 : vector<16xi32>
              tpu.vector_store_idx %arg22[%parallel_loop3A_311], %parallel_loop3A_310 {add = true} : memref<82176xf32, #tpu.memory_space<vmem>>[vector<16xi32>], vector<16xf32>,
              %parallel_loop3A_312 = arith.index_cast %parallel_loop3A_301 : i32 to index
              %parallel_loop3A_313 = arith.constant 32 : index
              %parallel_loop3A_314 = tpu.vector_load %arg21[%parallel_loop3A_312, %parallel_loop3A_313] {strides = array<i32>} : memref<16x256xf32, #tpu.memory_space<vmem>>, vector<16xf32>,
              %parallel_loop3A_315 = arith.addi %parallel_loop3A_303, %add3A_75 : vector<16xi32>
              tpu.vector_store_idx %arg22[%parallel_loop3A_315], %parallel_loop3A_314 {add = true} : memref<82176xf32, #tpu.memory_space<vmem>>[vector<16xi32>], vector<16xf32>,
              %parallel_loop3A_316 = arith.index_cast %parallel_loop3A_301 : i32 to index
              %parallel_loop3A_317 = arith.constant 48 : index
              %parallel_loop3A_318 = tpu.vector_load %arg21[%parallel_loop3A_316, %parallel_loop3A_317] {strides = array<i32>} : memref<16x256xf32, #tpu.memory_space<vmem>>, vector<16xf32>,
              %parallel_loop3A_319 = arith.addi %parallel_loop3A_303, %add3A_78 : vector<16xi32>
              tpu.vector_store_idx %arg22[%parallel_loop3A_319], %parallel_loop3A_318 {add = true} : memref<82176xf32, #tpu.memory_space<vmem>>[vector<16xi32>], vector<16xf32>,
              %parallel_loop3A_320 = arith.index_cast %parallel_loop3A_301 : i32 to index
              %parallel_loop3A_321 = arith.constant 64 : index
              %parallel_loop3A_322 = tpu.vector_load %arg21[%parallel_loop3A_320, %parallel_loop3A_321] {strides = array<i32>} : memref<16x256xf32, #tpu.memory_space<vmem>>, vector<16xf32>,
              %parallel_loop3A_323 = arith.addi %parallel_loop3A_303, %add3A_81 : vector<16xi32>
              tpu.vector_store_idx %arg22[%parallel_loop3A_323], %parallel_loop3A_322 {add = true} : memref<82176xf32, #tpu.memory_space<vmem>>[vector<16xi32>], vector<16xf32>,
              %parallel_loop3A_324 = arith.index_cast %parallel_loop3A_301 : i32 to index
              %parallel_loop3A_325 = arith.constant 80 : index
              %parallel_loop3A_326 = tpu.vector_load %arg21[%parallel_loop3A_324, %parallel_loop3A_325] {strides = array<i32>} : memref<16x256xf32, #tpu.memory_space<vmem>>, vector<16xf32>,
              %parallel_loop3A_327 = arith.addi %parallel_loop3A_303, %add3A_84 : vector<16xi32>
              tpu.vector_store_idx %arg22[%parallel_loop3A_327], %parallel_loop3A_326 {add = true} : memref<82176xf32, #tpu.memory_space<vmem>>[vector<16xi32>], vector<16xf32>,
              %parallel_loop3A_328 = arith.index_cast %parallel_loop3A_301 : i32 to index
              %parallel_loop3A_329 = arith.constant 96 : index
              %parallel_loop3A_330 = tpu.vector_load %arg21[%parallel_loop3A_328, %parallel_loop3A_329] {strides = array<i32>} : memref<16x256xf32, #tpu.memory_space<vmem>>, vector<16xf32>,
              %parallel_loop3A_331 = arith.addi %parallel_loop3A_303, %add3A_87 : vector<16xi32>
              tpu.vector_store_idx %arg22[%parallel_loop3A_331], %parallel_loop3A_330 {add = true} : memref<82176xf32, #tpu.memory_space<vmem>>[vector<16xi32>], vector<16xf32>,
              %parallel_loop3A_332 = arith.index_cast %parallel_loop3A_301 : i32 to index
              %parallel_loop3A_333 = arith.constant 112 : index
              %parallel_loop3A_334 = tpu.vector_load %arg21[%parallel_loop3A_332, %parallel_loop3A_333] {strides = array<i32>} : memref<16x256xf32, #tpu.memory_space<vmem>>, vector<16xf32>,
              %parallel_loop3A_335 = arith.addi %parallel_loop3A_303, %add3A_90 : vector<16xi32>
              tpu.vector_store_idx %arg22[%parallel_loop3A_335], %parallel_loop3A_334 {add = true} : memref<82176xf32, #tpu.memory_space<vmem>>[vector<16xi32>], vector<16xf32>,
              %parallel_loop3A_336 = arith.index_cast %parallel_loop3A_301 : i32 to index
              %parallel_loop3A_337 = arith.constant 128 : index
              %parallel_loop3A_338 = tpu.vector_load %arg21[%parallel_loop3A_336, %parallel_loop3A_337] {strides = array<i32>} : memref<16x256xf32, #tpu.memory_space<vmem>>, vector<16xf32>,
              %parallel_loop3A_339 = arith.addi %parallel_loop3A_303, %add3A_93 : vector<16xi32>
              tpu.vector_store_idx %arg22[%parallel_loop3A_339], %parallel_loop3A_338 {add = true} : memref<82176xf32, #tpu.memory_space<vmem>>[vector<16xi32>], vector<16xf32>,
              %parallel_loop3A_340 = arith.index_cast %parallel_loop3A_301 : i32 to index
              %parallel_loop3A_341 = arith.constant 144 : index
              %parallel_loop3A_342 = tpu.vector_load %arg21[%parallel_loop3A_340, %parallel_loop3A_341] {strides = array<i32>} : memref<16x256xf32, #tpu.memory_space<vmem>>, vector<16xf32>,
              %parallel_loop3A_343 = arith.addi %parallel_loop3A_303, %add3A_96 : vector<16xi32>
              tpu.vector_store_idx %arg22[%parallel_loop3A_343], %parallel_loop3A_342 {add = true} : memref<82176xf32, #tpu.memory_space<vmem>>[vector<16xi32>], vector<16xf32>,
              %parallel_loop3A_344 = arith.index_cast %parallel_loop3A_301 : i32 to index
              %parallel_loop3A_345 = arith.constant 160 : index
              %parallel_loop3A_346 = tpu.vector_load %arg21[%parallel_loop3A_344, %parallel_loop3A_345] {strides = array<i32>} : memref<16x256xf32, #tpu.memory_space<vmem>>, vector<16xf32>,
              %parallel_loop3A_347 = arith.addi %parallel_loop3A_303, %add3A_99 : vector<16xi32>
              tpu.vector_store_idx %arg22[%parallel_loop3A_347], %parallel_loop3A_346 {add = true} : memref<82176xf32, #tpu.memory_space<vmem>>[vector<16xi32>], vector<16xf32>,
              %parallel_loop3A_348 = arith.index_cast %parallel_loop3A_301 : i32 to index
              %parallel_loop3A_349 = arith.constant 176 : index
              %parallel_loop3A_350 = tpu.vector_load %arg21[%parallel_loop3A_348, %parallel_loop3A_349] {strides = array<i32>} : memref<16x256xf32, #tpu.memory_space<vmem>>, vector<16xf32>,
              %parallel_loop3A_351 = arith.addi %parallel_loop3A_303, %add3A_102 : vector<16xi32>
              tpu.vector_store_idx %arg22[%parallel_loop3A_351], %parallel_loop3A_350 {add = true} : memref<82176xf32, #tpu.memory_space<vmem>>[vector<16xi32>], vector<16xf32>,
              %parallel_loop3A_352 = arith.index_cast %parallel_loop3A_301 : i32 to index
              %parallel_loop3A_353 = arith.constant 192 : index
              %parallel_loop3A_354 = tpu.vector_load %arg21[%parallel_loop3A_352, %parallel_loop3A_353] {strides = array<i32>} : memref<16x256xf32, #tpu.memory_space<vmem>>, vector<16xf32>,
              %parallel_loop3A_355 = arith.addi %parallel_loop3A_303, %add3A_105 : vector<16xi32>
              tpu.vector_store_idx %arg22[%parallel_loop3A_355], %parallel_loop3A_354 {add = true} : memref<82176xf32, #tpu.memory_space<vmem>>[vector<16xi32>], vector<16xf32>,
              %parallel_loop3A_356 = arith.index_cast %parallel_loop3A_301 : i32 to index
              %parallel_loop3A_357 = arith.constant 208 : index
              %parallel_loop3A_358 = tpu.vector_load %arg21[%parallel_loop3A_356, %parallel_loop3A_357] {strides = array<i32>} : memref<16x256xf32, #tpu.memory_space<vmem>>, vector<16xf32>,
              %parallel_loop3A_359 = arith.addi %parallel_loop3A_303, %add3A_108 : vector<16xi32>
              tpu.vector_store_idx %arg22[%parallel_loop3A_359], %parallel_loop3A_358 {add = true} : memref<82176xf32, #tpu.memory_space<vmem>>[vector<16xi32>], vector<16xf32>,
              %parallel_loop3A_360 = arith.index_cast %parallel_loop3A_301 : i32 to index
              %parallel_loop3A_361 = arith.constant 224 : index
              %parallel_loop3A_362 = tpu.vector_load %arg21[%parallel_loop3A_360, %parallel_loop3A_361] {strides = array<i32>} : memref<16x256xf32, #tpu.memory_space<vmem>>, vector<16xf32>,
              %parallel_loop3A_363 = arith.addi %parallel_loop3A_303, %add3A_111 : vector<16xi32>
              tpu.vector_store_idx %arg22[%parallel_loop3A_363], %parallel_loop3A_362 {add = true} : memref<82176xf32, #tpu.memory_space<vmem>>[vector<16xi32>], vector<16xf32>,
              %parallel_loop3A_364 = arith.index_cast %parallel_loop3A_301 : i32 to index
              %parallel_loop3A_365 = arith.constant 240 : index
              %parallel_loop3A_366 = tpu.vector_load %arg21[%parallel_loop3A_364, %parallel_loop3A_365] {strides = array<i32>} : memref<16x256xf32, #tpu.memory_space<vmem>>, vector<16xf32>,
              %parallel_loop3A_367 = arith.addi %parallel_loop3A_303, %add3A_114 : vector<16xi32>
              tpu.vector_store_idx %arg22[%parallel_loop3A_367], %parallel_loop3A_366 {add = true} : memref<82176xf32, #tpu.memory_space<vmem>>[vector<16xi32>], vector<16xf32>,
            } {sc.loop_unroll_factor = 4 : i64, sc.parallel_access}
            %get3A_293 = arith.constant 16 : index
            %get3A_294 = tpu.vector_load %arg15[%get3A_293] {strides = array<i32>} : memref<416xi32, #tpu.memory_space<vmem>>, vector<16xi32>,
            %swap3A_295 = arith.constant 0 : index
            %swap3A_296 = tpu.vector_load %arg15[%swap3A_295] {strides = array<i32>} : memref<416xi32, #tpu.memory_space<vmem>>, vector<16xi32>,
            tpu.vector_store %arg15[%swap3A_295], %get3A_294 {strides = array<i32>} : memref<416xi32, #tpu.memory_space<vmem>>, vector<16xi32>,
            %get3A_297 = arith.constant 16 : index
            %get3A_298 = tpu.vector_load %arg16[%get3A_297] {strides = array<i32>} : memref<416xi32, #tpu.memory_space<vmem>>, vector<16xi32>,
            %swap3A_299 = arith.constant 0 : index
            %swap3A_300 = tpu.vector_load %arg16[%swap3A_299] {strides = array<i32>} : memref<416xi32, #tpu.memory_space<vmem>>, vector<16xi32>,
            tpu.vector_store %arg16[%swap3A_299], %get3A_298 {strides = array<i32>} : memref<416xi32, #tpu.memory_space<vmem>>, vector<16xi32>,
          } else {
          }
          %sub3A_268 = arith.constant 16 : i32
          %sub3A_269 = arith.subi %add3A_262, %sub3A_268 : i32
          %select_n3A_270 = arith.select %ge3A_264, %sub3A_269, %add3A_262 : i32
          scf.yield %select_n3A_270 : i32
        }
        %scan3A_211 = arith.constant 25 : i32
        scf.yield %scan3A_210 : i32
      }
      %while3A_187 = arith.constant 1 : i32
      %while3A_188 = scf.for %while3A_189 = %while3A_184 to %while3A_180 step %while3A_187 iter_args(%while3A_190 = %while3A_186) -> (i32)  : i32 {
        %mul3A_191 = arith.constant 10400 : i32
        %mul3A_192 = arith.muli %scan3A_143, %mul3A_191 : i32
        %mul3A_193 = arith.constant 400 : i32
        %mul3A_194 = arith.muli %while3A_189, %mul3A_193 : i32
        %add3A_195 = arith.addi %mul3A_192, %mul3A_194 : i32
        %mul3A_196 = arith.constant 2 : i32
        %mul3A_197 = arith.muli %mul3A_196, %while3A_189 : i32
        %mul3A_198 = arith.constant 400 : i32
        %mul3A_199 = arith.muli %mul3A_197, %mul3A_198 : i32
        %sub3A_200 = arith.constant 10400 : i32
        %sub3A_201 = arith.subi %sub3A_200, %mul3A_199 : i32
        %sub3A_202 = arith.constant 400 : i32
        %sub3A_203 = arith.subi %sub3A_201, %sub3A_202 : i32
        %mul3A_204 = arith.muli %arg0, %sub3A_203 : i32
        %add3A_205 = arith.addi %add3A_195, %mul3A_204 : i32
        "tpu.region"() ({
          %run_scoped3A = tpu.sem_alloc : memref<!tpu.dma_semaphore, #tpu.memory_space<semaphore_mem>>
          %dma_start3A_212 = tpu.memref_slice %arg31[%add3A_205] : memref<166400xi32, #tpu.memory_space<vmem_shared>> -> memref<400xi32, #tpu.memory_space<vmem_shared>>
          %dma_start3A_213 = tpu.memref_slice %arg31[%add3A_205] : memref<166400xi32, #tpu.memory_space<vmem_shared>> -> memref<400xi32, #tpu.memory_space<vmem_shared>>
          tpu.enqueue_dma source(%dma_start3A_213 : memref<400xi32, #tpu.memory_space<vmem_shared>>) target(%arg11 : memref<400xi32, #tpu.memory_space<vmem>>) target_semaphore(%run_scoped3A : memref<!tpu.dma_semaphore, #tpu.memory_space<semaphore_mem>>)
          %dma_wait3A_214 = tpu.memref_slice %arg31[%add3A_205] : memref<166400xi32, #tpu.memory_space<vmem_shared>> -> memref<400xi32, #tpu.memory_space<vmem_shared>>
          %dma_wait3A_215 = tpu.memref_slice %arg31[%add3A_205] : memref<166400xi32, #tpu.memory_space<vmem_shared>> -> memref<400xi32, #tpu.memory_space<vmem_shared>>
          tpu.wait_dma2 semaphore(%run_scoped3A : memref<!tpu.dma_semaphore, #tpu.memory_space<semaphore_mem>>) src(%dma_wait3A_215 : memref<400xi32, #tpu.memory_space<vmem_shared>>) dst(%arg11 : memref<400xi32, #tpu.memory_space<vmem>>)
          tpu.yield
        }) : () -> ()
        "tpu.region"() ({
          %run_scoped3A = tpu.sem_alloc : memref<!tpu.dma_semaphore, #tpu.memory_space<semaphore_mem>>
          %dma_start3A_212 = tpu.memref_slice %arg32[%add3A_205] : memref<166400xi32, #tpu.memory_space<vmem_shared>> -> memref<400xi32, #tpu.memory_space<vmem_shared>>
          %dma_start3A_213 = tpu.memref_slice %arg32[%add3A_205] : memref<166400xi32, #tpu.memory_space<vmem_shared>> -> memref<400xi32, #tpu.memory_space<vmem_shared>>
          tpu.enqueue_dma source(%dma_start3A_213 : memref<400xi32, #tpu.memory_space<vmem_shared>>) target(%arg12 : memref<400xi32, #tpu.memory_space<vmem>>) target_semaphore(%run_scoped3A : memref<!tpu.dma_semaphore, #tpu.memory_space<semaphore_mem>>)
          %dma_wait3A_214 = tpu.memref_slice %arg32[%add3A_205] : memref<166400xi32, #tpu.memory_space<vmem_shared>> -> memref<400xi32, #tpu.memory_space<vmem_shared>>
          %dma_wait3A_215 = tpu.memref_slice %arg32[%add3A_205] : memref<166400xi32, #tpu.memory_space<vmem_shared>> -> memref<400xi32, #tpu.memory_space<vmem_shared>>
          tpu.wait_dma2 semaphore(%run_scoped3A : memref<!tpu.dma_semaphore, #tpu.memory_space<semaphore_mem>>) src(%dma_wait3A_215 : memref<400xi32, #tpu.memory_space<vmem_shared>>) dst(%arg12 : memref<400xi32, #tpu.memory_space<vmem>>)
          tpu.yield
        }) : () -> ()
        %scan3A_206 = arith.constant 0 : i32
        %scan3A_207 = arith.constant 25 : i32
        %scan3A_208 = arith.addi %scan3A_206, %scan3A_207 : i32
        %scan3A_209 = arith.constant 1 : i32
        %scan3A_210 = scf.for %scan3A_212 = %scan3A_206 to %scan3A_208 step %scan3A_209 iter_args(%scan3A_213 = %while3A_190) -> (i32)  : i32 {
          %mul3A_214 = arith.constant 16 : i32
          %mul3A_215 = arith.muli %scan3A_212, %mul3A_214 : i32
          %get3A_216 = arith.index_cast %mul3A_215 : i32 to index
          %get3A_217 = tpu.vector_load %arg11[%get3A_216] {strides = array<i32>} : memref<400xi32, #tpu.memory_space<vmem>>, vector<16xi32>,
          %mul3A_218 = arith.constant 16 : i32
          %mul3A_219 = arith.muli %scan3A_212, %mul3A_218 : i32
          %get3A_220 = arith.index_cast %mul3A_219 : i32 to index
          %get3A_221 = tpu.vector_load %arg12[%get3A_220] {strides = array<i32>} : memref<400xi32, #tpu.memory_space<vmem>>, vector<16xi32>,
          %mul3A_222 = arith.constant 400 : i32
          %mul3A_223 = arith.muli %while3A_189, %mul3A_222 : i32
          %mul3A_224 = arith.constant 16 : i32
          %mul3A_225 = arith.muli %scan3A_212, %mul3A_224 : i32
          %add3A_226 = arith.addi %mul3A_223, %mul3A_225 : i32
          %add3A_227 = vector.broadcast %add3A_226 : i32 to vector<16xi32>
          %add3A_228 = arith.addi %add3A_227, %iota3A : vector<16xi32>
          %lt3A_229 = vector.broadcast %reduce_max3A_158 : i32 to vector<16xi32>
          %lt3A_230 = arith.cmpi slt, %add3A_228, %lt3A_229 : vector<16xi32>
          %ge3A = vector.broadcast %mul3A_2 : i32 to vector<16xi32>
          %ge3A_231 = arith.cmpi sge, %get3A_221, %ge3A : vector<16xi32>
          %and3A_232 = arith.andi %lt3A_230, %ge3A_231 : vector<16xi1>
          %add3A_233 = arith.constant 320 : i32
          %add3A_234 = arith.addi %mul3A_2, %add3A_233 : i32
          %lt3A_235 = vector.broadcast %add3A_234 : i32 to vector<16xi32>
          %lt3A_236 = arith.cmpi slt, %get3A_221, %lt3A_235 : vector<16xi32>
          %and3A_237 = arith.andi %and3A_232, %lt3A_236 : vector<16xi1>
          %sub3A_238 = vector.broadcast %mul3A_2 : i32 to vector<16xi32>
          %sub3A_239 = arith.subi %get3A_221, %sub3A_238 : vector<16xi32>
          %jit3A_240 = arith.constant 0 : i32
          %broadcast_in_dim3A_241 = vector.broadcast %jit3A_240 : i32 to vector<16xi32>
          %select_n3A_242 = arith.select %and3A_237, %sub3A_239, %broadcast_in_dim3A_241 : vector<16xi1>, vector<16xi32>
          %mul3A_243 = arith.constant 16 : i32
          %mul3A_244 = vector.broadcast %mul3A_243 : i32 to vector<16xi32>
          %mul3A_245 = arith.muli %select_n3A_242, %mul3A_244 : vector<16xi32>
          %add3A_246 = arith.addi %mul3A_245, %iota3A : vector<16xi32>
          tpu.vector_store_idx %arg23[%add3A_246], %broadcast_in_dim3A_3 masked %and3A_237 {add = true} : memref<5120xf32, #tpu.memory_space<vmem>>[vector<16xi32>], vector<16xf32>, vector<16xi1>
          %swap3A_247 = arith.index_cast %scan3A_213 : i32 to index
          %swap3A_248 = tpu.vector_load %arg15[%swap3A_247] masked %and3A_237 {strides = array<i32>} : memref<416xi32, #tpu.memory_space<vmem>>, vector<16xi32>, vector<16xi1>
          tpu.vector_store %arg15[%swap3A_247], %get3A_217 masked %and3A_237 {strides = array<i32>} : memref<416xi32, #tpu.memory_space<vmem>>, vector<16xi32>, vector<16xi1>
          %mul3A_249 = arith.constant 256 : i32
          %mul3A_250 = vector.broadcast %mul3A_249 : i32 to vector<16xi32>
          %mul3A_251 = arith.muli %select_n3A_242, %mul3A_250 : vector<16xi32>
          %swap3A_252 = arith.index_cast %scan3A_213 : i32 to index
          %swap3A_253 = tpu.vector_load %arg16[%swap3A_252] masked %and3A_237 {strides = array<i32>} : memref<416xi32, #tpu.memory_space<vmem>>, vector<16xi32>, vector<16xi1>
          tpu.vector_store %arg16[%swap3A_252], %mul3A_251 masked %and3A_237 {strides = array<i32>} : memref<416xi32, #tpu.memory_space<vmem>>, vector<16xi32>, vector<16xi1>
          %all_reduce_population_count3A = tpu.all_reduce %and3A_237 {dim = 0 : i64, kind = #tpu.reduction_kind<sum>} : vector<16xi1> -> vector<16xi32>
          %reduce_max3A_254 = arith.constant true
          %reduce_max3A_255 = vector.broadcast %reduce_max3A_254 : i1 to vector<16xi1>
          %reduce_max3A_256 = arith.constant -2147483648 : i32
          %reduce_max3A_257 = vector.broadcast %reduce_max3A_256 : i32 to vector<16xi32>
          %reduce_max3A_258 = arith.xori %all_reduce_population_count3A, %reduce_max3A_257 : vector<16xi32>
          %reduce_max3A_259 = tpu.scan <max>, %reduce_max3A_258 masked %reduce_max3A_255 : vector<16xi32>, vector<16xi1> -> vector<16xi32>
          %reduce_max3A_260 = arith.xori %reduce_max3A_259, %reduce_max3A_257 : vector<16xi32>
          %reduce_max3A_261 = vector.extract %reduce_max3A_260[15] : i32 from vector<16xi32>
          %add3A_262 = arith.addi %scan3A_213, %reduce_max3A_261 : i32
          %ge3A_263 = arith.constant 16 : i32
          %ge3A_264 = arith.cmpi sge, %add3A_262, %ge3A_263 : i32
          %convert_element_type3A_265 = arith.extui %ge3A_264 : i1 to i32
          %cond3A_266 = arith.constant 0 : i32
          %cond3A_267 = arith.cmpi ne, %convert_element_type3A_265, %cond3A_266 : i32
          scf.if %cond3A_267 {
            %add3A_271 = arith.constant 0 : i32
            %add3A_272 = vector.broadcast %add3A_271 : i32 to vector<16xi32>
            %add3A_273 = arith.addi %add3A_272, %iota3A : vector<16xi32>
            %lt3A_274 = arith.constant 16 : i32
            %lt3A_275 = vector.broadcast %lt3A_274 : i32 to vector<16xi32>
            %lt3A_276 = arith.cmpi slt, %add3A_273, %lt3A_275 : vector<16xi32>
            %get3A_277 = arith.constant 0 : index
            %get3A_278 = tpu.vector_load %arg15[%get3A_277] {strides = array<i32>} : memref<416xi32, #tpu.memory_space<vmem>>, vector<16xi32>,
            %jit3A_279 = arith.constant 0 : i32
            %broadcast_in_dim3A_280 = vector.broadcast %jit3A_279 : i32 to vector<16xi32>
            %select_n3A_281 = arith.select %lt3A_276, %get3A_278, %broadcast_in_dim3A_280 : vector<16xi1>, vector<16xi32>
            %swap3A_282 = arith.constant 0 : index
            %swap3A_283 = tpu.vector_load %arg15[%swap3A_282] {strides = array<i32>} : memref<416xi32, #tpu.memory_space<vmem>>, vector<16xi32>,
            tpu.vector_store %arg15[%swap3A_282], %select_n3A_281 {strides = array<i32>} : memref<416xi32, #tpu.memory_space<vmem>>, vector<16xi32>,
            %get3A_284 = arith.constant 0 : index
            %get3A_285 = tpu.vector_load %arg16[%get3A_284] {strides = array<i32>} : memref<416xi32, #tpu.memory_space<vmem>>, vector<16xi32>,
            %jit3A_286 = arith.constant 81920 : i32
            %broadcast_in_dim3A_287 = vector.broadcast %jit3A_286 : i32 to vector<16xi32>
            %select_n3A_288 = arith.select %lt3A_276, %get3A_285, %broadcast_in_dim3A_287 : vector<16xi1>, vector<16xi32>
            %swap3A_289 = arith.constant 0 : index
            %swap3A_290 = tpu.vector_load %arg16[%swap3A_289] {strides = array<i32>} : memref<416xi32, #tpu.memory_space<vmem>>, vector<16xi32>,
            tpu.vector_store %arg16[%swap3A_289], %select_n3A_288 {strides = array<i32>} : memref<416xi32, #tpu.memory_space<vmem>>, vector<16xi32>,
            "tpu.region"() ({
              %run_scoped3A = tpu.sem_alloc : memref<!tpu.dma_semaphore, #tpu.memory_space<semaphore_mem>>
              %dma_start3A_301 = arith.constant 0 : i32
              %dma_start3A_302 = tpu.memref_slice %arg15[%dma_start3A_301] : memref<416xi32, #tpu.memory_space<vmem>> -> memref<16xi32, #tpu.memory_space<vmem>>
              %dma_start3A_303 = arith.constant 0 : i32
              %dma_start3A_304 = arith.constant 0 : i32
              %dma_start3A_305 = tpu.memref_slice %arg2[%dma_start3A_303, %dma_start3A_304] : memref<10000x256xf32, #tpu.memory_space<hbm>> -> memref<10000x256xf32, #tpu.memory_space<hbm>>
              tpu.enqueue_indirect_dma source(%dma_start3A_305 : memref<10000x256xf32, #tpu.memory_space<hbm>>) target(%arg21 : memref<16x256xf32, #tpu.memory_space<vmem>>) offsets(%dma_start3A_302 : memref<16xi32, #tpu.memory_space<vmem>>) semaphore(%run_scoped3A : memref<!tpu.dma_semaphore, #tpu.memory_space<semaphore_mem>>)
              %dma_wait3A_306 = arith.constant 0 : i32
              %dma_wait3A_307 = tpu.memref_slice %arg15[%dma_wait3A_306] : memref<416xi32, #tpu.memory_space<vmem>> -> memref<16xi32, #tpu.memory_space<vmem>>
              %dma_wait3A_308 = arith.constant 0 : i32
              %dma_wait3A_309 = arith.constant 0 : i32
              %dma_wait3A_310 = tpu.memref_slice %arg2[%dma_wait3A_308, %dma_wait3A_309] : memref<10000x256xf32, #tpu.memory_space<hbm>> -> memref<10000x256xf32, #tpu.memory_space<hbm>>
              tpu.wait_indirect_dma semaphore(%run_scoped3A : memref<!tpu.dma_semaphore, #tpu.memory_space<semaphore_mem>>) src(%dma_wait3A_310 : memref<10000x256xf32, #tpu.memory_space<hbm>>) dst(%arg21 : memref<16x256xf32, #tpu.memory_space<vmem>>)
              tpu.yield
            }) : () -> ()
            %parallel_loop3A = arith.constant 0 : i32
            %parallel_loop3A_291 = arith.constant 16 : i32
            %parallel_loop3A_292 = arith.constant 1 : i32
            scf.for %parallel_loop3A_301 = %parallel_loop3A to %parallel_loop3A_291 step %parallel_loop3A_292  : i32 {
              %parallel_loop3A_302 = vector.broadcast %parallel_loop3A_301 : i32 to vector<16xi32>
              %parallel_loop3A_303 = tpu.vector_load_idx %arg16[%parallel_loop3A_302] : memref<416xi32, #tpu.memory_space<vmem>>[vector<16xi32>], vector<16xi32>,
              %parallel_loop3A_304 = arith.index_cast %parallel_loop3A_301 : i32 to index
              %parallel_loop3A_305 = arith.constant 0 : index
              %parallel_loop3A_306 = tpu.vector_load %arg21[%parallel_loop3A_304, %parallel_loop3A_305] {strides = array<i32>} : memref<16x256xf32, #tpu.memory_space<vmem>>, vector<16xf32>,
              %parallel_loop3A_307 = arith.addi %parallel_loop3A_303, %add3A_69 : vector<16xi32>
              tpu.vector_store_idx %arg22[%parallel_loop3A_307], %parallel_loop3A_306 {add = true} : memref<82176xf32, #tpu.memory_space<vmem>>[vector<16xi32>], vector<16xf32>,
              %parallel_loop3A_308 = arith.index_cast %parallel_loop3A_301 : i32 to index
              %parallel_loop3A_309 = arith.constant 16 : index
              %parallel_loop3A_310 = tpu.vector_load %arg21[%parallel_loop3A_308, %parallel_loop3A_309] {strides = array<i32>} : memref<16x256xf32, #tpu.memory_space<vmem>>, vector<16xf32>,
              %parallel_loop3A_311 = arith.addi %parallel_loop3A_303, %add3A_72 : vector<16xi32>
              tpu.vector_store_idx %arg22[%parallel_loop3A_311], %parallel_loop3A_310 {add = true} : memref<82176xf32, #tpu.memory_space<vmem>>[vector<16xi32>], vector<16xf32>,
              %parallel_loop3A_312 = arith.index_cast %parallel_loop3A_301 : i32 to index
              %parallel_loop3A_313 = arith.constant 32 : index
              %parallel_loop3A_314 = tpu.vector_load %arg21[%parallel_loop3A_312, %parallel_loop3A_313] {strides = array<i32>} : memref<16x256xf32, #tpu.memory_space<vmem>>, vector<16xf32>,
              %parallel_loop3A_315 = arith.addi %parallel_loop3A_303, %add3A_75 : vector<16xi32>
              tpu.vector_store_idx %arg22[%parallel_loop3A_315], %parallel_loop3A_314 {add = true} : memref<82176xf32, #tpu.memory_space<vmem>>[vector<16xi32>], vector<16xf32>,
              %parallel_loop3A_316 = arith.index_cast %parallel_loop3A_301 : i32 to index
              %parallel_loop3A_317 = arith.constant 48 : index
              %parallel_loop3A_318 = tpu.vector_load %arg21[%parallel_loop3A_316, %parallel_loop3A_317] {strides = array<i32>} : memref<16x256xf32, #tpu.memory_space<vmem>>, vector<16xf32>,
              %parallel_loop3A_319 = arith.addi %parallel_loop3A_303, %add3A_78 : vector<16xi32>
              tpu.vector_store_idx %arg22[%parallel_loop3A_319], %parallel_loop3A_318 {add = true} : memref<82176xf32, #tpu.memory_space<vmem>>[vector<16xi32>], vector<16xf32>,
              %parallel_loop3A_320 = arith.index_cast %parallel_loop3A_301 : i32 to index
              %parallel_loop3A_321 = arith.constant 64 : index
              %parallel_loop3A_322 = tpu.vector_load %arg21[%parallel_loop3A_320, %parallel_loop3A_321] {strides = array<i32>} : memref<16x256xf32, #tpu.memory_space<vmem>>, vector<16xf32>,
              %parallel_loop3A_323 = arith.addi %parallel_loop3A_303, %add3A_81 : vector<16xi32>
              tpu.vector_store_idx %arg22[%parallel_loop3A_323], %parallel_loop3A_322 {add = true} : memref<82176xf32, #tpu.memory_space<vmem>>[vector<16xi32>], vector<16xf32>,
              %parallel_loop3A_324 = arith.index_cast %parallel_loop3A_301 : i32 to index
              %parallel_loop3A_325 = arith.constant 80 : index
              %parallel_loop3A_326 = tpu.vector_load %arg21[%parallel_loop3A_324, %parallel_loop3A_325] {strides = array<i32>} : memref<16x256xf32, #tpu.memory_space<vmem>>, vector<16xf32>,
              %parallel_loop3A_327 = arith.addi %parallel_loop3A_303, %add3A_84 : vector<16xi32>
              tpu.vector_store_idx %arg22[%parallel_loop3A_327], %parallel_loop3A_326 {add = true} : memref<82176xf32, #tpu.memory_space<vmem>>[vector<16xi32>], vector<16xf32>,
              %parallel_loop3A_328 = arith.index_cast %parallel_loop3A_301 : i32 to index
              %parallel_loop3A_329 = arith.constant 96 : index
              %parallel_loop3A_330 = tpu.vector_load %arg21[%parallel_loop3A_328, %parallel_loop3A_329] {strides = array<i32>} : memref<16x256xf32, #tpu.memory_space<vmem>>, vector<16xf32>,
              %parallel_loop3A_331 = arith.addi %parallel_loop3A_303, %add3A_87 : vector<16xi32>
              tpu.vector_store_idx %arg22[%parallel_loop3A_331], %parallel_loop3A_330 {add = true} : memref<82176xf32, #tpu.memory_space<vmem>>[vector<16xi32>], vector<16xf32>,
              %parallel_loop3A_332 = arith.index_cast %parallel_loop3A_301 : i32 to index
              %parallel_loop3A_333 = arith.constant 112 : index
              %parallel_loop3A_334 = tpu.vector_load %arg21[%parallel_loop3A_332, %parallel_loop3A_333] {strides = array<i32>} : memref<16x256xf32, #tpu.memory_space<vmem>>, vector<16xf32>,
              %parallel_loop3A_335 = arith.addi %parallel_loop3A_303, %add3A_90 : vector<16xi32>
              tpu.vector_store_idx %arg22[%parallel_loop3A_335], %parallel_loop3A_334 {add = true} : memref<82176xf32, #tpu.memory_space<vmem>>[vector<16xi32>], vector<16xf32>,
              %parallel_loop3A_336 = arith.index_cast %parallel_loop3A_301 : i32 to index
              %parallel_loop3A_337 = arith.constant 128 : index
              %parallel_loop3A_338 = tpu.vector_load %arg21[%parallel_loop3A_336, %parallel_loop3A_337] {strides = array<i32>} : memref<16x256xf32, #tpu.memory_space<vmem>>, vector<16xf32>,
              %parallel_loop3A_339 = arith.addi %parallel_loop3A_303, %add3A_93 : vector<16xi32>
              tpu.vector_store_idx %arg22[%parallel_loop3A_339], %parallel_loop3A_338 {add = true} : memref<82176xf32, #tpu.memory_space<vmem>>[vector<16xi32>], vector<16xf32>,
              %parallel_loop3A_340 = arith.index_cast %parallel_loop3A_301 : i32 to index
              %parallel_loop3A_341 = arith.constant 144 : index
              %parallel_loop3A_342 = tpu.vector_load %arg21[%parallel_loop3A_340, %parallel_loop3A_341] {strides = array<i32>} : memref<16x256xf32, #tpu.memory_space<vmem>>, vector<16xf32>,
              %parallel_loop3A_343 = arith.addi %parallel_loop3A_303, %add3A_96 : vector<16xi32>
              tpu.vector_store_idx %arg22[%parallel_loop3A_343], %parallel_loop3A_342 {add = true} : memref<82176xf32, #tpu.memory_space<vmem>>[vector<16xi32>], vector<16xf32>,
              %parallel_loop3A_344 = arith.index_cast %parallel_loop3A_301 : i32 to index
              %parallel_loop3A_345 = arith.constant 160 : index
              %parallel_loop3A_346 = tpu.vector_load %arg21[%parallel_loop3A_344, %parallel_loop3A_345] {strides = array<i32>} : memref<16x256xf32, #tpu.memory_space<vmem>>, vector<16xf32>,
              %parallel_loop3A_347 = arith.addi %parallel_loop3A_303, %add3A_99 : vector<16xi32>
              tpu.vector_store_idx %arg22[%parallel_loop3A_347], %parallel_loop3A_346 {add = true} : memref<82176xf32, #tpu.memory_space<vmem>>[vector<16xi32>], vector<16xf32>,
              %parallel_loop3A_348 = arith.index_cast %parallel_loop3A_301 : i32 to index
              %parallel_loop3A_349 = arith.constant 176 : index
              %parallel_loop3A_350 = tpu.vector_load %arg21[%parallel_loop3A_348, %parallel_loop3A_349] {strides = array<i32>} : memref<16x256xf32, #tpu.memory_space<vmem>>, vector<16xf32>,
              %parallel_loop3A_351 = arith.addi %parallel_loop3A_303, %add3A_102 : vector<16xi32>
              tpu.vector_store_idx %arg22[%parallel_loop3A_351], %parallel_loop3A_350 {add = true} : memref<82176xf32, #tpu.memory_space<vmem>>[vector<16xi32>], vector<16xf32>,
              %parallel_loop3A_352 = arith.index_cast %parallel_loop3A_301 : i32 to index
              %parallel_loop3A_353 = arith.constant 192 : index
              %parallel_loop3A_354 = tpu.vector_load %arg21[%parallel_loop3A_352, %parallel_loop3A_353] {strides = array<i32>} : memref<16x256xf32, #tpu.memory_space<vmem>>, vector<16xf32>,
              %parallel_loop3A_355 = arith.addi %parallel_loop3A_303, %add3A_105 : vector<16xi32>
              tpu.vector_store_idx %arg22[%parallel_loop3A_355], %parallel_loop3A_354 {add = true} : memref<82176xf32, #tpu.memory_space<vmem>>[vector<16xi32>], vector<16xf32>,
              %parallel_loop3A_356 = arith.index_cast %parallel_loop3A_301 : i32 to index
              %parallel_loop3A_357 = arith.constant 208 : index
              %parallel_loop3A_358 = tpu.vector_load %arg21[%parallel_loop3A_356, %parallel_loop3A_357] {strides = array<i32>} : memref<16x256xf32, #tpu.memory_space<vmem>>, vector<16xf32>,
              %parallel_loop3A_359 = arith.addi %parallel_loop3A_303, %add3A_108 : vector<16xi32>
              tpu.vector_store_idx %arg22[%parallel_loop3A_359], %parallel_loop3A_358 {add = true} : memref<82176xf32, #tpu.memory_space<vmem>>[vector<16xi32>], vector<16xf32>,
              %parallel_loop3A_360 = arith.index_cast %parallel_loop3A_301 : i32 to index
              %parallel_loop3A_361 = arith.constant 224 : index
              %parallel_loop3A_362 = tpu.vector_load %arg21[%parallel_loop3A_360, %parallel_loop3A_361] {strides = array<i32>} : memref<16x256xf32, #tpu.memory_space<vmem>>, vector<16xf32>,
              %parallel_loop3A_363 = arith.addi %parallel_loop3A_303, %add3A_111 : vector<16xi32>
              tpu.vector_store_idx %arg22[%parallel_loop3A_363], %parallel_loop3A_362 {add = true} : memref<82176xf32, #tpu.memory_space<vmem>>[vector<16xi32>], vector<16xf32>,
              %parallel_loop3A_364 = arith.index_cast %parallel_loop3A_301 : i32 to index
              %parallel_loop3A_365 = arith.constant 240 : index
              %parallel_loop3A_366 = tpu.vector_load %arg21[%parallel_loop3A_364, %parallel_loop3A_365] {strides = array<i32>} : memref<16x256xf32, #tpu.memory_space<vmem>>, vector<16xf32>,
              %parallel_loop3A_367 = arith.addi %parallel_loop3A_303, %add3A_114 : vector<16xi32>
              tpu.vector_store_idx %arg22[%parallel_loop3A_367], %parallel_loop3A_366 {add = true} : memref<82176xf32, #tpu.memory_space<vmem>>[vector<16xi32>], vector<16xf32>,
            } {sc.loop_unroll_factor = 4 : i64, sc.parallel_access}
            %get3A_293 = arith.constant 16 : index
            %get3A_294 = tpu.vector_load %arg15[%get3A_293] {strides = array<i32>} : memref<416xi32, #tpu.memory_space<vmem>>, vector<16xi32>,
            %swap3A_295 = arith.constant 0 : index
            %swap3A_296 = tpu.vector_load %arg15[%swap3A_295] {strides = array<i32>} : memref<416xi32, #tpu.memory_space<vmem>>, vector<16xi32>,
            tpu.vector_store %arg15[%swap3A_295], %get3A_294 {strides = array<i32>} : memref<416xi32, #tpu.memory_space<vmem>>, vector<16xi32>,
            %get3A_297 = arith.constant 16 : index
            %get3A_298 = tpu.vector_load %arg16[%get3A_297] {strides = array<i32>} : memref<416xi32, #tpu.memory_space<vmem>>, vector<16xi32>,
            %swap3A_299 = arith.constant 0 : index
            %swap3A_300 = tpu.vector_load %arg16[%swap3A_299] {strides = array<i32>} : memref<416xi32, #tpu.memory_space<vmem>>, vector<16xi32>,
            tpu.vector_store %arg16[%swap3A_299], %get3A_298 {strides = array<i32>} : memref<416xi32, #tpu.memory_space<vmem>>, vector<16xi32>,
          } else {
          }
          %sub3A_268 = arith.constant 16 : i32
          %sub3A_269 = arith.subi %add3A_262, %sub3A_268 : i32
          %select_n3A_270 = arith.select %ge3A_264, %sub3A_269, %add3A_262 : i32
          scf.yield %select_n3A_270 : i32
        }
        %scan3A_211 = arith.constant 25 : i32
        scf.yield %scan3A_210 : i32
      }
      scf.yield %while3A_188 : i32
    }
    %scan3A_121 = arith.constant 16 : i32
    %gt3A_122 = arith.constant 0 : i32
    %gt3A_123 = arith.cmpi sgt, %scan3A_120, %gt3A_122 : i32
    %convert_element_type3A_124 = arith.extui %gt3A_123 : i1 to i32
    %cond3A_125 = arith.constant 0 : i32
    %cond3A_126 = arith.cmpi ne, %convert_element_type3A_124, %cond3A_125 : i32
    scf.if %cond3A_126 {
      %add3A_143 = arith.constant 0 : i32
      %add3A_144 = vector.broadcast %add3A_143 : i32 to vector<16xi32>
      %add3A_145 = arith.addi %add3A_144, %iota3A : vector<16xi32>
      %lt3A_146 = vector.broadcast %scan3A_120 : i32 to vector<16xi32>
      %lt3A_147 = arith.cmpi slt, %add3A_145, %lt3A_146 : vector<16xi32>
      %get3A_148 = arith.constant 0 : index
      %get3A_149 = tpu.vector_load %arg15[%get3A_148] {strides = array<i32>} : memref<416xi32, #tpu.memory_space<vmem>>, vector<16xi32>,
      %jit3A = arith.constant 0 : i32
      %broadcast_in_dim3A_150 = vector.broadcast %jit3A : i32 to vector<16xi32>
      %select_n3A = arith.select %lt3A_147, %get3A_149, %broadcast_in_dim3A_150 : vector<16xi1>, vector<16xi32>
      %swap3A_151 = arith.constant 0 : index
      %swap3A_152 = tpu.vector_load %arg15[%swap3A_151] {strides = array<i32>} : memref<416xi32, #tpu.memory_space<vmem>>, vector<16xi32>,
      tpu.vector_store %arg15[%swap3A_151], %select_n3A {strides = array<i32>} : memref<416xi32, #tpu.memory_space<vmem>>, vector<16xi32>,
      %get3A_153 = arith.constant 0 : index
      %get3A_154 = tpu.vector_load %arg16[%get3A_153] {strides = array<i32>} : memref<416xi32, #tpu.memory_space<vmem>>, vector<16xi32>,
      %jit3A_155 = arith.constant 81920 : i32
      %broadcast_in_dim3A_156 = vector.broadcast %jit3A_155 : i32 to vector<16xi32>
      %select_n3A_157 = arith.select %lt3A_147, %get3A_154, %broadcast_in_dim3A_156 : vector<16xi1>, vector<16xi32>
      %swap3A_158 = arith.constant 0 : index
      %swap3A_159 = tpu.vector_load %arg16[%swap3A_158] {strides = array<i32>} : memref<416xi32, #tpu.memory_space<vmem>>, vector<16xi32>,
      tpu.vector_store %arg16[%swap3A_158], %select_n3A_157 {strides = array<i32>} : memref<416xi32, #tpu.memory_space<vmem>>, vector<16xi32>,
      "tpu.region"() ({
        %run_scoped3A = tpu.sem_alloc : memref<!tpu.dma_semaphore, #tpu.memory_space<semaphore_mem>>
        %dma_start3A_162 = arith.constant 0 : i32
        %dma_start3A_163 = tpu.memref_slice %arg15[%dma_start3A_162] : memref<416xi32, #tpu.memory_space<vmem>> -> memref<16xi32, #tpu.memory_space<vmem>>
        %dma_start3A_164 = arith.constant 0 : i32
        %dma_start3A_165 = arith.constant 0 : i32
        %dma_start3A_166 = tpu.memref_slice %arg2[%dma_start3A_164, %dma_start3A_165] : memref<10000x256xf32, #tpu.memory_space<hbm>> -> memref<10000x256xf32, #tpu.memory_space<hbm>>
        tpu.enqueue_indirect_dma source(%dma_start3A_166 : memref<10000x256xf32, #tpu.memory_space<hbm>>) target(%arg21 : memref<16x256xf32, #tpu.memory_space<vmem>>) offsets(%dma_start3A_163 : memref<16xi32, #tpu.memory_space<vmem>>) semaphore(%run_scoped3A : memref<!tpu.dma_semaphore, #tpu.memory_space<semaphore_mem>>)
        %dma_wait3A_167 = arith.constant 0 : i32
        %dma_wait3A_168 = tpu.memref_slice %arg15[%dma_wait3A_167] : memref<416xi32, #tpu.memory_space<vmem>> -> memref<16xi32, #tpu.memory_space<vmem>>
        %dma_wait3A_169 = arith.constant 0 : i32
        %dma_wait3A_170 = arith.constant 0 : i32
        %dma_wait3A_171 = tpu.memref_slice %arg2[%dma_wait3A_169, %dma_wait3A_170] : memref<10000x256xf32, #tpu.memory_space<hbm>> -> memref<10000x256xf32, #tpu.memory_space<hbm>>
        tpu.wait_indirect_dma semaphore(%run_scoped3A : memref<!tpu.dma_semaphore, #tpu.memory_space<semaphore_mem>>) src(%dma_wait3A_171 : memref<10000x256xf32, #tpu.memory_space<hbm>>) dst(%arg21 : memref<16x256xf32, #tpu.memory_space<vmem>>)
        tpu.yield
      }) : () -> ()
      %parallel_loop3A = arith.constant 0 : i32
      %parallel_loop3A_160 = arith.constant 16 : i32
      %parallel_loop3A_161 = arith.constant 1 : i32
      scf.for %parallel_loop3A_162 = %parallel_loop3A to %parallel_loop3A_160 step %parallel_loop3A_161  : i32 {
        %parallel_loop3A_163 = vector.broadcast %parallel_loop3A_162 : i32 to vector<16xi32>
        %parallel_loop3A_164 = tpu.vector_load_idx %arg16[%parallel_loop3A_163] : memref<416xi32, #tpu.memory_space<vmem>>[vector<16xi32>], vector<16xi32>,
        %parallel_loop3A_165 = arith.index_cast %parallel_loop3A_162 : i32 to index
        %parallel_loop3A_166 = arith.constant 0 : index
        %parallel_loop3A_167 = tpu.vector_load %arg21[%parallel_loop3A_165, %parallel_loop3A_166] {strides = array<i32>} : memref<16x256xf32, #tpu.memory_space<vmem>>, vector<16xf32>,
        %parallel_loop3A_168 = arith.addi %parallel_loop3A_164, %add3A_69 : vector<16xi32>
        tpu.vector_store_idx %arg22[%parallel_loop3A_168], %parallel_loop3A_167 {add = true} : memref<82176xf32, #tpu.memory_space<vmem>>[vector<16xi32>], vector<16xf32>,
        %parallel_loop3A_169 = arith.index_cast %parallel_loop3A_162 : i32 to index
        %parallel_loop3A_170 = arith.constant 16 : index
        %parallel_loop3A_171 = tpu.vector_load %arg21[%parallel_loop3A_169, %parallel_loop3A_170] {strides = array<i32>} : memref<16x256xf32, #tpu.memory_space<vmem>>, vector<16xf32>,
        %parallel_loop3A_172 = arith.addi %parallel_loop3A_164, %add3A_72 : vector<16xi32>
        tpu.vector_store_idx %arg22[%parallel_loop3A_172], %parallel_loop3A_171 {add = true} : memref<82176xf32, #tpu.memory_space<vmem>>[vector<16xi32>], vector<16xf32>,
        %parallel_loop3A_173 = arith.index_cast %parallel_loop3A_162 : i32 to index
        %parallel_loop3A_174 = arith.constant 32 : index
        %parallel_loop3A_175 = tpu.vector_load %arg21[%parallel_loop3A_173, %parallel_loop3A_174] {strides = array<i32>} : memref<16x256xf32, #tpu.memory_space<vmem>>, vector<16xf32>,
        %parallel_loop3A_176 = arith.addi %parallel_loop3A_164, %add3A_75 : vector<16xi32>
        tpu.vector_store_idx %arg22[%parallel_loop3A_176], %parallel_loop3A_175 {add = true} : memref<82176xf32, #tpu.memory_space<vmem>>[vector<16xi32>], vector<16xf32>,
        %parallel_loop3A_177 = arith.index_cast %parallel_loop3A_162 : i32 to index
        %parallel_loop3A_178 = arith.constant 48 : index
        %parallel_loop3A_179 = tpu.vector_load %arg21[%parallel_loop3A_177, %parallel_loop3A_178] {strides = array<i32>} : memref<16x256xf32, #tpu.memory_space<vmem>>, vector<16xf32>,
        %parallel_loop3A_180 = arith.addi %parallel_loop3A_164, %add3A_78 : vector<16xi32>
        tpu.vector_store_idx %arg22[%parallel_loop3A_180], %parallel_loop3A_179 {add = true} : memref<82176xf32, #tpu.memory_space<vmem>>[vector<16xi32>], vector<16xf32>,
        %parallel_loop3A_181 = arith.index_cast %parallel_loop3A_162 : i32 to index
        %parallel_loop3A_182 = arith.constant 64 : index
        %parallel_loop3A_183 = tpu.vector_load %arg21[%parallel_loop3A_181, %parallel_loop3A_182] {strides = array<i32>} : memref<16x256xf32, #tpu.memory_space<vmem>>, vector<16xf32>,
        %parallel_loop3A_184 = arith.addi %parallel_loop3A_164, %add3A_81 : vector<16xi32>
        tpu.vector_store_idx %arg22[%parallel_loop3A_184], %parallel_loop3A_183 {add = true} : memref<82176xf32, #tpu.memory_space<vmem>>[vector<16xi32>], vector<16xf32>,
        %parallel_loop3A_185 = arith.index_cast %parallel_loop3A_162 : i32 to index
        %parallel_loop3A_186 = arith.constant 80 : index
        %parallel_loop3A_187 = tpu.vector_load %arg21[%parallel_loop3A_185, %parallel_loop3A_186] {strides = array<i32>} : memref<16x256xf32, #tpu.memory_space<vmem>>, vector<16xf32>,
        %parallel_loop3A_188 = arith.addi %parallel_loop3A_164, %add3A_84 : vector<16xi32>
        tpu.vector_store_idx %arg22[%parallel_loop3A_188], %parallel_loop3A_187 {add = true} : memref<82176xf32, #tpu.memory_space<vmem>>[vector<16xi32>], vector<16xf32>,
        %parallel_loop3A_189 = arith.index_cast %parallel_loop3A_162 : i32 to index
        %parallel_loop3A_190 = arith.constant 96 : index
        %parallel_loop3A_191 = tpu.vector_load %arg21[%parallel_loop3A_189, %parallel_loop3A_190] {strides = array<i32>} : memref<16x256xf32, #tpu.memory_space<vmem>>, vector<16xf32>,
        %parallel_loop3A_192 = arith.addi %parallel_loop3A_164, %add3A_87 : vector<16xi32>
        tpu.vector_store_idx %arg22[%parallel_loop3A_192], %parallel_loop3A_191 {add = true} : memref<82176xf32, #tpu.memory_space<vmem>>[vector<16xi32>], vector<16xf32>,
        %parallel_loop3A_193 = arith.index_cast %parallel_loop3A_162 : i32 to index
        %parallel_loop3A_194 = arith.constant 112 : index
        %parallel_loop3A_195 = tpu.vector_load %arg21[%parallel_loop3A_193, %parallel_loop3A_194] {strides = array<i32>} : memref<16x256xf32, #tpu.memory_space<vmem>>, vector<16xf32>,
        %parallel_loop3A_196 = arith.addi %parallel_loop3A_164, %add3A_90 : vector<16xi32>
        tpu.vector_store_idx %arg22[%parallel_loop3A_196], %parallel_loop3A_195 {add = true} : memref<82176xf32, #tpu.memory_space<vmem>>[vector<16xi32>], vector<16xf32>,
        %parallel_loop3A_197 = arith.index_cast %parallel_loop3A_162 : i32 to index
        %parallel_loop3A_198 = arith.constant 128 : index
        %parallel_loop3A_199 = tpu.vector_load %arg21[%parallel_loop3A_197, %parallel_loop3A_198] {strides = array<i32>} : memref<16x256xf32, #tpu.memory_space<vmem>>, vector<16xf32>,
        %parallel_loop3A_200 = arith.addi %parallel_loop3A_164, %add3A_93 : vector<16xi32>
        tpu.vector_store_idx %arg22[%parallel_loop3A_200], %parallel_loop3A_199 {add = true} : memref<82176xf32, #tpu.memory_space<vmem>>[vector<16xi32>], vector<16xf32>,
        %parallel_loop3A_201 = arith.index_cast %parallel_loop3A_162 : i32 to index
        %parallel_loop3A_202 = arith.constant 144 : index
        %parallel_loop3A_203 = tpu.vector_load %arg21[%parallel_loop3A_201, %parallel_loop3A_202] {strides = array<i32>} : memref<16x256xf32, #tpu.memory_space<vmem>>, vector<16xf32>,
        %parallel_loop3A_204 = arith.addi %parallel_loop3A_164, %add3A_96 : vector<16xi32>
        tpu.vector_store_idx %arg22[%parallel_loop3A_204], %parallel_loop3A_203 {add = true} : memref<82176xf32, #tpu.memory_space<vmem>>[vector<16xi32>], vector<16xf32>,
        %parallel_loop3A_205 = arith.index_cast %parallel_loop3A_162 : i32 to index
        %parallel_loop3A_206 = arith.constant 160 : index
        %parallel_loop3A_207 = tpu.vector_load %arg21[%parallel_loop3A_205, %parallel_loop3A_206] {strides = array<i32>} : memref<16x256xf32, #tpu.memory_space<vmem>>, vector<16xf32>,
        %parallel_loop3A_208 = arith.addi %parallel_loop3A_164, %add3A_99 : vector<16xi32>
        tpu.vector_store_idx %arg22[%parallel_loop3A_208], %parallel_loop3A_207 {add = true} : memref<82176xf32, #tpu.memory_space<vmem>>[vector<16xi32>], vector<16xf32>,
        %parallel_loop3A_209 = arith.index_cast %parallel_loop3A_162 : i32 to index
        %parallel_loop3A_210 = arith.constant 176 : index
        %parallel_loop3A_211 = tpu.vector_load %arg21[%parallel_loop3A_209, %parallel_loop3A_210] {strides = array<i32>} : memref<16x256xf32, #tpu.memory_space<vmem>>, vector<16xf32>,
        %parallel_loop3A_212 = arith.addi %parallel_loop3A_164, %add3A_102 : vector<16xi32>
        tpu.vector_store_idx %arg22[%parallel_loop3A_212], %parallel_loop3A_211 {add = true} : memref<82176xf32, #tpu.memory_space<vmem>>[vector<16xi32>], vector<16xf32>,
        %parallel_loop3A_213 = arith.index_cast %parallel_loop3A_162 : i32 to index
        %parallel_loop3A_214 = arith.constant 192 : index
        %parallel_loop3A_215 = tpu.vector_load %arg21[%parallel_loop3A_213, %parallel_loop3A_214] {strides = array<i32>} : memref<16x256xf32, #tpu.memory_space<vmem>>, vector<16xf32>,
        %parallel_loop3A_216 = arith.addi %parallel_loop3A_164, %add3A_105 : vector<16xi32>
        tpu.vector_store_idx %arg22[%parallel_loop3A_216], %parallel_loop3A_215 {add = true} : memref<82176xf32, #tpu.memory_space<vmem>>[vector<16xi32>], vector<16xf32>,
        %parallel_loop3A_217 = arith.index_cast %parallel_loop3A_162 : i32 to index
        %parallel_loop3A_218 = arith.constant 208 : index
        %parallel_loop3A_219 = tpu.vector_load %arg21[%parallel_loop3A_217, %parallel_loop3A_218] {strides = array<i32>} : memref<16x256xf32, #tpu.memory_space<vmem>>, vector<16xf32>,
        %parallel_loop3A_220 = arith.addi %parallel_loop3A_164, %add3A_108 : vector<16xi32>
        tpu.vector_store_idx %arg22[%parallel_loop3A_220], %parallel_loop3A_219 {add = true} : memref<82176xf32, #tpu.memory_space<vmem>>[vector<16xi32>], vector<16xf32>,
        %parallel_loop3A_221 = arith.index_cast %parallel_loop3A_162 : i32 to index
        %parallel_loop3A_222 = arith.constant 224 : index
        %parallel_loop3A_223 = tpu.vector_load %arg21[%parallel_loop3A_221, %parallel_loop3A_222] {strides = array<i32>} : memref<16x256xf32, #tpu.memory_space<vmem>>, vector<16xf32>,
        %parallel_loop3A_224 = arith.addi %parallel_loop3A_164, %add3A_111 : vector<16xi32>
        tpu.vector_store_idx %arg22[%parallel_loop3A_224], %parallel_loop3A_223 {add = true} : memref<82176xf32, #tpu.memory_space<vmem>>[vector<16xi32>], vector<16xf32>,
        %parallel_loop3A_225 = arith.index_cast %parallel_loop3A_162 : i32 to index
        %parallel_loop3A_226 = arith.constant 240 : index
        %parallel_loop3A_227 = tpu.vector_load %arg21[%parallel_loop3A_225, %parallel_loop3A_226] {strides = array<i32>} : memref<16x256xf32, #tpu.memory_space<vmem>>, vector<16xf32>,
        %parallel_loop3A_228 = arith.addi %parallel_loop3A_164, %add3A_114 : vector<16xi32>
        tpu.vector_store_idx %arg22[%parallel_loop3A_228], %parallel_loop3A_227 {add = true} : memref<82176xf32, #tpu.memory_space<vmem>>[vector<16xi32>], vector<16xf32>,
      } {sc.loop_unroll_factor = 4 : i64, sc.parallel_access}
    } else {
    }
    %get3A = arith.constant 0 : index
    %get3A_127 = tpu.vector_load %arg24[%get3A] {strides = array<i32>} : memref<16xf32, #tpu.memory_space<vmem>>, vector<16xf32>,
    %scan3A_128 = arith.constant 0 : i32
    %scan3A_129 = arith.constant 0 : i32
    %scan3A_130 = arith.constant 320 : i32
    %scan3A_131 = arith.addi %scan3A_129, %scan3A_130 : i32
    %scan3A_132 = arith.constant 1 : i32
    %scan3A_133 = scf.for %scan3A_143 = %scan3A_129 to %scan3A_131 step %scan3A_132 iter_args(%scan3A_144 = %scan3A_128) -> (i32)  : i32 {
      %mul3A_145 = arith.constant 16 : i32
      %mul3A_146 = arith.muli %scan3A_143, %mul3A_145 : i32
      %get3A_147 = arith.index_cast %mul3A_146 : i32 to index
      %get3A_148 = tpu.vector_load %arg23[%get3A_147] {strides = array<i32>} : memref<5120xf32, #tpu.memory_space<vmem>>, vector<16xf32>,
      %reduce_sum3A = arith.constant true
      %reduce_sum3A_149 = vector.broadcast %reduce_sum3A : i1 to vector<16xi1>
      %reduce_sum3A_150 = tpu.scan <sum>, %get3A_148 masked %reduce_sum3A_149 : vector<16xf32>, vector<16xi1> -> vector<16xf32>
      %reduce_sum3A_151 = vector.extract %reduce_sum3A_150[15] : f32 from vector<16xf32>
      %broadcast_in_dim3A_152 = vector.broadcast %reduce_sum3A_151 : f32 to vector<16xf32>
      %gt3A_153 = arith.constant 0.000000e+00 : f32
      %gt3A_154 = vector.broadcast %gt3A_153 : f32 to vector<16xf32>
      %gt3A_155 = arith.cmpf ogt, %broadcast_in_dim3A_152, %gt3A_154 : vector<16xf32>
      %div3A = arith.divf %get3A_127, %broadcast_in_dim3A_152 : vector<16xf32>
      %jit3A = arith.constant 0.000000e+00 : f32
      %broadcast_in_dim3A_156 = vector.broadcast %jit3A : f32 to vector<16xf32>
      %select_n3A = arith.select %gt3A_155, %div3A, %broadcast_in_dim3A_156 : vector<16xi1>, vector<16xf32>
      %mul3A_157 = arith.constant 256 : i32
      %mul3A_158 = arith.muli %scan3A_143, %mul3A_157 : i32
      %add3A_159 = arith.constant 0 : i32
      %add3A_160 = arith.addi %mul3A_158, %add3A_159 : i32
      %get3A_161 = arith.index_cast %add3A_160 : i32 to index
      %get3A_162 = tpu.vector_load %arg22[%get3A_161] {strides = array<i32>} : memref<82176xf32, #tpu.memory_space<vmem>>, vector<16xf32>,
      %mul3A_163 = arith.mulf %get3A_162, %select_n3A : vector<16xf32>
      %swap3A_164 = arith.index_cast %add3A_160 : i32 to index
      %swap3A_165 = tpu.vector_load %arg22[%swap3A_164] {strides = array<i32>} : memref<82176xf32, #tpu.memory_space<vmem>>, vector<16xf32>,
      tpu.vector_store %arg22[%swap3A_164], %mul3A_163 {strides = array<i32>} : memref<82176xf32, #tpu.memory_space<vmem>>, vector<16xf32>,
      %mul3A_166 = arith.constant 256 : i32
      %mul3A_167 = arith.muli %scan3A_143, %mul3A_166 : i32
      %add3A_168 = arith.constant 16 : i32
      %add3A_169 = arith.addi %mul3A_167, %add3A_168 : i32
      %get3A_170 = arith.index_cast %add3A_169 : i32 to index
      %get3A_171 = tpu.vector_load %arg22[%get3A_170] {strides = array<i32>} : memref<82176xf32, #tpu.memory_space<vmem>>, vector<16xf32>,
      %mul3A_172 = arith.mulf %get3A_171, %select_n3A : vector<16xf32>
      %swap3A_173 = arith.index_cast %add3A_169 : i32 to index
      %swap3A_174 = tpu.vector_load %arg22[%swap3A_173] {strides = array<i32>} : memref<82176xf32, #tpu.memory_space<vmem>>, vector<16xf32>,
      tpu.vector_store %arg22[%swap3A_173], %mul3A_172 {strides = array<i32>} : memref<82176xf32, #tpu.memory_space<vmem>>, vector<16xf32>,
      %mul3A_175 = arith.constant 256 : i32
      %mul3A_176 = arith.muli %scan3A_143, %mul3A_175 : i32
      %add3A_177 = arith.constant 32 : i32
      %add3A_178 = arith.addi %mul3A_176, %add3A_177 : i32
      %get3A_179 = arith.index_cast %add3A_178 : i32 to index
      %get3A_180 = tpu.vector_load %arg22[%get3A_179] {strides = array<i32>} : memref<82176xf32, #tpu.memory_space<vmem>>, vector<16xf32>,
      %mul3A_181 = arith.mulf %get3A_180, %select_n3A : vector<16xf32>
      %swap3A_182 = arith.index_cast %add3A_178 : i32 to index
      %swap3A_183 = tpu.vector_load %arg22[%swap3A_182] {strides = array<i32>} : memref<82176xf32, #tpu.memory_space<vmem>>, vector<16xf32>,
      tpu.vector_store %arg22[%swap3A_182], %mul3A_181 {strides = array<i32>} : memref<82176xf32, #tpu.memory_space<vmem>>, vector<16xf32>,
      %mul3A_184 = arith.constant 256 : i32
      %mul3A_185 = arith.muli %scan3A_143, %mul3A_184 : i32
      %add3A_186 = arith.constant 48 : i32
      %add3A_187 = arith.addi %mul3A_185, %add3A_186 : i32
      %get3A_188 = arith.index_cast %add3A_187 : i32 to index
      %get3A_189 = tpu.vector_load %arg22[%get3A_188] {strides = array<i32>} : memref<82176xf32, #tpu.memory_space<vmem>>, vector<16xf32>,
      %mul3A_190 = arith.mulf %get3A_189, %select_n3A : vector<16xf32>
      %swap3A_191 = arith.index_cast %add3A_187 : i32 to index
      %swap3A_192 = tpu.vector_load %arg22[%swap3A_191] {strides = array<i32>} : memref<82176xf32, #tpu.memory_space<vmem>>, vector<16xf32>,
      tpu.vector_store %arg22[%swap3A_191], %mul3A_190 {strides = array<i32>} : memref<82176xf32, #tpu.memory_space<vmem>>, vector<16xf32>,
      %mul3A_193 = arith.constant 256 : i32
      %mul3A_194 = arith.muli %scan3A_143, %mul3A_193 : i32
      %add3A_195 = arith.constant 64 : i32
      %add3A_196 = arith.addi %mul3A_194, %add3A_195 : i32
      %get3A_197 = arith.index_cast %add3A_196 : i32 to index
      %get3A_198 = tpu.vector_load %arg22[%get3A_197] {strides = array<i32>} : memref<82176xf32, #tpu.memory_space<vmem>>, vector<16xf32>,
      %mul3A_199 = arith.mulf %get3A_198, %select_n3A : vector<16xf32>
      %swap3A_200 = arith.index_cast %add3A_196 : i32 to index
      %swap3A_201 = tpu.vector_load %arg22[%swap3A_200] {strides = array<i32>} : memref<82176xf32, #tpu.memory_space<vmem>>, vector<16xf32>,
      tpu.vector_store %arg22[%swap3A_200], %mul3A_199 {strides = array<i32>} : memref<82176xf32, #tpu.memory_space<vmem>>, vector<16xf32>,
      %mul3A_202 = arith.constant 256 : i32
      %mul3A_203 = arith.muli %scan3A_143, %mul3A_202 : i32
      %add3A_204 = arith.constant 80 : i32
      %add3A_205 = arith.addi %mul3A_203, %add3A_204 : i32
      %get3A_206 = arith.index_cast %add3A_205 : i32 to index
      %get3A_207 = tpu.vector_load %arg22[%get3A_206] {strides = array<i32>} : memref<82176xf32, #tpu.memory_space<vmem>>, vector<16xf32>,
      %mul3A_208 = arith.mulf %get3A_207, %select_n3A : vector<16xf32>
      %swap3A_209 = arith.index_cast %add3A_205 : i32 to index
      %swap3A_210 = tpu.vector_load %arg22[%swap3A_209] {strides = array<i32>} : memref<82176xf32, #tpu.memory_space<vmem>>, vector<16xf32>,
      tpu.vector_store %arg22[%swap3A_209], %mul3A_208 {strides = array<i32>} : memref<82176xf32, #tpu.memory_space<vmem>>, vector<16xf32>,
      %mul3A_211 = arith.constant 256 : i32
      %mul3A_212 = arith.muli %scan3A_143, %mul3A_211 : i32
      %add3A_213 = arith.constant 96 : i32
      %add3A_214 = arith.addi %mul3A_212, %add3A_213 : i32
      %get3A_215 = arith.index_cast %add3A_214 : i32 to index
      %get3A_216 = tpu.vector_load %arg22[%get3A_215] {strides = array<i32>} : memref<82176xf32, #tpu.memory_space<vmem>>, vector<16xf32>,
      %mul3A_217 = arith.mulf %get3A_216, %select_n3A : vector<16xf32>
      %swap3A_218 = arith.index_cast %add3A_214 : i32 to index
      %swap3A_219 = tpu.vector_load %arg22[%swap3A_218] {strides = array<i32>} : memref<82176xf32, #tpu.memory_space<vmem>>, vector<16xf32>,
      tpu.vector_store %arg22[%swap3A_218], %mul3A_217 {strides = array<i32>} : memref<82176xf32, #tpu.memory_space<vmem>>, vector<16xf32>,
      %mul3A_220 = arith.constant 256 : i32
      %mul3A_221 = arith.muli %scan3A_143, %mul3A_220 : i32
      %add3A_222 = arith.constant 112 : i32
      %add3A_223 = arith.addi %mul3A_221, %add3A_222 : i32
      %get3A_224 = arith.index_cast %add3A_223 : i32 to index
      %get3A_225 = tpu.vector_load %arg22[%get3A_224] {strides = array<i32>} : memref<82176xf32, #tpu.memory_space<vmem>>, vector<16xf32>,
      %mul3A_226 = arith.mulf %get3A_225, %select_n3A : vector<16xf32>
      %swap3A_227 = arith.index_cast %add3A_223 : i32 to index
      %swap3A_228 = tpu.vector_load %arg22[%swap3A_227] {strides = array<i32>} : memref<82176xf32, #tpu.memory_space<vmem>>, vector<16xf32>,
      tpu.vector_store %arg22[%swap3A_227], %mul3A_226 {strides = array<i32>} : memref<82176xf32, #tpu.memory_space<vmem>>, vector<16xf32>,
      %mul3A_229 = arith.constant 256 : i32
      %mul3A_230 = arith.muli %scan3A_143, %mul3A_229 : i32
      %add3A_231 = arith.constant 128 : i32
      %add3A_232 = arith.addi %mul3A_230, %add3A_231 : i32
      %get3A_233 = arith.index_cast %add3A_232 : i32 to index
      %get3A_234 = tpu.vector_load %arg22[%get3A_233] {strides = array<i32>} : memref<82176xf32, #tpu.memory_space<vmem>>, vector<16xf32>,
      %mul3A_235 = arith.mulf %get3A_234, %select_n3A : vector<16xf32>
      %swap3A_236 = arith.index_cast %add3A_232 : i32 to index
      %swap3A_237 = tpu.vector_load %arg22[%swap3A_236] {strides = array<i32>} : memref<82176xf32, #tpu.memory_space<vmem>>, vector<16xf32>,
      tpu.vector_store %arg22[%swap3A_236], %mul3A_235 {strides = array<i32>} : memref<82176xf32, #tpu.memory_space<vmem>>, vector<16xf32>,
      %mul3A_238 = arith.constant 256 : i32
      %mul3A_239 = arith.muli %scan3A_143, %mul3A_238 : i32
      %add3A_240 = arith.constant 144 : i32
      %add3A_241 = arith.addi %mul3A_239, %add3A_240 : i32
      %get3A_242 = arith.index_cast %add3A_241 : i32 to index
      %get3A_243 = tpu.vector_load %arg22[%get3A_242] {strides = array<i32>} : memref<82176xf32, #tpu.memory_space<vmem>>, vector<16xf32>,
      %mul3A_244 = arith.mulf %get3A_243, %select_n3A : vector<16xf32>
      %swap3A_245 = arith.index_cast %add3A_241 : i32 to index
      %swap3A_246 = tpu.vector_load %arg22[%swap3A_245] {strides = array<i32>} : memref<82176xf32, #tpu.memory_space<vmem>>, vector<16xf32>,
      tpu.vector_store %arg22[%swap3A_245], %mul3A_244 {strides = array<i32>} : memref<82176xf32, #tpu.memory_space<vmem>>, vector<16xf32>,
      %mul3A_247 = arith.constant 256 : i32
      %mul3A_248 = arith.muli %scan3A_143, %mul3A_247 : i32
      %add3A_249 = arith.constant 160 : i32
      %add3A_250 = arith.addi %mul3A_248, %add3A_249 : i32
      %get3A_251 = arith.index_cast %add3A_250 : i32 to index
      %get3A_252 = tpu.vector_load %arg22[%get3A_251] {strides = array<i32>} : memref<82176xf32, #tpu.memory_space<vmem>>, vector<16xf32>,
      %mul3A_253 = arith.mulf %get3A_252, %select_n3A : vector<16xf32>
      %swap3A_254 = arith.index_cast %add3A_250 : i32 to index
      %swap3A_255 = tpu.vector_load %arg22[%swap3A_254] {strides = array<i32>} : memref<82176xf32, #tpu.memory_space<vmem>>, vector<16xf32>,
      tpu.vector_store %arg22[%swap3A_254], %mul3A_253 {strides = array<i32>} : memref<82176xf32, #tpu.memory_space<vmem>>, vector<16xf32>,
      %mul3A_256 = arith.constant 256 : i32
      %mul3A_257 = arith.muli %scan3A_143, %mul3A_256 : i32
      %add3A_258 = arith.constant 176 : i32
      %add3A_259 = arith.addi %mul3A_257, %add3A_258 : i32
      %get3A_260 = arith.index_cast %add3A_259 : i32 to index
      %get3A_261 = tpu.vector_load %arg22[%get3A_260] {strides = array<i32>} : memref<82176xf32, #tpu.memory_space<vmem>>, vector<16xf32>,
      %mul3A_262 = arith.mulf %get3A_261, %select_n3A : vector<16xf32>
      %swap3A_263 = arith.index_cast %add3A_259 : i32 to index
      %swap3A_264 = tpu.vector_load %arg22[%swap3A_263] {strides = array<i32>} : memref<82176xf32, #tpu.memory_space<vmem>>, vector<16xf32>,
      tpu.vector_store %arg22[%swap3A_263], %mul3A_262 {strides = array<i32>} : memref<82176xf32, #tpu.memory_space<vmem>>, vector<16xf32>,
      %mul3A_265 = arith.constant 256 : i32
      %mul3A_266 = arith.muli %scan3A_143, %mul3A_265 : i32
      %add3A_267 = arith.constant 192 : i32
      %add3A_268 = arith.addi %mul3A_266, %add3A_267 : i32
      %get3A_269 = arith.index_cast %add3A_268 : i32 to index
      %get3A_270 = tpu.vector_load %arg22[%get3A_269] {strides = array<i32>} : memref<82176xf32, #tpu.memory_space<vmem>>, vector<16xf32>,
      %mul3A_271 = arith.mulf %get3A_270, %select_n3A : vector<16xf32>
      %swap3A_272 = arith.index_cast %add3A_268 : i32 to index
      %swap3A_273 = tpu.vector_load %arg22[%swap3A_272] {strides = array<i32>} : memref<82176xf32, #tpu.memory_space<vmem>>, vector<16xf32>,
      tpu.vector_store %arg22[%swap3A_272], %mul3A_271 {strides = array<i32>} : memref<82176xf32, #tpu.memory_space<vmem>>, vector<16xf32>,
      %mul3A_274 = arith.constant 256 : i32
      %mul3A_275 = arith.muli %scan3A_143, %mul3A_274 : i32
      %add3A_276 = arith.constant 208 : i32
      %add3A_277 = arith.addi %mul3A_275, %add3A_276 : i32
      %get3A_278 = arith.index_cast %add3A_277 : i32 to index
      %get3A_279 = tpu.vector_load %arg22[%get3A_278] {strides = array<i32>} : memref<82176xf32, #tpu.memory_space<vmem>>, vector<16xf32>,
      %mul3A_280 = arith.mulf %get3A_279, %select_n3A : vector<16xf32>
      %swap3A_281 = arith.index_cast %add3A_277 : i32 to index
      %swap3A_282 = tpu.vector_load %arg22[%swap3A_281] {strides = array<i32>} : memref<82176xf32, #tpu.memory_space<vmem>>, vector<16xf32>,
      tpu.vector_store %arg22[%swap3A_281], %mul3A_280 {strides = array<i32>} : memref<82176xf32, #tpu.memory_space<vmem>>, vector<16xf32>,
      %mul3A_283 = arith.constant 256 : i32
      %mul3A_284 = arith.muli %scan3A_143, %mul3A_283 : i32
      %add3A_285 = arith.constant 224 : i32
      %add3A_286 = arith.addi %mul3A_284, %add3A_285 : i32
      %get3A_287 = arith.index_cast %add3A_286 : i32 to index
      %get3A_288 = tpu.vector_load %arg22[%get3A_287] {strides = array<i32>} : memref<82176xf32, #tpu.memory_space<vmem>>, vector<16xf32>,
      %mul3A_289 = arith.mulf %get3A_288, %select_n3A : vector<16xf32>
      %swap3A_290 = arith.index_cast %add3A_286 : i32 to index
      %swap3A_291 = tpu.vector_load %arg22[%swap3A_290] {strides = array<i32>} : memref<82176xf32, #tpu.memory_space<vmem>>, vector<16xf32>,
      tpu.vector_store %arg22[%swap3A_290], %mul3A_289 {strides = array<i32>} : memref<82176xf32, #tpu.memory_space<vmem>>, vector<16xf32>,
      %mul3A_292 = arith.constant 256 : i32
      %mul3A_293 = arith.muli %scan3A_143, %mul3A_292 : i32
      %add3A_294 = arith.constant 240 : i32
      %add3A_295 = arith.addi %mul3A_293, %add3A_294 : i32
      %get3A_296 = arith.index_cast %add3A_295 : i32 to index
      %get3A_297 = tpu.vector_load %arg22[%get3A_296] {strides = array<i32>} : memref<82176xf32, #tpu.memory_space<vmem>>, vector<16xf32>,
      %mul3A_298 = arith.mulf %get3A_297, %select_n3A : vector<16xf32>
      %swap3A_299 = arith.index_cast %add3A_295 : i32 to index
      %swap3A_300 = tpu.vector_load %arg22[%swap3A_299] {strides = array<i32>} : memref<82176xf32, #tpu.memory_space<vmem>>, vector<16xf32>,
      tpu.vector_store %arg22[%swap3A_299], %mul3A_298 {strides = array<i32>} : memref<82176xf32, #tpu.memory_space<vmem>>, vector<16xf32>,
      %scan3A_301 = arith.constant 0 : i32
      scf.yield %scan3A_301 : i32
    }
    %scan3A_134 = arith.constant 320 : i32
    %lt3A = arith.constant 31 : i32
    %lt3A_135 = arith.cmpi slt, %add3A, %lt3A : i32
    %convert_element_type3A_136 = arith.extui %lt3A_135 : i1 to i32
    %cond3A_137 = arith.constant 0 : i32
    %cond3A_138 = arith.cmpi ne, %convert_element_type3A_136, %cond3A_137 : i32
    scf.if %cond3A_138 {
      %mul3A_143 = arith.constant 81920 : i32
      %mul3A_144 = arith.muli %add3A, %mul3A_143 : i32
      "tpu.region"() ({
        %run_scoped3A = tpu.sem_alloc : memref<!tpu.dma_semaphore, #tpu.memory_space<semaphore_mem>>
        %dma_start3A_145 = arith.constant 0 : i32
        %dma_start3A_146 = tpu.memref_slice %arg22[%dma_start3A_145] : memref<82176xf32, #tpu.memory_space<vmem>> -> memref<81920xf32, #tpu.memory_space<vmem>>
        %dma_start3A_147 = tpu.memref_slice %arg9[%mul3A_144] : memref<2560000xf32, #tpu.memory_space<hbm>> -> memref<81920xf32, #tpu.memory_space<hbm>>
        %dma_start3A_148 = tpu.memref_slice %arg9[%mul3A_144] : memref<2560000xf32, #tpu.memory_space<hbm>> -> memref<81920xf32, #tpu.memory_space<hbm>>
        %dma_start3A_149 = arith.constant 0 : i32
        %dma_start3A_150 = tpu.memref_slice %arg22[%dma_start3A_149] : memref<82176xf32, #tpu.memory_space<vmem>> -> memref<81920xf32, #tpu.memory_space<vmem>>
        tpu.enqueue_dma source(%dma_start3A_150 : memref<81920xf32, #tpu.memory_space<vmem>>) target(%dma_start3A_148 : memref<81920xf32, #tpu.memory_space<hbm>>) target_semaphore(%run_scoped3A : memref<!tpu.dma_semaphore, #tpu.memory_space<semaphore_mem>>)
        %dma_wait3A_151 = arith.constant 0 : i32
        %dma_wait3A_152 = tpu.memref_slice %arg22[%dma_wait3A_151] : memref<82176xf32, #tpu.memory_space<vmem>> -> memref<81920xf32, #tpu.memory_space<vmem>>
        %dma_wait3A_153 = tpu.memref_slice %arg9[%mul3A_144] : memref<2560000xf32, #tpu.memory_space<hbm>> -> memref<81920xf32, #tpu.memory_space<hbm>>
        %dma_wait3A_154 = tpu.memref_slice %arg9[%mul3A_144] : memref<2560000xf32, #tpu.memory_space<hbm>> -> memref<81920xf32, #tpu.memory_space<hbm>>
        %dma_wait3A_155 = arith.constant 0 : i32
        %dma_wait3A_156 = tpu.memref_slice %arg22[%dma_wait3A_155] : memref<82176xf32, #tpu.memory_space<vmem>> -> memref<81920xf32, #tpu.memory_space<vmem>>
        tpu.wait_dma2 semaphore(%run_scoped3A : memref<!tpu.dma_semaphore, #tpu.memory_space<semaphore_mem>>) src(%dma_wait3A_156 : memref<81920xf32, #tpu.memory_space<vmem>>) dst(%dma_wait3A_154 : memref<81920xf32, #tpu.memory_space<hbm>>)
        tpu.yield
      }) : () -> ()
    } else {
    }
    %eq3A = arith.constant 31 : i32
    %eq3A_139 = arith.cmpi eq, %add3A, %eq3A : i32
    %convert_element_type3A_140 = arith.extui %eq3A_139 : i1 to i32
    %cond3A_141 = arith.constant 0 : i32
    %cond3A_142 = arith.cmpi ne, %convert_element_type3A_140, %cond3A_141 : i32
    scf.if %cond3A_142 {
      %mul3A_143 = arith.constant 81920 : i32
      %mul3A_144 = arith.muli %add3A, %mul3A_143 : i32
      "tpu.region"() ({
        %run_scoped3A = tpu.sem_alloc : memref<!tpu.dma_semaphore, #tpu.memory_space<semaphore_mem>>
        %dma_start3A_145 = arith.constant 0 : i32
        %dma_start3A_146 = tpu.memref_slice %arg22[%dma_start3A_145] : memref<82176xf32, #tpu.memory_space<vmem>> -> memref<20480xf32, #tpu.memory_space<vmem>>
        %dma_start3A_147 = tpu.memref_slice %arg9[%mul3A_144] : memref<2560000xf32, #tpu.memory_space<hbm>> -> memref<20480xf32, #tpu.memory_space<hbm>>
        %dma_start3A_148 = tpu.memref_slice %arg9[%mul3A_144] : memref<2560000xf32, #tpu.memory_space<hbm>> -> memref<20480xf32, #tpu.memory_space<hbm>>
        %dma_start3A_149 = arith.constant 0 : i32
        %dma_start3A_150 = tpu.memref_slice %arg22[%dma_start3A_149] : memref<82176xf32, #tpu.memory_space<vmem>> -> memref<20480xf32, #tpu.memory_space<vmem>>
        tpu.enqueue_dma source(%dma_start3A_150 : memref<20480xf32, #tpu.memory_space<vmem>>) target(%dma_start3A_148 : memref<20480xf32, #tpu.memory_space<hbm>>) target_semaphore(%run_scoped3A : memref<!tpu.dma_semaphore, #tpu.memory_space<semaphore_mem>>)
        %dma_wait3A_151 = arith.constant 0 : i32
        %dma_wait3A_152 = tpu.memref_slice %arg22[%dma_wait3A_151] : memref<82176xf32, #tpu.memory_space<vmem>> -> memref<20480xf32, #tpu.memory_space<vmem>>
        %dma_wait3A_153 = tpu.memref_slice %arg9[%mul3A_144] : memref<2560000xf32, #tpu.memory_space<hbm>> -> memref<20480xf32, #tpu.memory_space<hbm>>
        %dma_wait3A_154 = tpu.memref_slice %arg9[%mul3A_144] : memref<2560000xf32, #tpu.memory_space<hbm>> -> memref<20480xf32, #tpu.memory_space<hbm>>
        %dma_wait3A_155 = arith.constant 0 : i32
        %dma_wait3A_156 = tpu.memref_slice %arg22[%dma_wait3A_155] : memref<82176xf32, #tpu.memory_space<vmem>> -> memref<20480xf32, #tpu.memory_space<vmem>>
        tpu.wait_dma2 semaphore(%run_scoped3A : memref<!tpu.dma_semaphore, #tpu.memory_space<semaphore_mem>>) src(%dma_wait3A_156 : memref<20480xf32, #tpu.memory_space<vmem>>) dst(%dma_wait3A_154 : memref<20480xf32, #tpu.memory_space<hbm>>)
        tpu.yield
      }) : () -> ()
    } else {
    }
    return
  }
}

module attributes {stable_mosaic.version = 14 : i64} {
  func.func @_tc_body(%arg0: i32, %arg1: memref<1000x256xf32, #tpu.memory_space<vmem>>, %arg2: memref<256x256xf32, #tpu.memory_space<vmem>>, %arg3: memref<1x256xf32, #tpu.memory_space<vmem>>, %arg4: memref<1000x256xf32, #tpu.memory_space<vmem>>) attributes {dimension_semantics = [#tpu.dimension_semantics<arbitrary>], iteration_bounds = array<i64: 10>, scalar_prefetch = 0 : i64, scratch_operands = 0 : i64, tpu.core_type = #tpu.core_type<tc>, window_params = [{transform_indices = @transform_0, window_bounds = array<i64: 1000, 256>}, {pipeline_mode = #tpu.pipeline_mode<synchronous>, transform_indices = @transform_1, window_bounds = array<i64: 256, 256>}, {pipeline_mode = #tpu.pipeline_mode<synchronous>, transform_indices = @transform_2, window_bounds = array<i64: 1, 256>}, {transform_indices = @transform_3, window_bounds = array<i64: 1000, 256>}]} {
    %get3A = arith.constant 0 : index
    %get3A_0 = arith.constant 0 : index
    %get3A_1 = vector.load %arg1[%get3A, %get3A_0] : memref<1000x256xf32, #tpu.memory_space<vmem>>, vector<1000x256xf32>
    %get3A_2 = arith.constant 0 : index
    %get3A_3 = arith.constant 0 : index
    %get3A_4 = vector.load %arg2[%get3A_2, %get3A_3] : memref<256x256xf32, #tpu.memory_space<vmem>>, vector<256x256xf32>
    %dot_general3A = arith.constant dense<0.000000e+00> : vector<1000x256xf32>
    %dot_general3A_5 = tpu.matmul %get3A_1, %get3A_4, %dot_general3A {dimension_numbers = #tpu.dot_dimension_numbers<[1], [1], [0], [0], [0, 0, 1, 0], [], []>, precision = #tpu.contract_precision<fp32>, transpose_lhs_hint = false} : vector<1000x256xf32>, vector<256x256xf32>, vector<1000x256xf32> -> vector<1000x256xf32>
    %get3A_6 = arith.constant 0 : index
    %get3A_7 = arith.constant 0 : index
    %get3A_8 = vector.load %arg3[%get3A_6, %get3A_7] : memref<1x256xf32, #tpu.memory_space<vmem>>, vector<1x256xf32>
    %add3A = vector.broadcast %get3A_8 : vector<1x256xf32> to vector<1000x256xf32>
    %add3A_9 = arith.addf %dot_general3A_5, %add3A : vector<1000x256xf32>
    %swap3A = arith.constant 0 : index
    %swap3A_10 = arith.constant 0 : index
    %swap3A_11 = vector.load %arg4[%swap3A, %swap3A_10] : memref<1000x256xf32, #tpu.memory_space<vmem>>, vector<1000x256xf32>
    tpu.vector_store %arg4[%swap3A, %swap3A_10], %add3A_9 {strides = array<i32>} : memref<1000x256xf32, #tpu.memory_space<vmem>>, vector<1000x256xf32>,
    return
  }
  func.func @transform_0(%arg0: i32) -> (i32, i32) {
    %c0_i32 = arith.constant 0 : i32
    %c0_i32_0 = arith.constant 0 : i32
    return %arg0, %c0_i32 : i32, i32
  }
  func.func @transform_1(%arg0: i32) -> (i32, i32) {
    %c0_i32 = arith.constant 0 : i32
    %c0_i32_0 = arith.constant 0 : i32
    %c0_i32_1 = arith.constant 0 : i32
    return %c0_i32, %c0_i32_0 : i32, i32
  }
  func.func @transform_2(%arg0: i32) -> (i32, i32) {
    %c0_i32 = arith.constant 0 : i32
    %c0_i32_0 = arith.constant 0 : i32
    %c0_i32_1 = arith.constant 0 : i32
    return %c0_i32, %c0_i32_0 : i32, i32
  }
  func.func @transform_3(%arg0: i32) -> (i32, i32) {
    %c0_i32 = arith.constant 0 : i32
    %c0_i32_0 = arith.constant 0 : i32
    return %arg0, %c0_i32 : i32, i32
  }
}

</mosaic_0001>

<sc_bundles>
// kernel: kernel.4.cloned.1.call-start
scs
__scs_entry_jumppad:
0x0: {  	(pc) =	sbr.rel $0x88, $3  }
0x1: {  	(tag) =	ssettag $0x0;
	lr =	simm.s32 $0x1  }
0x2: {  	[smem:$0x3F9B] =	sst lr;
	_ =	strace $0xD0000000  }
0x3: {  	_ = 	snop  }
0x4: {  	_ = 	snop  }
0x5: {  	_ = 	snop  }
0x6: {  	_ = 	snop  }
0x7: {  	_ = 	snop  }
__scs_overlays_trampoline_lowered:
0x8: {  	[smem:$0x3FAA] =	sst s0  }
0x9: {  	[smem:$0x3FAB] =	sst s1  }
0xa: {  	[smem:$0x3FAC] =	sst s2  }
0xb: {  	[smem:$0x3FAD] =	sst s3  }
0xc: {  	[smem:$0x3FAE] =	sst s4  }
0xd: {  	[smem:$0x3FAF] =	sst s5  }
0xe: {  	[smem:$0x3FB0] =	sst s6  }
0xf: {  	[smem:$0x3FB1] =	sst s7  }
0x10: {  	[smem:$0x3FB2] =	sst s8  }
0x11: {  	[smem:$0x3FB3] =	sst s9;
	s0 =	simm.s32 @!p0 $0x0  }
0x12: {  	s1 =	sld [smem:$0x3F99];
	s0 =	simm.s32 @p0 $0x1  }
0x13: {  	[smem:$0x3FB4] =	sst s0;
	s0 =	simm.s32 @!p1 $0x0  }
0x14: {  	s2 =	sld [smem:$0x3F98];
	s0 =	simm.s32 @p1 $0x1  }
0x15: {  	[smem:$0x3FB5] =	sst s0;
	s0 =	simm.s32 @!p2 $0x0  }
0x16: {  	s3 =	sld [smem:$0x3FDB];
	s0 =	simm.s32 @p2 $0x1  }
0x17: {  	s4 =	simm.s32 $0x1BF5;
	[smem:$0x3FB7] =	sst s0  }
0x18: {  	s0 =	sld [smem:$0x3F9A];
	_ =	swait.ge [sflag:s4], $0x0  }
0x19: {  	s7 =	sld [smem:$0x3F9B]  }
0x1a: {  	s8 =	sadd.s32 $0xFFFFE003, lr  }
0x1b: {  	s9 =	sadd.s32 $0xFFFFFEF7, lr;
	s5 =	simm.s32 $0xFFFFFFFF;
	p2 =	slt.u32 s8, $0xFFFFF086  }
0x1c: {  	p1 =	slt.u32 s9, $0xF7A;
	s5 =	simm.s32 @!p2 $0x0  }
0x1d: {  	s5 =	simm.s32 @p1 $0x1;
	p0 =	seq.s32 s7, s2  }
0x1e: {  	s7 =	smul.u32 @!p0 $0xF7A, s2;
	p2 =	seq.s32 @!p0 s5, $0x0  }
0x1f: {  	s9 =	smul.u32 $0xF7A, s1;
	s8 =	simm.s32 @!p0 $0x1BF5;
	p2 =	por !p2, p0  }
0x20: {  	[sflag:s8] =	ssyncset.s32 @!p0 $0xFFFFF086;
	s6 =	sadd.s32 @!p0 s3, s7;
	s7 =	simm.s32 @!p0 $0x108  }
0x21: {  	s3 =	sadd.s32 s3, s9;
	s6 =	sadd.s32 @!p0 $0x88, s6;
	s7 =	simm.s32 @p2 $0x1082  }
0x22: {  	[simem:s7], [sflag:s8] =	dma.local @!p0 [hbm:s6], $0xF7A  }
0x23: {  	s9 =	sor.u32 $0xD0000000, s2;
	s6 =	simm.s32 $0x108;
	_ =	swait.ge @!p0 [sflag:s8], $0x0  }
0x24: {  	s3 =	sadd.s32 $0x88, s3;
	s6 =	simm.s32 @!p1 $0x1082;
	[sflag:s4] =	ssyncset.s32 $0xFFFFF086  }
0x25: {  	[simem:s6], [sflag:s4] =	dma.local [hbm:s3], $0xF7A  }
0x26: {  	[smem:$0x3F9B] =	sst s1;
	(tag) =	ssettag s2;
	_ =	strace s9  }
0x27: {  	s1 =	sld [smem:$0x3FAB]  }
0x28: {  	s2 =	sld [smem:$0x3FAC]  }
0x29: {  	s4 =	sld [smem:$0x3FAE]  }
0x2a: {  	p0 =	seq.s32 s5, $0x0;
	s5 =	sld [smem:$0x3FAF]  }
0x2b: {  	s6 =	sld [smem:$0x3FB0]  }
0x2c: {  	s7 =	sld [smem:$0x3FB1]  }
0x2d: {  	s3 =	simm.s32 $0x108;
	s8 =	sld [smem:$0x3FB2]  }
0x2e: {  	s3 =	simm.s32 @!p0 $0x1082;
	s9 =	sld [smem:$0x3FB3]  }
0x2f: {  	lr =	sadd.s32 s0, s3;
	s0 =	sld [smem:$0x3FAA]  }
0x30: {  	s3 =	sld [smem:$0x3FAD]  }
0x31: {  	[smem:$0x3FB6] =	sst s10  }
0x32: {  	s10 =	sld [smem:$0x3FB4];
	_ =	sdelay $0x3  }
0x33: {  	p0 =	seq.s32 s10, $0x1;
	s10 =	sld [smem:$0x3FB6];
	_ =	sdelay $0x3  }
0x34: {  	[smem:$0x3FB6] =	sst s10  }
0x35: {  	s10 =	sld [smem:$0x3FB5];
	_ =	sdelay $0x3  }
0x36: {  	p1 =	seq.s32 s10, $0x1;
	s10 =	sld [smem:$0x3FB6];
	_ =	sdelay $0x3  }
0x37: {  	[smem:$0x3FB6] =	sst s10  }
0x38: {  	s10 =	sld [smem:$0x3FB7]  }
0x39: {  	_ = 	snop;
	(pc) =	sbr.ind lr, $3  }
0x3a: {  	_ = 	snop  }
0x3b: {  	_ = 	snop  }
0x3c: {  	p2 =	seq.s32 s10, $0x1;
	s10 =	sld [smem:$0x3FB6]  }
0x3d: {  	_ =	shalt  }
0x3e: {  	_ =	shalt  }
0x3f: {  	_ =	shalt  }
0x40: {  	_ =	shalt  }
0x41: {  	_ =	shalt  }
0x42: {  	_ =	shalt  }
0x43: {  	_ =	shalt  }
0x44: {  	_ =	shalt  }
0x45: {  	_ =	shalt  }
0x46: {  	_ =	shalt  }
0x47: {  	_ =	shalt  }
0x48: {  	_ =	shalt  }
0x49: {  	_ =	shalt  }
0x4a: {  	_ =	shalt  }
0x4b: {  	_ =	shalt  }
0x4c: {  	_ =	shalt  }
0x4d: {  	_ =	shalt  }
0x4e: {  	_ =	shalt  }
0x4f: {  	_ =	shalt  }
0x50: {  	_ =	shalt  }
0x51: {  	_ =	shalt  }
0x52: {  	_ =	shalt  }
0x53: {  	_ =	shalt  }
0x54: {  	_ =	shalt  }
0x55: {  	_ =	shalt  }
0x56: {  	_ =	shalt  }
0x57: {  	_ =	shalt  }
0x58: {  	_ =	shalt  }
0x59: {  	_ =	shalt  }
0x5a: {  	_ =	shalt  }
0x5b: {  	_ =	shalt  }
0x5c: {  	_ =	shalt  }
0x5d: {  	_ =	shalt  }
0x5e: {  	_ =	shalt  }
0x5f: {  	_ =	shalt  }
0x60: {  	_ =	shalt  }
0x61: {  	_ =	shalt  }
0x62: {  	_ =	shalt  }
0x63: {  	_ =	shalt  }
0x64: {  	_ =	shalt  }
0x65: {  	_ =	shalt  }
0x66: {  	_ =	shalt  }
0x67: {  	_ =	shalt  }
0x68: {  	_ =	shalt  }
0x69: {  	_ =	shalt  }
0x6a: {  	_ =	shalt  }
0x6b: {  	_ =	shalt  }
0x6c: {  	_ =	shalt  }
0x6d: {  	_ =	shalt  }
0x6e: {  	_ =	shalt  }
0x6f: {  	_ =	shalt  }
0x70: {  	_ =	shalt  }
0x71: {  	_ =	shalt  }
0x72: {  	_ =	shalt  }
0x73: {  	_ =	shalt  }
0x74: {  	_ =	shalt  }
0x75: {  	_ =	shalt  }
0x76: {  	_ =	shalt  }
0x77: {  	_ =	shalt  }
0x78: {  	_ =	shalt  }
0x79: {  	_ =	shalt  }
0x7a: {  	_ =	shalt  }
0x7b: {  	_ =	shalt  }
0x7c: {  	_ =	shalt  }
0x7d: {  	_ =	shalt  }
0x7e: {  	_ =	shalt  }
0x7f: {  	_ =	shalt  }
0x80: {  	_ =	shalt  }
0x81: {  	_ =	shalt  }
0x82: {  	_ =	shalt  }
0x83: {  	_ =	shalt  }
0x84: {  	_ =	shalt  }
0x85: {  	_ =	shalt  }
0x86: {  	_ =	shalt  }
0x87: {  	_ =	shalt  }
.Lfunc_end0:
.L_simem_size_0:
called_computation_lowered:
.L_overlay_start_0:
0x88: {  	s2 =	sld [smem:$0x3FD9]  }
0x89: {  	s3 =	sld [smem:$0x3FFE];
	_ =	sdelay $0x1  }
0x8a: {  	s1 =	srdreg.scid  }
0x8b: {  	s0 =	sand.u32 $0x1, s1  }
0x8c: {  	s17 =	sshll.u32 s0, $0xA;
	s2 =	sadd.s32 s3, s2  }
0x8d: {  	s2 =	sadd.s32 s2, s17  }
0x8e: {  	[smem:$0x3FC2] =	sst s2  }
0x8f: {  	_ = 	snop  }
0x90: {  	s2 =	sld [smem:$0x3FD0];
	(tm) =	ssettm $0x1  }
0x91: {  	s18 =	sld [smem:$0x3FFB];
	_ =	sdelay $0x3  }
0x92: {  	_ =	strace s18  }
0x93: {  	s3 =	sld [smem:$0x3FFC];
	_ =	sdelay $0x3  }
0x94: {  	_ =	strace s3  }
0x95: {  	s3 =	sld [smem:$0x3FFD];
	_ =	sdelay $0x3  }
0x96: {  	_ =	strace s3  }
0x97: {  	_ =	strace $0x8FFFFFFF  }
0x98: {  	s19 =	sld [smem:$0x3FDB];
	_ =	sdelay $0x1  }
0x99: {  	s4 =	simm.s32 $_scs_section_size  }
0x9a: {  	s5 =	simm.s32 $_size__tile_overlayer_lowered;
	s6 =	simm.s32 $_tile_overlayer_lowered  }
0x9b: {  	s22 =	simm.s32 $0x1BFF;
	s21 =	sshll.u32 s6, $0x1;
	s3 =	sadd.s32 s4, s19  }
0x9c: {  	s7 =	simm.s32 $0x0;
	s20 =	sshll.u32 s5, $0x1;
	s5 =	sadd.s32 s21, s3  }
0x9d: {  	[timem:s7], [sflag:s22] =	dma.local [hbm:s5], s20  }
0x9e: {  	_ =	swait.ge [sflag:s22], s20  }
0x9f: {  	s4 =	ssub.s32 $0x0, s20;
	[sflag:s22] =	ssyncset.done $0x0  }
0xa0: {  	[sflag:s22] =	ssyncadd.s32 s4;
	_ =	sdelay $0x1  }
0xa1: {  	s23 =	simm.s32 $0x1B8B  }
0xa2: {  	_ =	swait.ge [sflag:s23], $0x1  }
0xa3: {  	[sflag:s23] =	ssyncset.done $0x0  }
0xa4: {  	s25 =	simm.s32 $0x1B8E;
	s24 =	sld [smem:$0x3FFE];
	[sflag:s23] =	ssyncadd.s32 $0xFFFFFFFF  }
0xa5: {  	s26 =	simm.s32 $execute0_lowered;
	[smem:$0x3FD2] =	sst s25  }
0xa6: {  	s5 =	sshll.u32 s26, $0x1;
	_ =	strace $0x80000046;
	[dreg:$0x1] =	wrdreg $0xFFFFFFFF  }
0xa7: {  	s28 =	simm.s32 $_size_execute0_lowered;
	s3 =	sadd.s32 s3, s5;
	[dreg:$0x0] =	wrdreg $0x0  }
0xa8: {  	s5 =	sshll.u32 s28, $0x1;
	[dreg:$0x2] =	wrdreg s3  }
0xa9: {  	[dreg:$0x3] =	wrdreg s5  }
0xaa: {  	[dreg:$0x4] =	wrdreg $0xC0  }
0xab: {  	_ =	task [dreg:s7], $0x5FFFF  }
0xac: {  	[dreg:$0x1] =	wrdreg $0xFFFFFFFF  }
0xad: {  	[dreg:$0x0] =	wrdreg $0x60  }
0xae: {  	[dreg:$0x2] =	wrdreg s2  }
0xaf: {  	[dreg:$0x3] =	wrdreg s24  }
0xb0: {  	[dreg:$0x4] =	wrdreg $0x19F800  }
0xb1: {  	[dreg:$0x5] =	wrdreg $0x1C8200  }
0xb2: {  	[dreg:$0x6] =	wrdreg $0x1F0C00  }
0xb3: {  	[dreg:$0x7] =	wrdreg $0x9  }
0xb4: {  	_ =	task.clear_ibuf [dreg:s7], $0x8FFFF;
	_ =	strace $0x90000046  }
0xb5: {  	s29 =	simm.s32 $0x9;
	_ =	strace $0x80000048  }
0xb6: {  	_ =	swait.ge [sflag:s29], $0x1  }
0xb7: {  	[sflag:s29] =	ssyncadd.s32 $0xFFFFFFFF  }
0xb8: {  	_ =	strace $0x90000048  }
0xb9: {  	_ =	sfence  }
0xba: {  	s30 =	sld [smem:$0x0];
	_ =	sdelay $0x2  }
0xbb: {  	s31 =	sshll.u32 s1, $0xD;
	s1 =	sshrl.u32 s1, $0x2  }
0xbc: {  	s3 =	sand.u32 $0x4000, s31;
	s1 =	sadd.s32 s1, s30  }
0xbd: {  	s0 =	sor.u32 s3, s0;
	s1 =	sshll.u32 s1, $0x11  }
0xbe: {  	s0 =	sor.u32 s1, s0  }
0xbf: {  	s0 =	sadd.s32 $0x8F2B, s0  }
0xc0: {  	[sflag:s0] =	ssyncadd.remote.s32 $0x1  }
0xc1: {  	_ =	sfence.sel $0xFFFF  }
0xc2: {  	[dreg:$0x0] =	wrdreg $0xFFFFFFFF;
	(pc) =	sbr.abs _section_cstart, $3  }
0xc3: {  	[dreg:$0x1] =	wrdreg $0xFFFFFFFF  }
0xc4: {  	_ =	task.clear_ibuf [dreg:s7], $0x2FFFF;
	_ =	strace $0x9FFFFFFF  }
0xc5: {  	(tm) =	ssettm $0x7FFFFFFF  }
tec
execute0_lowered:
.L_overlay_start_1:
0x0: {  	(tag) =	ssettag $0x1  }
0x1: {  	s8 =	rddreg [dreg:$0x1]  }
0x2: {  	s14 =	rddreg [dreg:$0x2]  }
0x3: {  	s15 =	rddreg [dreg:$0x3]  }
0x4: {  	s9 =	rddreg [dreg:$0x4];
	s0 =	srdreg.scid;
	s16 =	simm.s32 $0x0  }
0x5: {  	s10 =	stileid.u32;
	[smem:$0x7FF] =	sst s16;
	s3 =	sadd.s32 $0xAC00, s8  }
0x6: {  	s21 =	sadd.s32 $0xA800, s8;
	_ =	strace $0x80000047;
	[dreg:$0x11] =	wrdreg s3  }
0x7: {  	s4 =	sand.u32 $0x1, s0;
	s5 =	sadd.s32 $0xA600, s8;
	[dreg:$0x12] =	wrdreg s21  }
0x8: {  	s11 =	sadd.s32 $0x5600, s8;
	s22 =	smul.u32 $0x2710, s10;
	[dreg:$0x13] =	wrdreg s5  }
0x9: {  	s12 =	sadd.s32 $0x600, s8;
	s17 =	smul.u32 $0x28A0, s10;
	[dreg:$0xe] =	wrdreg s4  }
0xa: {  	s28 =	sshll.u32 s10, $0x5;
	s30 =	sadd.s32 $0x5AC00, s8;
	[dreg:$0xf] =	wrdreg s11  }
0xb: {  	s0 =	sshll.u32 s4, $0x4;
	s4 =	ssub.s32 $0x2, s4;
	[dreg:$0x10] =	wrdreg s12  }
0xc: {  	s5 =	sadd.s32 s28, s9;
	[dreg:$0x1d] =	wrdreg s30;
	s21 =	simm.s32 $0x3180  }
0xd: {  	s1 =	sor.u32 s10, s0;
	s23 =	sshrl.u32 s4, $0x1;
	[dreg:$0x1a] =	wrdreg s5  }
0xe: {  	v3 =	vlaneseq.u32;
	s7 =	sshrl.u32 s22, $0x3;
	s26 =	sadd.s32 $0x190, s22;
	[dreg:$0x15] =	wrdreg s17  }
0xf: {  	v4 =	vimm.f32 $1.000000000e+00;
	vm0 =	vmmov $0xffff;
	v5 =	vand.u32 $0x7, v3;
	s18 =	sadd.s32 $0x2710, s17;
	s3 =	sadd.s32 $0x320, s22;
	[dreg:$0x17] =	wrdreg s26  }
0x10: {  	v6 =	vshrl.u32 v3, $0x3;
	v7 =	vor.u32 $0x8, v3;
	v8 =	vor.u32 $0x10, v3;
	s5 =	sadd.s32 $0x10, s5;
	s2 =	smul.u32 $0x2800, s1;
	[dreg:$0x19] =	wrdreg s3  }
0x11: {  	v9 =	vor.u32 $0x20, v3;
	v10 =	vor.u32 $0x30, v3;
	v11 =	vor.u32 $0x40, v3;
	s0 =	sor.u32 $0x3800, s0;
	s6 =	smul.u32 $0x140, s1;
	[dreg:$0x1b] =	wrdreg s5  }
0x12: {  	v12 =	vor.u32 $0x50, v3;
	v13 =	vor.u32 $0x60, v3;
	v14 =	vor.u32 $0x70, v3;
	s4 =	ssub.s32 s4, s23;
	s24 =	sadd.s32 s11, s7;
	[dreg:$0x18] =	wrdreg s18  }
0x13: {  	v15 =	vor.u32 $0x80, v3;
	v16 =	vor.u32 $0x90, v3;
	v17 =	vor.u32 $0xA0, v3;
	s25 =	sadd.s32 s12, s7;
	p0 =	seq.s32 s1, $0x1F;
	[dreg:$0x14] =	wrdreg s24  }
0x14: {  	v18 =	vor.u32 $0xB0, v3;
	v19 =	vor.u32 $0xC0, v3;
	v20 =	vor.u32 $0xD0, v3;
	[dreg:$0x16] =	wrdreg s25;
	s31 =	smax.u32 s4, $0x1;
	s2 =	sadd.s32 s2, s8  }
0x15: {  	v21 =	vor.u32 $0xE0, v3;
	v22 =	vor.u32 $0xF0, v3;
	v6 =	vmul.u32 $0x8, v6;
	s29 =	sadd.s32 $0x140, s6;
	[dreg:$0x1e] =	wrdreg s31;
	s2 =	sadd.s32 $0xD400, s2  }
0x16: {  	v2 =	vmov s0;
	s25 =	simm.s32 $0x4A00;
	v0 =	vmov s6;
	v1 =	vmov s29;
	[dreg:$0x1c] =	wrdreg s2;
	s2 =	simm.s32 $0x0  }
.LBB2_1:
0x17: {  	[dreg:$0x1f] =	wrdreg s2  }
0x18: {  	s0 =	rddreg [dreg:$0x11]  }
0x19: {  	[tilespmem:s25], [sflag:$0x5] =	stream.linear.gather [hbm4b:s0+s16], $0x14000, $0x38;
	[tilespmem:$0x1F0E0] =	vst v63  }
0x1a: {  	s20 =	rddreg [dreg:$0x12];
	s1 =	simm.s32 $0x18B00  }
0x1b: {  	[tilespmem:s1], [sflag:$0x6] =	stream.linear.gather [hbm4b:s20+s16], $0x1400, $0x38;
	[tilespmem:$0x1F0E0] =	vst v63  }
0x1c: {  	s22 =	rddreg [dreg:$0x1];
	s23 =	simm.s32 $0x7  }
0x1d: {  	[tilespmem:s16], [sflag:$0x7] =	stream.linear.gather [hbm4b:s22+s16], $0x2780, $0x38;
	[tilespmem:$0x1F0E0] =	vst v63  }
0x1e: {  	_ =	swait.ge [sflag:s23], $0x2780  }
0x1f: {  	[sflag:s23] =	ssyncset.done $0x0  }
0x20: {  	s26 =	simm.s32 $0x19F00;
	s24 =	rddreg [dreg:$0x13];
	[sflag:s23] =	ssyncadd.s32 $0xFFFFD880  }
0x21: {  	[tilespmem:s26], [sflag:$0x7] =	stream.linear.gather [hbm4b:s24+s16], $0x80, $0x38;
	[tilespmem:$0x1F0E0] =	vst v63  }
0x22: {  	s29 =	simm.s32 $0x2780;
	s31 =	simm.s32 $0x2980;
	_ =	swait.ge [sflag:s23], $0x80  }
0x23: {  	s5 =	simm.s32 $0x0;
	s6 =	simm.s32 $0x0;
	[sflag:s23] =	ssyncset.done $0x0  }
0x24: {  	s2 =	simm.s32 $0x0;
	s28 =	rddreg [dreg:$0x14];
	[sflag:s23] =	ssyncadd.s32 $0xFFFFFF80  }
0x25: {  	[tilespmem:s29], [sflag:$0x1] =	stream.linear.gather [hbm4b:s28+s16], $0x190, $0x38;
	[tilespmem:$0x1F0E0] =	vst v63  }
0x26: {  	s9 =	simm.s32 $0x0;
	s0 =	simm.s32 $0x0;
	s30 =	rddreg [dreg:$0x16]  }
0x27: {  	[tilespmem:s31], [sflag:$0x2] =	stream.linear.gather [hbm4b:s30+s16], $0x190, $0x38;
	[tilespmem:$0x1F0E0] =	vst v63  }
.LBB2_2:
0x28: {  	s8 =	smul.u32 $0x320, s0  }
0x29: {  	s1 =	rddreg [dreg:$0x17]  }
0x2a: {  	s1 =	sadd.s32 s8, s1  }
0x2b: {  	s3 =	rddreg [dreg:$0xf];
	s4 =	simm.s32 $0x0;
	s1 =	sshrl.u32 s1, $0x3  }
0x2c: {  	s7 =	simm.s32 $0x2B80;
	s22 =	rddreg [dreg:$0x10];
	s3 =	sadd.s32 s3, s1  }
0x2d: {  	[tilespmem:s7], [sflag:$0x3] =	stream.linear.gather [hbm4b:s3+s4], $0x190, $0x38;
	[tilespmem:$0x1F0E0] =	vst v63  }
0x2e: {  	s23 =	simm.s32 $0x2D80;
	s24 =	simm.s32 $0x1;
	s1 =	sadd.s32 s22, s1  }
0x2f: {  	[tilespmem:s23], [sflag:$0x4] =	stream.linear.gather [hbm4b:s1+s4], $0x190, $0x38;
	[tilespmem:$0x1F0E0] =	vst v63  }
0x30: {  	_ =	swait.ge [sflag:s24], $0x190  }
0x31: {  	[sflag:s24] =	ssyncset.done $0x0  }
0x32: {  	s26 =	simm.s32 $0x2;
	[sflag:s24] =	ssyncadd.s32 $0xFFFFFE70  }
0x33: {  	_ =	swait.ge [sflag:s26], $0x190  }
0x34: {  	[sflag:s26] =	ssyncset.done $0x0  }
0x35: {  	s28 =	simm.s32 $0x0;
	[sflag:s26] =	ssyncadd.s32 $0xFFFFFE70  }
0x36: {  	v23 =	vld [tilespmem:s28+$0x2780];
	_ =	sdelay $0x6  }
0x37: {  	v25 =	vld [tilespmem:s28+$0x2980]  }
0x38: {  	v24 =	vld.idx.msk [tilespmem:v23+s16+$0x0], $0xffff;
	_ =	sdelay $0x4  }
0x39: {  	vm2 =	vlt.s32 v25, $0x1400;
	vm1 =	vlt.s32 v24, $0x3E9  }
0x3a: {  	vm2 =	vmand vm2, vm1  }
0x3b: {  	v24 =	vmpcnt.ones.xlane vm2;
	_ =	sdelay $0x1  }
0x3c: {  	vm3 =	vgt.s32 v25, $0x13FF;
	v24 =	vxor.u32 $0x80000000, v24  }
0x3d: {  	vm1 =	vmand vm3, vm1;
	(xrf0) =	vmax.scan.msk.u32 $0xffff, v24  }
0x3e: {  	v24 =	vmpcnt.ones.xlane vm1;
	_ =	sdelay $0x1  }
0x3f: {  	v24 =	vxor.u32 $0x80000000, v24;
	_ =	sdelay $0x2  }
0x40: {  	(xrf0) =	vmax.scan.msk.u32 $0xffff, v24;
	v24, _, _ =	vpop (xrf0)  }
0x41: {  	(v2sf) =	vpush v24, $0xF;
	_ =	sdelay $0x4  }
0x42: {  	v24, _, _ =	vpop (xrf0)  }
0x43: {  	(v2sf) =	vpush v24, $0xF;
	_ =	sdelay $0x8  }
0x44: {  	s29 =	spop (v2sf)  }
0x45: {  	s1 =	sadd.s32 s29, s9  }
0x46: {  	s1 =	sadd.s32 $0x80000000, s1  }
0x47: {  	p1 =	slt.s32 s1, $0x190  }
0x48: {  	[tilespmem:s9+$0x2F80] =	vst.msk vm2, v23;
	s3 =	smul.u32 @!p1 $0x190, s2  }
0x49: {  	[tilespmem:s9+$0x3180] =	vst.msk vm2, v25  }
0x4a: {  	[tilespmem:s6+$0x3380] =	vst.msk vm1, v23;
	s30 =	spop (v2sf);
	s3 =	sadd.s32 @!p1 s17, s3  }
0x4b: {  	[tilespmem:s6+$0x3580] =	vst.msk vm1, v25;
	s9 =	simm.s32 @!p1 $0x2F80;
	s10 =	simm.s32 @!p1 $0x7;
	s7 =	sadd.s32 @!p1 s3, s14  }
0x4c: {  	[spmem:s7] =	stream.linear.scatter @!p1 [tilespmem:s9], [sflag:$0x7], $0x190, $0x38;
	[tilespmem:$0x1F0E0] =	vst v63  }
0x4d: {  	_ =	swait.ge @!p1 [sflag:s10], $0x190  }
0x4e: {  	[sflag:s10] =	ssyncset.done @!p1 $0x0  }
0x4f: {  	s3 =	sadd.s32 @!p1 s3, s15;
	s7 =	simm.s32 @!p1 $0x3180;
	[sflag:s10] =	ssyncadd.s32 @!p1 $0xFFFFFE70  }
0x50: {  	[spmem:s3] =	stream.linear.scatter @!p1 [tilespmem:s7], [sflag:$0x7], $0x190, $0x38;
	[tilespmem:$0x1F0E0] =	vst v63  }
0x51: {  	_ =	swait.ge @!p1 [sflag:s10], $0x190  }
0x52: {  	[sflag:s10] =	ssyncset.done @!p1 $0x0  }
0x53: {  	[sflag:s10] =	ssyncadd.s32 @!p1 $0xFFFFFE70  }
0x54: {  	s31 =	sadd.s32 s30, s6;
	v23 =	vld @!p1 [tilespmem:$0x3110]  }
0x55: {  	s6 =	sadd.s32 $0x80000000, s31;
	v24 =	vld @!p1 [tilespmem:$0x3310]  }
0x56: {  	p2 =	slt.s32 s6, $0x190  }
0x57: {  	s3 =	smul.u32 @!p2 $0xFFFFFE70, s5;
	_ =	sdelay $0x1  }
0x58: {  	s4 =	sadd.s32 @!p2 s3, s18;
	[tilespmem:$0x2F80] =	vst @!p1 v23  }
0x59: {  	s9 =	simm.s32 @!p2 $0x7;
	s7 =	simm.s32 @!p2 $0x3380;
	s3 =	sadd.s32 @!p2 s4, s14;
	[tilespmem:$0x3180] =	vst @!p1 v24  }
0x5a: {  	[spmem:s3] =	stream.linear.scatter @!p2 [tilespmem:s7], [sflag:$0x7], $0x190, $0x38;
	[tilespmem:$0x1F0E0] =	vst v63  }
0x5b: {  	_ =	swait.ge @!p2 [sflag:s9], $0x190  }
0x5c: {  	p3 =	sgt.s32 s6, $0x18F;
	[sflag:s9] =	ssyncset.done @!p2 $0x0  }
0x5d: {  	s4 =	sadd.s32 @!p2 s4, s15;
	s7 =	simm.s32 @!p2 $0x3580;
	[sflag:s9] =	ssyncadd.s32 @!p2 $0xFFFFFE70  }
0x5e: {  	[spmem:s4] =	stream.linear.scatter @!p2 [tilespmem:s7], [sflag:$0x7], $0x190, $0x38;
	[tilespmem:$0x1F0E0] =	vst v63  }
0x5f: {  	s10 =	simm.s32 $0x1;
	p1 =	sgt.s32 s1, $0x18F;
	_ =	swait.ge @!p2 [sflag:s9], $0x190  }
0x60: {  	s3 =	simm.s32 $0x40;
	s7 =	simm.s32 $0x1;
	[sflag:s9] =	ssyncset.done @!p2 $0x0  }
0x61: {  	s10 =	simm.s32 @!p1 $0x0;
	s7 =	simm.s32 @!p3 $0x0;
	[sflag:s9] =	ssyncadd.s32 @!p2 $0xFFFFFE70  }
0x62: {  	s4 =	sadd.s32 $0xFFFFFE70, s6;
	s5 =	sadd.s32 s7, s5;
	s7 =	sadd.s32 $0xFFFFFE70, s1;
	v23 =	vld @!p2 [tilespmem:$0x3510]  }
0x63: {  	s2 =	sadd.s32 s10, s2;
	s6 =	smov.u32 @p3 s4;
	s1 =	smov.u32 @p1 s7;
	v24 =	vld @!p2 [tilespmem:$0x3710]  }
.LBB2_3:
0x64: {  	_ =	sdelay $0x1  }
0x65: {  	s4 =	smov.u32 s3;
	s3 =	sadd.s32 $0x40, s3  }
0x66: {  	p1 =	sne.s32 s3, $0x640;
	[tilespmem:$0x3380] =	vst @!p2 v23  }
0x67: {  	s4 =	sshra.s32 s4, $0x2;
	[tilespmem:$0x3580] =	vst @!p2 v24  }
0x68: {  	v23 =	vld [tilespmem:s4+$0x2780];
	_ =	sdelay $0x7  }
0x69: {  	v24 =	vld.idx.msk [tilespmem:v23+s16+$0x0], $0xffff  }
0x6a: {  	v25 =	vld [tilespmem:s4+$0x2980];
	_ =	sdelay $0x4  }
0x6b: {  	vm1 =	vlt.s32 v24, $0x3E9;
	vm2 =	vlt.s32 v25, $0x1400;
	vm3 =	vgt.s32 v25, $0x13FF  }
0x6c: {  	vm2 =	vmand vm2, vm1;
	vm1 =	vmand vm3, vm1  }
0x6d: {  	[tilespmem:s1+$0x2F80] =	vst.msk vm2, v23;
	v24 =	vmpcnt.ones.xlane vm2;
	v26 =	vmpcnt.ones.xlane vm1  }
0x6e: {  	[tilespmem:s1+$0x3180] =	vst.msk vm2, v25  }
0x6f: {  	[tilespmem:s6+$0x3380] =	vst.msk vm1, v23;
	v23 =	vxor.u32 $0x80000000, v24;
	v24 =	vxor.u32 $0x80000000, v26  }
0x70: {  	[tilespmem:s6+$0x3580] =	vst.msk vm1, v25;
	(xrf0) =	vmax.scan.msk.u32 $0xffff, v23  }
0x71: {  	(xrf0) =	vmax.scan.msk.u32 $0xffff, v24;
	_ =	sdelay $0x4  }
0x72: {  	v23, _, _ =	vpop (xrf0)  }
0x73: {  	(v2sf) =	vpush v23, $0xF;
	v23, _, _ =	vpop (xrf0)  }
0x74: {  	(v2sf) =	vpush v23, $0xF;
	_ =	sdelay $0xd  }
0x75: {  	s4 =	spop (v2sf)  }
0x76: {  	s10 =	simm.s32 $0x1;
	s1 =	sadd.s32 s4, s1;
	s4 =	spop (v2sf)  }
0x77: {  	s11 =	simm.s32 $0x1;
	s1 =	sadd.s32 $0x80000000, s1;
	s4 =	sadd.s32 s4, s6  }
0x78: {  	s6 =	sadd.s32 $0x80000000, s4;
	p3 =	slt.s32 s1, $0x190;
	p4 =	sgt.s32 s1, $0x18F  }
0x79: {  	s4 =	smul.u32 @!p3 $0x190, s2;
	p2 =	slt.s32 s6, $0x190;
	p5 =	sgt.s32 s6, $0x18F  }
0x7a: {  	s9 =	sadd.s32 $0xFFFFFE70, s6;
	s7 =	smul.u32 @!p2 $0xFFFFFE70, s5;
	s10 =	simm.s32 @!p5 $0x0  }
0x7b: {  	s11 =	simm.s32 @!p4 $0x0;
	s4 =	sadd.s32 @!p3 s17, s4;
	s5 =	sadd.s32 s10, s5  }
0x7c: {  	s12 =	simm.s32 @!p3 $0x2F80;
	s13 =	simm.s32 @!p3 $0x7;
	s10 =	sadd.s32 @!p3 s4, s14  }
0x7d: {  	[spmem:s10] =	stream.linear.scatter @!p3 [tilespmem:s12], [sflag:$0x7], $0x190, $0x38;
	[tilespmem:$0x1F0E0] =	vst v63  }
0x7e: {  	s4 =	sadd.s32 @!p3 s4, s15;
	s7 =	sadd.s32 @!p2 s7, s18;
	_ =	swait.ge @!p3 [sflag:s13], $0x190  }
0x7f: {  	s10 =	sadd.s32 @!p2 s7, s14;
	s7 =	sadd.s32 @!p2 s7, s15;
	[sflag:s13] =	ssyncset.done @!p3 $0x0  }
0x80: {  	s2 =	sadd.s32 s11, s2;
	s12 =	simm.s32 @!p3 $0x3180;
	[sflag:s13] =	ssyncadd.s32 @!p3 $0xFFFFFE70  }
0x81: {  	[spmem:s4] =	stream.linear.scatter @!p3 [tilespmem:s12], [sflag:$0x7], $0x190, $0x38;
	[tilespmem:$0x1F0E0] =	vst v63  }
0x82: {  	s6 =	smov.u32 @p5 s9;
	s4 =	sadd.s32 $0xFFFFFE70, s1;
	_ =	swait.ge @!p3 [sflag:s13], $0x190  }
0x83: {  	s1 =	smov.u32 @p4 s4;
	[sflag:s13] =	ssyncset.done @!p3 $0x0  }
0x84: {  	[sflag:s13] =	ssyncadd.s32 @!p3 $0xFFFFFE70  }
0x85: {  	v23 =	vld @!p3 [tilespmem:$0x3110]  }
0x86: {  	v24 =	vld @!p3 [tilespmem:$0x3310];
	_ =	sdelay $0x3  }
0x87: {  	s4 =	simm.s32 @!p2 $0x3380;
	[tilespmem:$0x2F80] =	vst @!p3 v23  }
0x88: {  	s9 =	simm.s32 @!p2 $0x7;
	[tilespmem:$0x3180] =	vst @!p3 v24  }
0x89: {  	[spmem:s10] =	stream.linear.scatter @!p2 [tilespmem:s4], [sflag:$0x7], $0x190, $0x38;
	[tilespmem:$0x1F0E0] =	vst v63  }
0x8a: {  	_ =	swait.ge @!p2 [sflag:s9], $0x190  }
0x8b: {  	s4 =	simm.s32 @!p2 $0x3580;
	[sflag:s9] =	ssyncset.done @!p2 $0x0  }
0x8c: {  	[sflag:s9] =	ssyncadd.s32 @!p2 $0xFFFFFE70  }
0x8d: {  	[spmem:s7] =	stream.linear.scatter @!p2 [tilespmem:s4], [sflag:$0x7], $0x190, $0x38;
	[tilespmem:$0x1F0E0] =	vst v63  }
.Ltmp0:
0x8e: {  	_ =	swait.ge @!p2 [sflag:s9], $0x190;
	(pc) =	sbr.rel @p1 .LBB2_3-.Ltmp0, $4  }
0x8f: {  	[sflag:s9] =	ssyncset.done @!p2 $0x0  }
0x90: {  	[sflag:s9] =	ssyncadd.s32 @!p2 $0xFFFFFE70  }
0x91: {  	v23 =	vld @!p2 [tilespmem:$0x3510]  }
0x92: {  	v24 =	vld @!p2 [tilespmem:$0x3710]  }
0x93: {  	_ = 	snop  }
0x94: {  	s3 =	rddreg [dreg:$0x19]  }
0x95: {  	s3 =	sadd.s32 s8, s3  }
0x96: {  	s4 =	rddreg [dreg:$0xf];
	s7 =	simm.s32 $0x0;
	s3 =	sshrl.u32 s3, $0x3;
	[tilespmem:$0x3380] =	vst @!p2 v23  }
0x97: {  	s22 =	simm.s32 $0x2780;
	s23 =	rddreg [dreg:$0x10];
	s4 =	sadd.s32 s4, s3;
	[tilespmem:$0x3580] =	vst @!p2 v24  }
0x98: {  	[tilespmem:s22], [sflag:$0x1] =	stream.linear.gather [hbm4b:s4+s7], $0x190, $0x38;
	[tilespmem:$0x1F0E0] =	vst v63  }
0x99: {  	s24 =	simm.s32 $0x2980;
	s26 =	simm.s32 $0x3;
	s3 =	sadd.s32 s23, s3  }
0x9a: {  	[tilespmem:s24], [sflag:$0x2] =	stream.linear.gather [hbm4b:s3+s7], $0x190, $0x38;
	[tilespmem:$0x1F0E0] =	vst v63  }
0x9b: {  	_ =	swait.ge [sflag:s26], $0x190  }
0x9c: {  	[sflag:s26] =	ssyncset.done $0x0  }
0x9d: {  	s28 =	simm.s32 $0x4;
	[sflag:s26] =	ssyncadd.s32 $0xFFFFFE70  }
0x9e: {  	_ =	swait.ge [sflag:s28], $0x190  }
0x9f: {  	[sflag:s28] =	ssyncset.done $0x0  }
0xa0: {  	s29 =	simm.s32 $0x0;
	[sflag:s28] =	ssyncadd.s32 $0xFFFFFE70  }
0xa1: {  	v23 =	vld [tilespmem:s29+$0x2B80];
	_ =	sdelay $0x6  }
0xa2: {  	v25 =	vld [tilespmem:s29+$0x2D80]  }
0xa3: {  	v24 =	vld.idx.msk [tilespmem:v23+s16+$0x0], $0xffff;
	_ =	sdelay $0x4  }
0xa4: {  	vm2 =	vlt.s32 v25, $0x1400;
	vm1 =	vlt.s32 v24, $0x3E9  }
0xa5: {  	vm2 =	vmand vm2, vm1  }
0xa6: {  	v24 =	vmpcnt.ones.xlane vm2;
	_ =	sdelay $0x1  }
0xa7: {  	vm3 =	vgt.s32 v25, $0x13FF;
	v24 =	vxor.u32 $0x80000000, v24  }
0xa8: {  	vm1 =	vmand vm3, vm1;
	(xrf0) =	vmax.scan.msk.u32 $0xffff, v24  }
0xa9: {  	v24 =	vmpcnt.ones.xlane vm1;
	_ =	sdelay $0x1  }
0xaa: {  	v24 =	vxor.u32 $0x80000000, v24;
	_ =	sdelay $0x2  }
0xab: {  	(xrf0) =	vmax.scan.msk.u32 $0xffff, v24;
	v24, _, _ =	vpop (xrf0)  }
0xac: {  	(v2sf) =	vpush v24, $0xF;
	_ =	sdelay $0x4  }
0xad: {  	v24, _, _ =	vpop (xrf0)  }
0xae: {  	(v2sf) =	vpush v24, $0xF;
	_ =	sdelay $0x8  }
0xaf: {  	s30 =	spop (v2sf)  }
0xb0: {  	s3 =	sadd.s32 s30, s1  }
0xb1: {  	s9 =	sadd.s32 $0x80000000, s3  }
0xb2: {  	p1 =	slt.s32 s9, $0x190  }
0xb3: {  	[tilespmem:s1+$0x2F80] =	vst.msk vm2, v23;
	s3 =	smul.u32 @!p1 $0x190, s2  }
0xb4: {  	[tilespmem:s1+$0x3180] =	vst.msk vm2, v25  }
0xb5: {  	[tilespmem:s6+$0x3380] =	vst.msk vm1, v23;
	s31 =	spop (v2sf);
	s3 =	sadd.s32 @!p1 s17, s3  }
0xb6: {  	[tilespmem:s6+$0x3580] =	vst.msk vm1, v25;
	s7 =	simm.s32 @!p1 $0x2F80;
	s8 =	simm.s32 @!p1 $0x7;
	s4 =	sadd.s32 @!p1 s3, s14  }
0xb7: {  	[spmem:s4] =	stream.linear.scatter @!p1 [tilespmem:s7], [sflag:$0x7], $0x190, $0x38;
	[tilespmem:$0x1F0E0] =	vst v63  }
0xb8: {  	_ =	swait.ge @!p1 [sflag:s8], $0x190  }
0xb9: {  	[sflag:s8] =	ssyncset.done @!p1 $0x0  }
0xba: {  	s3 =	sadd.s32 @!p1 s3, s15;
	s4 =	simm.s32 @!p1 $0x3180;
	[sflag:s8] =	ssyncadd.s32 @!p1 $0xFFFFFE70  }
0xbb: {  	[spmem:s3] =	stream.linear.scatter @!p1 [tilespmem:s4], [sflag:$0x7], $0x190, $0x38;
	[tilespmem:$0x1F0E0] =	vst v63  }
0xbc: {  	_ =	swait.ge @!p1 [sflag:s8], $0x190  }
0xbd: {  	[sflag:s8] =	ssyncset.done @!p1 $0x0  }
0xbe: {  	[sflag:s8] =	ssyncadd.s32 @!p1 $0xFFFFFE70  }
0xbf: {  	s1 =	sadd.s32 s31, s6;
	v23 =	vld @!p1 [tilespmem:$0x3110]  }
0xc0: {  	s6 =	sadd.s32 $0x80000000, s1;
	v24 =	vld @!p1 [tilespmem:$0x3310]  }
0xc1: {  	p2 =	slt.s32 s6, $0x190  }
0xc2: {  	s1 =	smul.u32 @!p2 $0xFFFFFE70, s5;
	_ =	sdelay $0x1  }
0xc3: {  	s3 =	sadd.s32 @!p2 s1, s18;
	[tilespmem:$0x2F80] =	vst @!p1 v23  }
0xc4: {  	s7 =	simm.s32 @!p2 $0x7;
	s4 =	simm.s32 @!p2 $0x3380;
	s1 =	sadd.s32 @!p2 s3, s14;
	[tilespmem:$0x3180] =	vst @!p1 v24  }
0xc5: {  	[spmem:s1] =	stream.linear.scatter @!p2 [tilespmem:s4], [sflag:$0x7], $0x190, $0x38;
	[tilespmem:$0x1F0E0] =	vst v63  }
0xc6: {  	_ =	swait.ge @!p2 [sflag:s7], $0x190  }
0xc7: {  	p3 =	sgt.s32 s6, $0x18F;
	[sflag:s7] =	ssyncset.done @!p2 $0x0  }
0xc8: {  	s3 =	sadd.s32 @!p2 s3, s15;
	s4 =	simm.s32 @!p2 $0x3580;
	[sflag:s7] =	ssyncadd.s32 @!p2 $0xFFFFFE70  }
0xc9: {  	[spmem:s3] =	stream.linear.scatter @!p2 [tilespmem:s4], [sflag:$0x7], $0x190, $0x38;
	[tilespmem:$0x1F0E0] =	vst v63  }
0xca: {  	s8 =	simm.s32 $0x1;
	p1 =	sgt.s32 s9, $0x18F;
	_ =	swait.ge @!p2 [sflag:s7], $0x190  }
0xcb: {  	s1 =	simm.s32 $0x40;
	s4 =	simm.s32 $0x1;
	[sflag:s7] =	ssyncset.done @!p2 $0x0  }
0xcc: {  	s8 =	simm.s32 @!p1 $0x0;
	s4 =	simm.s32 @!p3 $0x0;
	[sflag:s7] =	ssyncadd.s32 @!p2 $0xFFFFFE70  }
0xcd: {  	s3 =	sadd.s32 $0xFFFFFE70, s6;
	s5 =	sadd.s32 s4, s5;
	s4 =	sadd.s32 $0xFFFFFE70, s9;
	v23 =	vld @!p2 [tilespmem:$0x3510]  }
0xce: {  	s2 =	sadd.s32 s8, s2;
	s6 =	smov.u32 @p3 s3;
	s9 =	smov.u32 @p1 s4;
	v24 =	vld @!p2 [tilespmem:$0x3710]  }
.LBB2_5:
0xcf: {  	_ =	sdelay $0x1  }
0xd0: {  	s3 =	smov.u32 s1;
	s1 =	sadd.s32 $0x40, s1  }
0xd1: {  	p1 =	sne.s32 s1, $0x640;
	[tilespmem:$0x3380] =	vst @!p2 v23  }
0xd2: {  	s3 =	sshra.s32 s3, $0x2;
	[tilespmem:$0x3580] =	vst @!p2 v24  }
0xd3: {  	v23 =	vld [tilespmem:s3+$0x2B80];
	_ =	sdelay $0x7  }
0xd4: {  	v24 =	vld.idx.msk [tilespmem:v23+s16+$0x0], $0xffff  }
0xd5: {  	v25 =	vld [tilespmem:s3+$0x2D80];
	_ =	sdelay $0x4  }
0xd6: {  	vm1 =	vlt.s32 v24, $0x3E9;
	vm2 =	vlt.s32 v25, $0x1400;
	vm3 =	vgt.s32 v25, $0x13FF  }
0xd7: {  	vm2 =	vmand vm2, vm1;
	vm1 =	vmand vm3, vm1  }
0xd8: {  	[tilespmem:s9+$0x2F80] =	vst.msk vm2, v23;
	v24 =	vmpcnt.ones.xlane vm2;
	v26 =	vmpcnt.ones.xlane vm1  }
0xd9: {  	[tilespmem:s9+$0x3180] =	vst.msk vm2, v25  }
0xda: {  	[tilespmem:s6+$0x3380] =	vst.msk vm1, v23;
	v23 =	vxor.u32 $0x80000000, v24;
	v24 =	vxor.u32 $0x80000000, v26  }
0xdb: {  	[tilespmem:s6+$0x3580] =	vst.msk vm1, v25;
	(xrf0) =	vmax.scan.msk.u32 $0xffff, v23  }
0xdc: {  	(xrf0) =	vmax.scan.msk.u32 $0xffff, v24;
	_ =	sdelay $0x4  }
0xdd: {  	v23, _, _ =	vpop (xrf0)  }
0xde: {  	(v2sf) =	vpush v23, $0xF;
	v23, _, _ =	vpop (xrf0)  }
0xdf: {  	(v2sf) =	vpush v23, $0xF;
	_ =	sdelay $0xd  }
0xe0: {  	s3 =	spop (v2sf)  }
0xe1: {  	s8 =	simm.s32 $0x1;
	s3 =	sadd.s32 s3, s9;
	s4 =	spop (v2sf)  }
0xe2: {  	s10 =	simm.s32 $0x1;
	s9 =	sadd.s32 $0x80000000, s3;
	s3 =	sadd.s32 s4, s6  }
0xe3: {  	s6 =	sadd.s32 $0x80000000, s3;
	p3 =	slt.s32 s9, $0x190;
	p4 =	sgt.s32 s9, $0x18F  }
0xe4: {  	s3 =	smul.u32 @!p3 $0x190, s2;
	p2 =	slt.s32 s6, $0x190;
	p5 =	sgt.s32 s6, $0x18F  }
0xe5: {  	s7 =	sadd.s32 $0xFFFFFE70, s6;
	s4 =	smul.u32 @!p2 $0xFFFFFE70, s5;
	s8 =	simm.s32 @!p5 $0x0  }
0xe6: {  	s10 =	simm.s32 @!p4 $0x0;
	s3 =	sadd.s32 @!p3 s17, s3;
	s5 =	sadd.s32 s8, s5  }
0xe7: {  	s11 =	simm.s32 @!p3 $0x2F80;
	s12 =	simm.s32 @!p3 $0x7;
	s8 =	sadd.s32 @!p3 s3, s14  }
0xe8: {  	[spmem:s8] =	stream.linear.scatter @!p3 [tilespmem:s11], [sflag:$0x7], $0x190, $0x38;
	[tilespmem:$0x1F0E0] =	vst v63  }
0xe9: {  	s3 =	sadd.s32 @!p3 s3, s15;
	s4 =	sadd.s32 @!p2 s4, s18;
	_ =	swait.ge @!p3 [sflag:s12], $0x190  }
0xea: {  	s8 =	sadd.s32 @!p2 s4, s14;
	s4 =	sadd.s32 @!p2 s4, s15;
	[sflag:s12] =	ssyncset.done @!p3 $0x0  }
0xeb: {  	s2 =	sadd.s32 s10, s2;
	s11 =	simm.s32 @!p3 $0x3180;
	[sflag:s12] =	ssyncadd.s32 @!p3 $0xFFFFFE70  }
0xec: {  	[spmem:s3] =	stream.linear.scatter @!p3 [tilespmem:s11], [sflag:$0x7], $0x190, $0x38;
	[tilespmem:$0x1F0E0] =	vst v63  }
0xed: {  	s6 =	smov.u32 @p5 s7;
	s3 =	sadd.s32 $0xFFFFFE70, s9;
	_ =	swait.ge @!p3 [sflag:s12], $0x190  }
0xee: {  	s9 =	smov.u32 @p4 s3;
	[sflag:s12] =	ssyncset.done @!p3 $0x0  }
0xef: {  	[sflag:s12] =	ssyncadd.s32 @!p3 $0xFFFFFE70  }
0xf0: {  	v23 =	vld @!p3 [tilespmem:$0x3110]  }
0xf1: {  	v24 =	vld @!p3 [tilespmem:$0x3310];
	_ =	sdelay $0x3  }
0xf2: {  	s3 =	simm.s32 @!p2 $0x3380;
	[tilespmem:$0x2F80] =	vst @!p3 v23  }
0xf3: {  	s7 =	simm.s32 @!p2 $0x7;
	[tilespmem:$0x3180] =	vst @!p3 v24  }
0xf4: {  	[spmem:s8] =	stream.linear.scatter @!p2 [tilespmem:s3], [sflag:$0x7], $0x190, $0x38;
	[tilespmem:$0x1F0E0] =	vst v63  }
0xf5: {  	_ =	swait.ge @!p2 [sflag:s7], $0x190  }
0xf6: {  	s3 =	simm.s32 @!p2 $0x3580;
	[sflag:s7] =	ssyncset.done @!p2 $0x0  }
0xf7: {  	[sflag:s7] =	ssyncadd.s32 @!p2 $0xFFFFFE70  }
0xf8: {  	[spmem:s4] =	stream.linear.scatter @!p2 [tilespmem:s3], [sflag:$0x7], $0x190, $0x38;
	[tilespmem:$0x1F0E0] =	vst v63  }
.Ltmp1:
0xf9: {  	_ =	swait.ge @!p2 [sflag:s7], $0x190;
	(pc) =	sbr.rel @p1 .LBB2_5-.Ltmp1, $4  }
0xfa: {  	[sflag:s7] =	ssyncset.done @!p2 $0x0  }
0xfb: {  	[sflag:s7] =	ssyncadd.s32 @!p2 $0xFFFFFE70  }
0xfc: {  	v23 =	vld @!p2 [tilespmem:$0x3510]  }
0xfd: {  	v24 =	vld @!p2 [tilespmem:$0x3710]  }
0xfe: {  	s0 =	sadd.s32 $0x1, s0  }
0xff: {  	p1 =	sne.s32 s0, $0xC  }
.Ltmp2:
0x100: {  	_ = 	snop;
	(pc) =	sbr.rel @p1 .LBB2_2-.Ltmp2, $3  }
0x101: {  	_ =	sdelay $0x1  }
0x102: {  	[tilespmem:$0x3380] =	vst @!p2 v23  }
0x103: {  	[tilespmem:$0x3580] =	vst @!p2 v24  }
0x104: {  	s0 =	simm.s32 $0x1  }
0x105: {  	_ =	swait.ge [sflag:s0], $0x190  }
0x106: {  	[sflag:s0] =	ssyncset.done $0x0  }
0x107: {  	s28 =	simm.s32 $0x2;
	[sflag:s0] =	ssyncadd.s32 $0xFFFFFE70  }
0x108: {  	_ =	swait.ge [sflag:s28], $0x190  }
0x109: {  	[sflag:s28] =	ssyncset.done $0x0  }
0x10a: {  	s29 =	simm.s32 $0x0;
	[sflag:s28] =	ssyncadd.s32 $0xFFFFFE70  }
0x10b: {  	v23 =	vld [tilespmem:s29+$0x2780];
	_ =	sdelay $0x6  }
0x10c: {  	v25 =	vld [tilespmem:s29+$0x2980]  }
0x10d: {  	v24 =	vld.idx.msk [tilespmem:v23+s16+$0x0], $0xffff;
	_ =	sdelay $0x4  }
0x10e: {  	vm2 =	vlt.s32 v25, $0x1400;
	vm1 =	vlt.s32 v24, $0x3E9  }
0x10f: {  	vm2 =	vmand vm2, vm1  }
0x110: {  	v24 =	vmpcnt.ones.xlane vm2;
	_ =	sdelay $0x1  }
0x111: {  	vm3 =	vgt.s32 v25, $0x13FF;
	v24 =	vxor.u32 $0x80000000, v24  }
0x112: {  	vm1 =	vmand vm3, vm1;
	(xrf0) =	vmax.scan.msk.u32 $0xffff, v24  }
0x113: {  	v24 =	vmpcnt.ones.xlane vm1;
	_ =	sdelay $0x1  }
0x114: {  	v24 =	vxor.u32 $0x80000000, v24;
	_ =	sdelay $0x2  }
0x115: {  	(xrf0) =	vmax.scan.msk.u32 $0xffff, v24;
	v24, _, _ =	vpop (xrf0)  }
0x116: {  	(v2sf) =	vpush v24, $0xF;
	_ =	sdelay $0x4  }
0x117: {  	v24, _, _ =	vpop (xrf0)  }
0x118: {  	(v2sf) =	vpush v24, $0xF;
	_ =	sdelay $0x8  }
0x119: {  	s30 =	spop (v2sf)  }
0x11a: {  	s0 =	sadd.s32 s30, s9  }
0x11b: {  	s0 =	sadd.s32 $0x80000000, s0  }
0x11c: {  	p1 =	slt.s32 s0, $0x190  }
0x11d: {  	[tilespmem:s9+$0x2F80] =	vst.msk vm2, v23;
	s1 =	smul.u32 @!p1 $0x190, s2  }
0x11e: {  	[tilespmem:s9+$0x3180] =	vst.msk vm2, v25  }
0x11f: {  	[tilespmem:s6+$0x3380] =	vst.msk vm1, v23;
	s3 =	spop (v2sf);
	s1 =	sadd.s32 @!p1 s17, s1  }
0x120: {  	[tilespmem:s6+$0x3580] =	vst.msk vm1, v25;
	s7 =	simm.s32 @!p1 $0x2F80;
	s8 =	simm.s32 @!p1 $0x7;
	s4 =	sadd.s32 @!p1 s1, s14  }
0x121: {  	[spmem:s4] =	stream.linear.scatter @!p1 [tilespmem:s7], [sflag:$0x7], $0x190, $0x38;
	[tilespmem:$0x1F0E0] =	vst v63  }
0x122: {  	_ =	swait.ge @!p1 [sflag:s8], $0x190  }
0x123: {  	[sflag:s8] =	ssyncset.done @!p1 $0x0  }
0x124: {  	s1 =	sadd.s32 @!p1 s1, s15;
	s4 =	simm.s32 @!p1 $0x3180;
	[sflag:s8] =	ssyncadd.s32 @!p1 $0xFFFFFE70  }
0x125: {  	[spmem:s1] =	stream.linear.scatter @!p1 [tilespmem:s4], [sflag:$0x7], $0x190, $0x38;
	[tilespmem:$0x1F0E0] =	vst v63  }
0x126: {  	_ =	swait.ge @!p1 [sflag:s8], $0x190  }
0x127: {  	[sflag:s8] =	ssyncset.done @!p1 $0x0  }
0x128: {  	[sflag:s8] =	ssyncadd.s32 @!p1 $0xFFFFFE70  }
0x129: {  	s31 =	sadd.s32 s3, s6;
	v23 =	vld @!p1 [tilespmem:$0x3110]  }
0x12a: {  	s1 =	sadd.s32 $0x80000000, s31;
	v24 =	vld @!p1 [tilespmem:$0x3310]  }
0x12b: {  	p2 =	slt.s32 s1, $0x190  }
0x12c: {  	s3 =	smul.u32 @!p2 $0xFFFFFE70, s5;
	_ =	sdelay $0x1  }
0x12d: {  	s3 =	sadd.s32 @!p2 s3, s18;
	[tilespmem:$0x2F80] =	vst @!p1 v23  }
0x12e: {  	s6 =	simm.s32 @!p2 $0x3380;
	s7 =	simm.s32 @!p2 $0x7;
	s4 =	sadd.s32 @!p2 s3, s14;
	[tilespmem:$0x3180] =	vst @!p1 v24  }
0x12f: {  	[spmem:s4] =	stream.linear.scatter @!p2 [tilespmem:s6], [sflag:$0x7], $0x190, $0x38;
	[tilespmem:$0x1F0E0] =	vst v63  }
0x130: {  	_ =	swait.ge @!p2 [sflag:s7], $0x190  }
0x131: {  	p3 =	sgt.s32 s1, $0x18F;
	[sflag:s7] =	ssyncset.done @!p2 $0x0  }
0x132: {  	s3 =	sadd.s32 @!p2 s3, s15;
	s6 =	simm.s32 @!p2 $0x3580;
	[sflag:s7] =	ssyncadd.s32 @!p2 $0xFFFFFE70  }
0x133: {  	[spmem:s3] =	stream.linear.scatter @!p2 [tilespmem:s6], [sflag:$0x7], $0x190, $0x38;
	[tilespmem:$0x1F0E0] =	vst v63  }
0x134: {  	s8 =	simm.s32 $0x1;
	p1 =	sgt.s32 s0, $0x18F;
	_ =	swait.ge @!p2 [sflag:s7], $0x190  }
0x135: {  	s4 =	simm.s32 $0x40;
	s3 =	simm.s32 $0x1;
	[sflag:s7] =	ssyncset.done @!p2 $0x0  }
0x136: {  	s8 =	simm.s32 @!p1 $0x0;
	s3 =	simm.s32 @!p3 $0x0;
	[sflag:s7] =	ssyncadd.s32 @!p2 $0xFFFFFE70  }
0x137: {  	s6 =	sadd.s32 $0xFFFFFE70, s1;
	s3 =	sadd.s32 s3, s5;
	s5 =	sadd.s32 $0xFFFFFE70, s0;
	v23 =	vld @!p2 [tilespmem:$0x3510]  }
0x138: {  	s2 =	sadd.s32 s8, s2;
	s1 =	smov.u32 @p3 s6;
	s0 =	smov.u32 @p1 s5;
	v24 =	vld @!p2 [tilespmem:$0x3710]  }
.LBB2_8:
0x139: {  	_ =	sdelay $0x1  }
0x13a: {  	s5 =	smov.u32 s4;
	s4 =	sadd.s32 $0x40, s4  }
0x13b: {  	p1 =	sne.s32 s4, $0x640;
	[tilespmem:$0x3380] =	vst @!p2 v23  }
0x13c: {  	s5 =	sshra.s32 s5, $0x2;
	[tilespmem:$0x3580] =	vst @!p2 v24  }
0x13d: {  	v23 =	vld [tilespmem:s5+$0x2780];
	_ =	sdelay $0x7  }
0x13e: {  	v24 =	vld.idx.msk [tilespmem:v23+s16+$0x0], $0xffff  }
0x13f: {  	v25 =	vld [tilespmem:s5+$0x2980];
	_ =	sdelay $0x4  }
0x140: {  	vm1 =	vlt.s32 v24, $0x3E9;
	vm2 =	vlt.s32 v25, $0x1400;
	vm3 =	vgt.s32 v25, $0x13FF  }
0x141: {  	vm2 =	vmand vm2, vm1;
	vm1 =	vmand vm3, vm1  }
0x142: {  	[tilespmem:s0+$0x2F80] =	vst.msk vm2, v23;
	v24 =	vmpcnt.ones.xlane vm2;
	v26 =	vmpcnt.ones.xlane vm1  }
0x143: {  	[tilespmem:s0+$0x3180] =	vst.msk vm2, v25  }
0x144: {  	[tilespmem:s1+$0x3380] =	vst.msk vm1, v23;
	v23 =	vxor.u32 $0x80000000, v24;
	v24 =	vxor.u32 $0x80000000, v26  }
0x145: {  	[tilespmem:s1+$0x3580] =	vst.msk vm1, v25;
	(xrf0) =	vmax.scan.msk.u32 $0xffff, v23  }
0x146: {  	(xrf0) =	vmax.scan.msk.u32 $0xffff, v24;
	_ =	sdelay $0x4  }
0x147: {  	v23, _, _ =	vpop (xrf0)  }
0x148: {  	(v2sf) =	vpush v23, $0xF;
	v23, _, _ =	vpop (xrf0)  }
0x149: {  	(v2sf) =	vpush v23, $0xF;
	_ =	sdelay $0xd  }
0x14a: {  	s5 =	spop (v2sf)  }
0x14b: {  	s8 =	simm.s32 $0x1;
	s0 =	sadd.s32 s5, s0;
	s5 =	spop (v2sf)  }
0x14c: {  	s9 =	simm.s32 $0x1;
	s0 =	sadd.s32 $0x80000000, s0;
	s1 =	sadd.s32 s5, s1  }
0x14d: {  	s1 =	sadd.s32 $0x80000000, s1;
	p3 =	slt.s32 s0, $0x190;
	p4 =	sgt.s32 s0, $0x18F  }
0x14e: {  	s5 =	smul.u32 @!p3 $0x190, s2;
	p2 =	slt.s32 s1, $0x190;
	p5 =	sgt.s32 s1, $0x18F  }
0x14f: {  	s7 =	sadd.s32 $0xFFFFFE70, s1;
	s6 =	smul.u32 @!p2 $0xFFFFFE70, s3;
	s8 =	simm.s32 @!p5 $0x0  }
0x150: {  	s9 =	simm.s32 @!p4 $0x0;
	s5 =	sadd.s32 @!p3 s17, s5;
	s3 =	sadd.s32 s8, s3  }
0x151: {  	s10 =	simm.s32 @!p3 $0x2F80;
	s11 =	simm.s32 @!p3 $0x7;
	s8 =	sadd.s32 @!p3 s5, s14  }
0x152: {  	[spmem:s8] =	stream.linear.scatter @!p3 [tilespmem:s10], [sflag:$0x7], $0x190, $0x38;
	[tilespmem:$0x1F0E0] =	vst v63  }
0x153: {  	s5 =	sadd.s32 @!p3 s5, s15;
	s6 =	sadd.s32 @!p2 s6, s18;
	_ =	swait.ge @!p3 [sflag:s11], $0x190  }
0x154: {  	s8 =	sadd.s32 @!p2 s6, s14;
	s6 =	sadd.s32 @!p2 s6, s15;
	[sflag:s11] =	ssyncset.done @!p3 $0x0  }
0x155: {  	s2 =	sadd.s32 s9, s2;
	s10 =	simm.s32 @!p3 $0x3180;
	[sflag:s11] =	ssyncadd.s32 @!p3 $0xFFFFFE70  }
0x156: {  	[spmem:s5] =	stream.linear.scatter @!p3 [tilespmem:s10], [sflag:$0x7], $0x190, $0x38;
	[tilespmem:$0x1F0E0] =	vst v63  }
0x157: {  	s1 =	smov.u32 @p5 s7;
	s5 =	sadd.s32 $0xFFFFFE70, s0;
	_ =	swait.ge @!p3 [sflag:s11], $0x190  }
0x158: {  	s0 =	smov.u32 @p4 s5;
	[sflag:s11] =	ssyncset.done @!p3 $0x0  }
0x159: {  	[sflag:s11] =	ssyncadd.s32 @!p3 $0xFFFFFE70  }
0x15a: {  	v23 =	vld @!p3 [tilespmem:$0x3110]  }
0x15b: {  	v24 =	vld @!p3 [tilespmem:$0x3310];
	_ =	sdelay $0x3  }
0x15c: {  	s5 =	simm.s32 @!p2 $0x3380;
	[tilespmem:$0x2F80] =	vst @!p3 v23  }
0x15d: {  	s7 =	simm.s32 @!p2 $0x7;
	[tilespmem:$0x3180] =	vst @!p3 v24  }
0x15e: {  	[spmem:s8] =	stream.linear.scatter @!p2 [tilespmem:s5], [sflag:$0x7], $0x190, $0x38;
	[tilespmem:$0x1F0E0] =	vst v63  }
0x15f: {  	_ =	swait.ge @!p2 [sflag:s7], $0x190  }
0x160: {  	s5 =	simm.s32 @!p2 $0x3580;
	[sflag:s7] =	ssyncset.done @!p2 $0x0  }
0x161: {  	[sflag:s7] =	ssyncadd.s32 @!p2 $0xFFFFFE70  }
0x162: {  	[spmem:s6] =	stream.linear.scatter @!p2 [tilespmem:s5], [sflag:$0x7], $0x190, $0x38;
	[tilespmem:$0x1F0E0] =	vst v63  }
.Ltmp3:
0x163: {  	_ =	swait.ge @!p2 [sflag:s7], $0x190;
	(pc) =	sbr.rel @p1 .LBB2_8-.Ltmp3, $4  }
0x164: {  	[sflag:s7] =	ssyncset.done @!p2 $0x0  }
0x165: {  	[sflag:s7] =	ssyncadd.s32 @!p2 $0xFFFFFE70  }
0x166: {  	v23 =	vld @!p2 [tilespmem:$0x3510]  }
0x167: {  	v24 =	vld @!p2 [tilespmem:$0x3710]  }
0x168: {  	p1 =	slt.s32 s0, $0x1  }
0x169: {  	s4 =	smul.u32 @!p1 $0x190, s2;
	_ =	sdelay $0x1  }
0x16a: {  	[tilespmem:$0x3380] =	vst @!p2 v23;
	s4 =	sadd.s32 @!p1 s17, s4  }
0x16b: {  	s6 =	simm.s32 @!p1 $0x2F80;
	[tilespmem:$0x3580] =	vst @!p2 v24;
	s5 =	sadd.s32 @!p1 s4, s14  }
0x16c: {  	[spmem:s5] =	stream.linear.scatter @!p1 [tilespmem:s6], [sflag:$0x7], $0x190, $0x38;
	[tilespmem:$0x1F0E0] =	vst v63  }
0x16d: {  	s5 =	simm.s32 @!p1 $0x7  }
0x16e: {  	_ =	swait.ge @!p1 [sflag:s5], $0x190  }
0x16f: {  	s4 =	sadd.s32 @!p1 s4, s15;
	[sflag:s5] =	ssyncset.done @!p1 $0x0  }
0x170: {  	p2 =	slt.s32 s1, $0x1;
	s6 =	simm.s32 @!p1 $0x3180;
	[sflag:s5] =	ssyncadd.s32 @!p1 $0xFFFFFE70  }
0x171: {  	[spmem:s4] =	stream.linear.scatter @!p1 [tilespmem:s6], [sflag:$0x7], $0x190, $0x38;
	[tilespmem:$0x1F0E0] =	vst v63  }
0x172: {  	s4 =	smul.u32 @!p2 $0xFFFFFE70, s3  }
0x173: {  	_ =	swait.ge @!p1 [sflag:s5], $0x190  }
0x174: {  	[sflag:s5] =	ssyncset.done @!p1 $0x0;
	s4 =	sadd.s32 @!p2 s4, s18  }
0x175: {  	s6 =	simm.s32 @!p2 $0x3380;
	[sflag:s5] =	ssyncadd.s32 @!p1 $0xFFFFFE70;
	s5 =	sadd.s32 @!p2 s4, s14  }
0x176: {  	[spmem:s5] =	stream.linear.scatter @!p2 [tilespmem:s6], [sflag:$0x7], $0x190, $0x38;
	[tilespmem:$0x1F0E0] =	vst v63  }
0x177: {  	s5 =	simm.s32 @!p2 $0x7  }
0x178: {  	_ =	swait.ge @!p2 [sflag:s5], $0x190  }
0x179: {  	s19 =	smul.u32 $0x190, s2;
	[sflag:s5] =	ssyncset.done @!p2 $0x0  }
0x17a: {  	s4 =	sadd.s32 @!p2 s4, s15;
	s6 =	simm.s32 @!p2 $0x3580;
	[sflag:s5] =	ssyncadd.s32 @!p2 $0xFFFFFE70  }
0x17b: {  	[spmem:s4] =	stream.linear.scatter @!p2 [tilespmem:s6], [sflag:$0x7], $0x190, $0x38;
	[tilespmem:$0x1F0E0] =	vst v63  }
0x17c: {  	_ =	swait.ge @!p2 [sflag:s5], $0x190  }
0x17d: {  	s20 =	sadd.s32 s0, s19;
	[sflag:s5] =	ssyncset.done @!p2 $0x0  }
0x17e: {  	s23 =	simm.s32 $0x3780;
	v23 =	vmov s20;
	[sflag:s5] =	ssyncadd.s32 @!p2 $0xFFFFFE70  }
0x17f: {  	s24 =	smul.u32 $0x190, s3;
	s26 =	simm.s32 $0x7;
	s22 =	rddreg [dreg:$0x1a];
	[tilespmem:$0x3780] =	vst v23  }
0x180: {  	[spmem:s22] =	stream.linear.scatter [tilespmem:s23], [sflag:$0x7], $0x10, $0x38;
	[tilespmem:$0x1F0E0] =	vst v63  }
0x181: {  	_ =	swait.ge [sflag:s26], $0x10  }
0x182: {  	s0 =	sadd.s32 s1, s24;
	[sflag:s26] =	ssyncset.done $0x0  }
0x183: {  	v23 =	vmov s0;
	[sflag:s26] =	ssyncadd.s32 $0xFFFFFFF0  }
0x184: {  	s28 =	rddreg [dreg:$0x1b];
	[tilespmem:$0x3780] =	vst v23  }
0x185: {  	[spmem:s28] =	stream.linear.scatter [tilespmem:s23], [sflag:$0x7], $0x10, $0x38;
	[tilespmem:$0x1F0E0] =	vst v63  }
0x186: {  	_ =	swait.ge [sflag:s26], $0x10  }
0x187: {  	[sflag:s26] =	ssyncset.done $0x0  }
0x188: {  	[sflag:s26] =	ssyncadd.s32 $0xFFFFFFF0  }
0x189: {  	s29 =	simm.s32 $0x5;
	[bflag:$0x0] =	sbarrier.arrive $0xFFFF  }
0x18a: {  	_ =	swait.ge [sflag:s29], $0x14000  }
0x18b: {  	[sflag:s29] =	ssyncset.done $0x0  }
0x18c: {  	s30 =	simm.s32 $0x6;
	[sflag:s29] =	ssyncadd.s32 $0xFFFEC000  }
0x18d: {  	_ =	swait.ge [sflag:s30], $0x1400  }
0x18e: {  	[sflag:s30] =	ssyncset.done $0x0  }
0x18f: {  	[sflag:s30] =	ssyncadd.s32 $0xFFFFEC00  }
.Ltmp4:
0x190: {  	s31 =	simm.s32 $0x3800;
	s0 =	rddreg [dreg:$0x4];
	(pc) =	sbr.rel .LBB2_10-.Ltmp4, $4  }
0x191: {  	[tilespmem:s31], [sflag:$0x7] =	stream.linear.gather [spmem:s0], $0x200, $0x38;
	[tilespmem:$0x1F0E0] =	vst v63  }
0x192: {  	_ =	swait.ge [sflag:s26], $0x200  }
0x193: {  	[sflag:s26] =	ssyncset.done $0x0  }
0x194: {  	s6 =	simm.s32 $0x0;
	s5 =	simm.s32 $0x0;
	[sflag:s26] =	ssyncadd.s32 $0xFFFFFE00  }
.LBB2_19:
0x195: {  	s6 =	sld [smem:$0x7FD];
	_ =	sdelay $0x2  }
0x196: {  	s6 =	sadd.s32 $0x1, s6  }
0x197: {  	p1 =	sne.s32 s6, $0x10  }
.Ltmp5:
0x198: {  	_ = 	snop;
	(pc) =	sbr.rel @!p1 .LBB2_20-.Ltmp5, $1  }
0x199: {  	_ =	sdelay $0x3  }
.LBB2_10:
0x19a: {  	_ =	sdelay $0x1  }
0x19b: {  	s0 =	sshll.u32 s6, $0x5  }
0x19c: {  	s0 =	sand.u32 $0x3FFFFFE0, s0  }
0x19d: {  	v23 =	vld.idx.msk [tilespmem:v2+s0+$0x0 ss:$0x1], $0xffff;
	_ =	sdelay $0x4  }
0x19e: {  	v23 =	vxor.u32 $0x80000000, v23  }
0x19f: {  	(xrf0) =	vmax.scan.msk.u32 $0xffff, v23;
	_ =	sdelay $0x5  }
0x1a0: {  	v23, _, _ =	vpop (xrf0)  }
0x1a1: {  	(v2sf) =	vpush v23, $0xF;
	_ =	sdelay $0xe  }
0x1a2: {  	s0 =	spop (v2sf)  }
0x1a3: {  	s1 =	sadd.s32 $0x8000018F, s0  }
0x1a4: {  	s2 =	smulhi.u32 $0x51EB851F, s1;
	s3 =	sshra.s32 s1, $0x1F  }
0x1a5: {  	s3 =	smul.u32 $0x51EB851F, s3;
	_ =	sdelay $0x1  }
0x1a6: {  	s2 =	sadd.s32 s3, s2  }
0x1a7: {  	s3 =	sshrl.u32 s2, $0x1F;
	s2 =	sshra.s32 s2, $0x7  }
0x1a8: {  	s2 =	sadd.s32 s3, s2  }
0x1a9: {  	s3 =	smul.u32 $0xFFFFFE70, s2  }
0x1aa: {  	s4 =	ssub.s32 $0x7FFFFE71, s0  }
0x1ab: {  	p1 =	slt.s32 s1, $0x1;
	p2 =	sne.s32 s3, s4  }
0x1ac: {  	p1 =	por !p1, !p2  }
0x1ad: {  	s1 =	simm.s32 $0x1;
	p1 =	por !p1, !p1  }
0x1ae: {  	s1 =	simm.s32 @!p1 $0x0  }
0x1af: {  	s1 =	ssub.s32 s2, s1  }
0x1b0: {  	p1 =	slt.s32 s1, $0x1  }
.Ltmp6:
0x1b1: {  	_ = 	snop;
	(pc) =	sbr.rel @p1 .LBB2_19-.Ltmp6, $3  }
0x1b2: {  	_ =	sdelay $0x1  }
0x1b3: {  	[smem:$0x7FD] =	sst s6  }
0x1b4: {  	[smem:$0x7FC] =	sst s1  }
.Ltmp7:
0x1b5: {  	(pc) =	sbr.rel .LBB2_12-.Ltmp7, $4  }
0x1b6: {  	_ = 	snop  }
0x1b7: {  	s1 =	smul.u32 $0x28A0, s6  }
0x1b8: {  	s0 =	sxor.u32 $0x80000000, s0  }
0x1b9: {  	v23 =	vmov s0;
	[smem:$0x7FB] =	sst s1;
	s1 =	simm.s32 $0x0  }
.LBB2_18:
0x1ba: {  	s1 =	sld [smem:$0x7F9]  }
0x1bb: {  	s0 =	sld [smem:$0x7FC];
	_ =	sdelay $0x1  }
0x1bc: {  	s1 =	sadd.s32 $0x1, s1  }
0x1bd: {  	p1 =	sne.s32 s1, s0  }
.Ltmp8:
0x1be: {  	_ = 	snop;
	(pc) =	sbr.rel @!p1 .LBB2_19-.Ltmp8, $1  }
0x1bf: {  	_ =	sdelay $0x3  }
.LBB2_12:
0x1c0: {  	s0 =	smul.u32 $0xFFFFFCE0, s1  }
0x1c1: {  	s29 =	sld [smem:$0x7FB]  }
0x1c2: {  	s3 =	smul.u32 $0x190, s1;
	s28 =	rddreg [dreg:$0xe];
	s0 =	sadd.s32 $0x2710, s0  }
0x1c3: {  	s0 =	smul.u32 s28, s0  }
0x1c4: {  	[smem:$0x7F9] =	sst s1;
	s1 =	sadd.s32 s29, s3  }
0x1c5: {  	s0 =	sadd.s32 s0, s1  }
0x1c6: {  	s2 =	simm.s32 $0x2780;
	s30 =	simm.s32 $0x7;
	s1 =	sadd.s32 s0, s14  }
0x1c7: {  	[tilespmem:s2], [sflag:$0x7] =	stream.linear.gather [spmem:s1], $0x190, $0x38;
	[tilespmem:$0x1F0E0] =	vst v63  }
0x1c8: {  	_ =	swait.ge [sflag:s30], $0x190  }
0x1c9: {  	s31 =	simm.s32 $0x2980;
	[sflag:s30] =	ssyncset.done $0x0  }
.Ltmp9:
0x1ca: {  	s0 =	sadd.s32 s0, s15;
	[sflag:s30] =	ssyncadd.s32 $0xFFFFFE70;
	(pc) =	sbr.rel .LBB2_13-.Ltmp9, $4  }
0x1cb: {  	[tilespmem:s31], [sflag:$0x7] =	stream.linear.gather [spmem:s0], $0x190, $0x38;
	[tilespmem:$0x1F0E0] =	vst v63  }
0x1cc: {  	_ =	swait.ge [sflag:s30], $0x190  }
0x1cd: {  	[sflag:s30] =	ssyncset.done $0x0  }
0x1ce: {  	s2 =	simm.s32 $0x0;
	[smem:$0x7FA] =	sst s3;
	[sflag:s30] =	ssyncadd.s32 $0xFFFFFE70  }
.LBB2_17:
0x1cf: {  	s2 =	sadd.s32 $0x1, s2  }
0x1d0: {  	p2 =	sne.s32 s2, $0x19  }
.Ltmp10:
0x1d1: {  	_ = 	snop;
	(pc) =	sbr.rel @!p2 .LBB2_18-.Ltmp10, $3  }
0x1d2: {  	_ =	sdelay $0x1  }
0x1d3: {  	p1 =	sgt.s32 s5, $0xF;
	s0 =	sadd.s32 $0xFFFFFFF0, s5  }
0x1d4: {  	s5 =	smov.u32 @p1 s0  }
.LBB2_13:
0x1d5: {  	s0 =	sshll.u32 s2, $0x4  }
0x1d6: {  	v24 =	vld [tilespmem:s0+$0x2980];
	_ =	sdelay $0x2  }
0x1d7: {  	s1 =	sadd.s32 s3, s0  }
0x1d8: {  	v25 =	vor.u32 s1, v3  }
0x1d9: {  	vm1 =	vlt.s32 v25, v23;
	vm2 =	vlt.s32 v24, v1  }
0x1da: {  	vm3 =	vge.s32 v24, v0;
	vm1 =	vmand vm1, vm2  }
0x1db: {  	vm1 =	vmand vm1, vm3  }
0x1dc: {  	v62 =	vmpcnt.ones.xlane vm1;
	_ =	sdelay $0x1  }
0x1dd: {  	v25 =	vxor.u32 $0x80000000, v62  }
0x1de: {  	(xrf0) =	vmax.scan.msk.u32 $0xffff, v25;
	_ =	sdelay $0x5  }
0x1df: {  	v25, _, _ =	vpop (xrf0)  }
0x1e0: {  	(v2sf) =	vpush v25, $0xF;
	_ =	sdelay $0x6  }
0x1e1: {  	v24 =	vsub.s32 v24, v0  }
0x1e2: {  	v24 =	vnsel vm1, $0x0, v24  }
0x1e3: {  	v63 =	vshll.u32 v24, $0x4  }
0x1e4: {  	v25 =	vor.u32 v3, v63  }
0x1e5: {  	v26 =	vld [tilespmem:s0+$0x2780];
	_ =	sdelay $0x2  }
0x1e6: {  	s30 =	simm.s32 $0x18B00  }
0x1e7: {  	[tilespmem:v25+s30+$0x0] =	vst.idx.add.f32.msk vm1, v4;
	s31 =	spop (v2sf)  }
0x1e8: {  	v24 =	vshll.u32 v24, $0x8;
	[tilespmem:s5+$0x2F80] =	vst.msk vm1, v26;
	s0 =	sadd.s32 s31, s5  }
0x1e9: {  	[tilespmem:s5+$0x3180] =	vst.msk vm1, v24;
	s5 =	sadd.s32 $0x80000000, s0  }
0x1ea: {  	p1 =	slt.s32 s5, $0x10  }
.Ltmp11:
0x1eb: {  	_ = 	snop;
	(pc) =	sbr.rel @p1 .LBB2_17-.Ltmp11, $1  }
0x1ec: {  	_ =	sdelay $0x3  }
0x1ed: {  	v24 =	vld [tilespmem:$0x2F80];
	_ =	sdelay $0x4  }
0x1ee: {  	v25 =	vshll.u32 v24, $0x1  }
0x1ef: {  	v24 =	vand.u32 $0x7, v24;
	v25 =	vand.u32 $0xFFFFFFF0, v25  }
0x1f0: {  	v24 =	vor.u32 v24, v25  }
0x1f1: {  	v25 =	vperm.xlane v24, v5;
	_ =	sdelay $0x1  }
0x1f2: {  	v24 =	vperm.xlane v24, v7;
	v25 =	vadd.s32 v6, v25;
	_ =	sdelay $0x1  }
0x1f3: {  	s0 =	simm.s32 $0x2;
	v24 =	vadd.s32 v6, v24  }
0x1f4: {  	[smem:$0x7F8] =	sst s5;
	s13 =	simm.s32 $0x0;
	v26 =	vmov s0  }
0x1f5: {  	s4 =	simm.s32 $0x1;
	s1 =	rddreg [dreg:$0x0];
	s5 =	simm.s32 $0x3A00;
	v26 =	vand.u32 $0xFFFFFFFE, v26  }
0x1f6: {  	v26 =	vbroadcast v26, $0x0;
	[tilespmem:s5], [sflag:$0x7] =	stream.indirect_vreg.gather [hbm4b:s1+s13], $0x80, v25, vm0, $0xb8;
	v25 =	vmov s4;
	[tilespmem:$0x1F0E0] =	vst v63  }
0x1f7: {  	[smem:$0x7F7] =	sst s2;
	s6 =	simm.s32 $0x4200;
	s7 =	simm.s32 $0x7;
	v27 =	vmov s13;
	v25 =	vand.u32 $0xFFFFFFFD, v25  }
0x1f8: {  	[tilespmem:s6], [sflag:$0x7] =	stream.indirect_vreg.gather [hbm4b:s1+s13], $0x80, v24, vm0, $0xb8;
	v24 =	vand.u32 $0xFFFFFFFC, v27;
	v25 =	vbroadcast v25, $0x0;
	[tilespmem:$0x1F0E0] =	vst v63  }
0x1f9: {  	_ =	swait.ge [sflag:s7], $0x1000;
	v24 =	vbroadcast v24, $0x0  }
0x1fa: {  	s8 =	simm.s32 $0x3;
	[sflag:s7] =	ssyncset.done $0x0  }
0x1fb: {  	v28 =	vmov s8;
	[sflag:s7] =	ssyncadd.s32 $0xFFFFF000  }
0x1fc: {  	v27 =	vld.idx.msk [tilespmem:v26+s21+$0x0], $0xffff;
	_ =	sdelay $0x1  }
0x1fd: {  	s10 =	simm.s32 $0x100;
	s9 =	sand.u32 $0x800, s13;
	v26 =	vld.idx.msk [tilespmem:v25+s21+$0x0], $0xffff  }
0x1fe: {  	s11 =	sand.u32 $0x300, s10;
	s4 =	sadd.s32 $0x3A00, s9;
	v25 =	vld.idx.msk [tilespmem:v24+s21+$0x0], $0xffff  }
0x1ff: {  	s12 =	simm.s32 $0x80;
	s3 =	sadd.s32 s11, s4;
	v24 =	vld.idx.msk [tilespmem:v28+s21+$0x0], $0xffff  }
0x200: {  	s14 =	simm.s32 $0x0;
	s1 =	sand.u32 $0x280, s12;
	v28 =	vld [tilespmem:s3+$0x0];
	v29 =	vadd.s32 v3, v27  }
0x201: {  	s17 =	simm.s32 $0x180;
	s0 =	sand.u32 $0x200, s14;
	s15 =	sadd.s32 s1, s4  }
0x202: {  	s16 =	sand.u32 $0x380, s17;
	s0 =	sadd.s32 s0, s4;
	v30 =	vld [tilespmem:s15+$0x0];
	v31 =	vadd.s32 v3, v26  }
0x203: {  	s1 =	sadd.s32 s16, s4;
	v32 =	vld [tilespmem:s0+$0x0];
	v33 =	vadd.s32 v3, v25  }
0x204: {  	v34 =	vld [tilespmem:s1+$0x0];
	v35 =	vadd.s32 v3, v24  }
0x205: {  	[tilespmem:v29+s25+$0x0] =	vst.idx.add.f32.msk $0xffff, v28  }
0x206: {  	v28 =	vld [tilespmem:s3+$0x10]  }
0x207: {  	v29 =	vadd.s32 v8, v27;
	[tilespmem:v31+s25+$0x0] =	vst.idx.add.f32.msk $0xffff, v30  }
0x208: {  	[tilespmem:v33+s25+$0x0] =	vst.idx.add.f32.msk $0xffff, v32  }
0x209: {  	[tilespmem:v35+s25+$0x0] =	vst.idx.add.f32.msk $0xffff, v34  }
0x20a: {  	v31 =	vadd.s32 v8, v26;
	v30 =	vld [tilespmem:s15+$0x10]  }
0x20b: {  	v32 =	vld [tilespmem:s0+$0x10]  }
0x20c: {  	v36 =	vadd.s32 v8, v25;
	[tilespmem:v29+s25+$0x0] =	vst.idx.add.f32.msk $0xffff, v28  }
0x20d: {  	v29 =	vadd.s32 v9, v27;
	v28 =	vld [tilespmem:s3+$0x20]  }
0x20e: {  	v34 =	vld [tilespmem:s1+$0x10]  }
0x20f: {  	[tilespmem:v31+s25+$0x0] =	vst.idx.add.f32.msk $0xffff, v30;
	v30 =	vadd.s32 v8, v24  }
0x210: {  	v31 =	vld [tilespmem:s15+$0x20]  }
0x211: {  	[tilespmem:v36+s25+$0x0] =	vst.idx.add.f32.msk $0xffff, v32  }
0x212: {  	[tilespmem:v29+s25+$0x0] =	vst.idx.add.f32.msk $0xffff, v28  }
0x213: {  	v37 =	vadd.s32 v9, v26;
	v28 =	vld [tilespmem:s3+$0x30]  }
0x214: {  	v29 =	vadd.s32 v10, v27;
	[tilespmem:v30+s25+$0x0] =	vst.idx.add.f32.msk $0xffff, v34  }
0x215: {  	v38 =	vadd.s32 v9, v25;
	v30 =	vld [tilespmem:s0+$0x20];
	_ =	sdelay $0x1  }
0x216: {  	v34 =	vld [tilespmem:s1+$0x20]  }
0x217: {  	v39 =	vadd.s32 v9, v24;
	[tilespmem:v37+s25+$0x0] =	vst.idx.add.f32.msk $0xffff, v31  }
0x218: {  	[tilespmem:v29+s25+$0x0] =	vst.idx.add.f32.msk $0xffff, v28  }
0x219: {  	[tilespmem:v38+s25+$0x0] =	vst.idx.add.f32.msk $0xffff, v30  }
0x21a: {  	v31 =	vadd.s32 v10, v26;
	v30 =	vld [tilespmem:s15+$0x30]  }
0x21b: {  	v29 =	vadd.s32 v11, v27;
	v28 =	vld [tilespmem:s3+$0x40]  }
0x21c: {  	[tilespmem:v39+s25+$0x0] =	vst.idx.add.f32.msk $0xffff, v34  }
0x21d: {  	v41 =	vadd.s32 v10, v25;
	v40 =	vld [tilespmem:s0+$0x30]  }
0x21e: {  	v34 =	vld [tilespmem:s1+$0x30]  }
0x21f: {  	[tilespmem:v31+s25+$0x0] =	vst.idx.add.f32.msk $0xffff, v30;
	v30 =	vadd.s32 v10, v24  }
0x220: {  	[tilespmem:v29+s25+$0x0] =	vst.idx.add.f32.msk $0xffff, v28  }
0x221: {  	v31 =	vld [tilespmem:s15+$0x40]  }
0x222: {  	v42 =	vadd.s32 v11, v26;
	[tilespmem:v41+s25+$0x0] =	vst.idx.add.f32.msk $0xffff, v40  }
0x223: {  	v29 =	vadd.s32 v12, v27;
	v28 =	vld [tilespmem:s3+$0x50]  }
0x224: {  	[tilespmem:v30+s25+$0x0] =	vst.idx.add.f32.msk $0xffff, v34  }
0x225: {  	v43 =	vadd.s32 v11, v25;
	v30 =	vld [tilespmem:s0+$0x40]  }
0x226: {  	v34 =	vld [tilespmem:s1+$0x40]  }
0x227: {  	v44 =	vadd.s32 v11, v24;
	[tilespmem:v42+s25+$0x0] =	vst.idx.add.f32.msk $0xffff, v31  }
0x228: {  	[tilespmem:v29+s25+$0x0] =	vst.idx.add.f32.msk $0xffff, v28  }
0x229: {  	v29 =	vadd.s32 v13, v27;
	v28 =	vld [tilespmem:s3+$0x60]  }
0x22a: {  	[tilespmem:v43+s25+$0x0] =	vst.idx.add.f32.msk $0xffff, v30  }
0x22b: {  	v30 =	vld [tilespmem:s15+$0x50]  }
0x22c: {  	v31 =	vadd.s32 v12, v26;
	[tilespmem:v44+s25+$0x0] =	vst.idx.add.f32.msk $0xffff, v34  }
0x22d: {  	v45 =	vld [tilespmem:s0+$0x50]  }
0x22e: {  	v46 =	vadd.s32 v12, v25;
	[tilespmem:v29+s25+$0x0] =	vst.idx.add.f32.msk $0xffff, v28  }
0x22f: {  	v29 =	vadd.s32 v14, v27;
	v28 =	vld [tilespmem:s3+$0x70]  }
0x230: {  	s18 =	sand.u32 $0x3, s13;
	v34 =	vld [tilespmem:s1+$0x50]  }
0x231: {  	s3 =	sshll.u32 s18, $0x8;
	[tilespmem:v31+s25+$0x0] =	vst.idx.add.f32.msk $0xffff, v30;
	v30 =	vadd.s32 v12, v24  }
0x232: {  	s3 =	sadd.s32 $0x0, s3;
	v31 =	vld [tilespmem:s15+$0x60]  }
0x233: {  	s3 =	sadd.s32 $0x100, s3;
	[tilespmem:v46+s25+$0x0] =	vst.idx.add.f32.msk $0xffff, v45  }
0x234: {  	v47 =	vadd.s32 v13, v26;
	s19 =	sor.u32 $0x400, s3;
	[tilespmem:v29+s25+$0x0] =	vst.idx.add.f32.msk $0xffff, v28  }
0x235: {  	v29 =	vadd.s32 v15, v27;
	v28 =	vld [tilespmem:s19+$0x3A00]  }
0x236: {  	[tilespmem:v30+s25+$0x0] =	vst.idx.add.f32.msk $0xffff, v34  }
0x237: {  	v48 =	vadd.s32 v13, v25;
	v30 =	vld [tilespmem:s0+$0x60]  }
0x238: {  	v34 =	vld [tilespmem:s1+$0x60]  }
0x239: {  	v49 =	vadd.s32 v13, v24;
	[tilespmem:v47+s25+$0x0] =	vst.idx.add.f32.msk $0xffff, v31  }
0x23a: {  	s20 =	sor.u32 $0x410, s3;
	[tilespmem:v29+s25+$0x0] =	vst.idx.add.f32.msk $0xffff, v28  }
0x23b: {  	v29 =	vadd.s32 v16, v27;
	v28 =	vld [tilespmem:s20+$0x3A00]  }
0x23c: {  	[tilespmem:v48+s25+$0x0] =	vst.idx.add.f32.msk $0xffff, v30  }
0x23d: {  	v30 =	vld [tilespmem:s15+$0x70]  }
0x23e: {  	v31 =	vadd.s32 v14, v26;
	[tilespmem:v49+s25+$0x0] =	vst.idx.add.f32.msk $0xffff, v34  }
0x23f: {  	v50 =	vld [tilespmem:s0+$0x70]  }
0x240: {  	s23 =	sand.u32 $0x7, s13;
	s22 =	sor.u32 $0x420, s3;
	[tilespmem:v29+s25+$0x0] =	vst.idx.add.f32.msk $0xffff, v28  }
0x241: {  	s2 =	sshll.u32 s23, $0x7;
	v29 =	vadd.s32 v17, v27;
	v28 =	vld [tilespmem:s22+$0x3A00]  }
0x242: {  	s2 =	sadd.s32 $0x0, s2;
	v34 =	vld [tilespmem:s1+$0x70]  }
0x243: {  	s0 =	sadd.s32 $0x80, s2;
	[tilespmem:v31+s25+$0x0] =	vst.idx.add.f32.msk $0xffff, v30;
	v30 =	vadd.s32 v14, v24  }
0x244: {  	s26 =	sor.u32 $0x400, s0  }
0x245: {  	v51 =	vadd.s32 v14, v25;
	v31 =	vld [tilespmem:s26+$0x3A00]  }
0x246: {  	p1 =	por $0x0, $0x0;
	s4 =	simm.s32 $0x1;
	s24 =	sor.u32 $0x430, s3;
	[tilespmem:v29+s25+$0x0] =	vst.idx.add.f32.msk $0xffff, v28  }
0x247: {  	s4 =	simm.s32 @!p1 $0x0;
	s2 =	sadd.s32 $0x180, s2;
	v29 =	vadd.s32 v18, v27;
	v28 =	vld [tilespmem:s24+$0x3A00]  }
0x248: {  	s4 =	sshll.u32 s4, $0x9;
	s31 =	sor.u32 $0x400, s2;
	[tilespmem:v30+s25+$0x0] =	vst.idx.add.f32.msk $0xffff, v34  }
0x249: {  	v54 =	vadd.s32 v15, v24;
	s1 =	sadd.s32 $0x0, s4;
	v34 =	vld [tilespmem:s31+$0x3A00]  }
0x24a: {  	s4 =	sor.u32 $0x400, s1;
	[tilespmem:v51+s25+$0x0] =	vst.idx.add.f32.msk $0xffff, v50  }
0x24b: {  	v52 =	vadd.s32 v15, v26;
	v30 =	vld [tilespmem:s4+$0x3A00]  }
0x24c: {  	v53 =	vadd.s32 v15, v25;
	s28 =	sor.u32 $0x440, s3;
	[tilespmem:v29+s25+$0x0] =	vst.idx.add.f32.msk $0xffff, v28  }
0x24d: {  	v29 =	vadd.s32 v19, v27;
	v28 =	vld [tilespmem:s28+$0x3A00]  }
0x24e: {  	s10 =	sor.u32 $0x410, s2;
	[tilespmem:v54+s25+$0x0] =	vst.idx.add.f32.msk $0xffff, v34  }
0x24f: {  	v57 =	vadd.s32 v16, v24;
	v34 =	vld [tilespmem:s10+$0x3A00]  }
0x250: {  	[tilespmem:v52+s25+$0x0] =	vst.idx.add.f32.msk $0xffff, v31  }
0x251: {  	[tilespmem:v53+s25+$0x0] =	vst.idx.add.f32.msk $0xffff, v30  }
0x252: {  	s6 =	sor.u32 $0x450, s3;
	[tilespmem:v29+s25+$0x0] =	vst.idx.add.f32.msk $0xffff, v28  }
0x253: {  	v29 =	vadd.s32 v20, v27;
	v28 =	vld [tilespmem:s6+$0x3A00]  }
0x254: {  	s14 =	sor.u32 $0x420, s2;
	[tilespmem:v57+s25+$0x0] =	vst.idx.add.f32.msk $0xffff, v34  }
0x255: {  	v59 =	vadd.s32 v17, v24;
	s7 =	sor.u32 $0x410, s0;
	v58 =	vld [tilespmem:s14+$0x3A00]  }
0x256: {  	s9 =	sor.u32 $0x410, s1;
	v30 =	vld [tilespmem:s7+$0x3A00]  }
0x257: {  	v31 =	vadd.s32 v16, v26;
	v55 =	vld [tilespmem:s9+$0x3A00]  }
0x258: {  	s8 =	sor.u32 $0x460, s3;
	[tilespmem:v29+s25+$0x0] =	vst.idx.add.f32.msk $0xffff, v28  }
0x259: {  	v29 =	vadd.s32 v21, v27;
	v28 =	vld [tilespmem:s8+$0x3A00]  }
0x25a: {  	v56 =	vadd.s32 v16, v25;
	s18 =	sor.u32 $0x430, s2;
	[tilespmem:v59+s25+$0x0] =	vst.idx.add.f32.msk $0xffff, v58  }
0x25b: {  	v61 =	vadd.s32 v18, v24;
	v32 =	vld [tilespmem:s18+$0x3A00]  }
0x25c: {  	s11 =	sor.u32 $0x420, s0;
	[tilespmem:v31+s25+$0x0] =	vst.idx.add.f32.msk $0xffff, v30  }
0x25d: {  	v30 =	vld [tilespmem:s11+$0x3A00]  }
0x25e: {  	[tilespmem:v29+s25+$0x0] =	vst.idx.add.f32.msk $0xffff, v28;
	v28 =	vadd.s32 v17, v26  }
0x25f: {  	[tilespmem:v56+s25+$0x0] =	vst.idx.add.f32.msk $0xffff, v55  }
0x260: {  	s12 =	sor.u32 $0x420, s1;
	[tilespmem:v61+s25+$0x0] =	vst.idx.add.f32.msk $0xffff, v32  }
0x261: {  	s3 =	sor.u32 $0x470, s3;
	v31 =	vadd.s32 v17, v25;
	v29 =	vld [tilespmem:s12+$0x3A00]  }
0x262: {  	v60 =	vld [tilespmem:s3+$0x3A00]  }
0x263: {  	s15 =	sor.u32 $0x430, s0;
	v27 =	vadd.s32 v22, v27;
	[tilespmem:v28+s25+$0x0] =	vst.idx.add.f32.msk $0xffff, v30  }
0x264: {  	s23 =	sor.u32 $0x440, s2;
	v30 =	vadd.s32 v18, v26;
	v28 =	vld [tilespmem:s15+$0x3A00]  }
0x265: {  	v32 =	vld [tilespmem:s23+$0x3A00]  }
0x266: {  	s16 =	sor.u32 $0x430, s1;
	[tilespmem:v31+s25+$0x0] =	vst.idx.add.f32.msk $0xffff, v29  }
0x267: {  	v31 =	vadd.s32 v18, v25;
	v29 =	vld [tilespmem:s16+$0x3A00]  }
0x268: {  	[tilespmem:v27+s25+$0x0] =	vst.idx.add.f32.msk $0xffff, v60  }
0x269: {  	v62 =	vadd.s32 v19, v24;
	s19 =	sor.u32 $0x440, s0;
	[tilespmem:v30+s25+$0x0] =	vst.idx.add.f32.msk $0xffff, v28  }
0x26a: {  	v28 =	vadd.s32 v19, v26;
	v27 =	vld [tilespmem:s19+$0x3A00]  }
0x26b: {  	s20 =	simm.s32 $0x7  }
0x26c: {  	s22 =	sor.u32 $0x440, s1;
	[tilespmem:v31+s25+$0x0] =	vst.idx.add.f32.msk $0xffff, v29;
	v29 =	vmov s20  }
0x26d: {  	v31 =	vadd.s32 v19, v25;
	v30 =	vld [tilespmem:s22+$0x3A00]  }
0x26e: {  	[tilespmem:v62+s25+$0x0] =	vst.idx.add.f32.msk $0xffff, v32  }
0x26f: {  	s24 =	sor.u32 $0x450, s0;
	[tilespmem:v28+s25+$0x0] =	vst.idx.add.f32.msk $0xffff, v27  }
0x270: {  	v63 =	vadd.s32 v20, v26;
	v28 =	vld [tilespmem:s24+$0x3A00]  }
0x271: {  	s26 =	simm.s32 $0x4;
	v27 =	vld.idx.msk [tilespmem:v29+s21+$0x0], $0xffff  }
0x272: {  	s28 =	sor.u32 $0x450, s1;
	[tilespmem:v31+s25+$0x0] =	vst.idx.add.f32.msk $0xffff, v30;
	v30 =	vmov s26  }
0x273: {  	s29 =	simm.s32 $0x8;
	s30 =	sor.u32 $0x460, s1;
	s8 =	sor.u32 $0x450, s2;
	v29 =	vld [tilespmem:s28+$0x3A00];
	v31 =	vand.u32 $0xFFFFFFFC, v30  }
0x274: {  	s5 =	sor.u32 $0x470, s1;
	s31 =	simm.s32 $0x5;
	s7 =	sor.u32 $0x460, s0;
	v30 =	vld [tilespmem:s8+$0x3A00];
	v32 =	vbroadcast v31, $0x0  }
0x275: {  	s9 =	sor.u32 $0x470, s0;
	s0 =	simm.s32 $0x6;
	s10 =	sor.u32 $0x460, s2;
	[tilespmem:v63+s25+$0x0] =	vst.idx.add.f32.msk $0xffff, v28  }
0x276: {  	v33 =	vadd.s32 v20, v24;
	v35 =	vmov s31;
	s11 =	simm.s32 $0x0;
	v34 =	vadd.s32 v20, v25;
	s19 =	simm.s32 $0x0;
	s24 =	sor.u32 $0x470, s2;
	v31 =	vld [tilespmem:s7+$0x3A00]  }
.LBB2_15:
0x277: {  	_ =	sdelay $0x2  }
0x278: {  	v28 =	vand.u32 $0xFFFFFFFD, v35;
	v36 =	vadd.s32 v21, v26;
	v32 =	vld.idx.msk [tilespmem:v32+s21+$0x0], $0xffff  }
0x279: {  	v54 =	vmov s0;
	v28 =	vbroadcast v28, $0x0;
	[tilespmem:v34+s25+$0x0] =	vst.idx.add.f32.msk $0xffff, v29  }
0x27a: {  	v35 =	vand.u32 $0xFFFFFFFE, v54;
	[tilespmem:v33+s25+$0x0] =	vst.idx.add.f32.msk $0xffff, v30  }
0x27b: {  	v29 =	vbroadcast v35, $0x0;
	v30 =	vld [tilespmem:s30+$0x3A00]  }
0x27c: {  	s17 =	sadd.s32 $0x200, s17;
	s11 =	sadd.s32 $0x400, s11;
	v56 =	vld [tilespmem:s10+$0x3A00]  }
0x27d: {  	v55 =	vadd.s32 v21, v25;
	s2 =	sand.u32 $0x800, s11;
	s4 =	sadd.s32 $0xFFFFFF80, s17;
	[tilespmem:v36+s25+$0x0] =	vst.idx.add.f32.msk $0xffff, v31  }
0x27e: {  	s4 =	sand.u32 $0x300, s4;
	v31 =	vadd.s32 v21, v24;
	v57 =	vld [tilespmem:s9+$0x3A00];
	s9 =	sadd.s32 $0x3A00, s2  }
0x27f: {  	v36 =	vld.idx.msk [tilespmem:v28+s21+$0x0], $0xffff;
	s8 =	sadd.s32 s4, s9  }
0x280: {  	v58 =	vld [tilespmem:s8+$0x0]  }
0x281: {  	v29 =	vld.idx.msk [tilespmem:v29+s21+$0x0], $0xffff  }
0x282: {  	[tilespmem:v55+s25+$0x0] =	vst.idx.add.f32.msk $0xffff, v30  }
0x283: {  	v26 =	vadd.s32 v22, v26;
	[tilespmem:v31+s25+$0x0] =	vst.idx.add.f32.msk $0xffff, v56  }
0x284: {  	s3 =	sadd.s32 $0xFFFFFE80, s17;
	s12 =	sand.u32 $0x380, s17;
	v30 =	vld [tilespmem:s5+$0x3A00]  }
0x285: {  	s3 =	sand.u32 $0x200, s3;
	v31 =	vadd.s32 v22, v25;
	s21 =	sadd.s32 s12, s9;
	v28 =	vld [tilespmem:s24+$0x3A00]  }
0x286: {  	v39 =	vadd.s32 v3, v27;
	s10 =	sadd.s32 $0xFFFFFF00, s17;
	s23 =	sadd.s32 s3, s9;
	v25 =	vmov v32;
	v38 =	vld [tilespmem:s21+$0x0]  }
0x287: {  	s2 =	sand.u32 $0x280, s10;
	v60 =	vld [tilespmem:s23+$0x0];
	v37 =	vadd.s32 v3, v25  }
0x288: {  	s2 =	sadd.s32 s2, s9;
	[tilespmem:v26+s25+$0x0] =	vst.idx.add.f32.msk $0xffff, v57  }
0x289: {  	v35 =	vld [tilespmem:s2+$0x0]  }
0x28a: {  	v59 =	vadd.s32 v3, v29;
	[tilespmem:v31+s25+$0x0] =	vst.idx.add.f32.msk $0xffff, v30  }
0x28b: {  	v26 =	vmov v36;
	[tilespmem:v39+s25+$0x0] =	vst.idx.add.f32.msk $0xffff, v38  }
0x28c: {  	v36 =	vadd.s32 v3, v26;
	[tilespmem:v37+s25+$0x0] =	vst.idx.add.f32.msk $0xffff, v60  }
0x28d: {  	v40 =	vld [tilespmem:s21+$0x10]  }
0x28e: {  	v41 =	vadd.s32 v8, v27;
	v34 =	vld [tilespmem:s23+$0x10]  }
0x28f: {  	v63 =	vadd.s32 v8, v25;
	[tilespmem:v59+s25+$0x0] =	vst.idx.add.f32.msk $0xffff, v58  }
0x290: {  	v31 =	vadd.s32 v8, v29;
	v30 =	vld [tilespmem:s8+$0x10]  }
0x291: {  	[tilespmem:v36+s25+$0x0] =	vst.idx.add.f32.msk $0xffff, v35  }
0x292: {  	v61 =	vld [tilespmem:s2+$0x10]  }
0x293: {  	v62 =	vadd.s32 v8, v26;
	[tilespmem:v41+s25+$0x0] =	vst.idx.add.f32.msk $0xffff, v40  }
0x294: {  	[tilespmem:v63+s25+$0x0] =	vst.idx.add.f32.msk $0xffff, v34  }
0x295: {  	[tilespmem:v31+s25+$0x0] =	vst.idx.add.f32.msk $0xffff, v30  }
0x296: {  	v31 =	vadd.s32 v9, v29;
	v30 =	vld [tilespmem:s8+$0x20]  }
0x297: {  	v36 =	vld [tilespmem:s21+$0x20]  }
0x298: {  	v45 =	vadd.s32 v9, v27;
	[tilespmem:v62+s25+$0x0] =	vst.idx.add.f32.msk $0xffff, v61  }
0x299: {  	v44 =	vadd.s32 v9, v25;
	v43 =	vld [tilespmem:s23+$0x20]  }
0x29a: {  	v33 =	vld [tilespmem:s2+$0x20]  }
0x29b: {  	[tilespmem:v31+s25+$0x0] =	vst.idx.add.f32.msk $0xffff, v30  }
0x29c: {  	v31 =	vadd.s32 v10, v29;
	v30 =	vld [tilespmem:s8+$0x30]  }
0x29d: {  	[tilespmem:v45+s25+$0x0] =	vst.idx.add.f32.msk $0xffff, v36  }
0x29e: {  	v42 =	vadd.s32 v9, v26;
	[tilespmem:v44+s25+$0x0] =	vst.idx.add.f32.msk $0xffff, v43  }
0x29f: {  	v36 =	vld [tilespmem:s21+$0x30]  }
0x2a0: {  	v50 =	vadd.s32 v10, v27;
	v48 =	vld [tilespmem:s23+$0x30]  }
0x2a1: {  	v49 =	vadd.s32 v10, v25;
	[tilespmem:v31+s25+$0x0] =	vst.idx.add.f32.msk $0xffff, v30  }
0x2a2: {  	v31 =	vadd.s32 v11, v29;
	v30 =	vld [tilespmem:s8+$0x40]  }
0x2a3: {  	[tilespmem:v42+s25+$0x0] =	vst.idx.add.f32.msk $0xffff, v33  }
0x2a4: {  	v46 =	vld [tilespmem:s2+$0x30]  }
0x2a5: {  	v47 =	vadd.s32 v10, v26;
	[tilespmem:v50+s25+$0x0] =	vst.idx.add.f32.msk $0xffff, v36  }
0x2a6: {  	[tilespmem:v49+s25+$0x0] =	vst.idx.add.f32.msk $0xffff, v48  }
0x2a7: {  	s13 =	sadd.s32 $0x4, s13;
	[tilespmem:v31+s25+$0x0] =	vst.idx.add.f32.msk $0xffff, v30  }
0x2a8: {  	s1 =	sand.u32 $0x7, s13;
	v31 =	vadd.s32 v12, v29;
	v30 =	vld [tilespmem:s8+$0x50]  }
0x2a9: {  	s1 =	sshll.u32 s1, $0x7;
	v36 =	vld [tilespmem:s21+$0x40]  }
0x2aa: {  	p1 =	por !p1, !p1;
	s0 =	simm.s32 $0x1;
	s1 =	sadd.s32 s11, s1;
	v54 =	vadd.s32 v11, v27;
	[tilespmem:v47+s25+$0x0] =	vst.idx.add.f32.msk $0xffff, v46  }
0x2ab: {  	s19 =	sadd.s32 $0x2, s19;
	s0 =	simm.s32 @!p1 $0x0;
	s6 =	sadd.s32 $0x180, s1;
	v53 =	vadd.s32 v11, v25;
	v52 =	vld [tilespmem:s23+$0x40]  }
0x2ac: {  	s0 =	sshll.u32 s0, $0x9;
	s15 =	sor.u32 $0x410, s6;
	s7 =	sor.u32 $0x420, s6;
	v33 =	vld [tilespmem:s2+$0x40]  }
0x2ad: {  	s26 =	sor.u32 $0x430, s6;
	s24 =	sadd.s32 s0, s11;
	s5 =	sadd.s32 $0x80, s1;
	[tilespmem:v31+s25+$0x0] =	vst.idx.add.f32.msk $0xffff, v30  }
0x2ae: {  	s0 =	sor.u32 $0x400, s6;
	s22 =	sor.u32 $0x400, s24;
	s31 =	sor.u32 $0x400, s5;
	v31 =	vadd.s32 v13, v29;
	v30 =	vld [tilespmem:s8+$0x60]  }
0x2af: {  	s18 =	sor.u32 $0x410, s5;
	s4 =	sor.u32 $0x410, s24;
	s3 =	sor.u32 $0x420, s5;
	[tilespmem:v54+s25+$0x0] =	vst.idx.add.f32.msk $0xffff, v36  }
0x2b0: {  	s12 =	sor.u32 $0x420, s24;
	s28 =	sor.u32 $0x430, s5;
	s1 =	sor.u32 $0x430, s24;
	v51 =	vadd.s32 v11, v26;
	[tilespmem:v53+s25+$0x0] =	vst.idx.add.f32.msk $0xffff, v52  }
0x2b1: {  	s16 =	sor.u32 $0x440, s5;
	s20 =	sor.u32 $0x440, s24;
	s14 =	sor.u32 $0x450, s5;
	v36 =	vld [tilespmem:s21+$0x50]  }
0x2b2: {  	s10 =	sor.u32 $0x450, s24;
	s30 =	sor.u32 $0x460, s24;
	[dreg:$0xc] =	wrdreg s14;
	v59 =	vadd.s32 v12, v27;
	v57 =	vld [tilespmem:s23+$0x50]  }
0x2b3: {  	s9 =	sor.u32 $0x470, s5;
	s14 =	sor.u32 $0x440, s6;
	[dreg:$0xa] =	wrdreg s10;
	v58 =	vadd.s32 v12, v25;
	[tilespmem:v31+s25+$0x0] =	vst.idx.add.f32.msk $0xffff, v30  }
0x2b4: {  	s10 =	sor.u32 $0x460, s5;
	s5 =	sor.u32 $0x470, s24;
	s24 =	sor.u32 $0x470, s6;
	v31 =	vadd.s32 v14, v29;
	v30 =	vld [tilespmem:s8+$0x70]  }
0x2b5: {  	[dreg:$0x6] =	wrdreg s10;
	s10 =	sor.u32 $0x450, s6;
	[tilespmem:v51+s25+$0x0] =	vst.idx.add.f32.msk $0xffff, v33;
	s8 =	sand.u32 $0x3, s19  }
0x2b6: {  	[dreg:$0x8] =	wrdreg s10;
	s10 =	sor.u32 $0x460, s6;
	v55 =	vld [tilespmem:s2+$0x50];
	s6 =	sshll.u32 s8, $0x8  }
0x2b7: {  	v56 =	vadd.s32 v12, v26;
	[tilespmem:v59+s25+$0x0] =	vst.idx.add.f32.msk $0xffff, v36;
	s6 =	sadd.s32 s11, s6  }
0x2b8: {  	[tilespmem:v58+s25+$0x0] =	vst.idx.add.f32.msk $0xffff, v57;
	s8 =	sadd.s32 $0x100, s6  }
0x2b9: {  	s6 =	sor.u32 $0x400, s8;
	[tilespmem:v31+s25+$0x0] =	vst.idx.add.f32.msk $0xffff, v30  }
0x2ba: {  	v31 =	vadd.s32 v15, v29;
	v30 =	vld [tilespmem:s6+$0x3A00]  }
0x2bb: {  	v36 =	vld [tilespmem:s21+$0x60]  }
0x2bc: {  	v63 =	vadd.s32 v13, v27;
	[tilespmem:v56+s25+$0x0] =	vst.idx.add.f32.msk $0xffff, v55  }
0x2bd: {  	v62 =	vadd.s32 v13, v25;
	v61 =	vld [tilespmem:s23+$0x60]  }
0x2be: {  	v33 =	vld [tilespmem:s2+$0x60]  }
0x2bf: {  	s6 =	sor.u32 $0x410, s8;
	[tilespmem:v31+s25+$0x0] =	vst.idx.add.f32.msk $0xffff, v30  }
0x2c0: {  	v31 =	vadd.s32 v16, v29;
	v30 =	vld [tilespmem:s6+$0x3A00]  }
0x2c1: {  	[tilespmem:v63+s25+$0x0] =	vst.idx.add.f32.msk $0xffff, v36  }
0x2c2: {  	v60 =	vadd.s32 v13, v26;
	[tilespmem:v62+s25+$0x0] =	vst.idx.add.f32.msk $0xffff, v61  }
0x2c3: {  	v36 =	vld [tilespmem:s21+$0x70]  }
0x2c4: {  	v44 =	vadd.s32 v14, v27;
	v42 =	vld [tilespmem:s23+$0x70]  }
0x2c5: {  	v43 =	vadd.s32 v14, v25;
	s6 =	sor.u32 $0x420, s8;
	[tilespmem:v31+s25+$0x0] =	vst.idx.add.f32.msk $0xffff, v30  }
0x2c6: {  	v31 =	vadd.s32 v17, v29;
	v30 =	vld [tilespmem:s6+$0x3A00]  }
0x2c7: {  	[tilespmem:v60+s25+$0x0] =	vst.idx.add.f32.msk $0xffff, v33  }
0x2c8: {  	v40 =	vld [tilespmem:s2+$0x70]  }
0x2c9: {  	v41 =	vadd.s32 v14, v26;
	[tilespmem:v44+s25+$0x0] =	vst.idx.add.f32.msk $0xffff, v36  }
0x2ca: {  	[tilespmem:v43+s25+$0x0] =	vst.idx.add.f32.msk $0xffff, v42  }
0x2cb: {  	s6 =	sor.u32 $0x430, s8;
	[tilespmem:v31+s25+$0x0] =	vst.idx.add.f32.msk $0xffff, v30  }
0x2cc: {  	v31 =	vadd.s32 v18, v29;
	v30 =	vld [tilespmem:s6+$0x3A00]  }
0x2cd: {  	v36 =	vld [tilespmem:s0+$0x3A00]  }
0x2ce: {  	[tilespmem:v41+s25+$0x0] =	vst.idx.add.f32.msk $0xffff, v40  }
0x2cf: {  	v46 =	vld [tilespmem:s22+$0x3A00]  }
0x2d0: {  	v48 =	vadd.s32 v15, v27;
	v33 =	vld [tilespmem:s31+$0x3A00]  }
0x2d1: {  	v47 =	vadd.s32 v15, v25;
	s31 =	sor.u32 $0x440, s8;
	[tilespmem:v31+s25+$0x0] =	vst.idx.add.f32.msk $0xffff, v30  }
0x2d2: {  	v31 =	vadd.s32 v19, v29;
	v30 =	vld [tilespmem:s31+$0x3A00];
	_ =	sdelay $0x1  }
0x2d3: {  	v45 =	vadd.s32 v15, v26  }
0x2d4: {  	[tilespmem:v48+s25+$0x0] =	vst.idx.add.f32.msk $0xffff, v36  }
0x2d5: {  	[tilespmem:v47+s25+$0x0] =	vst.idx.add.f32.msk $0xffff, v46  }
0x2d6: {  	s2 =	sor.u32 $0x450, s8;
	[tilespmem:v31+s25+$0x0] =	vst.idx.add.f32.msk $0xffff, v30  }
0x2d7: {  	v31 =	vadd.s32 v20, v29;
	v30 =	vld [tilespmem:s2+$0x3A00]  }
0x2d8: {  	[tilespmem:v45+s25+$0x0] =	vst.idx.add.f32.msk $0xffff, v33  }
0x2d9: {  	v52 =	vadd.s32 v16, v25;
	v51 =	vld [tilespmem:s4+$0x3A00]  }
0x2da: {  	v50 =	vadd.s32 v16, v26;
	v49 =	vld [tilespmem:s18+$0x3A00]  }
0x2db: {  	v36 =	vld [tilespmem:s15+$0x3A00]  }
0x2dc: {  	s6 =	sor.u32 $0x460, s8;
	[tilespmem:v31+s25+$0x0] =	vst.idx.add.f32.msk $0xffff, v30  }
0x2dd: {  	v31 =	vadd.s32 v21, v29;
	v30 =	vld [tilespmem:s6+$0x3A00]  }
0x2de: {  	v53 =	vadd.s32 v16, v27;
	[tilespmem:v52+s25+$0x0] =	vst.idx.add.f32.msk $0xffff, v51  }
0x2df: {  	[tilespmem:v50+s25+$0x0] =	vst.idx.add.f32.msk $0xffff, v49  }
0x2e0: {  	v54 =	vld [tilespmem:s12+$0x3A00]  }
0x2e1: {  	v55 =	vadd.s32 v17, v25;
	v33 =	vld [tilespmem:s3+$0x3A00]  }
0x2e2: {  	[tilespmem:v31+s25+$0x0] =	vst.idx.add.f32.msk $0xffff, v30;
	v31 =	vadd.s32 v17, v26  }
0x2e3: {  	s15 =	sor.u32 $0x470, s8;
	[tilespmem:v53+s25+$0x0] =	vst.idx.add.f32.msk $0xffff, v36  }
0x2e4: {  	v29 =	vadd.s32 v22, v29;
	v30 =	vld [tilespmem:s15+$0x3A00]  }
0x2e5: {  	v56 =	vld [tilespmem:s7+$0x3A00]  }
0x2e6: {  	v57 =	vadd.s32 v17, v27;
	[tilespmem:v55+s25+$0x0] =	vst.idx.add.f32.msk $0xffff, v54  }
0x2e7: {  	[tilespmem:v31+s25+$0x0] =	vst.idx.add.f32.msk $0xffff, v33  }
0x2e8: {  	v31 =	vadd.s32 v22, v24;
	v24 =	vmov v27;
	v27 =	vld [tilespmem:s1+$0x3A00]  }
0x2e9: {  	v58 =	vadd.s32 v18, v25;
	[tilespmem:v29+s25+$0x0] =	vst.idx.add.f32.msk $0xffff, v30  }
0x2ea: {  	v29 =	vld [tilespmem:s28+$0x3A00];
	v30 =	vadd.s32 v18, v26  }
0x2eb: {  	[tilespmem:v57+s25+$0x0] =	vst.idx.add.f32.msk $0xffff, v56  }
0x2ec: {  	v59 =	vld [tilespmem:s26+$0x3A00];
	v60 =	vadd.s32 v18, v24  }
0x2ed: {  	[tilespmem:v31+s25+$0x0] =	vst.idx.add.f32.msk $0xffff, v28  }
0x2ee: {  	s18 =	sadd.s32 $0x3, s29;
	[tilespmem:v58+s25+$0x0] =	vst.idx.add.f32.msk $0xffff, v27  }
0x2ef: {  	v27 =	vmov s18;
	[tilespmem:v30+s25+$0x0] =	vst.idx.add.f32.msk $0xffff, v29  }
0x2f0: {  	v30 =	vadd.s32 v19, v26;
	v29 =	vld [tilespmem:s16+$0x3A00]  }
0x2f1: {  	[tilespmem:v60+s25+$0x0] =	vst.idx.add.f32.msk $0xffff, v59  }
0x2f2: {  	v31 =	vadd.s32 v19, v25;
	v28 =	vld [tilespmem:s20+$0x3A00]  }
0x2f3: {  	s21 =	simm.s32 $0x3180;
	v61 =	vadd.s32 v19, v24;
	v33 =	vld [tilespmem:s14+$0x3A00]  }
0x2f4: {  	v27 =	vld.idx.msk [tilespmem:v27+s21+$0x0], $0xffff  }
0x2f5: {  	s22 =	rddreg [dreg:$0xc];
	[tilespmem:v30+s25+$0x0] =	vst.idx.add.f32.msk $0xffff, v29  }
0x2f6: {  	v63 =	vadd.s32 v20, v26;
	v62 =	vld [tilespmem:s22+$0x3A00]  }
0x2f7: {  	p2 =	slt.u32 s29, $0xC;
	[tilespmem:v31+s25+$0x0] =	vst.idx.add.f32.msk $0xffff, v28  }
.Ltmp12:
0x2f8: {  	s26 =	rddreg [dreg:$0x8];
	v29 =	vmov s29;
	[tilespmem:v61+s25+$0x0] =	vst.idx.add.f32.msk $0xffff, v33;
	(pc) =	sbr.rel @p2 .LBB2_15-.Ltmp12, $4  }
0x2f9: {  	s23 =	rddreg [dreg:$0xa];
	v29 =	vand.u32 $0xFFFFFFFC, v29;
	v30 =	vld [tilespmem:s26+$0x3A00]  }
0x2fa: {  	v32 =	vbroadcast v29, $0x0;
	v29 =	vld [tilespmem:s23+$0x3A00]  }
0x2fb: {  	s31 =	rddreg [dreg:$0x6];
	s28 =	sadd.s32 $0x1, s29;
	[tilespmem:v63+s25+$0x0] =	vst.idx.add.f32.msk $0xffff, v62  }
0x2fc: {  	v34 =	vadd.s32 v20, v25;
	s0 =	sadd.s32 $0x2, s29;
	v35 =	vmov s28;
	v33 =	vadd.s32 v20, v24;
	s29 =	sadd.s32 $0x4, s29;
	v31 =	vld [tilespmem:s31+$0x3A00]  }
0x2fd: {  	_ =	sdelay $0x3  }
0x2fe: {  	[tilespmem:v33+s25+$0x0] =	vst.idx.add.f32.msk $0xffff, v30  }
0x2ff: {  	s3 =	sadd.s32 $0x200, s17;
	s12 =	sadd.s32 $0x400, s11;
	[tilespmem:v34+s25+$0x0] =	vst.idx.add.f32.msk $0xffff, v29  }
0x300: {  	s1 =	sand.u32 $0x800, s12;
	s2 =	sadd.s32 $0xFFFFFF80, s3;
	v29 =	vld.idx.msk [tilespmem:v32+s21+$0x0], $0xffff  }
0x301: {  	v28 =	vmov s0;
	s15 =	sadd.s32 $0xFFFFFF00, s3;
	s6 =	sadd.s32 $0x3A00, s1;
	s14 =	sand.u32 $0x300, s2;
	v33 =	vld [tilespmem:s10+$0x3A00]  }
0x302: {  	v48 =	vadd.s32 v21, v26;
	v28 =	vand.u32 $0xFFFFFFFE, v28;
	s4 =	sadd.s32 $0xFFFFFE80, s3;
	s2 =	sand.u32 $0x280, s15;
	s1 =	sadd.s32 s14, s6;
	v46 =	vld [tilespmem:s30+$0x3A00]  }
0x303: {  	v47 =	vand.u32 $0xFFFFFFFD, v35;
	v28 =	vbroadcast v28, $0x0;
	s16 =	sand.u32 $0x200, s4;
	s17 =	sadd.s32 s2, s6;
	v36 =	vld [tilespmem:s1+$0x0]  }
0x304: {  	s3 =	sand.u32 $0x380, s3;
	v32 =	vbroadcast v47, $0x0;
	s18 =	sadd.s32 s16, s6;
	v51 =	vld [tilespmem:s17+$0x0]  }
0x305: {  	s3 =	sadd.s32 s3, s6;
	v53 =	vld [tilespmem:s18+$0x0]  }
0x306: {  	v41 =	vadd.s32 v3, v27;
	v40 =	vld [tilespmem:s3+$0x0]  }
0x307: {  	[tilespmem:v48+s25+$0x0] =	vst.idx.add.f32.msk $0xffff, v31  }
0x308: {  	v38 =	vadd.s32 v21, v25;
	v30 =	vld [tilespmem:s9+$0x3A00]  }
0x309: {  	v28 =	vld.idx.msk [tilespmem:v28+s21+$0x0], $0xffff  }
0x30a: {  	v39 =	vadd.s32 v3, v29;
	v31 =	vld.idx.msk [tilespmem:v32+s21+$0x0], $0xffff  }
0x30b: {  	[tilespmem:v41+s25+$0x0] =	vst.idx.add.f32.msk $0xffff, v40  }
0x30c: {  	v58 =	vadd.s32 v8, v27;
	v40 =	vld [tilespmem:s3+$0x10]  }
0x30d: {  	[tilespmem:v38+s25+$0x0] =	vst.idx.add.f32.msk $0xffff, v46  }
0x30e: {  	v32 =	vld [tilespmem:s5+$0x3A00];
	v37 =	vadd.s32 v3, v28  }
0x30f: {  	[tilespmem:v39+s25+$0x0] =	vst.idx.add.f32.msk $0xffff, v53  }
0x310: {  	v52 =	vadd.s32 v3, v31;
	v38 =	vld [tilespmem:s18+$0x10]  }
0x311: {  	v57 =	vadd.s32 v8, v29;
	[tilespmem:v58+s25+$0x0] =	vst.idx.add.f32.msk $0xffff, v40  }
0x312: {  	v40 =	vld [tilespmem:s3+$0x20]  }
0x313: {  	[tilespmem:v37+s25+$0x0] =	vst.idx.add.f32.msk $0xffff, v36  }
0x314: {  	v45 =	vadd.s32 v8, v28;
	v44 =	vld [tilespmem:s1+$0x10]  }
0x315: {  	[tilespmem:v52+s25+$0x0] =	vst.idx.add.f32.msk $0xffff, v51  }
0x316: {  	v63 =	vadd.s32 v9, v27;
	[tilespmem:v57+s25+$0x0] =	vst.idx.add.f32.msk $0xffff, v38  }
0x317: {  	v55 =	vadd.s32 v8, v31;
	v36 =	vld [tilespmem:s17+$0x10]  }
0x318: {  	v61 =	vld [tilespmem:s18+$0x20]  }
0x319: {  	v62 =	vadd.s32 v9, v29;
	[tilespmem:v45+s25+$0x0] =	vst.idx.add.f32.msk $0xffff, v44  }
0x31a: {  	v49 =	vadd.s32 v9, v28;
	v34 =	vld [tilespmem:s1+$0x20]  }
0x31b: {  	[tilespmem:v63+s25+$0x0] =	vst.idx.add.f32.msk $0xffff, v40  }
0x31c: {  	[tilespmem:v55+s25+$0x0] =	vst.idx.add.f32.msk $0xffff, v36  }
0x31d: {  	v60 =	vadd.s32 v9, v31;
	v37 =	vld [tilespmem:s17+$0x20]  }
0x31e: {  	[tilespmem:v62+s25+$0x0] =	vst.idx.add.f32.msk $0xffff, v61  }
0x31f: {  	[tilespmem:v49+s25+$0x0] =	vst.idx.add.f32.msk $0xffff, v34  }
0x320: {  	v50 =	vadd.s32 v10, v28;
	v34 =	vld [tilespmem:s1+$0x30]  }
0x321: {  	v48 =	vld [tilespmem:s18+$0x30]  }
0x322: {  	[tilespmem:v60+s25+$0x0] =	vst.idx.add.f32.msk $0xffff, v37;
	v49 =	vadd.s32 v10, v29  }
0x323: {  	v46 =	vadd.s32 v10, v31;
	v45 =	vld [tilespmem:s17+$0x30]  }
0x324: {  	v40 =	vld [tilespmem:s3+$0x30]  }
0x325: {  	[tilespmem:v50+s25+$0x0] =	vst.idx.add.f32.msk $0xffff, v34  }
0x326: {  	v54 =	vadd.s32 v11, v28;
	v34 =	vld [tilespmem:s1+$0x40]  }
0x327: {  	[tilespmem:v49+s25+$0x0] =	vst.idx.add.f32.msk $0xffff, v48  }
0x328: {  	[tilespmem:v46+s25+$0x0] =	vst.idx.add.f32.msk $0xffff, v45;
	v50 =	vadd.s32 v10, v27  }
0x329: {  	v53 =	vld [tilespmem:s18+$0x40]  }
0x32a: {  	v52 =	vadd.s32 v11, v31;
	v37 =	vld [tilespmem:s17+$0x40]  }
0x32b: {  	[tilespmem:v54+s25+$0x0] =	vst.idx.add.f32.msk $0xffff, v34  }
0x32c: {  	v56 =	vadd.s32 v12, v28;
	v34 =	vld [tilespmem:s1+$0x50]  }
0x32d: {  	[tilespmem:v50+s25+$0x0] =	vst.idx.add.f32.msk $0xffff, v40  }
0x32e: {  	v54 =	vadd.s32 v11, v29;
	v40 =	vld [tilespmem:s3+$0x40]  }
0x32f: {  	v55 =	vadd.s32 v11, v27;
	[tilespmem:v52+s25+$0x0] =	vst.idx.add.f32.msk $0xffff, v37  }
0x330: {  	v57 =	vld [tilespmem:s17+$0x50]  }
0x331: {  	v58 =	vadd.s32 v12, v31;
	[tilespmem:v56+s25+$0x0] =	vst.idx.add.f32.msk $0xffff, v34  }
0x332: {  	v59 =	vadd.s32 v13, v28;
	v34 =	vld [tilespmem:s1+$0x60]  }
0x333: {  	[tilespmem:v54+s25+$0x0] =	vst.idx.add.f32.msk $0xffff, v53  }
0x334: {  	[tilespmem:v55+s25+$0x0] =	vst.idx.add.f32.msk $0xffff, v40  }
0x335: {  	v56 =	vadd.s32 v21, v24;
	v40 =	vld [tilespmem:s3+$0x50]  }
0x336: {  	[tilespmem:v58+s25+$0x0] =	vst.idx.add.f32.msk $0xffff, v57  }
0x337: {  	v61 =	vadd.s32 v12, v27;
	[tilespmem:v59+s25+$0x0] =	vst.idx.add.f32.msk $0xffff, v34  }
0x338: {  	s19 =	sadd.s32 $0x2, s19;
	v44 =	vadd.s32 v14, v28;
	v34 =	vld [tilespmem:s1+$0x70]  }
0x339: {  	v62 =	vld [tilespmem:s17+$0x60];
	s1 =	sand.u32 $0x3, s19  }
0x33a: {  	[tilespmem:v56+s25+$0x0] =	vst.idx.add.f32.msk $0xffff, v33;
	s1 =	sshll.u32 s1, $0x8  }
0x33b: {  	v60 =	vadd.s32 v12, v29;
	v59 =	vld [tilespmem:s18+$0x50];
	s1 =	sadd.s32 s12, s1  }
0x33c: {  	[tilespmem:v61+s25+$0x0] =	vst.idx.add.f32.msk $0xffff, v40;
	s1 =	sadd.s32 $0x100, s1  }
0x33d: {  	s20 =	sor.u32 $0x400, s1;
	[tilespmem:v44+s25+$0x0] =	vst.idx.add.f32.msk $0xffff, v34;
	v44 =	vadd.s32 v13, v31  }
0x33e: {  	v47 =	vadd.s32 v15, v28;
	v34 =	vld [tilespmem:s20+$0x3A00]  }
0x33f: {  	v33 =	vld [tilespmem:s24+$0x3A00]  }
0x340: {  	[tilespmem:v60+s25+$0x0] =	vst.idx.add.f32.msk $0xffff, v59  }
0x341: {  	v46 =	vadd.s32 v13, v29;
	v45 =	vld [tilespmem:s18+$0x60]  }
0x342: {  	[tilespmem:v44+s25+$0x0] =	vst.idx.add.f32.msk $0xffff, v62  }
0x343: {  	[tilespmem:v47+s25+$0x0] =	vst.idx.add.f32.msk $0xffff, v34  }
0x344: {  	v48 =	vadd.s32 v13, v27;
	s22 =	sor.u32 $0x410, s1;
	v47 =	vld [tilespmem:s3+$0x60]  }
0x345: {  	v51 =	vadd.s32 v16, v28;
	v34 =	vld [tilespmem:s22+$0x3A00]  }
0x346: {  	[tilespmem:v46+s25+$0x0] =	vst.idx.add.f32.msk $0xffff, v45  }
0x347: {  	v36 =	vld [tilespmem:s17+$0x70]  }
0x348: {  	s26 =	sadd.s32 $0x4, s13;
	v50 =	vadd.s32 v14, v31;
	v38 =	vld [tilespmem:s18+$0x70]  }
0x349: {  	s28 =	sand.u32 $0x7, s26;
	[tilespmem:v48+s25+$0x0] =	vst.idx.add.f32.msk $0xffff, v47  }
0x34a: {  	s29 =	sshll.u32 s28, $0x7;
	[tilespmem:v51+s25+$0x0] =	vst.idx.add.f32.msk $0xffff, v34;
	v51 =	vadd.s32 v14, v29  }
0x34b: {  	s4 =	sadd.s32 s12, s29;
	v53 =	vadd.s32 v14, v27;
	s23 =	sor.u32 $0x420, s1;
	v40 =	vld [tilespmem:s3+$0x70]  }
0x34c: {  	s2 =	sadd.s32 $0x80, s4;
	v63 =	vadd.s32 v17, v28;
	v34 =	vld [tilespmem:s23+$0x3A00]  }
0x34d: {  	p1 =	por !p1, !p1;
	s31 =	sor.u32 $0x400, s2;
	[tilespmem:v50+s25+$0x0] =	vst.idx.add.f32.msk $0xffff, v36;
	s3 =	simm.s32 $0x1  }
0x34e: {  	v37 =	vld [tilespmem:s31+$0x3A00];
	s3 =	simm.s32 @!p1 $0x0  }
0x34f: {  	v54 =	vadd.s32 v15, v31;
	s3 =	sshll.u32 s3, $0x9;
	[tilespmem:v51+s25+$0x0] =	vst.idx.add.f32.msk $0xffff, v38  }
0x350: {  	s0 =	sadd.s32 s3, s12;
	[tilespmem:v53+s25+$0x0] =	vst.idx.add.f32.msk $0xffff, v40  }
0x351: {  	s3 =	sor.u32 $0x400, s0;
	[tilespmem:v63+s25+$0x0] =	vst.idx.add.f32.msk $0xffff, v34  }
0x352: {  	v56 =	vadd.s32 v15, v29;
	s24 =	sor.u32 $0x430, s1;
	v39 =	vld [tilespmem:s3+$0x3A00]  }
0x353: {  	s7 =	sadd.s32 $0x180, s4;
	v49 =	vadd.s32 v18, v28;
	v34 =	vld [tilespmem:s24+$0x3A00]  }
0x354: {  	s4 =	sor.u32 $0x400, s7;
	[tilespmem:v54+s25+$0x0] =	vst.idx.add.f32.msk $0xffff, v37  }
0x355: {  	s8 =	sor.u32 $0x410, s2;
	v40 =	vld [tilespmem:s4+$0x3A00]  }
0x356: {  	v57 =	vadd.s32 v15, v27;
	v38 =	vld [tilespmem:s8+$0x3A00]  }
0x357: {  	v58 =	vadd.s32 v16, v31;
	[tilespmem:v56+s25+$0x0] =	vst.idx.add.f32.msk $0xffff, v39  }
0x358: {  	s10 =	sor.u32 $0x410, s0;
	[tilespmem:v49+s25+$0x0] =	vst.idx.add.f32.msk $0xffff, v34  }
0x359: {  	s30 =	sor.u32 $0x440, s1;
	v60 =	vadd.s32 v16, v29;
	v39 =	vld [tilespmem:s10+$0x3A00]  }
0x35a: {  	v52 =	vadd.s32 v19, v28;
	v34 =	vld [tilespmem:s30+$0x3A00]  }
0x35b: {  	[tilespmem:v57+s25+$0x0] =	vst.idx.add.f32.msk $0xffff, v40  }
0x35c: {  	s11 =	sor.u32 $0x410, s7;
	[tilespmem:v58+s25+$0x0] =	vst.idx.add.f32.msk $0xffff, v38  }
0x35d: {  	v57 =	vadd.s32 v22, v26;
	v40 =	vld [tilespmem:s11+$0x3A00]  }
0x35e: {  	v61 =	vadd.s32 v16, v27;
	[tilespmem:v60+s25+$0x0] =	vst.idx.add.f32.msk $0xffff, v39  }
0x35f: {  	s13 =	sor.u32 $0x420, s0;
	[tilespmem:v52+s25+$0x0] =	vst.idx.add.f32.msk $0xffff, v34  }
0x360: {  	s6 =	sor.u32 $0x450, s1;
	v63 =	vadd.s32 v17, v29;
	v37 =	vld [tilespmem:s13+$0x3A00]  }
0x361: {  	v55 =	vadd.s32 v20, v28;
	v34 =	vld [tilespmem:s6+$0x3A00]  }
0x362: {  	[tilespmem:v57+s25+$0x0] =	vst.idx.add.f32.msk $0xffff, v30  }
0x363: {  	s14 =	sor.u32 $0x420, s7;
	[tilespmem:v61+s25+$0x0] =	vst.idx.add.f32.msk $0xffff, v40  }
0x364: {  	v58 =	vadd.s32 v22, v25;
	v38 =	vld [tilespmem:s14+$0x3A00]  }
0x365: {  	v44 =	vadd.s32 v17, v27;
	[tilespmem:v63+s25+$0x0] =	vst.idx.add.f32.msk $0xffff, v37  }
0x366: {  	s12 =	sor.u32 $0x420, s2;
	[tilespmem:v55+s25+$0x0] =	vst.idx.add.f32.msk $0xffff, v34  }
0x367: {  	v62 =	vadd.s32 v17, v31;
	s16 =	sor.u32 $0x430, s0;
	v34 =	vld [tilespmem:s12+$0x3A00]  }
0x368: {  	v46 =	vadd.s32 v18, v29;
	v37 =	vld [tilespmem:s16+$0x3A00]  }
0x369: {  	[tilespmem:v58+s25+$0x0] =	vst.idx.add.f32.msk $0xffff, v32  }
0x36a: {  	s17 =	sor.u32 $0x430, s7;
	[tilespmem:v44+s25+$0x0] =	vst.idx.add.f32.msk $0xffff, v38  }
0x36b: {  	v38 =	vld [tilespmem:s17+$0x3A00]  }
0x36c: {  	v47 =	vadd.s32 v18, v27;
	[tilespmem:v62+s25+$0x0] =	vst.idx.add.f32.msk $0xffff, v34  }
0x36d: {  	s15 =	sor.u32 $0x430, s2;
	[tilespmem:v46+s25+$0x0] =	vst.idx.add.f32.msk $0xffff, v37  }
0x36e: {  	v45 =	vadd.s32 v18, v31;
	s19 =	sor.u32 $0x440, s0;
	v34 =	vld [tilespmem:s15+$0x3A00]  }
0x36f: {  	s9 =	sor.u32 $0x460, s1;
	v49 =	vadd.s32 v19, v29;
	v37 =	vld [tilespmem:s19+$0x3A00]  }
0x370: {  	v35 =	vld [tilespmem:s9+$0x3A00]  }
0x371: {  	s20 =	sor.u32 $0x440, s7;
	[tilespmem:v47+s25+$0x0] =	vst.idx.add.f32.msk $0xffff, v38  }
0x372: {  	v50 =	vadd.s32 v19, v27;
	v38 =	vld [tilespmem:s20+$0x3A00]  }
0x373: {  	[tilespmem:v45+s25+$0x0] =	vst.idx.add.f32.msk $0xffff, v34  }
0x374: {  	v59 =	vadd.s32 v21, v28;
	s18 =	sor.u32 $0x440, s2;
	[tilespmem:v49+s25+$0x0] =	vst.idx.add.f32.msk $0xffff, v37  }
0x375: {  	v48 =	vadd.s32 v19, v31;
	s23 =	sor.u32 $0x450, s0;
	v34 =	vld [tilespmem:s18+$0x3A00]  }
0x376: {  	v52 =	vadd.s32 v20, v29;
	v37 =	vld [tilespmem:s23+$0x3A00]  }
0x377: {  	s24 =	sor.u32 $0x450, s7;
	[tilespmem:v50+s25+$0x0] =	vst.idx.add.f32.msk $0xffff, v38  }
0x378: {  	v53 =	vadd.s32 v20, v27;
	v38 =	vld [tilespmem:s24+$0x3A00]  }
0x379: {  	[tilespmem:v59+s25+$0x0] =	vst.idx.add.f32.msk $0xffff, v35  }
0x37a: {  	[tilespmem:v48+s25+$0x0] =	vst.idx.add.f32.msk $0xffff, v34  }
0x37b: {  	s22 =	sor.u32 $0x450, s2;
	[tilespmem:v52+s25+$0x0] =	vst.idx.add.f32.msk $0xffff, v37  }
0x37c: {  	v51 =	vadd.s32 v20, v31;
	v34 =	vld [tilespmem:s22+$0x3A00]  }
0x37d: {  	s28 =	sor.u32 $0x460, s0;
	[tilespmem:v53+s25+$0x0] =	vst.idx.add.f32.msk $0xffff, v38  }
0x37e: {  	s29 =	sor.u32 $0x460, s7;
	v55 =	vadd.s32 v21, v29;
	v37 =	vld [tilespmem:s28+$0x3A00]  }
0x37f: {  	s1 =	sor.u32 $0x470, s1;
	v56 =	vadd.s32 v21, v27;
	v38 =	vld [tilespmem:s29+$0x3A00]  }
0x380: {  	v35 =	vld [tilespmem:s1+$0x3A00]  }
0x381: {  	s26 =	sor.u32 $0x460, s2;
	[tilespmem:v51+s25+$0x0] =	vst.idx.add.f32.msk $0xffff, v34  }
0x382: {  	v54 =	vadd.s32 v21, v31;
	v34 =	vld [tilespmem:s26+$0x3A00]  }
0x383: {  	[tilespmem:v55+s25+$0x0] =	vst.idx.add.f32.msk $0xffff, v37  }
0x384: {  	s0 =	sor.u32 $0x470, s0;
	v60 =	vadd.s32 v22, v24;
	[tilespmem:v56+s25+$0x0] =	vst.idx.add.f32.msk $0xffff, v38  }
0x385: {  	v28 =	vadd.s32 v22, v28;
	s31 =	sor.u32 $0x470, s7;
	v59 =	vld [tilespmem:s0+$0x3A00]  }
0x386: {  	v62 =	vadd.s32 v22, v29;
	v61 =	vld [tilespmem:s31+$0x3A00]  }
0x387: {  	s30 =	sor.u32 $0x470, s2;
	v63 =	vadd.s32 v22, v27;
	[tilespmem:v54+s25+$0x0] =	vst.idx.add.f32.msk $0xffff, v34  }
0x388: {  	v31 =	vadd.s32 v22, v31;
	v34 =	vld [tilespmem:s30+$0x3A00]  }
0x389: {  	[tilespmem:v60+s25+$0x0] =	vst.idx.add.f32.msk $0xffff, v33  }
0x38a: {  	[tilespmem:v28+s25+$0x0] =	vst.idx.add.f32.msk $0xffff, v35  }
0x38b: {  	[tilespmem:v62+s25+$0x0] =	vst.idx.add.f32.msk $0xffff, v59  }
0x38c: {  	[tilespmem:v63+s25+$0x0] =	vst.idx.add.f32.msk $0xffff, v61  }
0x38d: {  	[tilespmem:v31+s25+$0x0] =	vst.idx.add.f32.msk $0xffff, v34  }
0x38e: {  	s14 =	rddreg [dreg:$0x2];
	v24 =	vld [tilespmem:$0x2F90]  }
0x38f: {  	s15 =	rddreg [dreg:$0x3];
	v25 =	vld [tilespmem:$0x3190]  }
.Ltmp13:
0x390: {  	s17 =	rddreg [dreg:$0x15];
	(pc) =	sbr.rel .LBB2_17-.Ltmp13, $4  }
0x391: {  	s18 =	rddreg [dreg:$0x18]  }
0x392: {  	s2 =	sld [smem:$0x7F7]  }
0x393: {  	s5 =	sld [smem:$0x7F8];
	[tilespmem:$0x2F80] =	vst v24  }
0x394: {  	s16 =	simm.s32 $0x0;
	s3 =	sld [smem:$0x7FA];
	[tilespmem:$0x3180] =	vst v25  }
.LBB2_20:
0x395: {  	p1 =	slt.s32 s5, $0x1  }
.Ltmp14:
0x396: {  	_ = 	snop;
	(pc) =	sbr.rel @p1 .LBB2_24-.Ltmp14, $1  }
0x397: {  	_ =	sdelay $0x3  }
0x398: {  	v23 =	vld [tilespmem:$0x2F80];
	_ =	sdelay $0x2  }
0x399: {  	v24 =	vmov s5  }
0x39a: {  	vm1 =	vgt.s32 v24, v3  }
0x39b: {  	v23 =	vnsel vm1, $0x0, v23  }
0x39c: {  	[tilespmem:$0x2F80] =	vst v23  }
0x39d: {  	v23 =	vld [tilespmem:$0x2F80];
	_ =	sdelay $0x4  }
0x39e: {  	v24 =	vshll.u32 v23, $0x1  }
0x39f: {  	v23 =	vand.u32 $0x7, v23;
	v24 =	vand.u32 $0xFFFFFFF0, v24  }
0x3a0: {  	v23 =	vor.u32 v23, v24  }
0x3a1: {  	v24 =	vld [tilespmem:$0x3180];
	v25 =	vperm.xlane v23, v5;
	_ =	sdelay $0x1  }
0x3a2: {  	v23 =	vperm.xlane v23, v7;
	v25 =	vadd.s32 v6, v25;
	_ =	sdelay $0x1  }
0x3a3: {  	s0 =	simm.s32 $0x2;
	v23 =	vadd.s32 v6, v23  }
0x3a4: {  	s22 =	simm.s32 $0x0;
	v26 =	vmov s0;
	v24 =	vnsel vm1, $0x14000, v24  }
0x3a5: {  	s1 =	simm.s32 $0x1;
	s9 =	rddreg [dreg:$0x0];
	s2 =	simm.s32 $0x3A00;
	[tilespmem:$0x3180] =	vst v24;
	v24 =	vand.u32 $0xFFFFFFFE, v26  }
0x3a6: {  	v24 =	vbroadcast v24, $0x0;
	[tilespmem:s2], [sflag:$0x7] =	stream.indirect_vreg.gather [hbm4b:s9+s22], $0x80, v25, vm0, $0xb8;
	v25 =	vmov s1;
	[tilespmem:$0x1F0E0] =	vst v63  }
0x3a7: {  	s10 =	simm.s32 $0x4200;
	s11 =	simm.s32 $0x7;
	v26 =	vmov s22;
	v25 =	vand.u32 $0xFFFFFFFD, v25  }
0x3a8: {  	[tilespmem:s10], [sflag:$0x7] =	stream.indirect_vreg.gather [hbm4b:s9+s22], $0x80, v23, vm0, $0xb8;
	v23 =	vand.u32 $0xFFFFFFFC, v26;
	v25 =	vbroadcast v25, $0x0;
	[tilespmem:$0x1F0E0] =	vst v63  }
0x3a9: {  	_ =	swait.ge [sflag:s11], $0x1000;
	v23 =	vbroadcast v23, $0x0  }
0x3aa: {  	s12 =	simm.s32 $0x3;
	[sflag:s11] =	ssyncset.done $0x0  }
0x3ab: {  	v27 =	vmov s12;
	[sflag:s11] =	ssyncadd.s32 $0xFFFFF000  }
0x3ac: {  	v26 =	vld.idx.msk [tilespmem:v24+s21+$0x0], $0xffff;
	_ =	sdelay $0x1  }
0x3ad: {  	s14 =	simm.s32 $0x100;
	s13 =	sand.u32 $0x800, s22;
	v25 =	vld.idx.msk [tilespmem:v25+s21+$0x0], $0xffff  }
0x3ae: {  	s16 =	sand.u32 $0x300, s14;
	s15 =	sadd.s32 $0x3A00, s13;
	v24 =	vld.idx.msk [tilespmem:v23+s21+$0x0], $0xffff  }
0x3af: {  	s17 =	simm.s32 $0x80;
	s4 =	sadd.s32 s16, s15;
	v23 =	vld.idx.msk [tilespmem:v27+s21+$0x0], $0xffff  }
0x3b0: {  	s18 =	simm.s32 $0x0;
	s2 =	sand.u32 $0x280, s17;
	v27 =	vld [tilespmem:s4+$0x0];
	v28 =	vadd.s32 v3, v26  }
0x3b1: {  	s6 =	simm.s32 $0x180;
	s1 =	sand.u32 $0x200, s18;
	s3 =	sadd.s32 s2, s15  }
0x3b2: {  	s19 =	sand.u32 $0x380, s6;
	s1 =	sadd.s32 s1, s15;
	v29 =	vld [tilespmem:s3+$0x0];
	v30 =	vadd.s32 v3, v25  }
0x3b3: {  	s2 =	sadd.s32 s19, s15;
	v31 =	vld [tilespmem:s1+$0x0];
	v32 =	vadd.s32 v3, v24  }
0x3b4: {  	v33 =	vld [tilespmem:s2+$0x0];
	v34 =	vadd.s32 v3, v23  }
0x3b5: {  	[tilespmem:v28+s25+$0x0] =	vst.idx.add.f32.msk $0xffff, v27  }
0x3b6: {  	v27 =	vld [tilespmem:s4+$0x10]  }
0x3b7: {  	v28 =	vadd.s32 v8, v26;
	[tilespmem:v30+s25+$0x0] =	vst.idx.add.f32.msk $0xffff, v29  }
0x3b8: {  	[tilespmem:v32+s25+$0x0] =	vst.idx.add.f32.msk $0xffff, v31  }
0x3b9: {  	[tilespmem:v34+s25+$0x0] =	vst.idx.add.f32.msk $0xffff, v33  }
0x3ba: {  	v30 =	vadd.s32 v8, v25;
	v29 =	vld [tilespmem:s3+$0x10]  }
0x3bb: {  	v31 =	vld [tilespmem:s1+$0x10]  }
0x3bc: {  	v45 =	vadd.s32 v8, v24;
	[tilespmem:v28+s25+$0x0] =	vst.idx.add.f32.msk $0xffff, v27  }
0x3bd: {  	v28 =	vadd.s32 v9, v26;
	v27 =	vld [tilespmem:s4+$0x20]  }
0x3be: {  	v33 =	vld [tilespmem:s2+$0x10]  }
0x3bf: {  	[tilespmem:v30+s25+$0x0] =	vst.idx.add.f32.msk $0xffff, v29;
	v29 =	vadd.s32 v8, v23  }
0x3c0: {  	v30 =	vld [tilespmem:s3+$0x20]  }
0x3c1: {  	[tilespmem:v45+s25+$0x0] =	vst.idx.add.f32.msk $0xffff, v31  }
0x3c2: {  	[tilespmem:v28+s25+$0x0] =	vst.idx.add.f32.msk $0xffff, v27  }
0x3c3: {  	v31 =	vadd.s32 v9, v25;
	v27 =	vld [tilespmem:s4+$0x30]  }
0x3c4: {  	v28 =	vadd.s32 v10, v26;
	[tilespmem:v29+s25+$0x0] =	vst.idx.add.f32.msk $0xffff, v33  }
0x3c5: {  	v46 =	vadd.s32 v9, v24;
	v29 =	vld [tilespmem:s1+$0x20];
	_ =	sdelay $0x1  }
0x3c6: {  	v33 =	vld [tilespmem:s2+$0x20]  }
0x3c7: {  	v47 =	vadd.s32 v9, v23;
	[tilespmem:v31+s25+$0x0] =	vst.idx.add.f32.msk $0xffff, v30  }
0x3c8: {  	[tilespmem:v28+s25+$0x0] =	vst.idx.add.f32.msk $0xffff, v27  }
0x3c9: {  	[tilespmem:v46+s25+$0x0] =	vst.idx.add.f32.msk $0xffff, v29  }
0x3ca: {  	v30 =	vadd.s32 v10, v25;
	v29 =	vld [tilespmem:s3+$0x30]  }
0x3cb: {  	v28 =	vadd.s32 v11, v26;
	v27 =	vld [tilespmem:s4+$0x40]  }
0x3cc: {  	[tilespmem:v47+s25+$0x0] =	vst.idx.add.f32.msk $0xffff, v33  }
0x3cd: {  	v48 =	vadd.s32 v10, v24;
	v31 =	vld [tilespmem:s1+$0x30]  }
0x3ce: {  	v33 =	vld [tilespmem:s2+$0x30]  }
0x3cf: {  	[tilespmem:v30+s25+$0x0] =	vst.idx.add.f32.msk $0xffff, v29;
	v29 =	vadd.s32 v10, v23  }
0x3d0: {  	[tilespmem:v28+s25+$0x0] =	vst.idx.add.f32.msk $0xffff, v27  }
0x3d1: {  	v30 =	vld [tilespmem:s3+$0x40]  }
0x3d2: {  	[tilespmem:v48+s25+$0x0] =	vst.idx.add.f32.msk $0xffff, v31;
	v31 =	vadd.s32 v11, v25  }
0x3d3: {  	v28 =	vadd.s32 v12, v26;
	v27 =	vld [tilespmem:s4+$0x50]  }
0x3d4: {  	[tilespmem:v29+s25+$0x0] =	vst.idx.add.f32.msk $0xffff, v33  }
0x3d5: {  	v49 =	vadd.s32 v11, v24;
	v29 =	vld [tilespmem:s1+$0x40]  }
0x3d6: {  	v33 =	vld [tilespmem:s2+$0x40]  }
0x3d7: {  	v50 =	vadd.s32 v11, v23;
	[tilespmem:v31+s25+$0x0] =	vst.idx.add.f32.msk $0xffff, v30  }
0x3d8: {  	[tilespmem:v28+s25+$0x0] =	vst.idx.add.f32.msk $0xffff, v27  }
0x3d9: {  	v28 =	vadd.s32 v13, v26;
	v27 =	vld [tilespmem:s4+$0x60]  }
0x3da: {  	[tilespmem:v49+s25+$0x0] =	vst.idx.add.f32.msk $0xffff, v29  }
0x3db: {  	v29 =	vld [tilespmem:s3+$0x50]  }
0x3dc: {  	v30 =	vadd.s32 v12, v25;
	[tilespmem:v50+s25+$0x0] =	vst.idx.add.f32.msk $0xffff, v33  }
0x3dd: {  	v31 =	vld [tilespmem:s1+$0x50]  }
0x3de: {  	v51 =	vadd.s32 v12, v24;
	[tilespmem:v28+s25+$0x0] =	vst.idx.add.f32.msk $0xffff, v27  }
0x3df: {  	v28 =	vadd.s32 v14, v26;
	v27 =	vld [tilespmem:s4+$0x70]  }
0x3e0: {  	s20 =	sand.u32 $0x3, s22;
	v33 =	vld [tilespmem:s2+$0x50]  }
0x3e1: {  	s4 =	sshll.u32 s20, $0x8;
	[tilespmem:v30+s25+$0x0] =	vst.idx.add.f32.msk $0xffff, v29;
	v29 =	vadd.s32 v12, v23  }
0x3e2: {  	s4 =	sadd.s32 $0x0, s4;
	v30 =	vld [tilespmem:s3+$0x60]  }
0x3e3: {  	s4 =	sadd.s32 $0x100, s4;
	[tilespmem:v51+s25+$0x0] =	vst.idx.add.f32.msk $0xffff, v31  }
0x3e4: {  	s23 =	sor.u32 $0x400, s4;
	[tilespmem:v28+s25+$0x0] =	vst.idx.add.f32.msk $0xffff, v27  }
0x3e5: {  	v31 =	vadd.s32 v13, v25;
	v27 =	vld [tilespmem:s23+$0x3A00]  }
0x3e6: {  	v28 =	vadd.s32 v15, v26;
	[tilespmem:v29+s25+$0x0] =	vst.idx.add.f32.msk $0xffff, v33  }
0x3e7: {  	v52 =	vadd.s32 v13, v24;
	v29 =	vld [tilespmem:s1+$0x60];
	_ =	sdelay $0x1  }
0x3e8: {  	v33 =	vld [tilespmem:s2+$0x60]  }
0x3e9: {  	v53 =	vadd.s32 v13, v23;
	[tilespmem:v31+s25+$0x0] =	vst.idx.add.f32.msk $0xffff, v30  }
0x3ea: {  	[tilespmem:v28+s25+$0x0] =	vst.idx.add.f32.msk $0xffff, v27  }
0x3eb: {  	[tilespmem:v52+s25+$0x0] =	vst.idx.add.f32.msk $0xffff, v29  }
0x3ec: {  	s24 =	sor.u32 $0x410, s4;
	v30 =	vadd.s32 v14, v25;
	v29 =	vld [tilespmem:s3+$0x70]  }
0x3ed: {  	v28 =	vadd.s32 v16, v26;
	v27 =	vld [tilespmem:s24+$0x3A00]  }
0x3ee: {  	[tilespmem:v53+s25+$0x0] =	vst.idx.add.f32.msk $0xffff, v33  }
0x3ef: {  	s28 =	sand.u32 $0x7, s22;
	v31 =	vld [tilespmem:s1+$0x70]  }
0x3f0: {  	v54 =	vadd.s32 v14, v24;
	s3 =	sshll.u32 s28, $0x7;
	v33 =	vld [tilespmem:s2+$0x70]  }
0x3f1: {  	p1 =	por $0x0, $0x0;
	s3 =	sadd.s32 $0x0, s3;
	[tilespmem:v30+s25+$0x0] =	vst.idx.add.f32.msk $0xffff, v29;
	v29 =	vadd.s32 v14, v23  }
0x3f2: {  	s5 =	simm.s32 $0x1;
	s26 =	sor.u32 $0x420, s4;
	s1 =	sadd.s32 $0x80, s3;
	[tilespmem:v28+s25+$0x0] =	vst.idx.add.f32.msk $0xffff, v27  }
0x3f3: {  	s5 =	simm.s32 @!p1 $0x0;
	s30 =	sor.u32 $0x400, s1;
	v28 =	vadd.s32 v17, v26;
	v27 =	vld [tilespmem:s26+$0x3A00]  }
0x3f4: {  	s5 =	sshll.u32 s5, $0x9;
	v30 =	vld [tilespmem:s30+$0x3A00]  }
0x3f5: {  	s0 =	sadd.s32 $0x0, s5;
	[tilespmem:v54+s25+$0x0] =	vst.idx.add.f32.msk $0xffff, v31  }
0x3f6: {  	s5 =	sor.u32 $0x400, s0;
	v31 =	vadd.s32 v15, v25;
	[tilespmem:v29+s25+$0x0] =	vst.idx.add.f32.msk $0xffff, v33  }
0x3f7: {  	v55 =	vadd.s32 v15, v24;
	v29 =	vld [tilespmem:s5+$0x3A00]  }
0x3f8: {  	s29 =	sor.u32 $0x430, s4;
	s3 =	sadd.s32 $0x180, s3;
	[tilespmem:v28+s25+$0x0] =	vst.idx.add.f32.msk $0xffff, v27  }
0x3f9: {  	s7 =	sor.u32 $0x400, s3;
	v28 =	vadd.s32 v18, v26;
	v27 =	vld [tilespmem:s29+$0x3A00]  }
0x3fa: {  	v33 =	vld [tilespmem:s7+$0x3A00]  }
0x3fb: {  	v56 =	vadd.s32 v15, v23;
	[tilespmem:v31+s25+$0x0] =	vst.idx.add.f32.msk $0xffff, v30  }
0x3fc: {  	s11 =	sor.u32 $0x410, s0;
	[tilespmem:v55+s25+$0x0] =	vst.idx.add.f32.msk $0xffff, v29  }
0x3fd: {  	v31 =	vld [tilespmem:s11+$0x3A00]  }
0x3fe: {  	v57 =	vadd.s32 v16, v24;
	s31 =	sor.u32 $0x440, s4;
	[tilespmem:v28+s25+$0x0] =	vst.idx.add.f32.msk $0xffff, v27  }
0x3ff: {  	v28 =	vadd.s32 v19, v26;
	v27 =	vld [tilespmem:s31+$0x3A00]  }
0x400: {  	s12 =	sor.u32 $0x410, s3;
	[tilespmem:v56+s25+$0x0] =	vst.idx.add.f32.msk $0xffff, v33  }
0x401: {  	v58 =	vadd.s32 v16, v23;
	v33 =	vld [tilespmem:s12+$0x3A00];
	_ =	sdelay $0x1  }
0x402: {  	[tilespmem:v57+s25+$0x0] =	vst.idx.add.f32.msk $0xffff, v31  }
0x403: {  	s8 =	sor.u32 $0x450, s4;
	[tilespmem:v28+s25+$0x0] =	vst.idx.add.f32.msk $0xffff, v27  }
0x404: {  	v28 =	vadd.s32 v20, v26;
	v27 =	vld [tilespmem:s8+$0x3A00]  }
0x405: {  	s15 =	sor.u32 $0x420, s3;
	[tilespmem:v58+s25+$0x0] =	vst.idx.add.f32.msk $0xffff, v33  }
0x406: {  	v59 =	vadd.s32 v17, v23;
	v31 =	vld [tilespmem:s15+$0x3A00]  }
0x407: {  	s9 =	sor.u32 $0x410, s1  }
0x408: {  	v30 =	vadd.s32 v16, v25;
	v29 =	vld [tilespmem:s9+$0x3A00]  }
0x409: {  	s10 =	sor.u32 $0x460, s4;
	[tilespmem:v28+s25+$0x0] =	vst.idx.add.f32.msk $0xffff, v27  }
0x40a: {  	v28 =	vadd.s32 v21, v26;
	v27 =	vld [tilespmem:s10+$0x3A00]  }
0x40b: {  	s18 =	sor.u32 $0x430, s3;
	[tilespmem:v59+s25+$0x0] =	vst.idx.add.f32.msk $0xffff, v31  }
0x40c: {  	v61 =	vadd.s32 v18, v23;
	v31 =	vld [tilespmem:s18+$0x3A00]  }
0x40d: {  	s13 =	sor.u32 $0x420, s1;
	[tilespmem:v30+s25+$0x0] =	vst.idx.add.f32.msk $0xffff, v29  }
0x40e: {  	v29 =	vld [tilespmem:s13+$0x3A00]  }
0x40f: {  	[tilespmem:v28+s25+$0x0] =	vst.idx.add.f32.msk $0xffff, v27;
	v27 =	vadd.s32 v17, v25;
	_ =	sdelay $0x1  }
0x410: {  	s14 =	sor.u32 $0x420, s0;
	[tilespmem:v61+s25+$0x0] =	vst.idx.add.f32.msk $0xffff, v31  }
0x411: {  	s4 =	sor.u32 $0x470, s4;
	v30 =	vadd.s32 v17, v24;
	v28 =	vld [tilespmem:s14+$0x3A00]  }
0x412: {  	v60 =	vld [tilespmem:s4+$0x3A00]  }
0x413: {  	s16 =	sor.u32 $0x430, s1;
	v26 =	vadd.s32 v22, v26;
	[tilespmem:v27+s25+$0x0] =	vst.idx.add.f32.msk $0xffff, v29  }
0x414: {  	s24 =	sor.u32 $0x440, s3;
	v29 =	vadd.s32 v18, v25;
	v27 =	vld [tilespmem:s16+$0x3A00]  }
0x415: {  	v31 =	vld [tilespmem:s24+$0x3A00]  }
0x416: {  	s17 =	sor.u32 $0x430, s0;
	[tilespmem:v30+s25+$0x0] =	vst.idx.add.f32.msk $0xffff, v28  }
0x417: {  	v30 =	vadd.s32 v18, v24;
	v28 =	vld [tilespmem:s17+$0x3A00]  }
0x418: {  	[tilespmem:v26+s25+$0x0] =	vst.idx.add.f32.msk $0xffff, v60  }
0x419: {  	v62 =	vadd.s32 v19, v23;
	s19 =	sor.u32 $0x440, s1;
	[tilespmem:v29+s25+$0x0] =	vst.idx.add.f32.msk $0xffff, v27  }
0x41a: {  	v27 =	vadd.s32 v19, v25;
	v26 =	vld [tilespmem:s19+$0x3A00]  }
0x41b: {  	s20 =	simm.s32 $0x7  }
0x41c: {  	s23 =	sor.u32 $0x440, s0;
	[tilespmem:v30+s25+$0x0] =	vst.idx.add.f32.msk $0xffff, v28;
	v28 =	vmov s20  }
0x41d: {  	v30 =	vadd.s32 v19, v24;
	v29 =	vld [tilespmem:s23+$0x3A00]  }
0x41e: {  	[tilespmem:v62+s25+$0x0] =	vst.idx.add.f32.msk $0xffff, v31  }
0x41f: {  	s26 =	sor.u32 $0x450, s1;
	[tilespmem:v27+s25+$0x0] =	vst.idx.add.f32.msk $0xffff, v26  }
0x420: {  	v63 =	vadd.s32 v20, v25;
	v27 =	vld [tilespmem:s26+$0x3A00]  }
0x421: {  	s28 =	simm.s32 $0x4;
	v26 =	vld.idx.msk [tilespmem:v28+s21+$0x0], $0xffff  }
0x422: {  	s29 =	sor.u32 $0x450, s0;
	[tilespmem:v30+s25+$0x0] =	vst.idx.add.f32.msk $0xffff, v29;
	v29 =	vmov s28  }
0x423: {  	s30 =	sor.u32 $0x460, s1;
	s5 =	sor.u32 $0x470, s0;
	s8 =	sor.u32 $0x450, s3;
	v28 =	vld [tilespmem:s29+$0x3A00];
	v30 =	vand.u32 $0xFFFFFFFC, v29  }
0x424: {  	s9 =	sor.u32 $0x470, s1;
	s1 =	simm.s32 $0x6;
	s11 =	simm.s32 $0x0;
	v29 =	vld [tilespmem:s8+$0x3A00];
	v31 =	vbroadcast v30, $0x0  }
0x425: {  	s12 =	simm.s32 $0x0;
	s31 =	simm.s32 $0x5;
	s13 =	simm.s32 $0x8;
	[tilespmem:v63+s25+$0x0] =	vst.idx.add.f32.msk $0xffff, v27  }
0x426: {  	v32 =	vadd.s32 v20, v23;
	v34 =	vmov s31;
	v33 =	vadd.s32 v20, v24;
	s10 =	sor.u32 $0x460, s3;
	s17 =	sor.u32 $0x460, s0;
	s20 =	sor.u32 $0x470, s3;
	v30 =	vld [tilespmem:s30+$0x3A00]  }
.LBB2_22:
0x427: {  	_ =	sdelay $0x2  }
0x428: {  	v27 =	vand.u32 $0xFFFFFFFD, v34;
	v47 =	vmov s1;
	v35 =	vadd.s32 v21, v25;
	v31 =	vld.idx.msk [tilespmem:v31+s21+$0x0], $0xffff  }
0x429: {  	v27 =	vbroadcast v27, $0x0;
	v34 =	vand.u32 $0xFFFFFFFE, v47;
	[tilespmem:v33+s25+$0x0] =	vst.idx.add.f32.msk $0xffff, v28  }
0x42a: {  	v28 =	vbroadcast v34, $0x0;
	[tilespmem:v32+s25+$0x0] =	vst.idx.add.f32.msk $0xffff, v29  }
0x42b: {  	v29 =	vld [tilespmem:s17+$0x3A00]  }
0x42c: {  	v48 =	vadd.s32 v21, v24;
	v49 =	vld [tilespmem:s10+$0x3A00]  }
0x42d: {  	[tilespmem:v35+s25+$0x0] =	vst.idx.add.f32.msk $0xffff, v30;
	v30 =	vadd.s32 v21, v23  }
0x42e: {  	v50 =	vld [tilespmem:s9+$0x3A00]  }
0x42f: {  	s22 =	sadd.s32 $0x4, s22;
	s6 =	sadd.s32 $0x200, s6;
	s11 =	sadd.s32 $0x400, s11;
	v35 =	vld.idx.msk [tilespmem:v27+s21+$0x0], $0xffff  }
0x430: {  	v25 =	vadd.s32 v22, v25;
	s2 =	sand.u32 $0x7, s22;
	s31 =	sand.u32 $0x800, s11;
	s7 =	sadd.s32 $0xFFFFFF80, s6;
	v28 =	vld.idx.msk [tilespmem:v28+s21+$0x0], $0xffff  }
0x431: {  	s8 =	sadd.s32 $0xFFFFFF00, s6;
	s0 =	sadd.s32 $0x3A00, s31;
	s7 =	sand.u32 $0x300, s7;
	[tilespmem:v48+s25+$0x0] =	vst.idx.add.f32.msk $0xffff, v29  }
0x432: {  	s3 =	sshll.u32 s2, $0x7;
	s2 =	sand.u32 $0x280, s8;
	s8 =	sadd.s32 s7, s0;
	[tilespmem:v30+s25+$0x0] =	vst.idx.add.f32.msk $0xffff, v49  }
0x433: {  	v30 =	vadd.s32 v22, v24;
	v24 =	vmov v31;
	v31 =	vld [tilespmem:s8+$0x0]  }
0x434: {  	s9 =	sand.u32 $0x380, s6;
	v29 =	vld [tilespmem:s5+$0x3A00]  }
0x435: {  	s21 =	sadd.s32 s9, s0;
	[tilespmem:v25+s25+$0x0] =	vst.idx.add.f32.msk $0xffff, v50  }
0x436: {  	s4 =	sadd.s32 $0xFFFFFE80, s6;
	s2 =	sadd.s32 s2, s0;
	v38 =	vadd.s32 v3, v26;
	v37 =	vld [tilespmem:s21+$0x0];
	v25 =	vmov v35  }
0x437: {  	s4 =	sand.u32 $0x200, s4;
	v34 =	vld [tilespmem:s2+$0x0];
	v35 =	vadd.s32 v3, v25  }
0x438: {  	s31 =	sadd.s32 s4, s0;
	v27 =	vld [tilespmem:s20+$0x3A00];
	v51 =	vadd.s32 v3, v28  }
0x439: {  	v52 =	vld [tilespmem:s31+$0x0]  }
0x43a: {  	[tilespmem:v30+s25+$0x0] =	vst.idx.add.f32.msk $0xffff, v29  }
0x43b: {  	v36 =	vadd.s32 v3, v24;
	[tilespmem:v38+s25+$0x0] =	vst.idx.add.f32.msk $0xffff, v37  }
0x43c: {  	[tilespmem:v35+s25+$0x0] =	vst.idx.add.f32.msk $0xffff, v34  }
0x43d: {  	[tilespmem:v51+s25+$0x0] =	vst.idx.add.f32.msk $0xffff, v31  }
0x43e: {  	v53 =	vadd.s32 v8, v25;
	v31 =	vld [tilespmem:s2+$0x10]  }
0x43f: {  	v30 =	vadd.s32 v8, v28;
	v29 =	vld [tilespmem:s8+$0x10]  }
0x440: {  	[tilespmem:v36+s25+$0x0] =	vst.idx.add.f32.msk $0xffff, v52  }
0x441: {  	v54 =	vadd.s32 v8, v24;
	v33 =	vld [tilespmem:s31+$0x10]  }
0x442: {  	v55 =	vld [tilespmem:s21+$0x10]  }
0x443: {  	[tilespmem:v53+s25+$0x0] =	vst.idx.add.f32.msk $0xffff, v31;
	v31 =	vadd.s32 v8, v26  }
0x444: {  	[tilespmem:v30+s25+$0x0] =	vst.idx.add.f32.msk $0xffff, v29  }
0x445: {  	v30 =	vadd.s32 v9, v28;
	v29 =	vld [tilespmem:s8+$0x20]  }
0x446: {  	[tilespmem:v54+s25+$0x0] =	vst.idx.add.f32.msk $0xffff, v33  }
0x447: {  	v32 =	vld [tilespmem:s2+$0x20]  }
0x448: {  	v56 =	vadd.s32 v9, v25;
	[tilespmem:v31+s25+$0x0] =	vst.idx.add.f32.msk $0xffff, v55  }
0x449: {  	v57 =	vadd.s32 v9, v24;
	v31 =	vld [tilespmem:s31+$0x20]  }
0x44a: {  	[tilespmem:v30+s25+$0x0] =	vst.idx.add.f32.msk $0xffff, v29  }
0x44b: {  	v30 =	vadd.s32 v10, v28;
	v29 =	vld [tilespmem:s8+$0x30]  }
0x44c: {  	v35 =	vld [tilespmem:s21+$0x20]  }
0x44d: {  	v58 =	vadd.s32 v9, v26;
	[tilespmem:v56+s25+$0x0] =	vst.idx.add.f32.msk $0xffff, v32  }
0x44e: {  	[tilespmem:v57+s25+$0x0] =	vst.idx.add.f32.msk $0xffff, v31  }
0x44f: {  	v31 =	vld [tilespmem:s2+$0x30]  }
0x450: {  	v59 =	vadd.s32 v10, v25;
	[tilespmem:v30+s25+$0x0] =	vst.idx.add.f32.msk $0xffff, v29  }
0x451: {  	v30 =	vadd.s32 v11, v28;
	v29 =	vld [tilespmem:s8+$0x40]  }
0x452: {  	[tilespmem:v58+s25+$0x0] =	vst.idx.add.f32.msk $0xffff, v35  }
0x453: {  	v60 =	vld [tilespmem:s31+$0x30]  }
0x454: {  	v61 =	vadd.s32 v10, v24;
	v35 =	vld [tilespmem:s21+$0x30]  }
0x455: {  	[tilespmem:v59+s25+$0x0] =	vst.idx.add.f32.msk $0xffff, v31;
	v31 =	vadd.s32 v10, v26  }
0x456: {  	[tilespmem:v30+s25+$0x0] =	vst.idx.add.f32.msk $0xffff, v29  }
0x457: {  	v30 =	vadd.s32 v12, v28;
	v29 =	vld [tilespmem:s8+$0x50]  }
0x458: {  	p1 =	por !p1, !p1;
	s1 =	simm.s32 $0x1;
	v32 =	vld [tilespmem:s2+$0x40]  }
0x459: {  	s1 =	simm.s32 @!p1 $0x0;
	[tilespmem:v61+s25+$0x0] =	vst.idx.add.f32.msk $0xffff, v60  }
0x45a: {  	s12 =	sadd.s32 $0x2, s12;
	s1 =	sshll.u32 s1, $0x9;
	s3 =	sadd.s32 s11, s3;
	v62 =	vadd.s32 v11, v25;
	[tilespmem:v31+s25+$0x0] =	vst.idx.add.f32.msk $0xffff, v35  }
0x45b: {  	s0 =	sadd.s32 $0x180, s3;
	s20 =	sadd.s32 s1, s11;
	s5 =	sadd.s32 $0x80, s3;
	v63 =	vadd.s32 v11, v24;
	v31 =	vld [tilespmem:s31+$0x40]  }
0x45c: {  	s30 =	sor.u32 $0x400, s0;
	s15 =	sor.u32 $0x410, s0;
	s28 =	sor.u32 $0x420, s0;
	[tilespmem:v30+s25+$0x0] =	vst.idx.add.f32.msk $0xffff, v29  }
0x45d: {  	s24 =	sor.u32 $0x430, s0;
	s23 =	sor.u32 $0x440, s0;
	s29 =	sor.u32 $0x400, s20;
	v30 =	vadd.s32 v13, v28;
	v29 =	vld [tilespmem:s8+$0x60]  }
0x45e: {  	s19 =	sor.u32 $0x400, s5;
	s18 =	sor.u32 $0x410, s5;
	s4 =	sor.u32 $0x410, s20;
	v35 =	vld [tilespmem:s21+$0x40]  }
0x45f: {  	v40 =	vadd.s32 v11, v26;
	s3 =	sor.u32 $0x420, s5;
	s7 =	sor.u32 $0x420, s20;
	s26 =	sor.u32 $0x430, s5;
	[tilespmem:v62+s25+$0x0] =	vst.idx.add.f32.msk $0xffff, v32  }
0x460: {  	s1 =	sor.u32 $0x430, s20;
	s16 =	sor.u32 $0x440, s5;
	s10 =	sor.u32 $0x450, s5;
	[tilespmem:v63+s25+$0x0] =	vst.idx.add.f32.msk $0xffff, v31  }
0x461: {  	s14 =	sor.u32 $0x440, s20;
	s17 =	sor.u32 $0x450, s20;
	[dreg:$0xd] =	wrdreg s10;
	v31 =	vld [tilespmem:s2+$0x50]  }
0x462: {  	s9 =	sor.u32 $0x470, s5;
	[dreg:$0xb] =	wrdreg s17;
	s10 =	sor.u32 $0x460, s5;
	v41 =	vadd.s32 v12, v25;
	[tilespmem:v30+s25+$0x0] =	vst.idx.add.f32.msk $0xffff, v29  }
0x463: {  	s17 =	sor.u32 $0x450, s0;
	s5 =	sor.u32 $0x470, s20;
	[dreg:$0x7] =	wrdreg s10;
	v30 =	vadd.s32 v14, v28;
	v29 =	vld [tilespmem:s8+$0x70]  }
0x464: {  	[dreg:$0x9] =	wrdreg s17;
	s17 =	sor.u32 $0x460, s20;
	[tilespmem:v40+s25+$0x0] =	vst.idx.add.f32.msk $0xffff, v35;
	s8 =	sand.u32 $0x3, s12  }
0x465: {  	s10 =	sor.u32 $0x460, s0;
	s20 =	sor.u32 $0x470, s0;
	v42 =	vld [tilespmem:s31+$0x50];
	s0 =	sshll.u32 s8, $0x8  }
0x466: {  	v43 =	vadd.s32 v12, v24;
	v35 =	vld [tilespmem:s21+$0x50];
	s0 =	sadd.s32 s11, s0  }
0x467: {  	[tilespmem:v41+s25+$0x0] =	vst.idx.add.f32.msk $0xffff, v31;
	v31 =	vadd.s32 v12, v26;
	s8 =	sadd.s32 $0x100, s0  }
0x468: {  	s0 =	sor.u32 $0x400, s8;
	[tilespmem:v30+s25+$0x0] =	vst.idx.add.f32.msk $0xffff, v29  }
0x469: {  	v30 =	vadd.s32 v15, v28;
	v29 =	vld [tilespmem:s0+$0x3A00]  }
0x46a: {  	v32 =	vld [tilespmem:s2+$0x60]  }
0x46b: {  	[tilespmem:v43+s25+$0x0] =	vst.idx.add.f32.msk $0xffff, v42  }
0x46c: {  	v44 =	vadd.s32 v13, v25;
	[tilespmem:v31+s25+$0x0] =	vst.idx.add.f32.msk $0xffff, v35  }
0x46d: {  	v45 =	vadd.s32 v13, v24;
	v31 =	vld [tilespmem:s31+$0x60]  }
0x46e: {  	s0 =	sor.u32 $0x410, s8;
	[tilespmem:v30+s25+$0x0] =	vst.idx.add.f32.msk $0xffff, v29  }
0x46f: {  	v30 =	vadd.s32 v16, v28;
	v29 =	vld [tilespmem:s0+$0x3A00]  }
0x470: {  	v35 =	vld [tilespmem:s21+$0x60]  }
0x471: {  	v46 =	vadd.s32 v13, v26;
	[tilespmem:v44+s25+$0x0] =	vst.idx.add.f32.msk $0xffff, v32  }
0x472: {  	[tilespmem:v45+s25+$0x0] =	vst.idx.add.f32.msk $0xffff, v31  }
0x473: {  	v31 =	vld [tilespmem:s2+$0x70]  }
0x474: {  	v47 =	vadd.s32 v14, v25;
	s0 =	sor.u32 $0x420, s8;
	[tilespmem:v30+s25+$0x0] =	vst.idx.add.f32.msk $0xffff, v29  }
0x475: {  	v30 =	vadd.s32 v17, v28;
	v29 =	vld [tilespmem:s0+$0x3A00]  }
0x476: {  	[tilespmem:v46+s25+$0x0] =	vst.idx.add.f32.msk $0xffff, v35  }
0x477: {  	v48 =	vld [tilespmem:s31+$0x70]  }
0x478: {  	v49 =	vadd.s32 v14, v24;
	v35 =	vld [tilespmem:s21+$0x70]  }
0x479: {  	[tilespmem:v47+s25+$0x0] =	vst.idx.add.f32.msk $0xffff, v31;
	v31 =	vadd.s32 v14, v26  }
0x47a: {  	s2 =	sor.u32 $0x430, s8;
	[tilespmem:v30+s25+$0x0] =	vst.idx.add.f32.msk $0xffff, v29  }
0x47b: {  	v30 =	vadd.s32 v18, v28;
	v29 =	vld [tilespmem:s2+$0x3A00]  }
0x47c: {  	v32 =	vld [tilespmem:s19+$0x3A00]  }
0x47d: {  	[tilespmem:v49+s25+$0x0] =	vst.idx.add.f32.msk $0xffff, v48  }
0x47e: {  	v50 =	vadd.s32 v15, v25;
	[tilespmem:v31+s25+$0x0] =	vst.idx.add.f32.msk $0xffff, v35  }
0x47f: {  	v51 =	vadd.s32 v15, v24;
	v31 =	vld [tilespmem:s29+$0x3A00]  }
0x480: {  	s31 =	sor.u32 $0x440, s8;
	[tilespmem:v30+s25+$0x0] =	vst.idx.add.f32.msk $0xffff, v29  }
0x481: {  	v30 =	vadd.s32 v19, v28;
	v29 =	vld [tilespmem:s31+$0x3A00]  }
0x482: {  	v35 =	vld [tilespmem:s30+$0x3A00]  }
0x483: {  	v52 =	vadd.s32 v15, v26;
	[tilespmem:v50+s25+$0x0] =	vst.idx.add.f32.msk $0xffff, v32  }
0x484: {  	[tilespmem:v51+s25+$0x0] =	vst.idx.add.f32.msk $0xffff, v31  }
0x485: {  	v31 =	vld [tilespmem:s18+$0x3A00]  }
0x486: {  	v53 =	vadd.s32 v16, v25;
	s2 =	sor.u32 $0x450, s8;
	[tilespmem:v30+s25+$0x0] =	vst.idx.add.f32.msk $0xffff, v29  }
0x487: {  	v30 =	vadd.s32 v20, v28;
	v29 =	vld [tilespmem:s2+$0x3A00]  }
0x488: {  	[tilespmem:v52+s25+$0x0] =	vst.idx.add.f32.msk $0xffff, v35  }
0x489: {  	v54 =	vld [tilespmem:s4+$0x3A00]  }
0x48a: {  	v55 =	vadd.s32 v16, v24;
	v35 =	vld [tilespmem:s15+$0x3A00]  }
0x48b: {  	[tilespmem:v53+s25+$0x0] =	vst.idx.add.f32.msk $0xffff, v31;
	v31 =	vadd.s32 v16, v26  }
0x48c: {  	s18 =	sor.u32 $0x460, s8;
	[tilespmem:v30+s25+$0x0] =	vst.idx.add.f32.msk $0xffff, v29  }
0x48d: {  	v30 =	vadd.s32 v21, v28;
	v29 =	vld [tilespmem:s18+$0x3A00]  }
0x48e: {  	v32 =	vld [tilespmem:s3+$0x3A00]  }
0x48f: {  	[tilespmem:v55+s25+$0x0] =	vst.idx.add.f32.msk $0xffff, v54  }
0x490: {  	[tilespmem:v31+s25+$0x0] =	vst.idx.add.f32.msk $0xffff, v35  }
0x491: {  	v56 =	vadd.s32 v17, v24;
	v31 =	vld [tilespmem:s7+$0x3A00]  }
0x492: {  	[tilespmem:v30+s25+$0x0] =	vst.idx.add.f32.msk $0xffff, v29;
	v30 =	vadd.s32 v17, v25  }
0x493: {  	s19 =	sor.u32 $0x470, s8  }
0x494: {  	v28 =	vadd.s32 v22, v28;
	v29 =	vld [tilespmem:s19+$0x3A00]  }
0x495: {  	v57 =	vld [tilespmem:s28+$0x3A00]  }
0x496: {  	v58 =	vadd.s32 v17, v26;
	[tilespmem:v56+s25+$0x0] =	vst.idx.add.f32.msk $0xffff, v31  }
0x497: {  	[tilespmem:v30+s25+$0x0] =	vst.idx.add.f32.msk $0xffff, v32  }
0x498: {  	v30 =	vadd.s32 v22, v23;
	v23 =	vmov v26;
	v26 =	vld [tilespmem:s1+$0x3A00]  }
0x499: {  	v31 =	vadd.s32 v18, v24;
	[tilespmem:v28+s25+$0x0] =	vst.idx.add.f32.msk $0xffff, v29  }
0x49a: {  	v28 =	vld [tilespmem:s26+$0x3A00];
	v29 =	vadd.s32 v18, v25  }
0x49b: {  	[tilespmem:v58+s25+$0x0] =	vst.idx.add.f32.msk $0xffff, v57  }
0x49c: {  	v59 =	vld [tilespmem:s24+$0x3A00];
	v60 =	vadd.s32 v18, v23  }
0x49d: {  	[tilespmem:v30+s25+$0x0] =	vst.idx.add.f32.msk $0xffff, v27  }
0x49e: {  	s24 =	sadd.s32 $0x3, s13;
	[tilespmem:v31+s25+$0x0] =	vst.idx.add.f32.msk $0xffff, v26  }
0x49f: {  	v26 =	vmov s24;
	[tilespmem:v29+s25+$0x0] =	vst.idx.add.f32.msk $0xffff, v28  }
0x4a0: {  	v29 =	vadd.s32 v19, v25;
	v28 =	vld [tilespmem:s16+$0x3A00]  }
0x4a1: {  	[tilespmem:v60+s25+$0x0] =	vst.idx.add.f32.msk $0xffff, v59  }
0x4a2: {  	v30 =	vadd.s32 v19, v24;
	v27 =	vld [tilespmem:s14+$0x3A00]  }
0x4a3: {  	s21 =	simm.s32 $0x3180;
	v61 =	vadd.s32 v19, v23;
	v32 =	vld [tilespmem:s23+$0x3A00]  }
0x4a4: {  	v26 =	vld.idx.msk [tilespmem:v26+s21+$0x0], $0xffff  }
0x4a5: {  	s26 =	rddreg [dreg:$0xd];
	[tilespmem:v29+s25+$0x0] =	vst.idx.add.f32.msk $0xffff, v28  }
0x4a6: {  	v63 =	vadd.s32 v20, v25;
	v62 =	vld [tilespmem:s26+$0x3A00]  }
0x4a7: {  	p2 =	slt.u32 s13, $0xC;
	[tilespmem:v30+s25+$0x0] =	vst.idx.add.f32.msk $0xffff, v27  }
.Ltmp15:
0x4a8: {  	s29 =	rddreg [dreg:$0x9];
	v28 =	vmov s13;
	[tilespmem:v61+s25+$0x0] =	vst.idx.add.f32.msk $0xffff, v32;
	(pc) =	sbr.rel @p2 .LBB2_22-.Ltmp15, $4  }
0x4a9: {  	s28 =	rddreg [dreg:$0xb];
	v28 =	vand.u32 $0xFFFFFFFC, v28;
	v29 =	vld [tilespmem:s29+$0x3A00]  }
0x4aa: {  	v31 =	vbroadcast v28, $0x0;
	v28 =	vld [tilespmem:s28+$0x3A00]  }
0x4ab: {  	s30 =	sadd.s32 $0x1, s13;
	s31 =	rddreg [dreg:$0x7];
	[tilespmem:v63+s25+$0x0] =	vst.idx.add.f32.msk $0xffff, v62  }
0x4ac: {  	v33 =	vadd.s32 v20, v24;
	v34 =	vmov s30;
	s1 =	sadd.s32 $0x2, s13;
	v32 =	vadd.s32 v20, v23;
	s13 =	sadd.s32 $0x4, s13;
	v30 =	vld [tilespmem:s31+$0x3A00]  }
0x4ad: {  	_ =	sdelay $0x3  }
0x4ae: {  	[tilespmem:v32+s25+$0x0] =	vst.idx.add.f32.msk $0xffff, v29  }
0x4af: {  	s0 =	sadd.s32 $0x200, s6;
	s13 =	sadd.s32 $0x400, s11;
	[tilespmem:v33+s25+$0x0] =	vst.idx.add.f32.msk $0xffff, v28  }
0x4b0: {  	s2 =	sand.u32 $0x800, s13;
	s3 =	sadd.s32 $0xFFFFFF80, s0;
	v28 =	vld.idx.msk [tilespmem:v31+s21+$0x0], $0xffff  }
0x4b1: {  	v27 =	vmov s1;
	s15 =	sadd.s32 $0xFFFFFF00, s0;
	s4 =	sadd.s32 $0x3A00, s2;
	s14 =	sand.u32 $0x300, s3;
	v32 =	vld [tilespmem:s10+$0x3A00]  }
0x4b2: {  	v51 =	vadd.s32 v21, v25;
	v27 =	vand.u32 $0xFFFFFFFE, v27;
	s6 =	sadd.s32 $0xFFFFFE80, s0;
	s3 =	sand.u32 $0x280, s15;
	s2 =	sadd.s32 s14, s4;
	v49 =	vld [tilespmem:s17+$0x3A00]  }
0x4b3: {  	v50 =	vand.u32 $0xFFFFFFFD, v34;
	v27 =	vbroadcast v27, $0x0;
	s6 =	sand.u32 $0x200, s6;
	s16 =	sadd.s32 s3, s4;
	v35 =	vld [tilespmem:s2+$0x0]  }
0x4b4: {  	s0 =	sand.u32 $0x380, s0;
	v31 =	vbroadcast v50, $0x0;
	s17 =	sadd.s32 s6, s4;
	v54 =	vld [tilespmem:s16+$0x0]  }
0x4b5: {  	s4 =	sadd.s32 s0, s4;
	v56 =	vld [tilespmem:s17+$0x0]  }
0x4b6: {  	v40 =	vadd.s32 v3, v26;
	v39 =	vld [tilespmem:s4+$0x0]  }
0x4b7: {  	[tilespmem:v51+s25+$0x0] =	vst.idx.add.f32.msk $0xffff, v30  }
0x4b8: {  	v37 =	vadd.s32 v21, v24;
	v29 =	vld [tilespmem:s9+$0x3A00]  }
0x4b9: {  	v27 =	vld.idx.msk [tilespmem:v27+s21+$0x0], $0xffff  }
0x4ba: {  	v38 =	vadd.s32 v3, v28;
	v30 =	vld.idx.msk [tilespmem:v31+s21+$0x0], $0xffff  }
0x4bb: {  	[tilespmem:v40+s25+$0x0] =	vst.idx.add.f32.msk $0xffff, v39  }
0x4bc: {  	v61 =	vadd.s32 v8, v26;
	v39 =	vld [tilespmem:s4+$0x10]  }
0x4bd: {  	[tilespmem:v37+s25+$0x0] =	vst.idx.add.f32.msk $0xffff, v49  }
0x4be: {  	v31 =	vld [tilespmem:s5+$0x3A00];
	v36 =	vadd.s32 v3, v27  }
0x4bf: {  	[tilespmem:v38+s25+$0x0] =	vst.idx.add.f32.msk $0xffff, v56;
	v55 =	vadd.s32 v3, v30  }
0x4c0: {  	v37 =	vld [tilespmem:s17+$0x10]  }
0x4c1: {  	v60 =	vadd.s32 v8, v28;
	[tilespmem:v61+s25+$0x0] =	vst.idx.add.f32.msk $0xffff, v39  }
0x4c2: {  	v39 =	vld [tilespmem:s4+$0x20]  }
0x4c3: {  	[tilespmem:v36+s25+$0x0] =	vst.idx.add.f32.msk $0xffff, v35  }
0x4c4: {  	v46 =	vadd.s32 v9, v26;
	[tilespmem:v55+s25+$0x0] =	vst.idx.add.f32.msk $0xffff, v54  }
0x4c5: {  	v48 =	vadd.s32 v8, v27;
	v47 =	vld [tilespmem:s2+$0x10]  }
0x4c6: {  	[tilespmem:v60+s25+$0x0] =	vst.idx.add.f32.msk $0xffff, v37  }
0x4c7: {  	v58 =	vadd.s32 v8, v30;
	v35 =	vld [tilespmem:s16+$0x10]  }
0x4c8: {  	v44 =	vld [tilespmem:s17+$0x20]  }
0x4c9: {  	v45 =	vadd.s32 v9, v28;
	[tilespmem:v46+s25+$0x0] =	vst.idx.add.f32.msk $0xffff, v39  }
0x4ca: {  	[tilespmem:v48+s25+$0x0] =	vst.idx.add.f32.msk $0xffff, v47  }
0x4cb: {  	v52 =	vadd.s32 v9, v27;
	v33 =	vld [tilespmem:s2+$0x20]  }
0x4cc: {  	[tilespmem:v58+s25+$0x0] =	vst.idx.add.f32.msk $0xffff, v35  }
0x4cd: {  	v63 =	vadd.s32 v9, v30;
	v36 =	vld [tilespmem:s16+$0x20]  }
0x4ce: {  	[tilespmem:v45+s25+$0x0] =	vst.idx.add.f32.msk $0xffff, v44  }
0x4cf: {  	v51 =	vld [tilespmem:s17+$0x30]  }
0x4d0: {  	[tilespmem:v52+s25+$0x0] =	vst.idx.add.f32.msk $0xffff, v33;
	v52 =	vadd.s32 v10, v28  }
0x4d1: {  	v53 =	vadd.s32 v10, v27;
	v33 =	vld [tilespmem:s2+$0x30]  }
0x4d2: {  	[tilespmem:v63+s25+$0x0] =	vst.idx.add.f32.msk $0xffff, v36  }
0x4d3: {  	v49 =	vadd.s32 v10, v30;
	v48 =	vld [tilespmem:s16+$0x30]  }
0x4d4: {  	v39 =	vld [tilespmem:s4+$0x30]  }
0x4d5: {  	[tilespmem:v52+s25+$0x0] =	vst.idx.add.f32.msk $0xffff, v51  }
0x4d6: {  	[tilespmem:v53+s25+$0x0] =	vst.idx.add.f32.msk $0xffff, v33;
	v53 =	vadd.s32 v10, v26  }
0x4d7: {  	v57 =	vadd.s32 v11, v27;
	v33 =	vld [tilespmem:s2+$0x40]  }
0x4d8: {  	[tilespmem:v49+s25+$0x0] =	vst.idx.add.f32.msk $0xffff, v48  }
0x4d9: {  	v56 =	vld [tilespmem:s17+$0x40]  }
0x4da: {  	v55 =	vadd.s32 v11, v30;
	v36 =	vld [tilespmem:s16+$0x40]  }
0x4db: {  	[tilespmem:v53+s25+$0x0] =	vst.idx.add.f32.msk $0xffff, v39  }
0x4dc: {  	[tilespmem:v57+s25+$0x0] =	vst.idx.add.f32.msk $0xffff, v33;
	v57 =	vadd.s32 v11, v28  }
0x4dd: {  	v59 =	vadd.s32 v12, v27;
	v33 =	vld [tilespmem:s2+$0x50]  }
0x4de: {  	v39 =	vld [tilespmem:s4+$0x40]  }
0x4df: {  	v58 =	vadd.s32 v11, v26;
	[tilespmem:v55+s25+$0x0] =	vst.idx.add.f32.msk $0xffff, v36  }
0x4e0: {  	v60 =	vld [tilespmem:s16+$0x50]  }
0x4e1: {  	v61 =	vadd.s32 v12, v30;
	[tilespmem:v57+s25+$0x0] =	vst.idx.add.f32.msk $0xffff, v56  }
0x4e2: {  	[tilespmem:v59+s25+$0x0] =	vst.idx.add.f32.msk $0xffff, v33  }
0x4e3: {  	v62 =	vadd.s32 v13, v27;
	v33 =	vld [tilespmem:s2+$0x60]  }
0x4e4: {  	[tilespmem:v58+s25+$0x0] =	vst.idx.add.f32.msk $0xffff, v39  }
0x4e5: {  	v59 =	vadd.s32 v21, v23;
	v39 =	vld [tilespmem:s4+$0x50]  }
0x4e6: {  	[tilespmem:v61+s25+$0x0] =	vst.idx.add.f32.msk $0xffff, v60  }
0x4e7: {  	v45 =	vld [tilespmem:s16+$0x60]  }
0x4e8: {  	v44 =	vadd.s32 v12, v26;
	[tilespmem:v62+s25+$0x0] =	vst.idx.add.f32.msk $0xffff, v33  }
0x4e9: {  	s18 =	sadd.s32 $0x2, s12;
	v47 =	vadd.s32 v14, v27;
	v33 =	vld [tilespmem:s2+$0x70]  }
0x4ea: {  	s0 =	sand.u32 $0x3, s18;
	[tilespmem:v59+s25+$0x0] =	vst.idx.add.f32.msk $0xffff, v32  }
0x4eb: {  	s0 =	sshll.u32 s0, $0x8;
	v63 =	vadd.s32 v12, v28;
	v62 =	vld [tilespmem:s17+$0x50]  }
0x4ec: {  	s0 =	sadd.s32 s13, s0;
	v23 =	vadd.s32 v22, v23;
	v32 =	vld [tilespmem:s20+$0x3A00]  }
0x4ed: {  	s19 =	sadd.s32 $0x100, s0;
	[tilespmem:v44+s25+$0x0] =	vst.idx.add.f32.msk $0xffff, v39  }
0x4ee: {  	s0 =	sor.u32 $0x400, s19;
	[tilespmem:v47+s25+$0x0] =	vst.idx.add.f32.msk $0xffff, v33;
	v47 =	vadd.s32 v13, v30  }
0x4ef: {  	v50 =	vadd.s32 v15, v27;
	v33 =	vld [tilespmem:s0+$0x3A00]  }
0x4f0: {  	[tilespmem:v63+s25+$0x0] =	vst.idx.add.f32.msk $0xffff, v62  }
0x4f1: {  	[tilespmem:v23+s25+$0x0] =	vst.idx.add.f32.msk $0xffff, v32  }
0x4f2: {  	v49 =	vadd.s32 v13, v28;
	v48 =	vld [tilespmem:s17+$0x60]  }
0x4f3: {  	[tilespmem:v47+s25+$0x0] =	vst.idx.add.f32.msk $0xffff, v45  }
0x4f4: {  	[tilespmem:v50+s25+$0x0] =	vst.idx.add.f32.msk $0xffff, v33  }
0x4f5: {  	s23 =	sor.u32 $0x410, s19;
	v51 =	vadd.s32 v13, v26;
	v50 =	vld [tilespmem:s4+$0x60]  }
0x4f6: {  	v54 =	vadd.s32 v16, v27;
	v33 =	vld [tilespmem:s23+$0x3A00]  }
0x4f7: {  	[tilespmem:v49+s25+$0x0] =	vst.idx.add.f32.msk $0xffff, v48  }
0x4f8: {  	v53 =	vadd.s32 v14, v30;
	v35 =	vld [tilespmem:s16+$0x70]  }
0x4f9: {  	s28 =	sadd.s32 $0x4, s22;
	v37 =	vld [tilespmem:s17+$0x70]  }
0x4fa: {  	s0 =	sand.u32 $0x7, s28;
	[tilespmem:v51+s25+$0x0] =	vst.idx.add.f32.msk $0xffff, v50  }
0x4fb: {  	s24 =	sor.u32 $0x420, s19;
	s0 =	sshll.u32 s0, $0x7;
	[tilespmem:v54+s25+$0x0] =	vst.idx.add.f32.msk $0xffff, v33;
	v54 =	vadd.s32 v14, v28  }
0x4fc: {  	v46 =	vadd.s32 v17, v27;
	s29 =	sadd.s32 s13, s0;
	v33 =	vld [tilespmem:s24+$0x3A00]  }
0x4fd: {  	p1 =	por !p1, !p1;
	s3 =	simm.s32 $0x1;
	s0 =	sadd.s32 $0x80, s29;
	[tilespmem:v53+s25+$0x0] =	vst.idx.add.f32.msk $0xffff, v35  }
0x4fe: {  	s3 =	simm.s32 @!p1 $0x0;
	s31 =	sor.u32 $0x400, s0;
	v39 =	vld [tilespmem:s4+$0x70]  }
0x4ff: {  	s3 =	sshll.u32 s3, $0x9;
	v56 =	vadd.s32 v14, v26;
	v36 =	vld [tilespmem:s31+$0x3A00]  }
0x500: {  	s1 =	sadd.s32 s3, s13;
	v57 =	vadd.s32 v15, v30;
	[tilespmem:v54+s25+$0x0] =	vst.idx.add.f32.msk $0xffff, v37  }
0x501: {  	s3 =	sor.u32 $0x400, s1;
	[tilespmem:v46+s25+$0x0] =	vst.idx.add.f32.msk $0xffff, v33  }
0x502: {  	s26 =	sor.u32 $0x430, s19;
	v59 =	vadd.s32 v15, v28;
	v38 =	vld [tilespmem:s3+$0x3A00]  }
0x503: {  	v52 =	vadd.s32 v18, v27;
	v33 =	vld [tilespmem:s26+$0x3A00]  }
0x504: {  	s7 =	sadd.s32 $0x180, s29;
	[tilespmem:v56+s25+$0x0] =	vst.idx.add.f32.msk $0xffff, v39  }
0x505: {  	s4 =	sor.u32 $0x400, s7;
	[tilespmem:v57+s25+$0x0] =	vst.idx.add.f32.msk $0xffff, v36  }
0x506: {  	v39 =	vld [tilespmem:s4+$0x3A00]  }
0x507: {  	v60 =	vadd.s32 v15, v26;
	[tilespmem:v59+s25+$0x0] =	vst.idx.add.f32.msk $0xffff, v38  }
0x508: {  	s10 =	sor.u32 $0x410, s1;
	[tilespmem:v52+s25+$0x0] =	vst.idx.add.f32.msk $0xffff, v33  }
0x509: {  	s30 =	sor.u32 $0x440, s19;
	v63 =	vadd.s32 v16, v28;
	v38 =	vld [tilespmem:s10+$0x3A00]  }
0x50a: {  	v55 =	vadd.s32 v19, v27;
	s8 =	sor.u32 $0x410, s0;
	v33 =	vld [tilespmem:s30+$0x3A00]  }
0x50b: {  	v37 =	vld [tilespmem:s8+$0x3A00]  }
0x50c: {  	s11 =	sor.u32 $0x410, s7;
	[tilespmem:v60+s25+$0x0] =	vst.idx.add.f32.msk $0xffff, v39  }
0x50d: {  	v61 =	vadd.s32 v16, v30;
	v39 =	vld [tilespmem:s11+$0x3A00]  }
0x50e: {  	v42 =	vadd.s32 v16, v26;
	[tilespmem:v63+s25+$0x0] =	vst.idx.add.f32.msk $0xffff, v38  }
0x50f: {  	s13 =	sor.u32 $0x420, s1;
	[tilespmem:v55+s25+$0x0] =	vst.idx.add.f32.msk $0xffff, v33  }
0x510: {  	s6 =	sor.u32 $0x450, s19;
	v44 =	vadd.s32 v17, v28;
	v36 =	vld [tilespmem:s13+$0x3A00]  }
0x511: {  	v58 =	vadd.s32 v20, v27;
	v33 =	vld [tilespmem:s6+$0x3A00]  }
0x512: {  	[tilespmem:v61+s25+$0x0] =	vst.idx.add.f32.msk $0xffff, v37  }
0x513: {  	s14 =	sor.u32 $0x420, s7;
	[tilespmem:v42+s25+$0x0] =	vst.idx.add.f32.msk $0xffff, v39  }
0x514: {  	v59 =	vadd.s32 v22, v24;
	v37 =	vld [tilespmem:s14+$0x3A00]  }
0x515: {  	v45 =	vadd.s32 v17, v26;
	[tilespmem:v44+s25+$0x0] =	vst.idx.add.f32.msk $0xffff, v36  }
0x516: {  	s12 =	sor.u32 $0x420, s0;
	[tilespmem:v58+s25+$0x0] =	vst.idx.add.f32.msk $0xffff, v33  }
0x517: {  	v43 =	vadd.s32 v17, v30;
	s16 =	sor.u32 $0x430, s1;
	v33 =	vld [tilespmem:s12+$0x3A00]  }
0x518: {  	v47 =	vadd.s32 v18, v28;
	v36 =	vld [tilespmem:s16+$0x3A00]  }
0x519: {  	[tilespmem:v59+s25+$0x0] =	vst.idx.add.f32.msk $0xffff, v31  }
0x51a: {  	s17 =	sor.u32 $0x430, s7;
	[tilespmem:v45+s25+$0x0] =	vst.idx.add.f32.msk $0xffff, v37  }
0x51b: {  	v37 =	vld [tilespmem:s17+$0x3A00]  }
0x51c: {  	v48 =	vadd.s32 v18, v26;
	[tilespmem:v43+s25+$0x0] =	vst.idx.add.f32.msk $0xffff, v33  }
0x51d: {  	s15 =	sor.u32 $0x430, s0;
	[tilespmem:v47+s25+$0x0] =	vst.idx.add.f32.msk $0xffff, v36  }
0x51e: {  	s9 =	sor.u32 $0x460, s19;
	s2 =	sor.u32 $0x470, s19;
	s19 =	sor.u32 $0x440, s1;
	v46 =	vadd.s32 v18, v30;
	v33 =	vld [tilespmem:s15+$0x3A00]  }
0x51f: {  	v50 =	vadd.s32 v19, v28;
	v36 =	vld [tilespmem:s19+$0x3A00]  }
0x520: {  	v34 =	vld [tilespmem:s9+$0x3A00]  }
0x521: {  	s20 =	sor.u32 $0x440, s7;
	[tilespmem:v48+s25+$0x0] =	vst.idx.add.f32.msk $0xffff, v37  }
0x522: {  	v51 =	vadd.s32 v19, v26;
	v37 =	vld [tilespmem:s20+$0x3A00]  }
0x523: {  	[tilespmem:v46+s25+$0x0] =	vst.idx.add.f32.msk $0xffff, v33  }
0x524: {  	v62 =	vadd.s32 v21, v27;
	s18 =	sor.u32 $0x440, s0;
	[tilespmem:v50+s25+$0x0] =	vst.idx.add.f32.msk $0xffff, v36  }
0x525: {  	v49 =	vadd.s32 v19, v30;
	s23 =	sor.u32 $0x450, s1;
	v33 =	vld [tilespmem:s18+$0x3A00]  }
0x526: {  	v53 =	vadd.s32 v20, v28;
	v36 =	vld [tilespmem:s23+$0x3A00]  }
0x527: {  	s24 =	sor.u32 $0x450, s7;
	[tilespmem:v51+s25+$0x0] =	vst.idx.add.f32.msk $0xffff, v37  }
0x528: {  	v54 =	vadd.s32 v20, v26;
	v37 =	vld [tilespmem:s24+$0x3A00]  }
0x529: {  	[tilespmem:v62+s25+$0x0] =	vst.idx.add.f32.msk $0xffff, v34  }
0x52a: {  	[tilespmem:v49+s25+$0x0] =	vst.idx.add.f32.msk $0xffff, v33  }
0x52b: {  	s22 =	sor.u32 $0x450, s0;
	[tilespmem:v53+s25+$0x0] =	vst.idx.add.f32.msk $0xffff, v36  }
0x52c: {  	v52 =	vadd.s32 v20, v30;
	v33 =	vld [tilespmem:s22+$0x3A00]  }
0x52d: {  	s28 =	sor.u32 $0x460, s1;
	[tilespmem:v54+s25+$0x0] =	vst.idx.add.f32.msk $0xffff, v37  }
0x52e: {  	s29 =	sor.u32 $0x460, s7;
	v56 =	vadd.s32 v21, v28;
	v36 =	vld [tilespmem:s28+$0x3A00]  }
0x52f: {  	v57 =	vadd.s32 v21, v26;
	v37 =	vld [tilespmem:s29+$0x3A00]  }
0x530: {  	v34 =	vld [tilespmem:s2+$0x3A00]  }
0x531: {  	s26 =	sor.u32 $0x460, s0;
	[tilespmem:v52+s25+$0x0] =	vst.idx.add.f32.msk $0xffff, v33  }
0x532: {  	v55 =	vadd.s32 v21, v30;
	v33 =	vld [tilespmem:s26+$0x3A00]  }
0x533: {  	[tilespmem:v56+s25+$0x0] =	vst.idx.add.f32.msk $0xffff, v36  }
0x534: {  	s30 =	sor.u32 $0x470, s1;
	v58 =	vadd.s32 v22, v25;
	[tilespmem:v57+s25+$0x0] =	vst.idx.add.f32.msk $0xffff, v37  }
0x535: {  	v27 =	vadd.s32 v22, v27;
	s31 =	sor.u32 $0x470, s7;
	v60 =	vld [tilespmem:s30+$0x3A00]  }
0x536: {  	v62 =	vadd.s32 v22, v28;
	v61 =	vld [tilespmem:s31+$0x3A00]  }
0x537: {  	s0 =	sor.u32 $0x470, s0;
	v63 =	vadd.s32 v22, v26;
	[tilespmem:v55+s25+$0x0] =	vst.idx.add.f32.msk $0xffff, v33  }
0x538: {  	v30 =	vadd.s32 v22, v30;
	v33 =	vld [tilespmem:s0+$0x3A00]  }
0x539: {  	[tilespmem:v58+s25+$0x0] =	vst.idx.add.f32.msk $0xffff, v29  }
0x53a: {  	[tilespmem:v27+s25+$0x0] =	vst.idx.add.f32.msk $0xffff, v34  }
0x53b: {  	[tilespmem:v62+s25+$0x0] =	vst.idx.add.f32.msk $0xffff, v60  }
0x53c: {  	s14 =	rddreg [dreg:$0x2];
	[tilespmem:v63+s25+$0x0] =	vst.idx.add.f32.msk $0xffff, v61  }
0x53d: {  	s15 =	rddreg [dreg:$0x3];
	[tilespmem:v30+s25+$0x0] =	vst.idx.add.f32.msk $0xffff, v33  }
0x53e: {  	s17 =	rddreg [dreg:$0x15]  }
0x53f: {  	s16 =	simm.s32 $0x0;
	s18 =	rddreg [dreg:$0x18]  }
.LBB2_24:
0x540: {  	s0 =	simm.s32 $0x0  }
0x541: {  	v23 =	vld [tilespmem:s0+$0x18B00];
	_ =	sdelay $0x4  }
0x542: {  	(xrf2) =	vadd.scan.msk.f32 $0xffff, v23;
	_ =	sdelay $0x9  }
0x543: {  	v23, _, _ =	vpop (xrf2)  }
0x544: {  	v24 =	vbroadcast v23, $0xF;
	_ =	sdelay $0x1  }
0x545: {  	(erf) = vrcp.f32 v24;
	_ =	sdelay $0x4  }
0x546: {  	v23 =	vld [tilespmem:$0x19F00];
	_ =	sdelay $0x1  }
0x547: {  	s0 =	simm.s32 $0x4A80  }
0x548: {  	v25 =	vld [tilespmem:s0+$0xFFFFFF80]  }
0x549: {  	v26 =	vld [tilespmem:s0+$0xFFFFFF90];
	v27 =	vpop (erf)  }
0x54a: {  	v28 =	vld [tilespmem:s0+$0xFFFFFFA0];
	v27 =	vmul.f32 v27, v23  }
0x54b: {  	v29 =	vld [tilespmem:s0+$0xFFFFFFB0];
	vm1 =	vgt.f32 v24, $0.0e+00  }
0x54c: {  	v51 =	vld [tilespmem:s0+$0xFFFFFFC0];
	v27 =	vnsel vm1, $0x0, v27  }
0x54d: {  	v30 =	vld [tilespmem:s0+$0xFFFFFFD0];
	v25 =	vmul.f32 v27, v25  }
0x54e: {  	v31 =	vld [tilespmem:s0+$0xFFFFFFE0];
	v26 =	vmul.f32 v27, v26  }
0x54f: {  	v32 =	vld [tilespmem:s0+$0xFFFFFFF0];
	v28 =	vmul.f32 v27, v28;
	[tilespmem:s0+$0xFFFFFF80] =	vst v25  }
0x550: {  	v55 =	vld [tilespmem:s0+$0x30];
	v29 =	vmul.f32 v29, v27;
	[tilespmem:s0+$0xFFFFFF90] =	vst v26  }
0x551: {  	v57 =	vld [tilespmem:s0+$0x50];
	v24 =	vmul.f32 v51, v27;
	[tilespmem:s0+$0xFFFFFFA0] =	vst v28  }
0x552: {  	v58 =	vld [tilespmem:s0+$0x60];
	v30 =	vmul.f32 v30, v27;
	[tilespmem:s0+$0xFFFFFFB0] =	vst v29  }
0x553: {  	v59 =	vld [tilespmem:s0+$0x70];
	v31 =	vmul.f32 v31, v27;
	[tilespmem:s0+$0xFFFFFFC0] =	vst v24  }
0x554: {  	v52 =	vld [tilespmem:s0+$0x0];
	v32 =	vmul.f32 v32, v27;
	[tilespmem:s0+$0xFFFFFFD0] =	vst v30  }
0x555: {  	v53 =	vld [tilespmem:s0+$0x10];
	v60 =	vmul.f32 v55, v27;
	[tilespmem:s0+$0xFFFFFFE0] =	vst v31  }
0x556: {  	v54 =	vld [tilespmem:s0+$0x20];
	v61 =	vmul.f32 v57, v27;
	[tilespmem:s0+$0xFFFFFFF0] =	vst v32  }
0x557: {  	v56 =	vld [tilespmem:s0+$0x40];
	v62 =	vmul.f32 v58, v27;
	[tilespmem:s0+$0x30] =	vst v60  }
0x558: {  	v63 =	vmul.f32 v59, v27;
	[tilespmem:s0+$0x50] =	vst v61  }
0x559: {  	v25 =	vmul.f32 v52, v27;
	[tilespmem:s0+$0x60] =	vst v62  }
0x55a: {  	v26 =	vmul.f32 v53, v27;
	[tilespmem:s0+$0x70] =	vst v63  }
0x55b: {  	v28 =	vmul.f32 v54, v27;
	[tilespmem:s0+$0x0] =	vst v25  }
0x55c: {  	v24 =	vmul.f32 v56, v27;
	[tilespmem:s0+$0x10] =	vst v26  }
0x55d: {  	[tilespmem:s0+$0x20] =	vst v28  }
0x55e: {  	s2 =	simm.s32 $0x10;
	s1 =	simm.s32 $0x80;
	[tilespmem:s0+$0x40] =	vst v24  }
.LBB2_25:
0x55f: {  	p1 =	sne.s32 s1, $0x4FC0;
	v24 =	vld [tilespmem:s2+$0x18B00];
	_ =	sdelay $0x4  }
0x560: {  	(xrf2) =	vadd.scan.msk.f32 $0xffff, v24;
	_ =	sdelay $0x9  }
0x561: {  	v24, _, _ =	vpop (xrf2)  }
0x562: {  	v24 =	vbroadcast v24, $0xF  }
0x563: {  	s0 =	sadd.s32 $0x100, s0  }
0x564: {  	v25 =	vld [tilespmem:s0+$0xFFFFFFF0];
	(erf) = vrcp.f32 v24  }
0x565: {  	v26 =	vld [tilespmem:s0+$0x70]  }
0x566: {  	v27 =	vld [tilespmem:s0+$0x50]  }
0x567: {  	v28 =	vld [tilespmem:s0+$0x30]  }
0x568: {  	v29 =	vld [tilespmem:s0+$0x10]  }
0x569: {  	v30 =	vld [tilespmem:s0+$0xFFFFFFD0]  }
0x56a: {  	v31 =	vld [tilespmem:s0+$0xFFFFFFB0]  }
0x56b: {  	v32 =	vld [tilespmem:s0+$0xFFFFFF90]  }
0x56c: {  	v33 =	vld [tilespmem:s0+$0xFFFFFF80]  }
0x56d: {  	v34 =	vld [tilespmem:s0+$0xFFFFFFA0];
	v35 =	vpop (erf)  }
0x56e: {  	v35 =	vmul.f32 v35, v23;
	v36 =	vld [tilespmem:s0+$0xFFFFFFC0]  }
0x56f: {  	vm1 =	vgt.f32 v24, $0.0e+00;
	v24 =	vld [tilespmem:s0+$0xFFFFFFE0]  }
0x570: {  	v35 =	vnsel vm1, $0x0, v35;
	v37 =	vld [tilespmem:s0+$0x0]  }
0x571: {  	v33 =	vmul.f32 v35, v33;
	v32 =	vmul.f32 v35, v32;
	v38 =	vld [tilespmem:s0+$0x20]  }
0x572: {  	v31 =	vmul.f32 v31, v35;
	v34 =	vmul.f32 v35, v34;
	v39 =	vld [tilespmem:s0+$0x40]  }
0x573: {  	v30 =	vmul.f32 v30, v35;
	[tilespmem:s0+$0xFFFFFF80] =	vst v33;
	v33 =	vmul.f32 v36, v35;
	v36 =	vld [tilespmem:s0+$0x60]  }
0x574: {  	v25 =	vmul.f32 v25, v35;
	[tilespmem:s0+$0xFFFFFF90] =	vst v32;
	v24 =	vmul.f32 v24, v35  }
0x575: {  	v29 =	vmul.f32 v29, v35;
	[tilespmem:s0+$0xFFFFFFA0] =	vst v34;
	v32 =	vmul.f32 v37, v35  }
0x576: {  	v28 =	vmul.f32 v28, v35;
	[tilespmem:s0+$0xFFFFFFB0] =	vst v31;
	v31 =	vmul.f32 v38, v35  }
0x577: {  	v27 =	vmul.f32 v27, v35;
	[tilespmem:s0+$0xFFFFFFC0] =	vst v33;
	v33 =	vmul.f32 v39, v35  }
0x578: {  	v26 =	vmul.f32 v26, v35;
	[tilespmem:s0+$0xFFFFFFD0] =	vst v30;
	v30 =	vmul.f32 v36, v35  }
0x579: {  	[tilespmem:s0+$0xFFFFFFE0] =	vst v24  }
0x57a: {  	[tilespmem:s0+$0xFFFFFFF0] =	vst v25  }
0x57b: {  	[tilespmem:s0+$0x0] =	vst v32  }
0x57c: {  	[tilespmem:s0+$0x10] =	vst v29  }
0x57d: {  	[tilespmem:s0+$0x20] =	vst v31  }
.Ltmp16:
0x57e: {  	[tilespmem:s0+$0x30] =	vst v28;
	(pc) =	sbr.rel @p1 .LBB2_25-.Ltmp16, $4  }
0x57f: {  	[tilespmem:s0+$0x40] =	vst v33  }
0x580: {  	[tilespmem:s0+$0x50] =	vst v27  }
0x581: {  	[tilespmem:s0+$0x60] =	vst v30  }
0x582: {  	s2 =	sshra.s32 s1, $0x2;
	s1 =	sadd.s32 $0x40, s1;
	[tilespmem:s0+$0x70] =	vst v26  }
0x583: {  	v24 =	vld [tilespmem:s2+$0x18B00];
	_ =	sdelay $0x4  }
0x584: {  	(xrf2) =	vadd.scan.msk.f32 $0xffff, v24;
	_ =	sdelay $0x9  }
0x585: {  	v24, _, _ =	vpop (xrf2)  }
0x586: {  	v24 =	vbroadcast v24, $0xF;
	_ =	sdelay $0x1  }
0x587: {  	(erf) = vrcp.f32 v24;
	_ =	sdelay $0x6  }
0x588: {  	s0 =	sadd.s32 $0x100, s0  }
0x589: {  	v25 =	vld [tilespmem:s0+$0xFFFFFF80]  }
0x58a: {  	v26 =	vld [tilespmem:s0+$0xFFFFFF90];
	v27 =	vpop (erf)  }
0x58b: {  	v28 =	vld [tilespmem:s0+$0xFFFFFFA0];
	v23 =	vmul.f32 v27, v23  }
0x58c: {  	v51 =	vld [tilespmem:s0+$0xFFFFFFB0];
	vm1 =	vgt.f32 v24, $0.0e+00  }
0x58d: {  	v52 =	vld [tilespmem:s0+$0xFFFFFFC0];
	v23 =	vnsel vm1, $0x0, v23  }
0x58e: {  	v29 =	vld [tilespmem:s0+$0xFFFFFFD0];
	v25 =	vmul.f32 v23, v25  }
0x58f: {  	v30 =	vld [tilespmem:s0+$0xFFFFFFE0];
	v26 =	vmul.f32 v23, v26  }
0x590: {  	v31 =	vld [tilespmem:s0+$0xFFFFFFF0];
	v28 =	vmul.f32 v23, v28;
	[tilespmem:s0+$0xFFFFFF80] =	vst v25  }
0x591: {  	v56 =	vld [tilespmem:s0+$0x30];
	v27 =	vmul.f32 v51, v23;
	[tilespmem:s0+$0xFFFFFF90] =	vst v26  }
0x592: {  	v58 =	vld [tilespmem:s0+$0x50];
	v24 =	vmul.f32 v52, v23;
	[tilespmem:s0+$0xFFFFFFA0] =	vst v28  }
0x593: {  	v59 =	vld [tilespmem:s0+$0x60];
	v29 =	vmul.f32 v29, v23;
	[tilespmem:s0+$0xFFFFFFB0] =	vst v27  }
0x594: {  	v53 =	vld [tilespmem:s0+$0x0];
	v30 =	vmul.f32 v30, v23;
	[tilespmem:s0+$0xFFFFFFC0] =	vst v24  }
0x595: {  	v54 =	vld [tilespmem:s0+$0x10];
	v31 =	vmul.f32 v31, v23;
	[tilespmem:s0+$0xFFFFFFD0] =	vst v29  }
0x596: {  	v55 =	vld [tilespmem:s0+$0x20];
	v61 =	vmul.f32 v56, v23;
	[tilespmem:s0+$0xFFFFFFE0] =	vst v30  }
0x597: {  	v57 =	vld [tilespmem:s0+$0x40];
	v62 =	vmul.f32 v58, v23;
	[tilespmem:s0+$0xFFFFFFF0] =	vst v31  }
0x598: {  	v60 =	vld [tilespmem:s0+$0x70];
	v63 =	vmul.f32 v59, v23;
	[tilespmem:s0+$0x30] =	vst v61  }
0x599: {  	v25 =	vmul.f32 v53, v23;
	[tilespmem:s0+$0x50] =	vst v62  }
0x59a: {  	v26 =	vmul.f32 v54, v23;
	[tilespmem:s0+$0x60] =	vst v63  }
0x59b: {  	v28 =	vmul.f32 v55, v23;
	[tilespmem:s0+$0x0] =	vst v25  }
0x59c: {  	v24 =	vmul.f32 v57, v23;
	[tilespmem:s0+$0x10] =	vst v26  }
0x59d: {  	v23 =	vmul.f32 v60, v23;
	[tilespmem:s0+$0x20] =	vst v28  }
0x59e: {  	[tilespmem:s0+$0x40] =	vst v24  }
0x59f: {  	s1 =	simm.s32 @p0 $0x4A00;
	s2 =	rddreg [dreg:$0x1d];
	[tilespmem:s0+$0x70] =	vst v23;
	s0 =	simm.s32 @p0 $0x0  }
0x5a0: {  	[hbm4b:s2+s0] =	stream.linear.scatter @p0 [tilespmem:s1], [sflag:$0x7], $0x5000, $0x38;
	[tilespmem:$0x1F0E0] =	vst v63  }
0x5a1: {  	s0 =	simm.s32 @p0 $0x7  }
0x5a2: {  	_ =	swait.ge @p0 [sflag:s0], $0x5000  }
0x5a3: {  	s1 =	simm.s32 @!p0 $0x4A00;
	[sflag:s0] =	ssyncset.done @p0 $0x0  }
0x5a4: {  	s2 =	rddreg [dreg:$0x1c];
	[sflag:s0] =	ssyncadd.s32 @p0 $0xFFFFB000;
	s0 =	simm.s32 @!p0 $0x0  }
0x5a5: {  	[hbm4b:s2+s0] =	stream.linear.scatter @!p0 [tilespmem:s1], [sflag:$0x7], $0x14000, $0x38;
	[tilespmem:$0x1F0E0] =	vst v63  }
0x5a6: {  	s0 =	simm.s32 @!p0 $0x7  }
0x5a7: {  	_ =	swait.ge @!p0 [sflag:s0], $0x14000  }
0x5a8: {  	s30 =	rddreg [dreg:$0x1f]  }
0x5a9: {  	s31 =	rddreg [dreg:$0x1e];
	s2 =	sadd.s32 $0x1, s30  }
0x5aa: {  	p1 =	sne.s32 s2, s31  }
.Ltmp17:
0x5ab: {  	_ = 	snop;
	(pc) =	sbr.rel @p1 .LBB2_1-.Ltmp17, $3  }
0x5ac: {  	_ =	sdelay $0x1  }
0x5ad: {  	[sflag:s0] =	ssyncset.done @!p0 $0x0  }
0x5ae: {  	[sflag:s0] =	ssyncadd.s32 @!p0 $0xFFFEC000  }
0x5af: {  	_ =	sfence.sel $0x180000  }
0x5b0: {  	[bflag:$0x0] =	sbarrier.arrive $0xFFFF  }
0x5b1: {  	_ =	strace $0x90000047  }
0x5b2: {  	s0 =	stileid.u32;
	[bflag:$0x2] =	sbarrier.arrive $0xFFFF  }
0x5b3: {  	p0 =	sne.s32 s0, $0x0;
	s0 =	rddreg [dreg:$0x5]  }
0x5b4: {  	s0 =	sadd.s32 @!p0 $0x100000, s0  }
0x5b5: {  	[sflag:s0] =	ssyncadd.tile.s32 @!p0 $0x1;
	_ =	shalt  }
.Lfunc_end2:
_tile_overlayer_lowered:
.L_overlay_start_2:
0x5b6: {  	(tag) =	ssettag $0x2  }
0x5b7: {  	s0 =	rddreg [dreg:$0x0];
	s2 =	stileid.u32  }
0x5b8: {  	s1 =	rddreg [dreg:$0x1];
	p0 =	sne.s32 s2, $0x0  }
0x5b9: {  	s3 =	rddreg [dreg:$0x2];
	[bflag:$0x3] =	sbarrier.arrive $0xFFFF;
	s2 =	simm.s32 @!p0 $0x1C07  }
0x5ba: {  	[timem:s3], [sflag:s2] =	dma.local @!p0 [hbm:s0], s1  }
0x5bb: {  	s0 =	simm.s32 @!p0 $0x7  }
0x5bc: {  	_ =	swait.ge @!p0 [sflag:s0], s1  }
0x5bd: {  	s1 =	ssub.s32 @!p0 $0x0, s1;
	[sflag:s0] =	ssyncset.done @!p0 $0x0  }
0x5be: {  	[sflag:s0] =	ssyncadd.s32 @!p0 s1  }
0x5bf: {  	[bflag:$0x3] =	sbarrier.arrive $0xFFFF  }
0x5c0: {  	_ =	shalt  }

</sc_bundles>
